<compile_context>
chip_gen: v7x
topology: tpu7x:2x2x1
jax: 0.10.2.dev20260603
libtpu: 0.0.44.dev20260713+nightly
codegen_flags: <defaults>
</compile_context>

<pallas_src>
import functools

import jax
import jax.numpy as jnp
from jax import lax
from jax.experimental import pallas as pl
from jax.experimental.pallas import tpu as pltpu
from jax.experimental.pallas import tpu_sc as plsc

_RS = 128
_SUB = 50
_RSTEP = _RS * _SUB
_W = _RS + 16


def _accum_body(g0s_ref, x_ref, g_ref, w1_ref, b1_ref, w2_ref, b2_ref,
                d_ref, n_ref):
    i = pl.program_id(0)

    x = x_ref[...].astype(jnp.bfloat16)
    h1 = jnp.dot(x, w1_ref[...], preferred_element_type=jnp.float32) + b1_ref[...]
    e = jnp.exp(h1)
    h2 = jnp.dot(x, w2_ref[...], preferred_element_type=jnp.float32) + b2_ref[...]
    e16 = e.astype(jnp.bfloat16)
    p16 = (h2 * e).astype(jnp.bfloat16)

    g_all = g_ref[0]
    for j in range(_SUB):
        g0a = pl.multiple_of(g0s_ref[i * _SUB + j], 16)
        idx = g_all[j:j + 1, :] - g0a
        ohT = (lax.broadcasted_iota(jnp.int32, (_W, _RS), 0)
               == jnp.broadcast_to(idx, (_W, _RS))).astype(jnp.bfloat16)
        seg_e = jnp.dot(ohT, e16[j * _RS:(j + 1) * _RS, :],
                        preferred_element_type=jnp.float32)
        seg_p = jnp.dot(ohT, p16[j * _RS:(j + 1) * _RS, :],
                        preferred_element_type=jnp.float32)
        if j == 0:
            prev = jnp.maximum(i * _SUB - 1, 0)
            hwp = jnp.where(i == 0, 0, g0s_ref[prev] + _W)
        else:
            hwp = g0s_ref[i * _SUB + j - 1] + _W
        row_g = lax.broadcasted_iota(jnp.int32, (_W, 1), 0) + g0a
        keep = row_g < hwp
        old_d = d_ref[pl.ds(g0a, _W), :]
        old_n = n_ref[pl.ds(g0a, _W), :]
        d_ref[pl.ds(g0a, _W), :] = seg_e + jnp.where(keep, old_d, 0.0)
        n_ref[pl.ds(g0a, _W), :] = seg_p + jnp.where(keep, old_n, 0.0)


def _y3_body(d_ref, n_ref, w3_ref, b3_ref, y3_ref):
    d = d_ref[...]
    safe = jnp.where(d == 0.0, 1.0, d)
    ys = n_ref[...] / safe
    y3_ref[...] = jnp.dot(ys, w3_ref[...], preferred_element_type=jnp.float32) + b3_ref[...]


_NW = 32
_GCH = 80
_NG = 5
_CH = _GCH * _NG


def _make_sc_expand(N, D):
    NP = N // _NW
    NCH = NP // _CH
    mesh = plsc.VectorSubcoreMesh(core_axis_name="c", subcore_axis_name="s",
                                  num_cores=2, num_subcores=16)

    @functools.partial(
        pl.kernel,
        out_type=jax.ShapeDtypeStruct((N, D), jnp.float32),
        mesh=mesh,
        scratch_types=[
            pltpu.VMEM((2, _NG, _GCH), jnp.int32),
            pltpu.VMEM((2, _CH, D), jnp.float32),
            pltpu.SemaphoreType.DMA,
            pltpu.SemaphoreType.DMA,
            pltpu.SemaphoreType.DMA,
            pltpu.SemaphoreType.DMA,
        ],
    )
    def _sc_expand(y3_hbm, g2_hbm, out_hbm, idx_v, rows_v,
                   gsem0, gsem1, ssem0, ssem1):
        wid = lax.axis_index("s") * 2 + lax.axis_index("c")
        base = wid * NP

        def _out_at(c):
            return out_hbm.at[pl.ds(pl.multiple_of(base + c * _CH, 8), _CH)]

        def _fire(c, b, gsem, ssem):
            @pl.when(c >= 2)
            def _():
                pltpu.make_async_copy(rows_v.at[b], _out_at(c - 2), ssem).wait()

            pltpu.sync_copy(g2_hbm.at[wid * NCH + c], idx_v.at[b])
            for k in range(_NG):
                pltpu.async_copy(y3_hbm.at[idx_v.at[b, k]],
                                 rows_v.at[b, pl.ds(k * _GCH, _GCH)], gsem)

        def _drain_store(c, b, gsem, ssem):
            for k in range(_NG):
                pltpu.make_async_copy(y3_hbm.at[idx_v.at[b, k]],
                                      rows_v.at[b, pl.ds(k * _GCH, _GCH)],
                                      gsem).wait()
            pltpu.async_copy(rows_v.at[b], _out_at(c), ssem)

        _fire(0, 0, gsem0, ssem0)

        def body(c, carry):
            b = lax.rem(c, 2)
            nb = lax.rem(c + 1, 2)

            @pl.when(nb == 0)
            def _():
                _fire(c + 1, 0, gsem0, ssem0)

            @pl.when(nb == 1)
            def _():
                _fire(c + 1, 1, gsem1, ssem1)

            @pl.when(b == 0)
            def _():
                _drain_store(c, 0, gsem0, ssem0)

            @pl.when(b == 1)
            def _():
                _drain_store(c, 1, gsem1, ssem1)

            return carry

        lax.fori_loop(0, NCH - 1, body, 0)
        lb = (NCH - 1) % 2
        if lb == 0:
            _drain_store(NCH - 1, 0, gsem0, ssem0)
        else:
            _drain_store(NCH - 1, 1, gsem1, ssem1)
        pltpu.make_async_copy(rows_v.at[1 - lb], _out_at(NCH - 2),
                              ssem1 if lb == 0 else ssem0).wait()
        pltpu.make_async_copy(rows_v.at[lb], _out_at(NCH - 1),
                              ssem0 if lb == 0 else ssem1).wait()

    return _sc_expand


@jax.jit
def kernel(x, id, W1, b1, W2, b2, W3, b3):
    B, N, D = x.shape
    NB2 = N // _RSTEP
    S_pad = ((min(N, 10000) + _W + 8 + 127) // 128) * 128

    x2 = x.reshape(N, D)
    ids = id.reshape(-1).astype(jnp.int32)
    flags = jnp.concatenate([jnp.zeros((1,), jnp.int32),
                             (ids[1:] != ids[:-1]).astype(jnp.int32)])
    g = jnp.cumsum(flags)
    g0s = (g[::_RS] // 16) * 16
    g3 = g.reshape(NB2, _SUB, _RS)
    w1t = W1.T.astype(jnp.bfloat16)
    w2t = W2.T.astype(jnp.bfloat16)
    w3t = W3.T
    b1r, b2r, b3r = b1.reshape(1, D), b2.reshape(1, D), b3.reshape(1, D)

    denom, num = pl.pallas_call(
        _accum_body,
        grid_spec=pltpu.PrefetchScalarGridSpec(
            num_scalar_prefetch=1,
            grid=(NB2,),
            in_specs=[
                pl.BlockSpec((_RSTEP, D), lambda i, s: (i, 0)),
                pl.BlockSpec((1, _SUB, _RS), lambda i, s: (i, 0, 0)),
                pl.BlockSpec((D, D), lambda i, s: (0, 0)),
                pl.BlockSpec((1, D), lambda i, s: (0, 0)),
                pl.BlockSpec((D, D), lambda i, s: (0, 0)),
                pl.BlockSpec((1, D), lambda i, s: (0, 0)),
            ],
            out_specs=[
                pl.BlockSpec((S_pad, D), lambda i, s: (0, 0)),
                pl.BlockSpec((S_pad, D), lambda i, s: (0, 0)),
            ],
        ),
        out_shape=[
            jax.ShapeDtypeStruct((S_pad, D), jnp.float32),
            jax.ShapeDtypeStruct((S_pad, D), jnp.float32),
        ],
    )(g0s, x2, g3, w1t, b1r, w2t, b2r)

    y3 = pl.pallas_call(
        _y3_body,
        grid=(S_pad // 128,),
        in_specs=[
            pl.BlockSpec((128, D), lambda i: (i, 0)),
            pl.BlockSpec((128, D), lambda i: (i, 0)),
            pl.BlockSpec((D, D), lambda i: (0, 0)),
            pl.BlockSpec((1, D), lambda i: (0, 0)),
        ],
        out_specs=pl.BlockSpec((128, D), lambda i: (i, 0)),
        out_shape=jax.ShapeDtypeStruct((S_pad, D), jnp.float32),
    )(denom, num, w3t, b3r)

    g2 = g.reshape(-1, _NG, _GCH)
    out = _make_sc_expand(N, D)(y3, g2)

    return out.reshape(B, N, D)

# --- scband reference (transcript-rebuilt; emitter-appended) ---
"""Pipeline reference for scband-soft-agg-88064009437424 (READ-ONLY COPY).

The authoritative reference and input builder live on the scoring server;
editing this copy changes nothing except your own understanding.
"""

import jax, jax.numpy as jnp
import numpy as np

N = 320000
D = 128
NUM_IDS = 10000


def setup_inputs(seed: int = 0) -> dict:
    key = jax.random.key(seed)
    k1, k2, k3, k4, k5, k6, k7, k8 = jax.random.split(key, 8)
    x = jax.random.normal(k1, (1, N, D), dtype=jnp.float32)
    id_ = jnp.sort(jax.random.randint(k2, (N,), 0, NUM_IDS, dtype=jnp.int64))
    W1 = jax.random.normal(k3, (D, D), dtype=jnp.float32) * 0.02
    b1 = jax.random.normal(k4, (D,), dtype=jnp.float32) * 0.02
    W2 = jax.random.normal(k5, (D, D), dtype=jnp.float32) * 0.02
    b2 = jax.random.normal(k6, (D,), dtype=jnp.float32) * 0.02
    W3 = jax.random.normal(k7, (D, D), dtype=jnp.float32) * 0.02
    b3 = jax.random.normal(k8, (D,), dtype=jnp.float32) * 0.02
    return {"x": x, "id": id_, "W1": W1, "b1": b1, "W2": W2, "b2": b2, "W3": W3, "b3": b3}


def reference(x, id, W1, b1, W2, b2, W3, b3):
    # _, group_idx = torch.unique(id, return_inverse=True)
    group_idx = id.reshape(-1)
    S = NUM_IDS

    # weights = scatter_softmax(linear1(x), group_idx, dim=1)
    h1 = x @ W1.T + b1                      # [B, N, D]
    h1s = jnp.swapaxes(h1, 0, 1)            # [N, B, D] -> segment axis first
    smax = jax.ops.segment_max(h1s, group_idx, num_segments=S)
    e = jnp.exp(h1s - smax[group_idx])
    denom = jax.ops.segment_sum(e, group_idx, num_segments=S)
    weights = e / denom[group_idx]          # [N, B, D]

    # y = scatter_sum(linear2(x) * weights, group_idx, dim=1)
    h2s = jnp.swapaxes(x @ W2.T + b2, 0, 1)  # [N, B, D]
    ys = jax.ops.segment_sum(h2s * weights, group_idx, num_segments=S)  # [S, B, D]
    y = jnp.swapaxes(ys, 0, 1)               # [B, S, D]

    # expand=True: return linear3(y)[:, group_idx]
    y3 = y @ W3.T + b3
    return y3[:, group_idx]


if False:  # reference __main__ guard neutralized (emitter)
    out = reference(**setup_inputs())
    print(out.shape, out.dtype)

if __name__ == "__main__":
    import jax
    _d = setup_inputs()
    print(jax.jit(kernel)(*tuple(_d.values())))

</pallas_src>

<mosaic_0001>
#map = affine_map<(d0, d1) -> (0, 0)>
#map1 = affine_map<(d0, d1) -> (0, 0, 0)>
module attributes {stable_mosaic.version = 14 : i64} {
  func.func @_sc_expand(%arg0: i32, %arg1: i32, %arg2: memref<10240x128xf32, #tpu.memory_space<hbm>>, %arg3: memref<800x5x80xi32, #tpu.memory_space<hbm>>, %arg4: memref<320000x128xf32, #tpu.memory_space<hbm>>, %arg5: memref<2x5x80xi32, #tpu.memory_space<vmem>>, %arg6: memref<2x400x128xf32, #tpu.memory_space<vmem>>, %arg7: memref<!tpu.dma_semaphore, #tpu.memory_space<semaphore_mem>>, %arg8: memref<!tpu.dma_semaphore, #tpu.memory_space<semaphore_mem>>, %arg9: memref<!tpu.dma_semaphore, #tpu.memory_space<semaphore_mem>>, %arg10: memref<!tpu.dma_semaphore, #tpu.memory_space<semaphore_mem>>) attributes {dimension_semantics = [#tpu.dimension_semantics<core_parallel>, #tpu.dimension_semantics<subcore_parallel>], iteration_bounds = array<i64: 2, 16>, scalar_prefetch = 0 : i64, scratch_operands = 6 : i64, tpu.core_type = #tpu.core_type<sc_vector_subcore>, window_params = [{transform_indices = #map}, {transform_indices = #map1}, {transform_indices = #map}]} {
    %mul3A = arith.constant 2 : i32
    %mul3A_0 = arith.muli %arg1, %mul3A : i32
    %add3A = arith.addi %mul3A_0, %arg0 : i32
    %mul3A_1 = arith.constant 10000 : i32
    %mul3A_2 = arith.muli %add3A, %mul3A_1 : i32
    %mul3A_3 = arith.constant 25 : i32
    %mul3A_4 = arith.muli %add3A, %mul3A_3 : i32
    %add3A_5 = arith.constant 0 : i32
    %add3A_6 = arith.addi %mul3A_4, %add3A_5 : i32
    %run_scoped3A = arith.constant 0 : i32
    "tpu.region"() ({
      %run_scoped3A_187 = tpu.sem_alloc : memref<!tpu.dma_semaphore, #tpu.memory_space<semaphore_mem>>
      %dma_start3A_188 = arith.constant 0 : i32
      %dma_start3A_189 = arith.constant 0 : i32
      %dma_start3A_190 = tpu.memref_slice %arg5[%run_scoped3A, %dma_start3A_188, %dma_start3A_189] : memref<2x5x80xi32, #tpu.memory_space<vmem>> -> memref<1x5x80xi32, #tpu.memory_space<vmem>>
      %dma_start3A_191 = tpu.memref_squeeze %dma_start3A_190 : memref<1x5x80xi32, #tpu.memory_space<vmem>> -> memref<5x80xi32, #tpu.memory_space<vmem>>
      %dma_start3A_192 = arith.constant 0 : i32
      %dma_start3A_193 = arith.constant 0 : i32
      %dma_start3A_194 = tpu.memref_slice %arg3[%add3A_6, %dma_start3A_192, %dma_start3A_193] : memref<800x5x80xi32, #tpu.memory_space<hbm>> -> memref<1x5x80xi32, #tpu.memory_space<hbm>>
      %dma_start3A_195 = tpu.memref_squeeze %dma_start3A_194 : memref<1x5x80xi32, #tpu.memory_space<hbm>> -> memref<5x80xi32, #tpu.memory_space<hbm>>
      %dma_start3A_196 = arith.constant 0 : i32
      %dma_start3A_197 = arith.constant 0 : i32
      %dma_start3A_198 = tpu.memref_slice %arg5[%run_scoped3A, %dma_start3A_196, %dma_start3A_197] : memref<2x5x80xi32, #tpu.memory_space<vmem>> -> memref<1x5x80xi32, #tpu.memory_space<vmem>>
      %dma_start3A_199 = tpu.memref_squeeze %dma_start3A_198 : memref<1x5x80xi32, #tpu.memory_space<vmem>> -> memref<5x80xi32, #tpu.memory_space<vmem>>
      %dma_start3A_200 = arith.constant 0 : i32
      %dma_start3A_201 = arith.constant 0 : i32
      %dma_start3A_202 = tpu.memref_slice %arg3[%add3A_6, %dma_start3A_200, %dma_start3A_201] : memref<800x5x80xi32, #tpu.memory_space<hbm>> -> memref<1x5x80xi32, #tpu.memory_space<hbm>>
      %dma_start3A_203 = tpu.memref_squeeze %dma_start3A_202 : memref<1x5x80xi32, #tpu.memory_space<hbm>> -> memref<5x80xi32, #tpu.memory_space<hbm>>
      tpu.enqueue_dma source(%dma_start3A_203 : memref<5x80xi32, #tpu.memory_space<hbm>>) target(%dma_start3A_199 : memref<5x80xi32, #tpu.memory_space<vmem>>) target_semaphore(%run_scoped3A_187 : memref<!tpu.dma_semaphore, #tpu.memory_space<semaphore_mem>>)
      %dma_wait3A_204 = arith.constant 0 : i32
      %dma_wait3A_205 = arith.constant 0 : i32
      %dma_wait3A_206 = tpu.memref_slice %arg5[%run_scoped3A, %dma_wait3A_204, %dma_wait3A_205] : memref<2x5x80xi32, #tpu.memory_space<vmem>> -> memref<1x5x80xi32, #tpu.memory_space<vmem>>
      %dma_wait3A_207 = tpu.memref_squeeze %dma_wait3A_206 : memref<1x5x80xi32, #tpu.memory_space<vmem>> -> memref<5x80xi32, #tpu.memory_space<vmem>>
      %dma_wait3A_208 = arith.constant 0 : i32
      %dma_wait3A_209 = arith.constant 0 : i32
      %dma_wait3A_210 = tpu.memref_slice %arg3[%add3A_6, %dma_wait3A_208, %dma_wait3A_209] : memref<800x5x80xi32, #tpu.memory_space<hbm>> -> memref<1x5x80xi32, #tpu.memory_space<hbm>>
      %dma_wait3A_211 = tpu.memref_squeeze %dma_wait3A_210 : memref<1x5x80xi32, #tpu.memory_space<hbm>> -> memref<5x80xi32, #tpu.memory_space<hbm>>
      %dma_wait3A_212 = arith.constant 0 : i32
      %dma_wait3A_213 = arith.constant 0 : i32
      %dma_wait3A_214 = tpu.memref_slice %arg5[%run_scoped3A, %dma_wait3A_212, %dma_wait3A_213] : memref<2x5x80xi32, #tpu.memory_space<vmem>> -> memref<1x5x80xi32, #tpu.memory_space<vmem>>
      %dma_wait3A_215 = tpu.memref_squeeze %dma_wait3A_214 : memref<1x5x80xi32, #tpu.memory_space<vmem>> -> memref<5x80xi32, #tpu.memory_space<vmem>>
      %dma_wait3A_216 = arith.constant 0 : i32
      %dma_wait3A_217 = arith.constant 0 : i32
      %dma_wait3A_218 = tpu.memref_slice %arg3[%add3A_6, %dma_wait3A_216, %dma_wait3A_217] : memref<800x5x80xi32, #tpu.memory_space<hbm>> -> memref<1x5x80xi32, #tpu.memory_space<hbm>>
      %dma_wait3A_219 = tpu.memref_squeeze %dma_wait3A_218 : memref<1x5x80xi32, #tpu.memory_space<hbm>> -> memref<5x80xi32, #tpu.memory_space<hbm>>
      tpu.wait_dma2 semaphore(%run_scoped3A_187 : memref<!tpu.dma_semaphore, #tpu.memory_space<semaphore_mem>>) src(%dma_wait3A_219 : memref<5x80xi32, #tpu.memory_space<hbm>>) dst(%dma_wait3A_215 : memref<5x80xi32, #tpu.memory_space<vmem>>)
      tpu.yield
    }) : () -> ()
    %dma_start3A = arith.constant 0 : i32
    %dma_start3A_7 = arith.constant 0 : i32
    %dma_start3A_8 = arith.constant 0 : i32
    %dma_start3A_9 = arith.constant 0 : i32
    %dma_start3A_10 = arith.constant 0 : i32
    %dma_start3A_11 = tpu.memref_slice %arg6[%dma_start3A_8, %dma_start3A_9, %dma_start3A_10] : memref<2x400x128xf32, #tpu.memory_space<vmem>> -> memref<1x80x128xf32, #tpu.memory_space<vmem>>
    %dma_start3A_12 = tpu.memref_squeeze %dma_start3A_11 : memref<1x80x128xf32, #tpu.memory_space<vmem>> -> memref<80x128xf32, #tpu.memory_space<vmem>>
    %dma_start3A_13 = arith.constant 0 : i32
    %dma_start3A_14 = tpu.memref_slice %arg5[%dma_start3A, %dma_start3A_7, %dma_start3A_13] : memref<2x5x80xi32, #tpu.memory_space<vmem>> -> memref<1x1x80xi32, #tpu.memory_space<vmem>>
    %dma_start3A_15 = tpu.memref_squeeze %dma_start3A_14 : memref<1x1x80xi32, #tpu.memory_space<vmem>> -> memref<80xi32, #tpu.memory_space<vmem>>
    %dma_start3A_16 = arith.constant 0 : i32
    %dma_start3A_17 = arith.constant 0 : i32
    %dma_start3A_18 = tpu.memref_slice %arg2[%dma_start3A_16, %dma_start3A_17] : memref<10240x128xf32, #tpu.memory_space<hbm>> -> memref<10240x128xf32, #tpu.memory_space<hbm>>
    tpu.enqueue_indirect_dma source(%dma_start3A_18 : memref<10240x128xf32, #tpu.memory_space<hbm>>) target(%dma_start3A_12 : memref<80x128xf32, #tpu.memory_space<vmem>>) offsets(%dma_start3A_15 : memref<80xi32, #tpu.memory_space<vmem>>) semaphore(%arg7 : memref<!tpu.dma_semaphore, #tpu.memory_space<semaphore_mem>>)
    %dma_start3A_19 = arith.constant 0 : i32
    %dma_start3A_20 = arith.constant 1 : i32
    %dma_start3A_21 = arith.constant 0 : i32
    %dma_start3A_22 = arith.constant 80 : i32
    %dma_start3A_23 = arith.constant 0 : i32
    %dma_start3A_24 = tpu.memref_slice %arg6[%dma_start3A_21, %dma_start3A_22, %dma_start3A_23] : memref<2x400x128xf32, #tpu.memory_space<vmem>> -> memref<1x80x128xf32, #tpu.memory_space<vmem>>
    %dma_start3A_25 = tpu.memref_squeeze %dma_start3A_24 : memref<1x80x128xf32, #tpu.memory_space<vmem>> -> memref<80x128xf32, #tpu.memory_space<vmem>>
    %dma_start3A_26 = arith.constant 0 : i32
    %dma_start3A_27 = tpu.memref_slice %arg5[%dma_start3A_19, %dma_start3A_20, %dma_start3A_26] : memref<2x5x80xi32, #tpu.memory_space<vmem>> -> memref<1x1x80xi32, #tpu.memory_space<vmem>>
    %dma_start3A_28 = tpu.memref_squeeze %dma_start3A_27 : memref<1x1x80xi32, #tpu.memory_space<vmem>> -> memref<80xi32, #tpu.memory_space<vmem>>
    %dma_start3A_29 = arith.constant 0 : i32
    %dma_start3A_30 = arith.constant 0 : i32
    %dma_start3A_31 = tpu.memref_slice %arg2[%dma_start3A_29, %dma_start3A_30] : memref<10240x128xf32, #tpu.memory_space<hbm>> -> memref<10240x128xf32, #tpu.memory_space<hbm>>
    tpu.enqueue_indirect_dma source(%dma_start3A_31 : memref<10240x128xf32, #tpu.memory_space<hbm>>) target(%dma_start3A_25 : memref<80x128xf32, #tpu.memory_space<vmem>>) offsets(%dma_start3A_28 : memref<80xi32, #tpu.memory_space<vmem>>) semaphore(%arg7 : memref<!tpu.dma_semaphore, #tpu.memory_space<semaphore_mem>>)
    %dma_start3A_32 = arith.constant 0 : i32
    %dma_start3A_33 = arith.constant 2 : i32
    %dma_start3A_34 = arith.constant 0 : i32
    %dma_start3A_35 = arith.constant 160 : i32
    %dma_start3A_36 = arith.constant 0 : i32
    %dma_start3A_37 = tpu.memref_slice %arg6[%dma_start3A_34, %dma_start3A_35, %dma_start3A_36] : memref<2x400x128xf32, #tpu.memory_space<vmem>> -> memref<1x80x128xf32, #tpu.memory_space<vmem>>
    %dma_start3A_38 = tpu.memref_squeeze %dma_start3A_37 : memref<1x80x128xf32, #tpu.memory_space<vmem>> -> memref<80x128xf32, #tpu.memory_space<vmem>>
    %dma_start3A_39 = arith.constant 0 : i32
    %dma_start3A_40 = tpu.memref_slice %arg5[%dma_start3A_32, %dma_start3A_33, %dma_start3A_39] : memref<2x5x80xi32, #tpu.memory_space<vmem>> -> memref<1x1x80xi32, #tpu.memory_space<vmem>>
    %dma_start3A_41 = tpu.memref_squeeze %dma_start3A_40 : memref<1x1x80xi32, #tpu.memory_space<vmem>> -> memref<80xi32, #tpu.memory_space<vmem>>
    %dma_start3A_42 = arith.constant 0 : i32
    %dma_start3A_43 = arith.constant 0 : i32
    %dma_start3A_44 = tpu.memref_slice %arg2[%dma_start3A_42, %dma_start3A_43] : memref<10240x128xf32, #tpu.memory_space<hbm>> -> memref<10240x128xf32, #tpu.memory_space<hbm>>
    tpu.enqueue_indirect_dma source(%dma_start3A_44 : memref<10240x128xf32, #tpu.memory_space<hbm>>) target(%dma_start3A_38 : memref<80x128xf32, #tpu.memory_space<vmem>>) offsets(%dma_start3A_41 : memref<80xi32, #tpu.memory_space<vmem>>) semaphore(%arg7 : memref<!tpu.dma_semaphore, #tpu.memory_space<semaphore_mem>>)
    %dma_start3A_45 = arith.constant 0 : i32
    %dma_start3A_46 = arith.constant 3 : i32
    %dma_start3A_47 = arith.constant 0 : i32
    %dma_start3A_48 = arith.constant 240 : i32
    %dma_start3A_49 = arith.constant 0 : i32
    %dma_start3A_50 = tpu.memref_slice %arg6[%dma_start3A_47, %dma_start3A_48, %dma_start3A_49] : memref<2x400x128xf32, #tpu.memory_space<vmem>> -> memref<1x80x128xf32, #tpu.memory_space<vmem>>
    %dma_start3A_51 = tpu.memref_squeeze %dma_start3A_50 : memref<1x80x128xf32, #tpu.memory_space<vmem>> -> memref<80x128xf32, #tpu.memory_space<vmem>>
    %dma_start3A_52 = arith.constant 0 : i32
    %dma_start3A_53 = tpu.memref_slice %arg5[%dma_start3A_45, %dma_start3A_46, %dma_start3A_52] : memref<2x5x80xi32, #tpu.memory_space<vmem>> -> memref<1x1x80xi32, #tpu.memory_space<vmem>>
    %dma_start3A_54 = tpu.memref_squeeze %dma_start3A_53 : memref<1x1x80xi32, #tpu.memory_space<vmem>> -> memref<80xi32, #tpu.memory_space<vmem>>
    %dma_start3A_55 = arith.constant 0 : i32
    %dma_start3A_56 = arith.constant 0 : i32
    %dma_start3A_57 = tpu.memref_slice %arg2[%dma_start3A_55, %dma_start3A_56] : memref<10240x128xf32, #tpu.memory_space<hbm>> -> memref<10240x128xf32, #tpu.memory_space<hbm>>
    tpu.enqueue_indirect_dma source(%dma_start3A_57 : memref<10240x128xf32, #tpu.memory_space<hbm>>) target(%dma_start3A_51 : memref<80x128xf32, #tpu.memory_space<vmem>>) offsets(%dma_start3A_54 : memref<80xi32, #tpu.memory_space<vmem>>) semaphore(%arg7 : memref<!tpu.dma_semaphore, #tpu.memory_space<semaphore_mem>>)
    %dma_start3A_58 = arith.constant 0 : i32
    %dma_start3A_59 = arith.constant 4 : i32
    %dma_start3A_60 = arith.constant 0 : i32
    %dma_start3A_61 = arith.constant 320 : i32
    %dma_start3A_62 = arith.constant 0 : i32
    %dma_start3A_63 = tpu.memref_slice %arg6[%dma_start3A_60, %dma_start3A_61, %dma_start3A_62] : memref<2x400x128xf32, #tpu.memory_space<vmem>> -> memref<1x80x128xf32, #tpu.memory_space<vmem>>
    %dma_start3A_64 = tpu.memref_squeeze %dma_start3A_63 : memref<1x80x128xf32, #tpu.memory_space<vmem>> -> memref<80x128xf32, #tpu.memory_space<vmem>>
    %dma_start3A_65 = arith.constant 0 : i32
    %dma_start3A_66 = tpu.memref_slice %arg5[%dma_start3A_58, %dma_start3A_59, %dma_start3A_65] : memref<2x5x80xi32, #tpu.memory_space<vmem>> -> memref<1x1x80xi32, #tpu.memory_space<vmem>>
    %dma_start3A_67 = tpu.memref_squeeze %dma_start3A_66 : memref<1x1x80xi32, #tpu.memory_space<vmem>> -> memref<80xi32, #tpu.memory_space<vmem>>
    %dma_start3A_68 = arith.constant 0 : i32
    %dma_start3A_69 = arith.constant 0 : i32
    %dma_start3A_70 = tpu.memref_slice %arg2[%dma_start3A_68, %dma_start3A_69] : memref<10240x128xf32, #tpu.memory_space<hbm>> -> memref<10240x128xf32, #tpu.memory_space<hbm>>
    tpu.enqueue_indirect_dma source(%dma_start3A_70 : memref<10240x128xf32, #tpu.memory_space<hbm>>) target(%dma_start3A_64 : memref<80x128xf32, #tpu.memory_space<vmem>>) offsets(%dma_start3A_67 : memref<80xi32, #tpu.memory_space<vmem>>) semaphore(%arg7 : memref<!tpu.dma_semaphore, #tpu.memory_space<semaphore_mem>>)
    %scan3A = arith.constant 0 : i32
    %scan3A_71 = arith.constant 0 : i32
    %scan3A_72 = arith.constant 24 : i32
    %scan3A_73 = arith.addi %scan3A_71, %scan3A_72 : i32
    %scan3A_74 = arith.constant 1 : i32
    scf.for %scan3A_187 = %scan3A_71 to %scan3A_73 step %scan3A_74  : i32 {
      %rem3A = arith.constant 2 : i32
      %rem3A_188 = arith.remsi %scan3A_187, %rem3A : i32
      %add3A_189 = arith.constant 1 : i32
      %add3A_190 = arith.addi %scan3A_187, %add3A_189 : i32
      %rem3A_191 = arith.constant 2 : i32
      %rem3A_192 = arith.remsi %add3A_190, %rem3A_191 : i32
      %eq3A = arith.constant 0 : i32
      %eq3A_193 = arith.cmpi eq, %rem3A_192, %eq3A : i32
      %convert_element_type3A = arith.extui %eq3A_193 : i1 to i32
      %cond3A = arith.constant 0 : i32
      %cond3A_194 = arith.cmpi ne, %convert_element_type3A, %cond3A : i32
      scf.if %cond3A_194 {
        %add3A_210 = arith.constant 1 : i32
        %add3A_211 = arith.addi %scan3A_187, %add3A_210 : i32
        %ge3A = arith.constant 2 : i32
        %ge3A_212 = arith.cmpi sge, %add3A_211, %ge3A : i32
        %convert_element_type3A_213 = arith.extui %ge3A_212 : i1 to i32
        %cond3A_214 = arith.constant 0 : i32
        %cond3A_215 = arith.cmpi ne, %convert_element_type3A_213, %cond3A_214 : i32
        scf.if %cond3A_215 {
          %sub3A = arith.constant 2 : i32
          %sub3A_285 = arith.subi %add3A_211, %sub3A : i32
          %mul3A_286 = arith.constant 400 : i32
          %mul3A_287 = arith.muli %sub3A_285, %mul3A_286 : i32
          %add3A_288 = arith.addi %mul3A_2, %mul3A_287 : i32
          %multiple_of3A_289 = tpu.assume_multiple %add3A_288, 8 : i32
          %dma_wait3A_290 = arith.constant 0 : i32
          %dma_wait3A_291 = arith.constant 0 : i32
          %dma_wait3A_292 = arith.constant 0 : i32
          %dma_wait3A_293 = tpu.memref_slice %arg6[%dma_wait3A_290, %dma_wait3A_291, %dma_wait3A_292] : memref<2x400x128xf32, #tpu.memory_space<vmem>> -> memref<1x400x128xf32, #tpu.memory_space<vmem>>
          %dma_wait3A_294 = tpu.memref_squeeze %dma_wait3A_293 : memref<1x400x128xf32, #tpu.memory_space<vmem>> -> memref<400x128xf32, #tpu.memory_space<vmem>>
          %dma_wait3A_295 = arith.constant 0 : i32
          %dma_wait3A_296 = tpu.memref_slice %arg4[%multiple_of3A_289, %dma_wait3A_295] : memref<320000x128xf32, #tpu.memory_space<hbm>> -> memref<400x128xf32, #tpu.memory_space<hbm>>
          %dma_wait3A_297 = arith.constant 0 : i32
          %dma_wait3A_298 = tpu.memref_slice %arg4[%multiple_of3A_289, %dma_wait3A_297] : memref<320000x128xf32, #tpu.memory_space<hbm>> -> memref<400x128xf32, #tpu.memory_space<hbm>>
          %dma_wait3A_299 = arith.constant 0 : i32
          %dma_wait3A_300 = arith.constant 0 : i32
          %dma_wait3A_301 = tpu.memref_slice %arg6[%dma_wait3A_290, %dma_wait3A_299, %dma_wait3A_300] : memref<2x400x128xf32, #tpu.memory_space<vmem>> -> memref<1x400x128xf32, #tpu.memory_space<vmem>>
          %dma_wait3A_302 = tpu.memref_squeeze %dma_wait3A_301 : memref<1x400x128xf32, #tpu.memory_space<vmem>> -> memref<400x128xf32, #tpu.memory_space<vmem>>
          tpu.wait_dma2 semaphore(%arg9 : memref<!tpu.dma_semaphore, #tpu.memory_space<semaphore_mem>>) src(%dma_wait3A_302 : memref<400x128xf32, #tpu.memory_space<vmem>>) dst(%dma_wait3A_298 : memref<400x128xf32, #tpu.memory_space<hbm>>)
        } else {
        }
        %mul3A_216 = arith.constant 25 : i32
        %mul3A_217 = arith.muli %add3A, %mul3A_216 : i32
        %add3A_218 = arith.addi %mul3A_217, %add3A_211 : i32
        %run_scoped3A_219 = arith.constant 0 : i32
        "tpu.region"() ({
          %run_scoped3A_285 = tpu.sem_alloc : memref<!tpu.dma_semaphore, #tpu.memory_space<semaphore_mem>>
          %dma_start3A_286 = arith.constant 0 : i32
          %dma_start3A_287 = arith.constant 0 : i32
          %dma_start3A_288 = tpu.memref_slice %arg5[%run_scoped3A_219, %dma_start3A_286, %dma_start3A_287] : memref<2x5x80xi32, #tpu.memory_space<vmem>> -> memref<1x5x80xi32, #tpu.memory_space<vmem>>
          %dma_start3A_289 = tpu.memref_squeeze %dma_start3A_288 : memref<1x5x80xi32, #tpu.memory_space<vmem>> -> memref<5x80xi32, #tpu.memory_space<vmem>>
          %dma_start3A_290 = arith.constant 0 : i32
          %dma_start3A_291 = arith.constant 0 : i32
          %dma_start3A_292 = tpu.memref_slice %arg3[%add3A_218, %dma_start3A_290, %dma_start3A_291] : memref<800x5x80xi32, #tpu.memory_space<hbm>> -> memref<1x5x80xi32, #tpu.memory_space<hbm>>
          %dma_start3A_293 = tpu.memref_squeeze %dma_start3A_292 : memref<1x5x80xi32, #tpu.memory_space<hbm>> -> memref<5x80xi32, #tpu.memory_space<hbm>>
          %dma_start3A_294 = arith.constant 0 : i32
          %dma_start3A_295 = arith.constant 0 : i32
          %dma_start3A_296 = tpu.memref_slice %arg5[%run_scoped3A_219, %dma_start3A_294, %dma_start3A_295] : memref<2x5x80xi32, #tpu.memory_space<vmem>> -> memref<1x5x80xi32, #tpu.memory_space<vmem>>
          %dma_start3A_297 = tpu.memref_squeeze %dma_start3A_296 : memref<1x5x80xi32, #tpu.memory_space<vmem>> -> memref<5x80xi32, #tpu.memory_space<vmem>>
          %dma_start3A_298 = arith.constant 0 : i32
          %dma_start3A_299 = arith.constant 0 : i32
          %dma_start3A_300 = tpu.memref_slice %arg3[%add3A_218, %dma_start3A_298, %dma_start3A_299] : memref<800x5x80xi32, #tpu.memory_space<hbm>> -> memref<1x5x80xi32, #tpu.memory_space<hbm>>
          %dma_start3A_301 = tpu.memref_squeeze %dma_start3A_300 : memref<1x5x80xi32, #tpu.memory_space<hbm>> -> memref<5x80xi32, #tpu.memory_space<hbm>>
          tpu.enqueue_dma source(%dma_start3A_301 : memref<5x80xi32, #tpu.memory_space<hbm>>) target(%dma_start3A_297 : memref<5x80xi32, #tpu.memory_space<vmem>>) target_semaphore(%run_scoped3A_285 : memref<!tpu.dma_semaphore, #tpu.memory_space<semaphore_mem>>)
          %dma_wait3A_302 = arith.constant 0 : i32
          %dma_wait3A_303 = arith.constant 0 : i32
          %dma_wait3A_304 = tpu.memref_slice %arg5[%run_scoped3A_219, %dma_wait3A_302, %dma_wait3A_303] : memref<2x5x80xi32, #tpu.memory_space<vmem>> -> memref<1x5x80xi32, #tpu.memory_space<vmem>>
          %dma_wait3A_305 = tpu.memref_squeeze %dma_wait3A_304 : memref<1x5x80xi32, #tpu.memory_space<vmem>> -> memref<5x80xi32, #tpu.memory_space<vmem>>
          %dma_wait3A_306 = arith.constant 0 : i32
          %dma_wait3A_307 = arith.constant 0 : i32
          %dma_wait3A_308 = tpu.memref_slice %arg3[%add3A_218, %dma_wait3A_306, %dma_wait3A_307] : memref<800x5x80xi32, #tpu.memory_space<hbm>> -> memref<1x5x80xi32, #tpu.memory_space<hbm>>
          %dma_wait3A_309 = tpu.memref_squeeze %dma_wait3A_308 : memref<1x5x80xi32, #tpu.memory_space<hbm>> -> memref<5x80xi32, #tpu.memory_space<hbm>>
          %dma_wait3A_310 = arith.constant 0 : i32
          %dma_wait3A_311 = arith.constant 0 : i32
          %dma_wait3A_312 = tpu.memref_slice %arg5[%run_scoped3A_219, %dma_wait3A_310, %dma_wait3A_311] : memref<2x5x80xi32, #tpu.memory_space<vmem>> -> memref<1x5x80xi32, #tpu.memory_space<vmem>>
          %dma_wait3A_313 = tpu.memref_squeeze %dma_wait3A_312 : memref<1x5x80xi32, #tpu.memory_space<vmem>> -> memref<5x80xi32, #tpu.memory_space<vmem>>
          %dma_wait3A_314 = arith.constant 0 : i32
          %dma_wait3A_315 = arith.constant 0 : i32
          %dma_wait3A_316 = tpu.memref_slice %arg3[%add3A_218, %dma_wait3A_314, %dma_wait3A_315] : memref<800x5x80xi32, #tpu.memory_space<hbm>> -> memref<1x5x80xi32, #tpu.memory_space<hbm>>
          %dma_wait3A_317 = tpu.memref_squeeze %dma_wait3A_316 : memref<1x5x80xi32, #tpu.memory_space<hbm>> -> memref<5x80xi32, #tpu.memory_space<hbm>>
          tpu.wait_dma2 semaphore(%run_scoped3A_285 : memref<!tpu.dma_semaphore, #tpu.memory_space<semaphore_mem>>) src(%dma_wait3A_317 : memref<5x80xi32, #tpu.memory_space<hbm>>) dst(%dma_wait3A_313 : memref<5x80xi32, #tpu.memory_space<vmem>>)
          tpu.yield
        }) : () -> ()
        %dma_start3A_220 = arith.constant 0 : i32
        %dma_start3A_221 = arith.constant 0 : i32
        %dma_start3A_222 = arith.constant 0 : i32
        %dma_start3A_223 = arith.constant 0 : i32
        %dma_start3A_224 = arith.constant 0 : i32
        %dma_start3A_225 = tpu.memref_slice %arg6[%dma_start3A_222, %dma_start3A_223, %dma_start3A_224] : memref<2x400x128xf32, #tpu.memory_space<vmem>> -> memref<1x80x128xf32, #tpu.memory_space<vmem>>
        %dma_start3A_226 = tpu.memref_squeeze %dma_start3A_225 : memref<1x80x128xf32, #tpu.memory_space<vmem>> -> memref<80x128xf32, #tpu.memory_space<vmem>>
        %dma_start3A_227 = arith.constant 0 : i32
        %dma_start3A_228 = tpu.memref_slice %arg5[%dma_start3A_220, %dma_start3A_221, %dma_start3A_227] : memref<2x5x80xi32, #tpu.memory_space<vmem>> -> memref<1x1x80xi32, #tpu.memory_space<vmem>>
        %dma_start3A_229 = tpu.memref_squeeze %dma_start3A_228 : memref<1x1x80xi32, #tpu.memory_space<vmem>> -> memref<80xi32, #tpu.memory_space<vmem>>
        %dma_start3A_230 = arith.constant 0 : i32
        %dma_start3A_231 = arith.constant 0 : i32
        %dma_start3A_232 = tpu.memref_slice %arg2[%dma_start3A_230, %dma_start3A_231] : memref<10240x128xf32, #tpu.memory_space<hbm>> -> memref<10240x128xf32, #tpu.memory_space<hbm>>
        tpu.enqueue_indirect_dma source(%dma_start3A_232 : memref<10240x128xf32, #tpu.memory_space<hbm>>) target(%dma_start3A_226 : memref<80x128xf32, #tpu.memory_space<vmem>>) offsets(%dma_start3A_229 : memref<80xi32, #tpu.memory_space<vmem>>) semaphore(%arg7 : memref<!tpu.dma_semaphore, #tpu.memory_space<semaphore_mem>>)
        %dma_start3A_233 = arith.constant 0 : i32
        %dma_start3A_234 = arith.constant 1 : i32
        %dma_start3A_235 = arith.constant 0 : i32
        %dma_start3A_236 = arith.constant 80 : i32
        %dma_start3A_237 = arith.constant 0 : i32
        %dma_start3A_238 = tpu.memref_slice %arg6[%dma_start3A_235, %dma_start3A_236, %dma_start3A_237] : memref<2x400x128xf32, #tpu.memory_space<vmem>> -> memref<1x80x128xf32, #tpu.memory_space<vmem>>
        %dma_start3A_239 = tpu.memref_squeeze %dma_start3A_238 : memref<1x80x128xf32, #tpu.memory_space<vmem>> -> memref<80x128xf32, #tpu.memory_space<vmem>>
        %dma_start3A_240 = arith.constant 0 : i32
        %dma_start3A_241 = tpu.memref_slice %arg5[%dma_start3A_233, %dma_start3A_234, %dma_start3A_240] : memref<2x5x80xi32, #tpu.memory_space<vmem>> -> memref<1x1x80xi32, #tpu.memory_space<vmem>>
        %dma_start3A_242 = tpu.memref_squeeze %dma_start3A_241 : memref<1x1x80xi32, #tpu.memory_space<vmem>> -> memref<80xi32, #tpu.memory_space<vmem>>
        %dma_start3A_243 = arith.constant 0 : i32
        %dma_start3A_244 = arith.constant 0 : i32
        %dma_start3A_245 = tpu.memref_slice %arg2[%dma_start3A_243, %dma_start3A_244] : memref<10240x128xf32, #tpu.memory_space<hbm>> -> memref<10240x128xf32, #tpu.memory_space<hbm>>
        tpu.enqueue_indirect_dma source(%dma_start3A_245 : memref<10240x128xf32, #tpu.memory_space<hbm>>) target(%dma_start3A_239 : memref<80x128xf32, #tpu.memory_space<vmem>>) offsets(%dma_start3A_242 : memref<80xi32, #tpu.memory_space<vmem>>) semaphore(%arg7 : memref<!tpu.dma_semaphore, #tpu.memory_space<semaphore_mem>>)
        %dma_start3A_246 = arith.constant 0 : i32
        %dma_start3A_247 = arith.constant 2 : i32
        %dma_start3A_248 = arith.constant 0 : i32
        %dma_start3A_249 = arith.constant 160 : i32
        %dma_start3A_250 = arith.constant 0 : i32
        %dma_start3A_251 = tpu.memref_slice %arg6[%dma_start3A_248, %dma_start3A_249, %dma_start3A_250] : memref<2x400x128xf32, #tpu.memory_space<vmem>> -> memref<1x80x128xf32, #tpu.memory_space<vmem>>
        %dma_start3A_252 = tpu.memref_squeeze %dma_start3A_251 : memref<1x80x128xf32, #tpu.memory_space<vmem>> -> memref<80x128xf32, #tpu.memory_space<vmem>>
        %dma_start3A_253 = arith.constant 0 : i32
        %dma_start3A_254 = tpu.memref_slice %arg5[%dma_start3A_246, %dma_start3A_247, %dma_start3A_253] : memref<2x5x80xi32, #tpu.memory_space<vmem>> -> memref<1x1x80xi32, #tpu.memory_space<vmem>>
        %dma_start3A_255 = tpu.memref_squeeze %dma_start3A_254 : memref<1x1x80xi32, #tpu.memory_space<vmem>> -> memref<80xi32, #tpu.memory_space<vmem>>
        %dma_start3A_256 = arith.constant 0 : i32
        %dma_start3A_257 = arith.constant 0 : i32
        %dma_start3A_258 = tpu.memref_slice %arg2[%dma_start3A_256, %dma_start3A_257] : memref<10240x128xf32, #tpu.memory_space<hbm>> -> memref<10240x128xf32, #tpu.memory_space<hbm>>
        tpu.enqueue_indirect_dma source(%dma_start3A_258 : memref<10240x128xf32, #tpu.memory_space<hbm>>) target(%dma_start3A_252 : memref<80x128xf32, #tpu.memory_space<vmem>>) offsets(%dma_start3A_255 : memref<80xi32, #tpu.memory_space<vmem>>) semaphore(%arg7 : memref<!tpu.dma_semaphore, #tpu.memory_space<semaphore_mem>>)
        %dma_start3A_259 = arith.constant 0 : i32
        %dma_start3A_260 = arith.constant 3 : i32
        %dma_start3A_261 = arith.constant 0 : i32
        %dma_start3A_262 = arith.constant 240 : i32
        %dma_start3A_263 = arith.constant 0 : i32
        %dma_start3A_264 = tpu.memref_slice %arg6[%dma_start3A_261, %dma_start3A_262, %dma_start3A_263] : memref<2x400x128xf32, #tpu.memory_space<vmem>> -> memref<1x80x128xf32, #tpu.memory_space<vmem>>
        %dma_start3A_265 = tpu.memref_squeeze %dma_start3A_264 : memref<1x80x128xf32, #tpu.memory_space<vmem>> -> memref<80x128xf32, #tpu.memory_space<vmem>>
        %dma_start3A_266 = arith.constant 0 : i32
        %dma_start3A_267 = tpu.memref_slice %arg5[%dma_start3A_259, %dma_start3A_260, %dma_start3A_266] : memref<2x5x80xi32, #tpu.memory_space<vmem>> -> memref<1x1x80xi32, #tpu.memory_space<vmem>>
        %dma_start3A_268 = tpu.memref_squeeze %dma_start3A_267 : memref<1x1x80xi32, #tpu.memory_space<vmem>> -> memref<80xi32, #tpu.memory_space<vmem>>
        %dma_start3A_269 = arith.constant 0 : i32
        %dma_start3A_270 = arith.constant 0 : i32
        %dma_start3A_271 = tpu.memref_slice %arg2[%dma_start3A_269, %dma_start3A_270] : memref<10240x128xf32, #tpu.memory_space<hbm>> -> memref<10240x128xf32, #tpu.memory_space<hbm>>
        tpu.enqueue_indirect_dma source(%dma_start3A_271 : memref<10240x128xf32, #tpu.memory_space<hbm>>) target(%dma_start3A_265 : memref<80x128xf32, #tpu.memory_space<vmem>>) offsets(%dma_start3A_268 : memref<80xi32, #tpu.memory_space<vmem>>) semaphore(%arg7 : memref<!tpu.dma_semaphore, #tpu.memory_space<semaphore_mem>>)
        %dma_start3A_272 = arith.constant 0 : i32
        %dma_start3A_273 = arith.constant 4 : i32
        %dma_start3A_274 = arith.constant 0 : i32
        %dma_start3A_275 = arith.constant 320 : i32
        %dma_start3A_276 = arith.constant 0 : i32
        %dma_start3A_277 = tpu.memref_slice %arg6[%dma_start3A_274, %dma_start3A_275, %dma_start3A_276] : memref<2x400x128xf32, #tpu.memory_space<vmem>> -> memref<1x80x128xf32, #tpu.memory_space<vmem>>
        %dma_start3A_278 = tpu.memref_squeeze %dma_start3A_277 : memref<1x80x128xf32, #tpu.memory_space<vmem>> -> memref<80x128xf32, #tpu.memory_space<vmem>>
        %dma_start3A_279 = arith.constant 0 : i32
        %dma_start3A_280 = tpu.memref_slice %arg5[%dma_start3A_272, %dma_start3A_273, %dma_start3A_279] : memref<2x5x80xi32, #tpu.memory_space<vmem>> -> memref<1x1x80xi32, #tpu.memory_space<vmem>>
        %dma_start3A_281 = tpu.memref_squeeze %dma_start3A_280 : memref<1x1x80xi32, #tpu.memory_space<vmem>> -> memref<80xi32, #tpu.memory_space<vmem>>
        %dma_start3A_282 = arith.constant 0 : i32
        %dma_start3A_283 = arith.constant 0 : i32
        %dma_start3A_284 = tpu.memref_slice %arg2[%dma_start3A_282, %dma_start3A_283] : memref<10240x128xf32, #tpu.memory_space<hbm>> -> memref<10240x128xf32, #tpu.memory_space<hbm>>
        tpu.enqueue_indirect_dma source(%dma_start3A_284 : memref<10240x128xf32, #tpu.memory_space<hbm>>) target(%dma_start3A_278 : memref<80x128xf32, #tpu.memory_space<vmem>>) offsets(%dma_start3A_281 : memref<80xi32, #tpu.memory_space<vmem>>) semaphore(%arg7 : memref<!tpu.dma_semaphore, #tpu.memory_space<semaphore_mem>>)
      } else {
      }
      %eq3A_195 = arith.constant 1 : i32
      %eq3A_196 = arith.cmpi eq, %rem3A_192, %eq3A_195 : i32
      %convert_element_type3A_197 = arith.extui %eq3A_196 : i1 to i32
      %cond3A_198 = arith.constant 0 : i32
      %cond3A_199 = arith.cmpi ne, %convert_element_type3A_197, %cond3A_198 : i32
      scf.if %cond3A_199 {
        %add3A_210 = arith.constant 1 : i32
        %add3A_211 = arith.addi %scan3A_187, %add3A_210 : i32
        %ge3A = arith.constant 2 : i32
        %ge3A_212 = arith.cmpi sge, %add3A_211, %ge3A : i32
        %convert_element_type3A_213 = arith.extui %ge3A_212 : i1 to i32
        %cond3A_214 = arith.constant 0 : i32
        %cond3A_215 = arith.cmpi ne, %convert_element_type3A_213, %cond3A_214 : i32
        scf.if %cond3A_215 {
          %sub3A = arith.constant 2 : i32
          %sub3A_285 = arith.subi %add3A_211, %sub3A : i32
          %mul3A_286 = arith.constant 400 : i32
          %mul3A_287 = arith.muli %sub3A_285, %mul3A_286 : i32
          %add3A_288 = arith.addi %mul3A_2, %mul3A_287 : i32
          %multiple_of3A_289 = tpu.assume_multiple %add3A_288, 8 : i32
          %dma_wait3A_290 = arith.constant 1 : i32
          %dma_wait3A_291 = arith.constant 0 : i32
          %dma_wait3A_292 = arith.constant 0 : i32
          %dma_wait3A_293 = tpu.memref_slice %arg6[%dma_wait3A_290, %dma_wait3A_291, %dma_wait3A_292] : memref<2x400x128xf32, #tpu.memory_space<vmem>> -> memref<1x400x128xf32, #tpu.memory_space<vmem>>
          %dma_wait3A_294 = tpu.memref_squeeze %dma_wait3A_293 : memref<1x400x128xf32, #tpu.memory_space<vmem>> -> memref<400x128xf32, #tpu.memory_space<vmem>>
          %dma_wait3A_295 = arith.constant 0 : i32
          %dma_wait3A_296 = tpu.memref_slice %arg4[%multiple_of3A_289, %dma_wait3A_295] : memref<320000x128xf32, #tpu.memory_space<hbm>> -> memref<400x128xf32, #tpu.memory_space<hbm>>
          %dma_wait3A_297 = arith.constant 0 : i32
          %dma_wait3A_298 = tpu.memref_slice %arg4[%multiple_of3A_289, %dma_wait3A_297] : memref<320000x128xf32, #tpu.memory_space<hbm>> -> memref<400x128xf32, #tpu.memory_space<hbm>>
          %dma_wait3A_299 = arith.constant 0 : i32
          %dma_wait3A_300 = arith.constant 0 : i32
          %dma_wait3A_301 = tpu.memref_slice %arg6[%dma_wait3A_290, %dma_wait3A_299, %dma_wait3A_300] : memref<2x400x128xf32, #tpu.memory_space<vmem>> -> memref<1x400x128xf32, #tpu.memory_space<vmem>>
          %dma_wait3A_302 = tpu.memref_squeeze %dma_wait3A_301 : memref<1x400x128xf32, #tpu.memory_space<vmem>> -> memref<400x128xf32, #tpu.memory_space<vmem>>
          tpu.wait_dma2 semaphore(%arg10 : memref<!tpu.dma_semaphore, #tpu.memory_space<semaphore_mem>>) src(%dma_wait3A_302 : memref<400x128xf32, #tpu.memory_space<vmem>>) dst(%dma_wait3A_298 : memref<400x128xf32, #tpu.memory_space<hbm>>)
        } else {
        }
        %mul3A_216 = arith.constant 25 : i32
        %mul3A_217 = arith.muli %add3A, %mul3A_216 : i32
        %add3A_218 = arith.addi %mul3A_217, %add3A_211 : i32
        %run_scoped3A_219 = arith.constant 1 : i32
        "tpu.region"() ({
          %run_scoped3A_285 = tpu.sem_alloc : memref<!tpu.dma_semaphore, #tpu.memory_space<semaphore_mem>>
          %dma_start3A_286 = arith.constant 0 : i32
          %dma_start3A_287 = arith.constant 0 : i32
          %dma_start3A_288 = tpu.memref_slice %arg5[%run_scoped3A_219, %dma_start3A_286, %dma_start3A_287] : memref<2x5x80xi32, #tpu.memory_space<vmem>> -> memref<1x5x80xi32, #tpu.memory_space<vmem>>
          %dma_start3A_289 = tpu.memref_squeeze %dma_start3A_288 : memref<1x5x80xi32, #tpu.memory_space<vmem>> -> memref<5x80xi32, #tpu.memory_space<vmem>>
          %dma_start3A_290 = arith.constant 0 : i32
          %dma_start3A_291 = arith.constant 0 : i32
          %dma_start3A_292 = tpu.memref_slice %arg3[%add3A_218, %dma_start3A_290, %dma_start3A_291] : memref<800x5x80xi32, #tpu.memory_space<hbm>> -> memref<1x5x80xi32, #tpu.memory_space<hbm>>
          %dma_start3A_293 = tpu.memref_squeeze %dma_start3A_292 : memref<1x5x80xi32, #tpu.memory_space<hbm>> -> memref<5x80xi32, #tpu.memory_space<hbm>>
          %dma_start3A_294 = arith.constant 0 : i32
          %dma_start3A_295 = arith.constant 0 : i32
          %dma_start3A_296 = tpu.memref_slice %arg5[%run_scoped3A_219, %dma_start3A_294, %dma_start3A_295] : memref<2x5x80xi32, #tpu.memory_space<vmem>> -> memref<1x5x80xi32, #tpu.memory_space<vmem>>
          %dma_start3A_297 = tpu.memref_squeeze %dma_start3A_296 : memref<1x5x80xi32, #tpu.memory_space<vmem>> -> memref<5x80xi32, #tpu.memory_space<vmem>>
          %dma_start3A_298 = arith.constant 0 : i32
          %dma_start3A_299 = arith.constant 0 : i32
          %dma_start3A_300 = tpu.memref_slice %arg3[%add3A_218, %dma_start3A_298, %dma_start3A_299] : memref<800x5x80xi32, #tpu.memory_space<hbm>> -> memref<1x5x80xi32, #tpu.memory_space<hbm>>
          %dma_start3A_301 = tpu.memref_squeeze %dma_start3A_300 : memref<1x5x80xi32, #tpu.memory_space<hbm>> -> memref<5x80xi32, #tpu.memory_space<hbm>>
          tpu.enqueue_dma source(%dma_start3A_301 : memref<5x80xi32, #tpu.memory_space<hbm>>) target(%dma_start3A_297 : memref<5x80xi32, #tpu.memory_space<vmem>>) target_semaphore(%run_scoped3A_285 : memref<!tpu.dma_semaphore, #tpu.memory_space<semaphore_mem>>)
          %dma_wait3A_302 = arith.constant 0 : i32
          %dma_wait3A_303 = arith.constant 0 : i32
          %dma_wait3A_304 = tpu.memref_slice %arg5[%run_scoped3A_219, %dma_wait3A_302, %dma_wait3A_303] : memref<2x5x80xi32, #tpu.memory_space<vmem>> -> memref<1x5x80xi32, #tpu.memory_space<vmem>>
          %dma_wait3A_305 = tpu.memref_squeeze %dma_wait3A_304 : memref<1x5x80xi32, #tpu.memory_space<vmem>> -> memref<5x80xi32, #tpu.memory_space<vmem>>
          %dma_wait3A_306 = arith.constant 0 : i32
          %dma_wait3A_307 = arith.constant 0 : i32
          %dma_wait3A_308 = tpu.memref_slice %arg3[%add3A_218, %dma_wait3A_306, %dma_wait3A_307] : memref<800x5x80xi32, #tpu.memory_space<hbm>> -> memref<1x5x80xi32, #tpu.memory_space<hbm>>
          %dma_wait3A_309 = tpu.memref_squeeze %dma_wait3A_308 : memref<1x5x80xi32, #tpu.memory_space<hbm>> -> memref<5x80xi32, #tpu.memory_space<hbm>>
          %dma_wait3A_310 = arith.constant 0 : i32
          %dma_wait3A_311 = arith.constant 0 : i32
          %dma_wait3A_312 = tpu.memref_slice %arg5[%run_scoped3A_219, %dma_wait3A_310, %dma_wait3A_311] : memref<2x5x80xi32, #tpu.memory_space<vmem>> -> memref<1x5x80xi32, #tpu.memory_space<vmem>>
          %dma_wait3A_313 = tpu.memref_squeeze %dma_wait3A_312 : memref<1x5x80xi32, #tpu.memory_space<vmem>> -> memref<5x80xi32, #tpu.memory_space<vmem>>
          %dma_wait3A_314 = arith.constant 0 : i32
          %dma_wait3A_315 = arith.constant 0 : i32
          %dma_wait3A_316 = tpu.memref_slice %arg3[%add3A_218, %dma_wait3A_314, %dma_wait3A_315] : memref<800x5x80xi32, #tpu.memory_space<hbm>> -> memref<1x5x80xi32, #tpu.memory_space<hbm>>
          %dma_wait3A_317 = tpu.memref_squeeze %dma_wait3A_316 : memref<1x5x80xi32, #tpu.memory_space<hbm>> -> memref<5x80xi32, #tpu.memory_space<hbm>>
          tpu.wait_dma2 semaphore(%run_scoped3A_285 : memref<!tpu.dma_semaphore, #tpu.memory_space<semaphore_mem>>) src(%dma_wait3A_317 : memref<5x80xi32, #tpu.memory_space<hbm>>) dst(%dma_wait3A_313 : memref<5x80xi32, #tpu.memory_space<vmem>>)
          tpu.yield
        }) : () -> ()
        %dma_start3A_220 = arith.constant 1 : i32
        %dma_start3A_221 = arith.constant 0 : i32
        %dma_start3A_222 = arith.constant 1 : i32
        %dma_start3A_223 = arith.constant 0 : i32
        %dma_start3A_224 = arith.constant 0 : i32
        %dma_start3A_225 = tpu.memref_slice %arg6[%dma_start3A_222, %dma_start3A_223, %dma_start3A_224] : memref<2x400x128xf32, #tpu.memory_space<vmem>> -> memref<1x80x128xf32, #tpu.memory_space<vmem>>
        %dma_start3A_226 = tpu.memref_squeeze %dma_start3A_225 : memref<1x80x128xf32, #tpu.memory_space<vmem>> -> memref<80x128xf32, #tpu.memory_space<vmem>>
        %dma_start3A_227 = arith.constant 0 : i32
        %dma_start3A_228 = tpu.memref_slice %arg5[%dma_start3A_220, %dma_start3A_221, %dma_start3A_227] : memref<2x5x80xi32, #tpu.memory_space<vmem>> -> memref<1x1x80xi32, #tpu.memory_space<vmem>>
        %dma_start3A_229 = tpu.memref_squeeze %dma_start3A_228 : memref<1x1x80xi32, #tpu.memory_space<vmem>> -> memref<80xi32, #tpu.memory_space<vmem>>
        %dma_start3A_230 = arith.constant 0 : i32
        %dma_start3A_231 = arith.constant 0 : i32
        %dma_start3A_232 = tpu.memref_slice %arg2[%dma_start3A_230, %dma_start3A_231] : memref<10240x128xf32, #tpu.memory_space<hbm>> -> memref<10240x128xf32, #tpu.memory_space<hbm>>
        tpu.enqueue_indirect_dma source(%dma_start3A_232 : memref<10240x128xf32, #tpu.memory_space<hbm>>) target(%dma_start3A_226 : memref<80x128xf32, #tpu.memory_space<vmem>>) offsets(%dma_start3A_229 : memref<80xi32, #tpu.memory_space<vmem>>) semaphore(%arg8 : memref<!tpu.dma_semaphore, #tpu.memory_space<semaphore_mem>>)
        %dma_start3A_233 = arith.constant 1 : i32
        %dma_start3A_234 = arith.constant 1 : i32
        %dma_start3A_235 = arith.constant 1 : i32
        %dma_start3A_236 = arith.constant 80 : i32
        %dma_start3A_237 = arith.constant 0 : i32
        %dma_start3A_238 = tpu.memref_slice %arg6[%dma_start3A_235, %dma_start3A_236, %dma_start3A_237] : memref<2x400x128xf32, #tpu.memory_space<vmem>> -> memref<1x80x128xf32, #tpu.memory_space<vmem>>
        %dma_start3A_239 = tpu.memref_squeeze %dma_start3A_238 : memref<1x80x128xf32, #tpu.memory_space<vmem>> -> memref<80x128xf32, #tpu.memory_space<vmem>>
        %dma_start3A_240 = arith.constant 0 : i32
        %dma_start3A_241 = tpu.memref_slice %arg5[%dma_start3A_233, %dma_start3A_234, %dma_start3A_240] : memref<2x5x80xi32, #tpu.memory_space<vmem>> -> memref<1x1x80xi32, #tpu.memory_space<vmem>>
        %dma_start3A_242 = tpu.memref_squeeze %dma_start3A_241 : memref<1x1x80xi32, #tpu.memory_space<vmem>> -> memref<80xi32, #tpu.memory_space<vmem>>
        %dma_start3A_243 = arith.constant 0 : i32
        %dma_start3A_244 = arith.constant 0 : i32
        %dma_start3A_245 = tpu.memref_slice %arg2[%dma_start3A_243, %dma_start3A_244] : memref<10240x128xf32, #tpu.memory_space<hbm>> -> memref<10240x128xf32, #tpu.memory_space<hbm>>
        tpu.enqueue_indirect_dma source(%dma_start3A_245 : memref<10240x128xf32, #tpu.memory_space<hbm>>) target(%dma_start3A_239 : memref<80x128xf32, #tpu.memory_space<vmem>>) offsets(%dma_start3A_242 : memref<80xi32, #tpu.memory_space<vmem>>) semaphore(%arg8 : memref<!tpu.dma_semaphore, #tpu.memory_space<semaphore_mem>>)
        %dma_start3A_246 = arith.constant 1 : i32
        %dma_start3A_247 = arith.constant 2 : i32
        %dma_start3A_248 = arith.constant 1 : i32
        %dma_start3A_249 = arith.constant 160 : i32
        %dma_start3A_250 = arith.constant 0 : i32
        %dma_start3A_251 = tpu.memref_slice %arg6[%dma_start3A_248, %dma_start3A_249, %dma_start3A_250] : memref<2x400x128xf32, #tpu.memory_space<vmem>> -> memref<1x80x128xf32, #tpu.memory_space<vmem>>
        %dma_start3A_252 = tpu.memref_squeeze %dma_start3A_251 : memref<1x80x128xf32, #tpu.memory_space<vmem>> -> memref<80x128xf32, #tpu.memory_space<vmem>>
        %dma_start3A_253 = arith.constant 0 : i32
        %dma_start3A_254 = tpu.memref_slice %arg5[%dma_start3A_246, %dma_start3A_247, %dma_start3A_253] : memref<2x5x80xi32, #tpu.memory_space<vmem>> -> memref<1x1x80xi32, #tpu.memory_space<vmem>>
        %dma_start3A_255 = tpu.memref_squeeze %dma_start3A_254 : memref<1x1x80xi32, #tpu.memory_space<vmem>> -> memref<80xi32, #tpu.memory_space<vmem>>
        %dma_start3A_256 = arith.constant 0 : i32
        %dma_start3A_257 = arith.constant 0 : i32
        %dma_start3A_258 = tpu.memref_slice %arg2[%dma_start3A_256, %dma_start3A_257] : memref<10240x128xf32, #tpu.memory_space<hbm>> -> memref<10240x128xf32, #tpu.memory_space<hbm>>
        tpu.enqueue_indirect_dma source(%dma_start3A_258 : memref<10240x128xf32, #tpu.memory_space<hbm>>) target(%dma_start3A_252 : memref<80x128xf32, #tpu.memory_space<vmem>>) offsets(%dma_start3A_255 : memref<80xi32, #tpu.memory_space<vmem>>) semaphore(%arg8 : memref<!tpu.dma_semaphore, #tpu.memory_space<semaphore_mem>>)
        %dma_start3A_259 = arith.constant 1 : i32
        %dma_start3A_260 = arith.constant 3 : i32
        %dma_start3A_261 = arith.constant 1 : i32
        %dma_start3A_262 = arith.constant 240 : i32
        %dma_start3A_263 = arith.constant 0 : i32
        %dma_start3A_264 = tpu.memref_slice %arg6[%dma_start3A_261, %dma_start3A_262, %dma_start3A_263] : memref<2x400x128xf32, #tpu.memory_space<vmem>> -> memref<1x80x128xf32, #tpu.memory_space<vmem>>
        %dma_start3A_265 = tpu.memref_squeeze %dma_start3A_264 : memref<1x80x128xf32, #tpu.memory_space<vmem>> -> memref<80x128xf32, #tpu.memory_space<vmem>>
        %dma_start3A_266 = arith.constant 0 : i32
        %dma_start3A_267 = tpu.memref_slice %arg5[%dma_start3A_259, %dma_start3A_260, %dma_start3A_266] : memref<2x5x80xi32, #tpu.memory_space<vmem>> -> memref<1x1x80xi32, #tpu.memory_space<vmem>>
        %dma_start3A_268 = tpu.memref_squeeze %dma_start3A_267 : memref<1x1x80xi32, #tpu.memory_space<vmem>> -> memref<80xi32, #tpu.memory_space<vmem>>
        %dma_start3A_269 = arith.constant 0 : i32
        %dma_start3A_270 = arith.constant 0 : i32
        %dma_start3A_271 = tpu.memref_slice %arg2[%dma_start3A_269, %dma_start3A_270] : memref<10240x128xf32, #tpu.memory_space<hbm>> -> memref<10240x128xf32, #tpu.memory_space<hbm>>
        tpu.enqueue_indirect_dma source(%dma_start3A_271 : memref<10240x128xf32, #tpu.memory_space<hbm>>) target(%dma_start3A_265 : memref<80x128xf32, #tpu.memory_space<vmem>>) offsets(%dma_start3A_268 : memref<80xi32, #tpu.memory_space<vmem>>) semaphore(%arg8 : memref<!tpu.dma_semaphore, #tpu.memory_space<semaphore_mem>>)
        %dma_start3A_272 = arith.constant 1 : i32
        %dma_start3A_273 = arith.constant 4 : i32
        %dma_start3A_274 = arith.constant 1 : i32
        %dma_start3A_275 = arith.constant 320 : i32
        %dma_start3A_276 = arith.constant 0 : i32
        %dma_start3A_277 = tpu.memref_slice %arg6[%dma_start3A_274, %dma_start3A_275, %dma_start3A_276] : memref<2x400x128xf32, #tpu.memory_space<vmem>> -> memref<1x80x128xf32, #tpu.memory_space<vmem>>
        %dma_start3A_278 = tpu.memref_squeeze %dma_start3A_277 : memref<1x80x128xf32, #tpu.memory_space<vmem>> -> memref<80x128xf32, #tpu.memory_space<vmem>>
        %dma_start3A_279 = arith.constant 0 : i32
        %dma_start3A_280 = tpu.memref_slice %arg5[%dma_start3A_272, %dma_start3A_273, %dma_start3A_279] : memref<2x5x80xi32, #tpu.memory_space<vmem>> -> memref<1x1x80xi32, #tpu.memory_space<vmem>>
        %dma_start3A_281 = tpu.memref_squeeze %dma_start3A_280 : memref<1x1x80xi32, #tpu.memory_space<vmem>> -> memref<80xi32, #tpu.memory_space<vmem>>
        %dma_start3A_282 = arith.constant 0 : i32
        %dma_start3A_283 = arith.constant 0 : i32
        %dma_start3A_284 = tpu.memref_slice %arg2[%dma_start3A_282, %dma_start3A_283] : memref<10240x128xf32, #tpu.memory_space<hbm>> -> memref<10240x128xf32, #tpu.memory_space<hbm>>
        tpu.enqueue_indirect_dma source(%dma_start3A_284 : memref<10240x128xf32, #tpu.memory_space<hbm>>) target(%dma_start3A_278 : memref<80x128xf32, #tpu.memory_space<vmem>>) offsets(%dma_start3A_281 : memref<80xi32, #tpu.memory_space<vmem>>) semaphore(%arg8 : memref<!tpu.dma_semaphore, #tpu.memory_space<semaphore_mem>>)
      } else {
      }
      %eq3A_200 = arith.constant 0 : i32
      %eq3A_201 = arith.cmpi eq, %rem3A_188, %eq3A_200 : i32
      %convert_element_type3A_202 = arith.extui %eq3A_201 : i1 to i32
      %cond3A_203 = arith.constant 0 : i32
      %cond3A_204 = arith.cmpi ne, %convert_element_type3A_202, %cond3A_203 : i32
      scf.if %cond3A_204 {
        %dma_wait3A_210 = arith.constant 0 : i32
        %dma_wait3A_211 = arith.constant 0 : i32
        %dma_wait3A_212 = arith.constant 0 : i32
        %dma_wait3A_213 = arith.constant 0 : i32
        %dma_wait3A_214 = arith.constant 0 : i32
        %dma_wait3A_215 = tpu.memref_slice %arg6[%dma_wait3A_212, %dma_wait3A_213, %dma_wait3A_214] : memref<2x400x128xf32, #tpu.memory_space<vmem>> -> memref<1x80x128xf32, #tpu.memory_space<vmem>>
        %dma_wait3A_216 = tpu.memref_squeeze %dma_wait3A_215 : memref<1x80x128xf32, #tpu.memory_space<vmem>> -> memref<80x128xf32, #tpu.memory_space<vmem>>
        %dma_wait3A_217 = arith.constant 0 : i32
        %dma_wait3A_218 = tpu.memref_slice %arg5[%dma_wait3A_210, %dma_wait3A_211, %dma_wait3A_217] : memref<2x5x80xi32, #tpu.memory_space<vmem>> -> memref<1x1x80xi32, #tpu.memory_space<vmem>>
        %dma_wait3A_219 = tpu.memref_squeeze %dma_wait3A_218 : memref<1x1x80xi32, #tpu.memory_space<vmem>> -> memref<80xi32, #tpu.memory_space<vmem>>
        %dma_wait3A_220 = arith.constant 0 : i32
        %dma_wait3A_221 = arith.constant 0 : i32
        %dma_wait3A_222 = tpu.memref_slice %arg2[%dma_wait3A_220, %dma_wait3A_221] : memref<10240x128xf32, #tpu.memory_space<hbm>> -> memref<10240x128xf32, #tpu.memory_space<hbm>>
        tpu.wait_indirect_dma semaphore(%arg7 : memref<!tpu.dma_semaphore, #tpu.memory_space<semaphore_mem>>) src(%dma_wait3A_222 : memref<10240x128xf32, #tpu.memory_space<hbm>>) dst(%dma_wait3A_216 : memref<80x128xf32, #tpu.memory_space<vmem>>)
        %dma_wait3A_223 = arith.constant 0 : i32
        %dma_wait3A_224 = arith.constant 1 : i32
        %dma_wait3A_225 = arith.constant 0 : i32
        %dma_wait3A_226 = arith.constant 80 : i32
        %dma_wait3A_227 = arith.constant 0 : i32
        %dma_wait3A_228 = tpu.memref_slice %arg6[%dma_wait3A_225, %dma_wait3A_226, %dma_wait3A_227] : memref<2x400x128xf32, #tpu.memory_space<vmem>> -> memref<1x80x128xf32, #tpu.memory_space<vmem>>
        %dma_wait3A_229 = tpu.memref_squeeze %dma_wait3A_228 : memref<1x80x128xf32, #tpu.memory_space<vmem>> -> memref<80x128xf32, #tpu.memory_space<vmem>>
        %dma_wait3A_230 = arith.constant 0 : i32
        %dma_wait3A_231 = tpu.memref_slice %arg5[%dma_wait3A_223, %dma_wait3A_224, %dma_wait3A_230] : memref<2x5x80xi32, #tpu.memory_space<vmem>> -> memref<1x1x80xi32, #tpu.memory_space<vmem>>
        %dma_wait3A_232 = tpu.memref_squeeze %dma_wait3A_231 : memref<1x1x80xi32, #tpu.memory_space<vmem>> -> memref<80xi32, #tpu.memory_space<vmem>>
        %dma_wait3A_233 = arith.constant 0 : i32
        %dma_wait3A_234 = arith.constant 0 : i32
        %dma_wait3A_235 = tpu.memref_slice %arg2[%dma_wait3A_233, %dma_wait3A_234] : memref<10240x128xf32, #tpu.memory_space<hbm>> -> memref<10240x128xf32, #tpu.memory_space<hbm>>
        tpu.wait_indirect_dma semaphore(%arg7 : memref<!tpu.dma_semaphore, #tpu.memory_space<semaphore_mem>>) src(%dma_wait3A_235 : memref<10240x128xf32, #tpu.memory_space<hbm>>) dst(%dma_wait3A_229 : memref<80x128xf32, #tpu.memory_space<vmem>>)
        %dma_wait3A_236 = arith.constant 0 : i32
        %dma_wait3A_237 = arith.constant 2 : i32
        %dma_wait3A_238 = arith.constant 0 : i32
        %dma_wait3A_239 = arith.constant 160 : i32
        %dma_wait3A_240 = arith.constant 0 : i32
        %dma_wait3A_241 = tpu.memref_slice %arg6[%dma_wait3A_238, %dma_wait3A_239, %dma_wait3A_240] : memref<2x400x128xf32, #tpu.memory_space<vmem>> -> memref<1x80x128xf32, #tpu.memory_space<vmem>>
        %dma_wait3A_242 = tpu.memref_squeeze %dma_wait3A_241 : memref<1x80x128xf32, #tpu.memory_space<vmem>> -> memref<80x128xf32, #tpu.memory_space<vmem>>
        %dma_wait3A_243 = arith.constant 0 : i32
        %dma_wait3A_244 = tpu.memref_slice %arg5[%dma_wait3A_236, %dma_wait3A_237, %dma_wait3A_243] : memref<2x5x80xi32, #tpu.memory_space<vmem>> -> memref<1x1x80xi32, #tpu.memory_space<vmem>>
        %dma_wait3A_245 = tpu.memref_squeeze %dma_wait3A_244 : memref<1x1x80xi32, #tpu.memory_space<vmem>> -> memref<80xi32, #tpu.memory_space<vmem>>
        %dma_wait3A_246 = arith.constant 0 : i32
        %dma_wait3A_247 = arith.constant 0 : i32
        %dma_wait3A_248 = tpu.memref_slice %arg2[%dma_wait3A_246, %dma_wait3A_247] : memref<10240x128xf32, #tpu.memory_space<hbm>> -> memref<10240x128xf32, #tpu.memory_space<hbm>>
        tpu.wait_indirect_dma semaphore(%arg7 : memref<!tpu.dma_semaphore, #tpu.memory_space<semaphore_mem>>) src(%dma_wait3A_248 : memref<10240x128xf32, #tpu.memory_space<hbm>>) dst(%dma_wait3A_242 : memref<80x128xf32, #tpu.memory_space<vmem>>)
        %dma_wait3A_249 = arith.constant 0 : i32
        %dma_wait3A_250 = arith.constant 3 : i32
        %dma_wait3A_251 = arith.constant 0 : i32
        %dma_wait3A_252 = arith.constant 240 : i32
        %dma_wait3A_253 = arith.constant 0 : i32
        %dma_wait3A_254 = tpu.memref_slice %arg6[%dma_wait3A_251, %dma_wait3A_252, %dma_wait3A_253] : memref<2x400x128xf32, #tpu.memory_space<vmem>> -> memref<1x80x128xf32, #tpu.memory_space<vmem>>
        %dma_wait3A_255 = tpu.memref_squeeze %dma_wait3A_254 : memref<1x80x128xf32, #tpu.memory_space<vmem>> -> memref<80x128xf32, #tpu.memory_space<vmem>>
        %dma_wait3A_256 = arith.constant 0 : i32
        %dma_wait3A_257 = tpu.memref_slice %arg5[%dma_wait3A_249, %dma_wait3A_250, %dma_wait3A_256] : memref<2x5x80xi32, #tpu.memory_space<vmem>> -> memref<1x1x80xi32, #tpu.memory_space<vmem>>
        %dma_wait3A_258 = tpu.memref_squeeze %dma_wait3A_257 : memref<1x1x80xi32, #tpu.memory_space<vmem>> -> memref<80xi32, #tpu.memory_space<vmem>>
        %dma_wait3A_259 = arith.constant 0 : i32
        %dma_wait3A_260 = arith.constant 0 : i32
        %dma_wait3A_261 = tpu.memref_slice %arg2[%dma_wait3A_259, %dma_wait3A_260] : memref<10240x128xf32, #tpu.memory_space<hbm>> -> memref<10240x128xf32, #tpu.memory_space<hbm>>
        tpu.wait_indirect_dma semaphore(%arg7 : memref<!tpu.dma_semaphore, #tpu.memory_space<semaphore_mem>>) src(%dma_wait3A_261 : memref<10240x128xf32, #tpu.memory_space<hbm>>) dst(%dma_wait3A_255 : memref<80x128xf32, #tpu.memory_space<vmem>>)
        %dma_wait3A_262 = arith.constant 0 : i32
        %dma_wait3A_263 = arith.constant 4 : i32
        %dma_wait3A_264 = arith.constant 0 : i32
        %dma_wait3A_265 = arith.constant 320 : i32
        %dma_wait3A_266 = arith.constant 0 : i32
        %dma_wait3A_267 = tpu.memref_slice %arg6[%dma_wait3A_264, %dma_wait3A_265, %dma_wait3A_266] : memref<2x400x128xf32, #tpu.memory_space<vmem>> -> memref<1x80x128xf32, #tpu.memory_space<vmem>>
        %dma_wait3A_268 = tpu.memref_squeeze %dma_wait3A_267 : memref<1x80x128xf32, #tpu.memory_space<vmem>> -> memref<80x128xf32, #tpu.memory_space<vmem>>
        %dma_wait3A_269 = arith.constant 0 : i32
        %dma_wait3A_270 = tpu.memref_slice %arg5[%dma_wait3A_262, %dma_wait3A_263, %dma_wait3A_269] : memref<2x5x80xi32, #tpu.memory_space<vmem>> -> memref<1x1x80xi32, #tpu.memory_space<vmem>>
        %dma_wait3A_271 = tpu.memref_squeeze %dma_wait3A_270 : memref<1x1x80xi32, #tpu.memory_space<vmem>> -> memref<80xi32, #tpu.memory_space<vmem>>
        %dma_wait3A_272 = arith.constant 0 : i32
        %dma_wait3A_273 = arith.constant 0 : i32
        %dma_wait3A_274 = tpu.memref_slice %arg2[%dma_wait3A_272, %dma_wait3A_273] : memref<10240x128xf32, #tpu.memory_space<hbm>> -> memref<10240x128xf32, #tpu.memory_space<hbm>>
        tpu.wait_indirect_dma semaphore(%arg7 : memref<!tpu.dma_semaphore, #tpu.memory_space<semaphore_mem>>) src(%dma_wait3A_274 : memref<10240x128xf32, #tpu.memory_space<hbm>>) dst(%dma_wait3A_268 : memref<80x128xf32, #tpu.memory_space<vmem>>)
        %mul3A_275 = arith.constant 400 : i32
        %mul3A_276 = arith.muli %scan3A_187, %mul3A_275 : i32
        %add3A_277 = arith.addi %mul3A_2, %mul3A_276 : i32
        %multiple_of3A_278 = tpu.assume_multiple %add3A_277, 8 : i32
        %dma_start3A_279 = arith.constant 0 : i32
        %dma_start3A_280 = arith.constant 0 : i32
        %dma_start3A_281 = arith.constant 0 : i32
        %dma_start3A_282 = tpu.memref_slice %arg6[%dma_start3A_279, %dma_start3A_280, %dma_start3A_281] : memref<2x400x128xf32, #tpu.memory_space<vmem>> -> memref<1x400x128xf32, #tpu.memory_space<vmem>>
        %dma_start3A_283 = tpu.memref_squeeze %dma_start3A_282 : memref<1x400x128xf32, #tpu.memory_space<vmem>> -> memref<400x128xf32, #tpu.memory_space<vmem>>
        %dma_start3A_284 = arith.constant 0 : i32
        %dma_start3A_285 = tpu.memref_slice %arg4[%multiple_of3A_278, %dma_start3A_284] : memref<320000x128xf32, #tpu.memory_space<hbm>> -> memref<400x128xf32, #tpu.memory_space<hbm>>
        %dma_start3A_286 = arith.constant 0 : i32
        %dma_start3A_287 = tpu.memref_slice %arg4[%multiple_of3A_278, %dma_start3A_286] : memref<320000x128xf32, #tpu.memory_space<hbm>> -> memref<400x128xf32, #tpu.memory_space<hbm>>
        %dma_start3A_288 = arith.constant 0 : i32
        %dma_start3A_289 = arith.constant 0 : i32
        %dma_start3A_290 = tpu.memref_slice %arg6[%dma_start3A_279, %dma_start3A_288, %dma_start3A_289] : memref<2x400x128xf32, #tpu.memory_space<vmem>> -> memref<1x400x128xf32, #tpu.memory_space<vmem>>
        %dma_start3A_291 = tpu.memref_squeeze %dma_start3A_290 : memref<1x400x128xf32, #tpu.memory_space<vmem>> -> memref<400x128xf32, #tpu.memory_space<vmem>>
        tpu.enqueue_dma source(%dma_start3A_291 : memref<400x128xf32, #tpu.memory_space<vmem>>) target(%dma_start3A_287 : memref<400x128xf32, #tpu.memory_space<hbm>>) target_semaphore(%arg9 : memref<!tpu.dma_semaphore, #tpu.memory_space<semaphore_mem>>)
      } else {
      }
      %eq3A_205 = arith.constant 1 : i32
      %eq3A_206 = arith.cmpi eq, %rem3A_188, %eq3A_205 : i32
      %convert_element_type3A_207 = arith.extui %eq3A_206 : i1 to i32
      %cond3A_208 = arith.constant 0 : i32
      %cond3A_209 = arith.cmpi ne, %convert_element_type3A_207, %cond3A_208 : i32
      scf.if %cond3A_209 {
        %dma_wait3A_210 = arith.constant 1 : i32
        %dma_wait3A_211 = arith.constant 0 : i32
        %dma_wait3A_212 = arith.constant 1 : i32
        %dma_wait3A_213 = arith.constant 0 : i32
        %dma_wait3A_214 = arith.constant 0 : i32
        %dma_wait3A_215 = tpu.memref_slice %arg6[%dma_wait3A_212, %dma_wait3A_213, %dma_wait3A_214] : memref<2x400x128xf32, #tpu.memory_space<vmem>> -> memref<1x80x128xf32, #tpu.memory_space<vmem>>
        %dma_wait3A_216 = tpu.memref_squeeze %dma_wait3A_215 : memref<1x80x128xf32, #tpu.memory_space<vmem>> -> memref<80x128xf32, #tpu.memory_space<vmem>>
        %dma_wait3A_217 = arith.constant 0 : i32
        %dma_wait3A_218 = tpu.memref_slice %arg5[%dma_wait3A_210, %dma_wait3A_211, %dma_wait3A_217] : memref<2x5x80xi32, #tpu.memory_space<vmem>> -> memref<1x1x80xi32, #tpu.memory_space<vmem>>
        %dma_wait3A_219 = tpu.memref_squeeze %dma_wait3A_218 : memref<1x1x80xi32, #tpu.memory_space<vmem>> -> memref<80xi32, #tpu.memory_space<vmem>>
        %dma_wait3A_220 = arith.constant 0 : i32
        %dma_wait3A_221 = arith.constant 0 : i32
        %dma_wait3A_222 = tpu.memref_slice %arg2[%dma_wait3A_220, %dma_wait3A_221] : memref<10240x128xf32, #tpu.memory_space<hbm>> -> memref<10240x128xf32, #tpu.memory_space<hbm>>
        tpu.wait_indirect_dma semaphore(%arg8 : memref<!tpu.dma_semaphore, #tpu.memory_space<semaphore_mem>>) src(%dma_wait3A_222 : memref<10240x128xf32, #tpu.memory_space<hbm>>) dst(%dma_wait3A_216 : memref<80x128xf32, #tpu.memory_space<vmem>>)
        %dma_wait3A_223 = arith.constant 1 : i32
        %dma_wait3A_224 = arith.constant 1 : i32
        %dma_wait3A_225 = arith.constant 1 : i32
        %dma_wait3A_226 = arith.constant 80 : i32
        %dma_wait3A_227 = arith.constant 0 : i32
        %dma_wait3A_228 = tpu.memref_slice %arg6[%dma_wait3A_225, %dma_wait3A_226, %dma_wait3A_227] : memref<2x400x128xf32, #tpu.memory_space<vmem>> -> memref<1x80x128xf32, #tpu.memory_space<vmem>>
        %dma_wait3A_229 = tpu.memref_squeeze %dma_wait3A_228 : memref<1x80x128xf32, #tpu.memory_space<vmem>> -> memref<80x128xf32, #tpu.memory_space<vmem>>
        %dma_wait3A_230 = arith.constant 0 : i32
        %dma_wait3A_231 = tpu.memref_slice %arg5[%dma_wait3A_223, %dma_wait3A_224, %dma_wait3A_230] : memref<2x5x80xi32, #tpu.memory_space<vmem>> -> memref<1x1x80xi32, #tpu.memory_space<vmem>>
        %dma_wait3A_232 = tpu.memref_squeeze %dma_wait3A_231 : memref<1x1x80xi32, #tpu.memory_space<vmem>> -> memref<80xi32, #tpu.memory_space<vmem>>
        %dma_wait3A_233 = arith.constant 0 : i32
        %dma_wait3A_234 = arith.constant 0 : i32
        %dma_wait3A_235 = tpu.memref_slice %arg2[%dma_wait3A_233, %dma_wait3A_234] : memref<10240x128xf32, #tpu.memory_space<hbm>> -> memref<10240x128xf32, #tpu.memory_space<hbm>>
        tpu.wait_indirect_dma semaphore(%arg8 : memref<!tpu.dma_semaphore, #tpu.memory_space<semaphore_mem>>) src(%dma_wait3A_235 : memref<10240x128xf32, #tpu.memory_space<hbm>>) dst(%dma_wait3A_229 : memref<80x128xf32, #tpu.memory_space<vmem>>)
        %dma_wait3A_236 = arith.constant 1 : i32
        %dma_wait3A_237 = arith.constant 2 : i32
        %dma_wait3A_238 = arith.constant 1 : i32
        %dma_wait3A_239 = arith.constant 160 : i32
        %dma_wait3A_240 = arith.constant 0 : i32
        %dma_wait3A_241 = tpu.memref_slice %arg6[%dma_wait3A_238, %dma_wait3A_239, %dma_wait3A_240] : memref<2x400x128xf32, #tpu.memory_space<vmem>> -> memref<1x80x128xf32, #tpu.memory_space<vmem>>
        %dma_wait3A_242 = tpu.memref_squeeze %dma_wait3A_241 : memref<1x80x128xf32, #tpu.memory_space<vmem>> -> memref<80x128xf32, #tpu.memory_space<vmem>>
        %dma_wait3A_243 = arith.constant 0 : i32
        %dma_wait3A_244 = tpu.memref_slice %arg5[%dma_wait3A_236, %dma_wait3A_237, %dma_wait3A_243] : memref<2x5x80xi32, #tpu.memory_space<vmem>> -> memref<1x1x80xi32, #tpu.memory_space<vmem>>
        %dma_wait3A_245 = tpu.memref_squeeze %dma_wait3A_244 : memref<1x1x80xi32, #tpu.memory_space<vmem>> -> memref<80xi32, #tpu.memory_space<vmem>>
        %dma_wait3A_246 = arith.constant 0 : i32
        %dma_wait3A_247 = arith.constant 0 : i32
        %dma_wait3A_248 = tpu.memref_slice %arg2[%dma_wait3A_246, %dma_wait3A_247] : memref<10240x128xf32, #tpu.memory_space<hbm>> -> memref<10240x128xf32, #tpu.memory_space<hbm>>
        tpu.wait_indirect_dma semaphore(%arg8 : memref<!tpu.dma_semaphore, #tpu.memory_space<semaphore_mem>>) src(%dma_wait3A_248 : memref<10240x128xf32, #tpu.memory_space<hbm>>) dst(%dma_wait3A_242 : memref<80x128xf32, #tpu.memory_space<vmem>>)
        %dma_wait3A_249 = arith.constant 1 : i32
        %dma_wait3A_250 = arith.constant 3 : i32
        %dma_wait3A_251 = arith.constant 1 : i32
        %dma_wait3A_252 = arith.constant 240 : i32
        %dma_wait3A_253 = arith.constant 0 : i32
        %dma_wait3A_254 = tpu.memref_slice %arg6[%dma_wait3A_251, %dma_wait3A_252, %dma_wait3A_253] : memref<2x400x128xf32, #tpu.memory_space<vmem>> -> memref<1x80x128xf32, #tpu.memory_space<vmem>>
        %dma_wait3A_255 = tpu.memref_squeeze %dma_wait3A_254 : memref<1x80x128xf32, #tpu.memory_space<vmem>> -> memref<80x128xf32, #tpu.memory_space<vmem>>
        %dma_wait3A_256 = arith.constant 0 : i32
        %dma_wait3A_257 = tpu.memref_slice %arg5[%dma_wait3A_249, %dma_wait3A_250, %dma_wait3A_256] : memref<2x5x80xi32, #tpu.memory_space<vmem>> -> memref<1x1x80xi32, #tpu.memory_space<vmem>>
        %dma_wait3A_258 = tpu.memref_squeeze %dma_wait3A_257 : memref<1x1x80xi32, #tpu.memory_space<vmem>> -> memref<80xi32, #tpu.memory_space<vmem>>
        %dma_wait3A_259 = arith.constant 0 : i32
        %dma_wait3A_260 = arith.constant 0 : i32
        %dma_wait3A_261 = tpu.memref_slice %arg2[%dma_wait3A_259, %dma_wait3A_260] : memref<10240x128xf32, #tpu.memory_space<hbm>> -> memref<10240x128xf32, #tpu.memory_space<hbm>>
        tpu.wait_indirect_dma semaphore(%arg8 : memref<!tpu.dma_semaphore, #tpu.memory_space<semaphore_mem>>) src(%dma_wait3A_261 : memref<10240x128xf32, #tpu.memory_space<hbm>>) dst(%dma_wait3A_255 : memref<80x128xf32, #tpu.memory_space<vmem>>)
        %dma_wait3A_262 = arith.constant 1 : i32
        %dma_wait3A_263 = arith.constant 4 : i32
        %dma_wait3A_264 = arith.constant 1 : i32
        %dma_wait3A_265 = arith.constant 320 : i32
        %dma_wait3A_266 = arith.constant 0 : i32
        %dma_wait3A_267 = tpu.memref_slice %arg6[%dma_wait3A_264, %dma_wait3A_265, %dma_wait3A_266] : memref<2x400x128xf32, #tpu.memory_space<vmem>> -> memref<1x80x128xf32, #tpu.memory_space<vmem>>
        %dma_wait3A_268 = tpu.memref_squeeze %dma_wait3A_267 : memref<1x80x128xf32, #tpu.memory_space<vmem>> -> memref<80x128xf32, #tpu.memory_space<vmem>>
        %dma_wait3A_269 = arith.constant 0 : i32
        %dma_wait3A_270 = tpu.memref_slice %arg5[%dma_wait3A_262, %dma_wait3A_263, %dma_wait3A_269] : memref<2x5x80xi32, #tpu.memory_space<vmem>> -> memref<1x1x80xi32, #tpu.memory_space<vmem>>
        %dma_wait3A_271 = tpu.memref_squeeze %dma_wait3A_270 : memref<1x1x80xi32, #tpu.memory_space<vmem>> -> memref<80xi32, #tpu.memory_space<vmem>>
        %dma_wait3A_272 = arith.constant 0 : i32
        %dma_wait3A_273 = arith.constant 0 : i32
        %dma_wait3A_274 = tpu.memref_slice %arg2[%dma_wait3A_272, %dma_wait3A_273] : memref<10240x128xf32, #tpu.memory_space<hbm>> -> memref<10240x128xf32, #tpu.memory_space<hbm>>
        tpu.wait_indirect_dma semaphore(%arg8 : memref<!tpu.dma_semaphore, #tpu.memory_space<semaphore_mem>>) src(%dma_wait3A_274 : memref<10240x128xf32, #tpu.memory_space<hbm>>) dst(%dma_wait3A_268 : memref<80x128xf32, #tpu.memory_space<vmem>>)
        %mul3A_275 = arith.constant 400 : i32
        %mul3A_276 = arith.muli %scan3A_187, %mul3A_275 : i32
        %add3A_277 = arith.addi %mul3A_2, %mul3A_276 : i32
        %multiple_of3A_278 = tpu.assume_multiple %add3A_277, 8 : i32
        %dma_start3A_279 = arith.constant 1 : i32
        %dma_start3A_280 = arith.constant 0 : i32
        %dma_start3A_281 = arith.constant 0 : i32
        %dma_start3A_282 = tpu.memref_slice %arg6[%dma_start3A_279, %dma_start3A_280, %dma_start3A_281] : memref<2x400x128xf32, #tpu.memory_space<vmem>> -> memref<1x400x128xf32, #tpu.memory_space<vmem>>
        %dma_start3A_283 = tpu.memref_squeeze %dma_start3A_282 : memref<1x400x128xf32, #tpu.memory_space<vmem>> -> memref<400x128xf32, #tpu.memory_space<vmem>>
        %dma_start3A_284 = arith.constant 0 : i32
        %dma_start3A_285 = tpu.memref_slice %arg4[%multiple_of3A_278, %dma_start3A_284] : memref<320000x128xf32, #tpu.memory_space<hbm>> -> memref<400x128xf32, #tpu.memory_space<hbm>>
        %dma_start3A_286 = arith.constant 0 : i32
        %dma_start3A_287 = tpu.memref_slice %arg4[%multiple_of3A_278, %dma_start3A_286] : memref<320000x128xf32, #tpu.memory_space<hbm>> -> memref<400x128xf32, #tpu.memory_space<hbm>>
        %dma_start3A_288 = arith.constant 0 : i32
        %dma_start3A_289 = arith.constant 0 : i32
        %dma_start3A_290 = tpu.memref_slice %arg6[%dma_start3A_279, %dma_start3A_288, %dma_start3A_289] : memref<2x400x128xf32, #tpu.memory_space<vmem>> -> memref<1x400x128xf32, #tpu.memory_space<vmem>>
        %dma_start3A_291 = tpu.memref_squeeze %dma_start3A_290 : memref<1x400x128xf32, #tpu.memory_space<vmem>> -> memref<400x128xf32, #tpu.memory_space<vmem>>
        tpu.enqueue_dma source(%dma_start3A_291 : memref<400x128xf32, #tpu.memory_space<vmem>>) target(%dma_start3A_287 : memref<400x128xf32, #tpu.memory_space<hbm>>) target_semaphore(%arg10 : memref<!tpu.dma_semaphore, #tpu.memory_space<semaphore_mem>>)
      } else {
      }
    }
    %scan3A_75 = arith.constant 24 : i32
    %dma_wait3A = arith.constant 0 : i32
    %dma_wait3A_76 = arith.constant 0 : i32
    %dma_wait3A_77 = arith.constant 0 : i32
    %dma_wait3A_78 = arith.constant 0 : i32
    %dma_wait3A_79 = arith.constant 0 : i32
    %dma_wait3A_80 = tpu.memref_slice %arg6[%dma_wait3A_77, %dma_wait3A_78, %dma_wait3A_79] : memref<2x400x128xf32, #tpu.memory_space<vmem>> -> memref<1x80x128xf32, #tpu.memory_space<vmem>>
    %dma_wait3A_81 = tpu.memref_squeeze %dma_wait3A_80 : memref<1x80x128xf32, #tpu.memory_space<vmem>> -> memref<80x128xf32, #tpu.memory_space<vmem>>
    %dma_wait3A_82 = arith.constant 0 : i32
    %dma_wait3A_83 = tpu.memref_slice %arg5[%dma_wait3A, %dma_wait3A_76, %dma_wait3A_82] : memref<2x5x80xi32, #tpu.memory_space<vmem>> -> memref<1x1x80xi32, #tpu.memory_space<vmem>>
    %dma_wait3A_84 = tpu.memref_squeeze %dma_wait3A_83 : memref<1x1x80xi32, #tpu.memory_space<vmem>> -> memref<80xi32, #tpu.memory_space<vmem>>
    %dma_wait3A_85 = arith.constant 0 : i32
    %dma_wait3A_86 = arith.constant 0 : i32
    %dma_wait3A_87 = tpu.memref_slice %arg2[%dma_wait3A_85, %dma_wait3A_86] : memref<10240x128xf32, #tpu.memory_space<hbm>> -> memref<10240x128xf32, #tpu.memory_space<hbm>>
    tpu.wait_indirect_dma semaphore(%arg7 : memref<!tpu.dma_semaphore, #tpu.memory_space<semaphore_mem>>) src(%dma_wait3A_87 : memref<10240x128xf32, #tpu.memory_space<hbm>>) dst(%dma_wait3A_81 : memref<80x128xf32, #tpu.memory_space<vmem>>)
    %dma_wait3A_88 = arith.constant 0 : i32
    %dma_wait3A_89 = arith.constant 1 : i32
    %dma_wait3A_90 = arith.constant 0 : i32
    %dma_wait3A_91 = arith.constant 80 : i32
    %dma_wait3A_92 = arith.constant 0 : i32
    %dma_wait3A_93 = tpu.memref_slice %arg6[%dma_wait3A_90, %dma_wait3A_91, %dma_wait3A_92] : memref<2x400x128xf32, #tpu.memory_space<vmem>> -> memref<1x80x128xf32, #tpu.memory_space<vmem>>
    %dma_wait3A_94 = tpu.memref_squeeze %dma_wait3A_93 : memref<1x80x128xf32, #tpu.memory_space<vmem>> -> memref<80x128xf32, #tpu.memory_space<vmem>>
    %dma_wait3A_95 = arith.constant 0 : i32
    %dma_wait3A_96 = tpu.memref_slice %arg5[%dma_wait3A_88, %dma_wait3A_89, %dma_wait3A_95] : memref<2x5x80xi32, #tpu.memory_space<vmem>> -> memref<1x1x80xi32, #tpu.memory_space<vmem>>
    %dma_wait3A_97 = tpu.memref_squeeze %dma_wait3A_96 : memref<1x1x80xi32, #tpu.memory_space<vmem>> -> memref<80xi32, #tpu.memory_space<vmem>>
    %dma_wait3A_98 = arith.constant 0 : i32
    %dma_wait3A_99 = arith.constant 0 : i32
    %dma_wait3A_100 = tpu.memref_slice %arg2[%dma_wait3A_98, %dma_wait3A_99] : memref<10240x128xf32, #tpu.memory_space<hbm>> -> memref<10240x128xf32, #tpu.memory_space<hbm>>
    tpu.wait_indirect_dma semaphore(%arg7 : memref<!tpu.dma_semaphore, #tpu.memory_space<semaphore_mem>>) src(%dma_wait3A_100 : memref<10240x128xf32, #tpu.memory_space<hbm>>) dst(%dma_wait3A_94 : memref<80x128xf32, #tpu.memory_space<vmem>>)
    %dma_wait3A_101 = arith.constant 0 : i32
    %dma_wait3A_102 = arith.constant 2 : i32
    %dma_wait3A_103 = arith.constant 0 : i32
    %dma_wait3A_104 = arith.constant 160 : i32
    %dma_wait3A_105 = arith.constant 0 : i32
    %dma_wait3A_106 = tpu.memref_slice %arg6[%dma_wait3A_103, %dma_wait3A_104, %dma_wait3A_105] : memref<2x400x128xf32, #tpu.memory_space<vmem>> -> memref<1x80x128xf32, #tpu.memory_space<vmem>>
    %dma_wait3A_107 = tpu.memref_squeeze %dma_wait3A_106 : memref<1x80x128xf32, #tpu.memory_space<vmem>> -> memref<80x128xf32, #tpu.memory_space<vmem>>
    %dma_wait3A_108 = arith.constant 0 : i32
    %dma_wait3A_109 = tpu.memref_slice %arg5[%dma_wait3A_101, %dma_wait3A_102, %dma_wait3A_108] : memref<2x5x80xi32, #tpu.memory_space<vmem>> -> memref<1x1x80xi32, #tpu.memory_space<vmem>>
    %dma_wait3A_110 = tpu.memref_squeeze %dma_wait3A_109 : memref<1x1x80xi32, #tpu.memory_space<vmem>> -> memref<80xi32, #tpu.memory_space<vmem>>
    %dma_wait3A_111 = arith.constant 0 : i32
    %dma_wait3A_112 = arith.constant 0 : i32
    %dma_wait3A_113 = tpu.memref_slice %arg2[%dma_wait3A_111, %dma_wait3A_112] : memref<10240x128xf32, #tpu.memory_space<hbm>> -> memref<10240x128xf32, #tpu.memory_space<hbm>>
    tpu.wait_indirect_dma semaphore(%arg7 : memref<!tpu.dma_semaphore, #tpu.memory_space<semaphore_mem>>) src(%dma_wait3A_113 : memref<10240x128xf32, #tpu.memory_space<hbm>>) dst(%dma_wait3A_107 : memref<80x128xf32, #tpu.memory_space<vmem>>)
    %dma_wait3A_114 = arith.constant 0 : i32
    %dma_wait3A_115 = arith.constant 3 : i32
    %dma_wait3A_116 = arith.constant 0 : i32
    %dma_wait3A_117 = arith.constant 240 : i32
    %dma_wait3A_118 = arith.constant 0 : i32
    %dma_wait3A_119 = tpu.memref_slice %arg6[%dma_wait3A_116, %dma_wait3A_117, %dma_wait3A_118] : memref<2x400x128xf32, #tpu.memory_space<vmem>> -> memref<1x80x128xf32, #tpu.memory_space<vmem>>
    %dma_wait3A_120 = tpu.memref_squeeze %dma_wait3A_119 : memref<1x80x128xf32, #tpu.memory_space<vmem>> -> memref<80x128xf32, #tpu.memory_space<vmem>>
    %dma_wait3A_121 = arith.constant 0 : i32
    %dma_wait3A_122 = tpu.memref_slice %arg5[%dma_wait3A_114, %dma_wait3A_115, %dma_wait3A_121] : memref<2x5x80xi32, #tpu.memory_space<vmem>> -> memref<1x1x80xi32, #tpu.memory_space<vmem>>
    %dma_wait3A_123 = tpu.memref_squeeze %dma_wait3A_122 : memref<1x1x80xi32, #tpu.memory_space<vmem>> -> memref<80xi32, #tpu.memory_space<vmem>>
    %dma_wait3A_124 = arith.constant 0 : i32
    %dma_wait3A_125 = arith.constant 0 : i32
    %dma_wait3A_126 = tpu.memref_slice %arg2[%dma_wait3A_124, %dma_wait3A_125] : memref<10240x128xf32, #tpu.memory_space<hbm>> -> memref<10240x128xf32, #tpu.memory_space<hbm>>
    tpu.wait_indirect_dma semaphore(%arg7 : memref<!tpu.dma_semaphore, #tpu.memory_space<semaphore_mem>>) src(%dma_wait3A_126 : memref<10240x128xf32, #tpu.memory_space<hbm>>) dst(%dma_wait3A_120 : memref<80x128xf32, #tpu.memory_space<vmem>>)
    %dma_wait3A_127 = arith.constant 0 : i32
    %dma_wait3A_128 = arith.constant 4 : i32
    %dma_wait3A_129 = arith.constant 0 : i32
    %dma_wait3A_130 = arith.constant 320 : i32
    %dma_wait3A_131 = arith.constant 0 : i32
    %dma_wait3A_132 = tpu.memref_slice %arg6[%dma_wait3A_129, %dma_wait3A_130, %dma_wait3A_131] : memref<2x400x128xf32, #tpu.memory_space<vmem>> -> memref<1x80x128xf32, #tpu.memory_space<vmem>>
    %dma_wait3A_133 = tpu.memref_squeeze %dma_wait3A_132 : memref<1x80x128xf32, #tpu.memory_space<vmem>> -> memref<80x128xf32, #tpu.memory_space<vmem>>
    %dma_wait3A_134 = arith.constant 0 : i32
    %dma_wait3A_135 = tpu.memref_slice %arg5[%dma_wait3A_127, %dma_wait3A_128, %dma_wait3A_134] : memref<2x5x80xi32, #tpu.memory_space<vmem>> -> memref<1x1x80xi32, #tpu.memory_space<vmem>>
    %dma_wait3A_136 = tpu.memref_squeeze %dma_wait3A_135 : memref<1x1x80xi32, #tpu.memory_space<vmem>> -> memref<80xi32, #tpu.memory_space<vmem>>
    %dma_wait3A_137 = arith.constant 0 : i32
    %dma_wait3A_138 = arith.constant 0 : i32
    %dma_wait3A_139 = tpu.memref_slice %arg2[%dma_wait3A_137, %dma_wait3A_138] : memref<10240x128xf32, #tpu.memory_space<hbm>> -> memref<10240x128xf32, #tpu.memory_space<hbm>>
    tpu.wait_indirect_dma semaphore(%arg7 : memref<!tpu.dma_semaphore, #tpu.memory_space<semaphore_mem>>) src(%dma_wait3A_139 : memref<10240x128xf32, #tpu.memory_space<hbm>>) dst(%dma_wait3A_133 : memref<80x128xf32, #tpu.memory_space<vmem>>)
    %add3A_140 = arith.constant 9600 : i32
    %add3A_141 = arith.addi %mul3A_2, %add3A_140 : i32
    %multiple_of3A = tpu.assume_multiple %add3A_141, 8 : i32
    %dma_start3A_142 = arith.constant 0 : i32
    %dma_start3A_143 = arith.constant 0 : i32
    %dma_start3A_144 = arith.constant 0 : i32
    %dma_start3A_145 = tpu.memref_slice %arg6[%dma_start3A_142, %dma_start3A_143, %dma_start3A_144] : memref<2x400x128xf32, #tpu.memory_space<vmem>> -> memref<1x400x128xf32, #tpu.memory_space<vmem>>
    %dma_start3A_146 = tpu.memref_squeeze %dma_start3A_145 : memref<1x400x128xf32, #tpu.memory_space<vmem>> -> memref<400x128xf32, #tpu.memory_space<vmem>>
    %dma_start3A_147 = arith.constant 0 : i32
    %dma_start3A_148 = tpu.memref_slice %arg4[%multiple_of3A, %dma_start3A_147] : memref<320000x128xf32, #tpu.memory_space<hbm>> -> memref<400x128xf32, #tpu.memory_space<hbm>>
    %dma_start3A_149 = arith.constant 0 : i32
    %dma_start3A_150 = tpu.memref_slice %arg4[%multiple_of3A, %dma_start3A_149] : memref<320000x128xf32, #tpu.memory_space<hbm>> -> memref<400x128xf32, #tpu.memory_space<hbm>>
    %dma_start3A_151 = arith.constant 0 : i32
    %dma_start3A_152 = arith.constant 0 : i32
    %dma_start3A_153 = tpu.memref_slice %arg6[%dma_start3A_142, %dma_start3A_151, %dma_start3A_152] : memref<2x400x128xf32, #tpu.memory_space<vmem>> -> memref<1x400x128xf32, #tpu.memory_space<vmem>>
    %dma_start3A_154 = tpu.memref_squeeze %dma_start3A_153 : memref<1x400x128xf32, #tpu.memory_space<vmem>> -> memref<400x128xf32, #tpu.memory_space<vmem>>
    tpu.enqueue_dma source(%dma_start3A_154 : memref<400x128xf32, #tpu.memory_space<vmem>>) target(%dma_start3A_150 : memref<400x128xf32, #tpu.memory_space<hbm>>) target_semaphore(%arg9 : memref<!tpu.dma_semaphore, #tpu.memory_space<semaphore_mem>>)
    %add3A_155 = arith.constant 9200 : i32
    %add3A_156 = arith.addi %mul3A_2, %add3A_155 : i32
    %multiple_of3A_157 = tpu.assume_multiple %add3A_156, 8 : i32
    %dma_wait3A_158 = arith.constant 1 : i32
    %dma_wait3A_159 = arith.constant 0 : i32
    %dma_wait3A_160 = arith.constant 0 : i32
    %dma_wait3A_161 = tpu.memref_slice %arg6[%dma_wait3A_158, %dma_wait3A_159, %dma_wait3A_160] : memref<2x400x128xf32, #tpu.memory_space<vmem>> -> memref<1x400x128xf32, #tpu.memory_space<vmem>>
    %dma_wait3A_162 = tpu.memref_squeeze %dma_wait3A_161 : memref<1x400x128xf32, #tpu.memory_space<vmem>> -> memref<400x128xf32, #tpu.memory_space<vmem>>
    %dma_wait3A_163 = arith.constant 0 : i32
    %dma_wait3A_164 = tpu.memref_slice %arg4[%multiple_of3A_157, %dma_wait3A_163] : memref<320000x128xf32, #tpu.memory_space<hbm>> -> memref<400x128xf32, #tpu.memory_space<hbm>>
    %dma_wait3A_165 = arith.constant 0 : i32
    %dma_wait3A_166 = tpu.memref_slice %arg4[%multiple_of3A_157, %dma_wait3A_165] : memref<320000x128xf32, #tpu.memory_space<hbm>> -> memref<400x128xf32, #tpu.memory_space<hbm>>
    %dma_wait3A_167 = arith.constant 0 : i32
    %dma_wait3A_168 = arith.constant 0 : i32
    %dma_wait3A_169 = tpu.memref_slice %arg6[%dma_wait3A_158, %dma_wait3A_167, %dma_wait3A_168] : memref<2x400x128xf32, #tpu.memory_space<vmem>> -> memref<1x400x128xf32, #tpu.memory_space<vmem>>
    %dma_wait3A_170 = tpu.memref_squeeze %dma_wait3A_169 : memref<1x400x128xf32, #tpu.memory_space<vmem>> -> memref<400x128xf32, #tpu.memory_space<vmem>>
    tpu.wait_dma2 semaphore(%arg10 : memref<!tpu.dma_semaphore, #tpu.memory_space<semaphore_mem>>) src(%dma_wait3A_170 : memref<400x128xf32, #tpu.memory_space<vmem>>) dst(%dma_wait3A_166 : memref<400x128xf32, #tpu.memory_space<hbm>>)
    %add3A_171 = arith.constant 9600 : i32
    %add3A_172 = arith.addi %mul3A_2, %add3A_171 : i32
    %multiple_of3A_173 = tpu.assume_multiple %add3A_172, 8 : i32
    %dma_wait3A_174 = arith.constant 0 : i32
    %dma_wait3A_175 = arith.constant 0 : i32
    %dma_wait3A_176 = arith.constant 0 : i32
    %dma_wait3A_177 = tpu.memref_slice %arg6[%dma_wait3A_174, %dma_wait3A_175, %dma_wait3A_176] : memref<2x400x128xf32, #tpu.memory_space<vmem>> -> memref<1x400x128xf32, #tpu.memory_space<vmem>>
    %dma_wait3A_178 = tpu.memref_squeeze %dma_wait3A_177 : memref<1x400x128xf32, #tpu.memory_space<vmem>> -> memref<400x128xf32, #tpu.memory_space<vmem>>
    %dma_wait3A_179 = arith.constant 0 : i32
    %dma_wait3A_180 = tpu.memref_slice %arg4[%multiple_of3A_173, %dma_wait3A_179] : memref<320000x128xf32, #tpu.memory_space<hbm>> -> memref<400x128xf32, #tpu.memory_space<hbm>>
    %dma_wait3A_181 = arith.constant 0 : i32
    %dma_wait3A_182 = tpu.memref_slice %arg4[%multiple_of3A_173, %dma_wait3A_181] : memref<320000x128xf32, #tpu.memory_space<hbm>> -> memref<400x128xf32, #tpu.memory_space<hbm>>
    %dma_wait3A_183 = arith.constant 0 : i32
    %dma_wait3A_184 = arith.constant 0 : i32
    %dma_wait3A_185 = tpu.memref_slice %arg6[%dma_wait3A_174, %dma_wait3A_183, %dma_wait3A_184] : memref<2x400x128xf32, #tpu.memory_space<vmem>> -> memref<1x400x128xf32, #tpu.memory_space<vmem>>
    %dma_wait3A_186 = tpu.memref_squeeze %dma_wait3A_185 : memref<1x400x128xf32, #tpu.memory_space<vmem>> -> memref<400x128xf32, #tpu.memory_space<vmem>>
    tpu.wait_dma2 semaphore(%arg9 : memref<!tpu.dma_semaphore, #tpu.memory_space<semaphore_mem>>) src(%dma_wait3A_186 : memref<400x128xf32, #tpu.memory_space<vmem>>) dst(%dma_wait3A_182 : memref<400x128xf32, #tpu.memory_space<hbm>>)
    return
  }
}

module attributes {stable_mosaic.version = 14 : i64} {
  func.func @_accum_body(%arg0: i32, %arg1: memref<2500xi32, #tpu.memory_space<smem>>, %arg2: memref<6400x128xf32, #tpu.memory_space<vmem>>, %arg3: memref<1x50x128xi32, #tpu.memory_space<vmem>>, %arg4: memref<128x128xbf16, #tpu.memory_space<vmem>>, %arg5: memref<1x128xf32, #tpu.memory_space<vmem>>, %arg6: memref<128x128xbf16, #tpu.memory_space<vmem>>, %arg7: memref<1x128xf32, #tpu.memory_space<vmem>>, %arg8: memref<10240x128xf32, #tpu.memory_space<vmem>>, %arg9: memref<10240x128xf32, #tpu.memory_space<vmem>>) attributes {dimension_semantics = [#tpu.dimension_semantics<arbitrary>], iteration_bounds = array<i64: 50>, scalar_prefetch = 1 : i64, scratch_operands = 0 : i64, tpu.core_type = #tpu.core_type<tc>, window_params = [{transform_indices = @transform_0, window_bounds = array<i64: 6400, 128>}, {transform_indices = @transform_1, window_bounds = array<i64: 1, 50, 128>}, {pipeline_mode = #tpu.pipeline_mode<synchronous>, transform_indices = @transform_2, window_bounds = array<i64: 128, 128>}, {pipeline_mode = #tpu.pipeline_mode<synchronous>, transform_indices = @transform_3, window_bounds = array<i64: 1, 128>}, {pipeline_mode = #tpu.pipeline_mode<synchronous>, transform_indices = @transform_4, window_bounds = array<i64: 128, 128>}, {pipeline_mode = #tpu.pipeline_mode<synchronous>, transform_indices = @transform_5, window_bounds = array<i64: 1, 128>}, {pipeline_mode = #tpu.pipeline_mode<synchronous>, transform_indices = @transform_6, window_bounds = array<i64: 10240, 128>}, {pipeline_mode = #tpu.pipeline_mode<synchronous>, transform_indices = @transform_7, window_bounds = array<i64: 10240, 128>}]} {
    %get3A = arith.constant 0 : index
    %get3A_0 = arith.constant 0 : index
    %get3A_1 = vector.load %arg2[%get3A, %get3A_0] : memref<6400x128xf32, #tpu.memory_space<vmem>>, vector<6400x128xf32>
    %convert_element_type3A = arith.truncf %get3A_1 : vector<6400x128xf32> to vector<6400x128xbf16>
    %get3A_2 = arith.constant 0 : index
    %get3A_3 = arith.constant 0 : index
    %get3A_4 = vector.load %arg4[%get3A_2, %get3A_3] : memref<128x128xbf16, #tpu.memory_space<vmem>>, vector<128x128xbf16>
    %dot_general3A = arith.constant dense<0.000000e+00> : vector<6400x128xf32>
    %dot_general3A_5 = tpu.matmul %convert_element_type3A, %get3A_4, %dot_general3A {dimension_numbers = #tpu.dot_dimension_numbers<[1], [0], [0], [1], [0, 0, 1, 1], [], []>, transpose_lhs_hint = false} : vector<6400x128xbf16>, vector<128x128xbf16>, vector<6400x128xf32> -> vector<6400x128xf32>
    %get3A_6 = arith.constant 0 : index
    %get3A_7 = arith.constant 0 : index
    %get3A_8 = vector.load %arg5[%get3A_6, %get3A_7] : memref<1x128xf32, #tpu.memory_space<vmem>>, vector<1x128xf32>
    %add3A = vector.broadcast %get3A_8 : vector<1x128xf32> to vector<6400x128xf32>
    %add3A_9 = arith.addf %dot_general3A_5, %add3A : vector<6400x128xf32>
    %exp3A = math.exp %add3A_9 : vector<6400x128xf32>
    %get3A_10 = arith.constant 0 : index
    %get3A_11 = arith.constant 0 : index
    %get3A_12 = vector.load %arg6[%get3A_10, %get3A_11] : memref<128x128xbf16, #tpu.memory_space<vmem>>, vector<128x128xbf16>
    %dot_general3A_13 = arith.constant dense<0.000000e+00> : vector<6400x128xf32>
    %dot_general3A_14 = tpu.matmul %convert_element_type3A, %get3A_12, %dot_general3A_13 {dimension_numbers = #tpu.dot_dimension_numbers<[1], [0], [0], [1], [0, 0, 1, 1], [], []>, transpose_lhs_hint = false} : vector<6400x128xbf16>, vector<128x128xbf16>, vector<6400x128xf32> -> vector<6400x128xf32>
    %get3A_15 = arith.constant 0 : index
    %get3A_16 = arith.constant 0 : index
    %get3A_17 = vector.load %arg7[%get3A_15, %get3A_16] : memref<1x128xf32, #tpu.memory_space<vmem>>, vector<1x128xf32>
    %add3A_18 = vector.broadcast %get3A_17 : vector<1x128xf32> to vector<6400x128xf32>
    %add3A_19 = arith.addf %dot_general3A_14, %add3A_18 : vector<6400x128xf32>
    %convert_element_type3A_20 = arith.truncf %exp3A : vector<6400x128xf32> to vector<6400x128xbf16>
    %mul3A = arith.mulf %add3A_19, %exp3A : vector<6400x128xf32>
    %convert_element_type3A_21 = arith.truncf %mul3A : vector<6400x128xf32> to vector<6400x128xbf16>
    %get3A_22 = arith.constant 0 : index
    %get3A_23 = arith.constant 0 : index
    %get3A_24 = arith.constant 0 : index
    %get3A_25 = vector.load %arg3[%get3A_22, %get3A_23, %get3A_24] : memref<1x50x128xi32, #tpu.memory_space<vmem>>, vector<1x50x128xi32>
    %get3A_26 = vector.shape_cast %get3A_25 : vector<1x50x128xi32> to vector<50x128xi32>
    %mul3A_27 = arith.constant 50 : i32
    %mul3A_28 = arith.muli %arg0, %mul3A_27 : i32
    %add3A_29 = arith.constant 0 : i32
    %add3A_30 = arith.addi %mul3A_28, %add3A_29 : i32
    %get3A_31 = arith.index_cast %add3A_30 : i32 to index
    %get3A_32 = memref.load %arg1[%get3A_31] : memref<2500xi32, #tpu.memory_space<smem>>
    %multiple_of3A = tpu.assume_multiple %get3A_32, 16 : i32
    %slice3A = vector.extract_strided_slice %get3A_26 {offsets = [0, 0], sizes = [1, 128], strides = [1, 1]} : vector<50x128xi32> to vector<1x128xi32>
    %sub3A = vector.broadcast %multiple_of3A : i32 to vector<1x128xi32>
    %sub3A_33 = arith.subi %slice3A, %sub3A : vector<1x128xi32>
    %iota3A = tpu.iota {dimensions = array<i32: 0>} : vector<144x128xi32>
    %broadcast_in_dim3A = vector.shape_cast %sub3A_33 : vector<1x128xi32> to vector<1x128xi32>
    %broadcast_in_dim3A_34 = vector.broadcast %broadcast_in_dim3A : vector<1x128xi32> to vector<144x128xi32>
    %eq3A = arith.cmpi eq, %iota3A, %broadcast_in_dim3A_34 : vector<144x128xi32>
    %convert_element_type3A_35 = arith.extui %eq3A : vector<144x128xi1> to vector<144x128xi32>
    %convert_element_type3A_36 = arith.sitofp %convert_element_type3A_35 : vector<144x128xi32> to vector<144x128xf32>
    %convert_element_type3A_37 = arith.truncf %convert_element_type3A_36 : vector<144x128xf32> to vector<144x128xbf16>
    %slice3A_38 = vector.extract_strided_slice %convert_element_type3A_20 {offsets = [0, 0], sizes = [128, 128], strides = [1, 1]} : vector<6400x128xbf16> to vector<128x128xbf16>
    %dot_general3A_39 = arith.constant dense<0.000000e+00> : vector<144x128xf32>
    %dot_general3A_40 = tpu.matmul %convert_element_type3A_37, %slice3A_38, %dot_general3A_39 {dimension_numbers = #tpu.dot_dimension_numbers<[1], [0], [0], [1], [0, 0, 1, 1], [], []>, transpose_lhs_hint = false} : vector<144x128xbf16>, vector<128x128xbf16>, vector<144x128xf32> -> vector<144x128xf32>
    %slice3A_41 = vector.extract_strided_slice %convert_element_type3A_21 {offsets = [0, 0], sizes = [128, 128], strides = [1, 1]} : vector<6400x128xbf16> to vector<128x128xbf16>
    %dot_general3A_42 = arith.constant dense<0.000000e+00> : vector<144x128xf32>
    %dot_general3A_43 = tpu.matmul %convert_element_type3A_37, %slice3A_41, %dot_general3A_42 {dimension_numbers = #tpu.dot_dimension_numbers<[1], [0], [0], [1], [0, 0, 1, 1], [], []>, transpose_lhs_hint = false} : vector<144x128xbf16>, vector<128x128xbf16>, vector<144x128xf32> -> vector<144x128xf32>
    %mul3A_44 = arith.constant 50 : i32
    %mul3A_45 = arith.muli %arg0, %mul3A_44 : i32
    %sub3A_46 = arith.constant 1 : i32
    %sub3A_47 = arith.subi %mul3A_45, %sub3A_46 : i32
    %max3A = arith.constant 0 : i32
    %max3A_48 = arith.maxsi %sub3A_47, %max3A : i32
    %eq3A_49 = arith.constant 0 : i32
    %eq3A_50 = arith.cmpi eq, %arg0, %eq3A_49 : i32
    %get3A_51 = arith.index_cast %max3A_48 : i32 to index
    %get3A_52 = memref.load %arg1[%get3A_51] : memref<2500xi32, #tpu.memory_space<smem>>
    %add3A_53 = arith.constant 144 : i32
    %add3A_54 = arith.addi %get3A_52, %add3A_53 : i32
    %jit3A = arith.constant 0 : i32
    %select_n3A = arith.select %eq3A_50, %jit3A, %add3A_54 : i32
    %iota3A_55 = tpu.iota {dimensions = array<i32: 0>} : vector<144x1xi32>
    %add3A_56 = vector.broadcast %multiple_of3A : i32 to vector<144x1xi32>
    %add3A_57 = arith.addi %iota3A_55, %add3A_56 : vector<144x1xi32>
    %lt3A = vector.broadcast %select_n3A : i32 to vector<144x1xi32>
    %lt3A_58 = arith.cmpi slt, %add3A_57, %lt3A : vector<144x1xi32>
    %get3A_59 = arith.index_cast %multiple_of3A : i32 to index
    %get3A_60 = arith.constant 0 : index
    %get3A_61 = vector.load %arg8[%get3A_59, %get3A_60] : memref<10240x128xf32, #tpu.memory_space<vmem>>, vector<144x128xf32>
    %get3A_62 = arith.index_cast %multiple_of3A : i32 to index
    %get3A_63 = arith.constant 0 : index
    %get3A_64 = vector.load %arg9[%get3A_62, %get3A_63] : memref<10240x128xf32, #tpu.memory_space<vmem>>, vector<144x128xf32>
    %jit3A_65 = arith.constant 0.000000e+00 : f32
    %broadcast_in_dim3A_66 = vector.shape_cast %lt3A_58 : vector<144x1xi1> to vector<144x1xi1>
    %broadcast_in_dim3A_67 = vector.broadcast %broadcast_in_dim3A_66 : vector<144x1xi1> to vector<144x128xi1>
    %broadcast_in_dim3A_68 = vector.broadcast %jit3A_65 : f32 to vector<144x128xf32>
    %select_n3A_69 = arith.select %broadcast_in_dim3A_67, %get3A_61, %broadcast_in_dim3A_68 : vector<144x128xi1>, vector<144x128xf32>
    %add3A_70 = arith.addf %dot_general3A_40, %select_n3A_69 : vector<144x128xf32>
    %swap3A = arith.index_cast %multiple_of3A : i32 to index
    %swap3A_71 = arith.constant 0 : index
    %swap3A_72 = vector.load %arg8[%swap3A, %swap3A_71] : memref<10240x128xf32, #tpu.memory_space<vmem>>, vector<144x128xf32>
    tpu.vector_store %arg8[%swap3A, %swap3A_71], %add3A_70 {strides = array<i32>} : memref<10240x128xf32, #tpu.memory_space<vmem>>, vector<144x128xf32>,
    %jit3A_73 = arith.constant 0.000000e+00 : f32
    %broadcast_in_dim3A_74 = vector.shape_cast %lt3A_58 : vector<144x1xi1> to vector<144x1xi1>
    %broadcast_in_dim3A_75 = vector.broadcast %broadcast_in_dim3A_74 : vector<144x1xi1> to vector<144x128xi1>
    %broadcast_in_dim3A_76 = vector.broadcast %jit3A_73 : f32 to vector<144x128xf32>
    %select_n3A_77 = arith.select %broadcast_in_dim3A_75, %get3A_64, %broadcast_in_dim3A_76 : vector<144x128xi1>, vector<144x128xf32>
    %add3A_78 = arith.addf %dot_general3A_43, %select_n3A_77 : vector<144x128xf32>
    %swap3A_79 = arith.index_cast %multiple_of3A : i32 to index
    %swap3A_80 = arith.constant 0 : index
    %swap3A_81 = vector.load %arg9[%swap3A_79, %swap3A_80] : memref<10240x128xf32, #tpu.memory_space<vmem>>, vector<144x128xf32>
    tpu.vector_store %arg9[%swap3A_79, %swap3A_80], %add3A_78 {strides = array<i32>} : memref<10240x128xf32, #tpu.memory_space<vmem>>, vector<144x128xf32>,
    %mul3A_82 = arith.constant 50 : i32
    %mul3A_83 = arith.muli %arg0, %mul3A_82 : i32
    %add3A_84 = arith.constant 1 : i32
    %add3A_85 = arith.addi %mul3A_83, %add3A_84 : i32
    %get3A_86 = arith.index_cast %add3A_85 : i32 to index
    %get3A_87 = memref.load %arg1[%get3A_86] : memref<2500xi32, #tpu.memory_space<smem>>
    %multiple_of3A_88 = tpu.assume_multiple %get3A_87, 16 : i32
    %slice3A_89 = vector.extract_strided_slice %get3A_26 {offsets = [1, 0], sizes = [1, 128], strides = [1, 1]} : vector<50x128xi32> to vector<1x128xi32>
    %sub3A_90 = vector.broadcast %multiple_of3A_88 : i32 to vector<1x128xi32>
    %sub3A_91 = arith.subi %slice3A_89, %sub3A_90 : vector<1x128xi32>
    %iota3A_92 = tpu.iota {dimensions = array<i32: 0>} : vector<144x128xi32>
    %broadcast_in_dim3A_93 = vector.shape_cast %sub3A_91 : vector<1x128xi32> to vector<1x128xi32>
    %broadcast_in_dim3A_94 = vector.broadcast %broadcast_in_dim3A_93 : vector<1x128xi32> to vector<144x128xi32>
    %eq3A_95 = arith.cmpi eq, %iota3A_92, %broadcast_in_dim3A_94 : vector<144x128xi32>
    %convert_element_type3A_96 = arith.extui %eq3A_95 : vector<144x128xi1> to vector<144x128xi32>
    %convert_element_type3A_97 = arith.sitofp %convert_element_type3A_96 : vector<144x128xi32> to vector<144x128xf32>
    %convert_element_type3A_98 = arith.truncf %convert_element_type3A_97 : vector<144x128xf32> to vector<144x128xbf16>
    %slice3A_99 = vector.extract_strided_slice %convert_element_type3A_20 {offsets = [128, 0], sizes = [128, 128], strides = [1, 1]} : vector<6400x128xbf16> to vector<128x128xbf16>
    %dot_general3A_100 = arith.constant dense<0.000000e+00> : vector<144x128xf32>
    %dot_general3A_101 = tpu.matmul %convert_element_type3A_98, %slice3A_99, %dot_general3A_100 {dimension_numbers = #tpu.dot_dimension_numbers<[1], [0], [0], [1], [0, 0, 1, 1], [], []>, transpose_lhs_hint = false} : vector<144x128xbf16>, vector<128x128xbf16>, vector<144x128xf32> -> vector<144x128xf32>
    %slice3A_102 = vector.extract_strided_slice %convert_element_type3A_21 {offsets = [128, 0], sizes = [128, 128], strides = [1, 1]} : vector<6400x128xbf16> to vector<128x128xbf16>
    %dot_general3A_103 = arith.constant dense<0.000000e+00> : vector<144x128xf32>
    %dot_general3A_104 = tpu.matmul %convert_element_type3A_98, %slice3A_102, %dot_general3A_103 {dimension_numbers = #tpu.dot_dimension_numbers<[1], [0], [0], [1], [0, 0, 1, 1], [], []>, transpose_lhs_hint = false} : vector<144x128xbf16>, vector<128x128xbf16>, vector<144x128xf32> -> vector<144x128xf32>
    %mul3A_105 = arith.constant 50 : i32
    %mul3A_106 = arith.muli %arg0, %mul3A_105 : i32
    %add3A_107 = arith.constant 1 : i32
    %add3A_108 = arith.addi %mul3A_106, %add3A_107 : i32
    %sub3A_109 = arith.constant 1 : i32
    %sub3A_110 = arith.subi %add3A_108, %sub3A_109 : i32
    %get3A_111 = arith.index_cast %sub3A_110 : i32 to index
    %get3A_112 = memref.load %arg1[%get3A_111] : memref<2500xi32, #tpu.memory_space<smem>>
    %add3A_113 = arith.constant 144 : i32
    %add3A_114 = arith.addi %get3A_112, %add3A_113 : i32
    %iota3A_115 = tpu.iota {dimensions = array<i32: 0>} : vector<144x1xi32>
    %add3A_116 = vector.broadcast %multiple_of3A_88 : i32 to vector<144x1xi32>
    %add3A_117 = arith.addi %iota3A_115, %add3A_116 : vector<144x1xi32>
    %lt3A_118 = vector.broadcast %add3A_114 : i32 to vector<144x1xi32>
    %lt3A_119 = arith.cmpi slt, %add3A_117, %lt3A_118 : vector<144x1xi32>
    %get3A_120 = arith.index_cast %multiple_of3A_88 : i32 to index
    %get3A_121 = arith.constant 0 : index
    %get3A_122 = vector.load %arg8[%get3A_120, %get3A_121] : memref<10240x128xf32, #tpu.memory_space<vmem>>, vector<144x128xf32>
    %get3A_123 = arith.index_cast %multiple_of3A_88 : i32 to index
    %get3A_124 = arith.constant 0 : index
    %get3A_125 = vector.load %arg9[%get3A_123, %get3A_124] : memref<10240x128xf32, #tpu.memory_space<vmem>>, vector<144x128xf32>
    %jit3A_126 = arith.constant 0.000000e+00 : f32
    %broadcast_in_dim3A_127 = vector.shape_cast %lt3A_119 : vector<144x1xi1> to vector<144x1xi1>
    %broadcast_in_dim3A_128 = vector.broadcast %broadcast_in_dim3A_127 : vector<144x1xi1> to vector<144x128xi1>
    %broadcast_in_dim3A_129 = vector.broadcast %jit3A_126 : f32 to vector<144x128xf32>
    %select_n3A_130 = arith.select %broadcast_in_dim3A_128, %get3A_122, %broadcast_in_dim3A_129 : vector<144x128xi1>, vector<144x128xf32>
    %add3A_131 = arith.addf %dot_general3A_101, %select_n3A_130 : vector<144x128xf32>
    %swap3A_132 = arith.index_cast %multiple_of3A_88 : i32 to index
    %swap3A_133 = arith.constant 0 : index
    %swap3A_134 = vector.load %arg8[%swap3A_132, %swap3A_133] : memref<10240x128xf32, #tpu.memory_space<vmem>>, vector<144x128xf32>
    tpu.vector_store %arg8[%swap3A_132, %swap3A_133], %add3A_131 {strides = array<i32>} : memref<10240x128xf32, #tpu.memory_space<vmem>>, vector<144x128xf32>,
    %jit3A_135 = arith.constant 0.000000e+00 : f32
    %broadcast_in_dim3A_136 = vector.shape_cast %lt3A_119 : vector<144x1xi1> to vector<144x1xi1>
    %broadcast_in_dim3A_137 = vector.broadcast %broadcast_in_dim3A_136 : vector<144x1xi1> to vector<144x128xi1>
    %broadcast_in_dim3A_138 = vector.broadcast %jit3A_135 : f32 to vector<144x128xf32>
    %select_n3A_139 = arith.select %broadcast_in_dim3A_137, %get3A_125, %broadcast_in_dim3A_138 : vector<144x128xi1>, vector<144x128xf32>
    %add3A_140 = arith.addf %dot_general3A_104, %select_n3A_139 : vector<144x128xf32>
    %swap3A_141 = arith.index_cast %multiple_of3A_88 : i32 to index
    %swap3A_142 = arith.constant 0 : index
    %swap3A_143 = vector.load %arg9[%swap3A_141, %swap3A_142] : memref<10240x128xf32, #tpu.memory_space<vmem>>, vector<144x128xf32>
    tpu.vector_store %arg9[%swap3A_141, %swap3A_142], %add3A_140 {strides = array<i32>} : memref<10240x128xf32, #tpu.memory_space<vmem>>, vector<144x128xf32>,
    %mul3A_144 = arith.constant 50 : i32
    %mul3A_145 = arith.muli %arg0, %mul3A_144 : i32
    %add3A_146 = arith.constant 2 : i32
    %add3A_147 = arith.addi %mul3A_145, %add3A_146 : i32
    %get3A_148 = arith.index_cast %add3A_147 : i32 to index
    %get3A_149 = memref.load %arg1[%get3A_148] : memref<2500xi32, #tpu.memory_space<smem>>
    %multiple_of3A_150 = tpu.assume_multiple %get3A_149, 16 : i32
    %slice3A_151 = vector.extract_strided_slice %get3A_26 {offsets = [2, 0], sizes = [1, 128], strides = [1, 1]} : vector<50x128xi32> to vector<1x128xi32>
    %sub3A_152 = vector.broadcast %multiple_of3A_150 : i32 to vector<1x128xi32>
    %sub3A_153 = arith.subi %slice3A_151, %sub3A_152 : vector<1x128xi32>
    %iota3A_154 = tpu.iota {dimensions = array<i32: 0>} : vector<144x128xi32>
    %broadcast_in_dim3A_155 = vector.shape_cast %sub3A_153 : vector<1x128xi32> to vector<1x128xi32>
    %broadcast_in_dim3A_156 = vector.broadcast %broadcast_in_dim3A_155 : vector<1x128xi32> to vector<144x128xi32>
    %eq3A_157 = arith.cmpi eq, %iota3A_154, %broadcast_in_dim3A_156 : vector<144x128xi32>
    %convert_element_type3A_158 = arith.extui %eq3A_157 : vector<144x128xi1> to vector<144x128xi32>
    %convert_element_type3A_159 = arith.sitofp %convert_element_type3A_158 : vector<144x128xi32> to vector<144x128xf32>
    %convert_element_type3A_160 = arith.truncf %convert_element_type3A_159 : vector<144x128xf32> to vector<144x128xbf16>
    %slice3A_161 = vector.extract_strided_slice %convert_element_type3A_20 {offsets = [256, 0], sizes = [128, 128], strides = [1, 1]} : vector<6400x128xbf16> to vector<128x128xbf16>
    %dot_general3A_162 = arith.constant dense<0.000000e+00> : vector<144x128xf32>
    %dot_general3A_163 = tpu.matmul %convert_element_type3A_160, %slice3A_161, %dot_general3A_162 {dimension_numbers = #tpu.dot_dimension_numbers<[1], [0], [0], [1], [0, 0, 1, 1], [], []>, transpose_lhs_hint = false} : vector<144x128xbf16>, vector<128x128xbf16>, vector<144x128xf32> -> vector<144x128xf32>
    %slice3A_164 = vector.extract_strided_slice %convert_element_type3A_21 {offsets = [256, 0], sizes = [128, 128], strides = [1, 1]} : vector<6400x128xbf16> to vector<128x128xbf16>
    %dot_general3A_165 = arith.constant dense<0.000000e+00> : vector<144x128xf32>
    %dot_general3A_166 = tpu.matmul %convert_element_type3A_160, %slice3A_164, %dot_general3A_165 {dimension_numbers = #tpu.dot_dimension_numbers<[1], [0], [0], [1], [0, 0, 1, 1], [], []>, transpose_lhs_hint = false} : vector<144x128xbf16>, vector<128x128xbf16>, vector<144x128xf32> -> vector<144x128xf32>
    %mul3A_167 = arith.constant 50 : i32
    %mul3A_168 = arith.muli %arg0, %mul3A_167 : i32
    %add3A_169 = arith.constant 2 : i32
    %add3A_170 = arith.addi %mul3A_168, %add3A_169 : i32
    %sub3A_171 = arith.constant 1 : i32
    %sub3A_172 = arith.subi %add3A_170, %sub3A_171 : i32
    %get3A_173 = arith.index_cast %sub3A_172 : i32 to index
    %get3A_174 = memref.load %arg1[%get3A_173] : memref<2500xi32, #tpu.memory_space<smem>>
    %add3A_175 = arith.constant 144 : i32
    %add3A_176 = arith.addi %get3A_174, %add3A_175 : i32
    %iota3A_177 = tpu.iota {dimensions = array<i32: 0>} : vector<144x1xi32>
    %add3A_178 = vector.broadcast %multiple_of3A_150 : i32 to vector<144x1xi32>
    %add3A_179 = arith.addi %iota3A_177, %add3A_178 : vector<144x1xi32>
    %lt3A_180 = vector.broadcast %add3A_176 : i32 to vector<144x1xi32>
    %lt3A_181 = arith.cmpi slt, %add3A_179, %lt3A_180 : vector<144x1xi32>
    %get3A_182 = arith.index_cast %multiple_of3A_150 : i32 to index
    %get3A_183 = arith.constant 0 : index
    %get3A_184 = vector.load %arg8[%get3A_182, %get3A_183] : memref<10240x128xf32, #tpu.memory_space<vmem>>, vector<144x128xf32>
    %get3A_185 = arith.index_cast %multiple_of3A_150 : i32 to index
    %get3A_186 = arith.constant 0 : index
    %get3A_187 = vector.load %arg9[%get3A_185, %get3A_186] : memref<10240x128xf32, #tpu.memory_space<vmem>>, vector<144x128xf32>
    %jit3A_188 = arith.constant 0.000000e+00 : f32
    %broadcast_in_dim3A_189 = vector.shape_cast %lt3A_181 : vector<144x1xi1> to vector<144x1xi1>
    %broadcast_in_dim3A_190 = vector.broadcast %broadcast_in_dim3A_189 : vector<144x1xi1> to vector<144x128xi1>
    %broadcast_in_dim3A_191 = vector.broadcast %jit3A_188 : f32 to vector<144x128xf32>
    %select_n3A_192 = arith.select %broadcast_in_dim3A_190, %get3A_184, %broadcast_in_dim3A_191 : vector<144x128xi1>, vector<144x128xf32>
    %add3A_193 = arith.addf %dot_general3A_163, %select_n3A_192 : vector<144x128xf32>
    %swap3A_194 = arith.index_cast %multiple_of3A_150 : i32 to index
    %swap3A_195 = arith.constant 0 : index
    %swap3A_196 = vector.load %arg8[%swap3A_194, %swap3A_195] : memref<10240x128xf32, #tpu.memory_space<vmem>>, vector<144x128xf32>
    tpu.vector_store %arg8[%swap3A_194, %swap3A_195], %add3A_193 {strides = array<i32>} : memref<10240x128xf32, #tpu.memory_space<vmem>>, vector<144x128xf32>,
    %jit3A_197 = arith.constant 0.000000e+00 : f32
    %broadcast_in_dim3A_198 = vector.shape_cast %lt3A_181 : vector<144x1xi1> to vector<144x1xi1>
    %broadcast_in_dim3A_199 = vector.broadcast %broadcast_in_dim3A_198 : vector<144x1xi1> to vector<144x128xi1>
    %broadcast_in_dim3A_200 = vector.broadcast %jit3A_197 : f32 to vector<144x128xf32>
    %select_n3A_201 = arith.select %broadcast_in_dim3A_199, %get3A_187, %broadcast_in_dim3A_200 : vector<144x128xi1>, vector<144x128xf32>
    %add3A_202 = arith.addf %dot_general3A_166, %select_n3A_201 : vector<144x128xf32>
    %swap3A_203 = arith.index_cast %multiple_of3A_150 : i32 to index
    %swap3A_204 = arith.constant 0 : index
    %swap3A_205 = vector.load %arg9[%swap3A_203, %swap3A_204] : memref<10240x128xf32, #tpu.memory_space<vmem>>, vector<144x128xf32>
    tpu.vector_store %arg9[%swap3A_203, %swap3A_204], %add3A_202 {strides = array<i32>} : memref<10240x128xf32, #tpu.memory_space<vmem>>, vector<144x128xf32>,
    %mul3A_206 = arith.constant 50 : i32
    %mul3A_207 = arith.muli %arg0, %mul3A_206 : i32
    %add3A_208 = arith.constant 3 : i32
    %add3A_209 = arith.addi %mul3A_207, %add3A_208 : i32
    %get3A_210 = arith.index_cast %add3A_209 : i32 to index
    %get3A_211 = memref.load %arg1[%get3A_210] : memref<2500xi32, #tpu.memory_space<smem>>
    %multiple_of3A_212 = tpu.assume_multiple %get3A_211, 16 : i32
    %slice3A_213 = vector.extract_strided_slice %get3A_26 {offsets = [3, 0], sizes = [1, 128], strides = [1, 1]} : vector<50x128xi32> to vector<1x128xi32>
    %sub3A_214 = vector.broadcast %multiple_of3A_212 : i32 to vector<1x128xi32>
    %sub3A_215 = arith.subi %slice3A_213, %sub3A_214 : vector<1x128xi32>
    %iota3A_216 = tpu.iota {dimensions = array<i32: 0>} : vector<144x128xi32>
    %broadcast_in_dim3A_217 = vector.shape_cast %sub3A_215 : vector<1x128xi32> to vector<1x128xi32>
    %broadcast_in_dim3A_218 = vector.broadcast %broadcast_in_dim3A_217 : vector<1x128xi32> to vector<144x128xi32>
    %eq3A_219 = arith.cmpi eq, %iota3A_216, %broadcast_in_dim3A_218 : vector<144x128xi32>
    %convert_element_type3A_220 = arith.extui %eq3A_219 : vector<144x128xi1> to vector<144x128xi32>
    %convert_element_type3A_221 = arith.sitofp %convert_element_type3A_220 : vector<144x128xi32> to vector<144x128xf32>
    %convert_element_type3A_222 = arith.truncf %convert_element_type3A_221 : vector<144x128xf32> to vector<144x128xbf16>
    %slice3A_223 = vector.extract_strided_slice %convert_element_type3A_20 {offsets = [384, 0], sizes = [128, 128], strides = [1, 1]} : vector<6400x128xbf16> to vector<128x128xbf16>
    %dot_general3A_224 = arith.constant dense<0.000000e+00> : vector<144x128xf32>
    %dot_general3A_225 = tpu.matmul %convert_element_type3A_222, %slice3A_223, %dot_general3A_224 {dimension_numbers = #tpu.dot_dimension_numbers<[1], [0], [0], [1], [0, 0, 1, 1], [], []>, transpose_lhs_hint = false} : vector<144x128xbf16>, vector<128x128xbf16>, vector<144x128xf32> -> vector<144x128xf32>
    %slice3A_226 = vector.extract_strided_slice %convert_element_type3A_21 {offsets = [384, 0], sizes = [128, 128], strides = [1, 1]} : vector<6400x128xbf16> to vector<128x128xbf16>
    %dot_general3A_227 = arith.constant dense<0.000000e+00> : vector<144x128xf32>
    %dot_general3A_228 = tpu.matmul %convert_element_type3A_222, %slice3A_226, %dot_general3A_227 {dimension_numbers = #tpu.dot_dimension_numbers<[1], [0], [0], [1], [0, 0, 1, 1], [], []>, transpose_lhs_hint = false} : vector<144x128xbf16>, vector<128x128xbf16>, vector<144x128xf32> -> vector<144x128xf32>
    %mul3A_229 = arith.constant 50 : i32
    %mul3A_230 = arith.muli %arg0, %mul3A_229 : i32
    %add3A_231 = arith.constant 3 : i32
    %add3A_232 = arith.addi %mul3A_230, %add3A_231 : i32
    %sub3A_233 = arith.constant 1 : i32
    %sub3A_234 = arith.subi %add3A_232, %sub3A_233 : i32
    %get3A_235 = arith.index_cast %sub3A_234 : i32 to index
    %get3A_236 = memref.load %arg1[%get3A_235] : memref<2500xi32, #tpu.memory_space<smem>>
    %add3A_237 = arith.constant 144 : i32
    %add3A_238 = arith.addi %get3A_236, %add3A_237 : i32
    %iota3A_239 = tpu.iota {dimensions = array<i32: 0>} : vector<144x1xi32>
    %add3A_240 = vector.broadcast %multiple_of3A_212 : i32 to vector<144x1xi32>
    %add3A_241 = arith.addi %iota3A_239, %add3A_240 : vector<144x1xi32>
    %lt3A_242 = vector.broadcast %add3A_238 : i32 to vector<144x1xi32>
    %lt3A_243 = arith.cmpi slt, %add3A_241, %lt3A_242 : vector<144x1xi32>
    %get3A_244 = arith.index_cast %multiple_of3A_212 : i32 to index
    %get3A_245 = arith.constant 0 : index
    %get3A_246 = vector.load %arg8[%get3A_244, %get3A_245] : memref<10240x128xf32, #tpu.memory_space<vmem>>, vector<144x128xf32>
    %get3A_247 = arith.index_cast %multiple_of3A_212 : i32 to index
    %get3A_248 = arith.constant 0 : index
    %get3A_249 = vector.load %arg9[%get3A_247, %get3A_248] : memref<10240x128xf32, #tpu.memory_space<vmem>>, vector<144x128xf32>
    %jit3A_250 = arith.constant 0.000000e+00 : f32
    %broadcast_in_dim3A_251 = vector.shape_cast %lt3A_243 : vector<144x1xi1> to vector<144x1xi1>
    %broadcast_in_dim3A_252 = vector.broadcast %broadcast_in_dim3A_251 : vector<144x1xi1> to vector<144x128xi1>
    %broadcast_in_dim3A_253 = vector.broadcast %jit3A_250 : f32 to vector<144x128xf32>
    %select_n3A_254 = arith.select %broadcast_in_dim3A_252, %get3A_246, %broadcast_in_dim3A_253 : vector<144x128xi1>, vector<144x128xf32>
    %add3A_255 = arith.addf %dot_general3A_225, %select_n3A_254 : vector<144x128xf32>
    %swap3A_256 = arith.index_cast %multiple_of3A_212 : i32 to index
    %swap3A_257 = arith.constant 0 : index
    %swap3A_258 = vector.load %arg8[%swap3A_256, %swap3A_257] : memref<10240x128xf32, #tpu.memory_space<vmem>>, vector<144x128xf32>
    tpu.vector_store %arg8[%swap3A_256, %swap3A_257], %add3A_255 {strides = array<i32>} : memref<10240x128xf32, #tpu.memory_space<vmem>>, vector<144x128xf32>,
    %jit3A_259 = arith.constant 0.000000e+00 : f32
    %broadcast_in_dim3A_260 = vector.shape_cast %lt3A_243 : vector<144x1xi1> to vector<144x1xi1>
    %broadcast_in_dim3A_261 = vector.broadcast %broadcast_in_dim3A_260 : vector<144x1xi1> to vector<144x128xi1>
    %broadcast_in_dim3A_262 = vector.broadcast %jit3A_259 : f32 to vector<144x128xf32>
    %select_n3A_263 = arith.select %broadcast_in_dim3A_261, %get3A_249, %broadcast_in_dim3A_262 : vector<144x128xi1>, vector<144x128xf32>
    %add3A_264 = arith.addf %dot_general3A_228, %select_n3A_263 : vector<144x128xf32>
    %swap3A_265 = arith.index_cast %multiple_of3A_212 : i32 to index
    %swap3A_266 = arith.constant 0 : index
    %swap3A_267 = vector.load %arg9[%swap3A_265, %swap3A_266] : memref<10240x128xf32, #tpu.memory_space<vmem>>, vector<144x128xf32>
    tpu.vector_store %arg9[%swap3A_265, %swap3A_266], %add3A_264 {strides = array<i32>} : memref<10240x128xf32, #tpu.memory_space<vmem>>, vector<144x128xf32>,
    %mul3A_268 = arith.constant 50 : i32
    %mul3A_269 = arith.muli %arg0, %mul3A_268 : i32
    %add3A_270 = arith.constant 4 : i32
    %add3A_271 = arith.addi %mul3A_269, %add3A_270 : i32
    %get3A_272 = arith.index_cast %add3A_271 : i32 to index
    %get3A_273 = memref.load %arg1[%get3A_272] : memref<2500xi32, #tpu.memory_space<smem>>
    %multiple_of3A_274 = tpu.assume_multiple %get3A_273, 16 : i32
    %slice3A_275 = vector.extract_strided_slice %get3A_26 {offsets = [4, 0], sizes = [1, 128], strides = [1, 1]} : vector<50x128xi32> to vector<1x128xi32>
    %sub3A_276 = vector.broadcast %multiple_of3A_274 : i32 to vector<1x128xi32>
    %sub3A_277 = arith.subi %slice3A_275, %sub3A_276 : vector<1x128xi32>
    %iota3A_278 = tpu.iota {dimensions = array<i32: 0>} : vector<144x128xi32>
    %broadcast_in_dim3A_279 = vector.shape_cast %sub3A_277 : vector<1x128xi32> to vector<1x128xi32>
    %broadcast_in_dim3A_280 = vector.broadcast %broadcast_in_dim3A_279 : vector<1x128xi32> to vector<144x128xi32>
    %eq3A_281 = arith.cmpi eq, %iota3A_278, %broadcast_in_dim3A_280 : vector<144x128xi32>
    %convert_element_type3A_282 = arith.extui %eq3A_281 : vector<144x128xi1> to vector<144x128xi32>
    %convert_element_type3A_283 = arith.sitofp %convert_element_type3A_282 : vector<144x128xi32> to vector<144x128xf32>
    %convert_element_type3A_284 = arith.truncf %convert_element_type3A_283 : vector<144x128xf32> to vector<144x128xbf16>
    %slice3A_285 = vector.extract_strided_slice %convert_element_type3A_20 {offsets = [512, 0], sizes = [128, 128], strides = [1, 1]} : vector<6400x128xbf16> to vector<128x128xbf16>
    %dot_general3A_286 = arith.constant dense<0.000000e+00> : vector<144x128xf32>
    %dot_general3A_287 = tpu.matmul %convert_element_type3A_284, %slice3A_285, %dot_general3A_286 {dimension_numbers = #tpu.dot_dimension_numbers<[1], [0], [0], [1], [0, 0, 1, 1], [], []>, transpose_lhs_hint = false} : vector<144x128xbf16>, vector<128x128xbf16>, vector<144x128xf32> -> vector<144x128xf32>
    %slice3A_288 = vector.extract_strided_slice %convert_element_type3A_21 {offsets = [512, 0], sizes = [128, 128], strides = [1, 1]} : vector<6400x128xbf16> to vector<128x128xbf16>
    %dot_general3A_289 = arith.constant dense<0.000000e+00> : vector<144x128xf32>
    %dot_general3A_290 = tpu.matmul %convert_element_type3A_284, %slice3A_288, %dot_general3A_289 {dimension_numbers = #tpu.dot_dimension_numbers<[1], [0], [0], [1], [0, 0, 1, 1], [], []>, transpose_lhs_hint = false} : vector<144x128xbf16>, vector<128x128xbf16>, vector<144x128xf32> -> vector<144x128xf32>
    %mul3A_291 = arith.constant 50 : i32
    %mul3A_292 = arith.muli %arg0, %mul3A_291 : i32
    %add3A_293 = arith.constant 4 : i32
    %add3A_294 = arith.addi %mul3A_292, %add3A_293 : i32
    %sub3A_295 = arith.constant 1 : i32
    %sub3A_296 = arith.subi %add3A_294, %sub3A_295 : i32
    %get3A_297 = arith.index_cast %sub3A_296 : i32 to index
    %get3A_298 = memref.load %arg1[%get3A_297] : memref<2500xi32, #tpu.memory_space<smem>>
    %add3A_299 = arith.constant 144 : i32
    %add3A_300 = arith.addi %get3A_298, %add3A_299 : i32
    %iota3A_301 = tpu.iota {dimensions = array<i32: 0>} : vector<144x1xi32>
    %add3A_302 = vector.broadcast %multiple_of3A_274 : i32 to vector<144x1xi32>
    %add3A_303 = arith.addi %iota3A_301, %add3A_302 : vector<144x1xi32>
    %lt3A_304 = vector.broadcast %add3A_300 : i32 to vector<144x1xi32>
    %lt3A_305 = arith.cmpi slt, %add3A_303, %lt3A_304 : vector<144x1xi32>
    %get3A_306 = arith.index_cast %multiple_of3A_274 : i32 to index
    %get3A_307 = arith.constant 0 : index
    %get3A_308 = vector.load %arg8[%get3A_306, %get3A_307] : memref<10240x128xf32, #tpu.memory_space<vmem>>, vector<144x128xf32>
    %get3A_309 = arith.index_cast %multiple_of3A_274 : i32 to index
    %get3A_310 = arith.constant 0 : index
    %get3A_311 = vector.load %arg9[%get3A_309, %get3A_310] : memref<10240x128xf32, #tpu.memory_space<vmem>>, vector<144x128xf32>
    %jit3A_312 = arith.constant 0.000000e+00 : f32
    %broadcast_in_dim3A_313 = vector.shape_cast %lt3A_305 : vector<144x1xi1> to vector<144x1xi1>
    %broadcast_in_dim3A_314 = vector.broadcast %broadcast_in_dim3A_313 : vector<144x1xi1> to vector<144x128xi1>
    %broadcast_in_dim3A_315 = vector.broadcast %jit3A_312 : f32 to vector<144x128xf32>
    %select_n3A_316 = arith.select %broadcast_in_dim3A_314, %get3A_308, %broadcast_in_dim3A_315 : vector<144x128xi1>, vector<144x128xf32>
    %add3A_317 = arith.addf %dot_general3A_287, %select_n3A_316 : vector<144x128xf32>
    %swap3A_318 = arith.index_cast %multiple_of3A_274 : i32 to index
    %swap3A_319 = arith.constant 0 : index
    %swap3A_320 = vector.load %arg8[%swap3A_318, %swap3A_319] : memref<10240x128xf32, #tpu.memory_space<vmem>>, vector<144x128xf32>
    tpu.vector_store %arg8[%swap3A_318, %swap3A_319], %add3A_317 {strides = array<i32>} : memref<10240x128xf32, #tpu.memory_space<vmem>>, vector<144x128xf32>,
    %jit3A_321 = arith.constant 0.000000e+00 : f32
    %broadcast_in_dim3A_322 = vector.shape_cast %lt3A_305 : vector<144x1xi1> to vector<144x1xi1>
    %broadcast_in_dim3A_323 = vector.broadcast %broadcast_in_dim3A_322 : vector<144x1xi1> to vector<144x128xi1>
    %broadcast_in_dim3A_324 = vector.broadcast %jit3A_321 : f32 to vector<144x128xf32>
    %select_n3A_325 = arith.select %broadcast_in_dim3A_323, %get3A_311, %broadcast_in_dim3A_324 : vector<144x128xi1>, vector<144x128xf32>
    %add3A_326 = arith.addf %dot_general3A_290, %select_n3A_325 : vector<144x128xf32>
    %swap3A_327 = arith.index_cast %multiple_of3A_274 : i32 to index
    %swap3A_328 = arith.constant 0 : index
    %swap3A_329 = vector.load %arg9[%swap3A_327, %swap3A_328] : memref<10240x128xf32, #tpu.memory_space<vmem>>, vector<144x128xf32>
    tpu.vector_store %arg9[%swap3A_327, %swap3A_328], %add3A_326 {strides = array<i32>} : memref<10240x128xf32, #tpu.memory_space<vmem>>, vector<144x128xf32>,
    %mul3A_330 = arith.constant 50 : i32
    %mul3A_331 = arith.muli %arg0, %mul3A_330 : i32
    %add3A_332 = arith.constant 5 : i32
    %add3A_333 = arith.addi %mul3A_331, %add3A_332 : i32
    %get3A_334 = arith.index_cast %add3A_333 : i32 to index
    %get3A_335 = memref.load %arg1[%get3A_334] : memref<2500xi32, #tpu.memory_space<smem>>
    %multiple_of3A_336 = tpu.assume_multiple %get3A_335, 16 : i32
    %slice3A_337 = vector.extract_strided_slice %get3A_26 {offsets = [5, 0], sizes = [1, 128], strides = [1, 1]} : vector<50x128xi32> to vector<1x128xi32>
    %sub3A_338 = vector.broadcast %multiple_of3A_336 : i32 to vector<1x128xi32>
    %sub3A_339 = arith.subi %slice3A_337, %sub3A_338 : vector<1x128xi32>
    %iota3A_340 = tpu.iota {dimensions = array<i32: 0>} : vector<144x128xi32>
    %broadcast_in_dim3A_341 = vector.shape_cast %sub3A_339 : vector<1x128xi32> to vector<1x128xi32>
    %broadcast_in_dim3A_342 = vector.broadcast %broadcast_in_dim3A_341 : vector<1x128xi32> to vector<144x128xi32>
    %eq3A_343 = arith.cmpi eq, %iota3A_340, %broadcast_in_dim3A_342 : vector<144x128xi32>
    %convert_element_type3A_344 = arith.extui %eq3A_343 : vector<144x128xi1> to vector<144x128xi32>
    %convert_element_type3A_345 = arith.sitofp %convert_element_type3A_344 : vector<144x128xi32> to vector<144x128xf32>
    %convert_element_type3A_346 = arith.truncf %convert_element_type3A_345 : vector<144x128xf32> to vector<144x128xbf16>
    %slice3A_347 = vector.extract_strided_slice %convert_element_type3A_20 {offsets = [640, 0], sizes = [128, 128], strides = [1, 1]} : vector<6400x128xbf16> to vector<128x128xbf16>
    %dot_general3A_348 = arith.constant dense<0.000000e+00> : vector<144x128xf32>
    %dot_general3A_349 = tpu.matmul %convert_element_type3A_346, %slice3A_347, %dot_general3A_348 {dimension_numbers = #tpu.dot_dimension_numbers<[1], [0], [0], [1], [0, 0, 1, 1], [], []>, transpose_lhs_hint = false} : vector<144x128xbf16>, vector<128x128xbf16>, vector<144x128xf32> -> vector<144x128xf32>
    %slice3A_350 = vector.extract_strided_slice %convert_element_type3A_21 {offsets = [640, 0], sizes = [128, 128], strides = [1, 1]} : vector<6400x128xbf16> to vector<128x128xbf16>
    %dot_general3A_351 = arith.constant dense<0.000000e+00> : vector<144x128xf32>
    %dot_general3A_352 = tpu.matmul %convert_element_type3A_346, %slice3A_350, %dot_general3A_351 {dimension_numbers = #tpu.dot_dimension_numbers<[1], [0], [0], [1], [0, 0, 1, 1], [], []>, transpose_lhs_hint = false} : vector<144x128xbf16>, vector<128x128xbf16>, vector<144x128xf32> -> vector<144x128xf32>
    %mul3A_353 = arith.constant 50 : i32
    %mul3A_354 = arith.muli %arg0, %mul3A_353 : i32
    %add3A_355 = arith.constant 5 : i32
    %add3A_356 = arith.addi %mul3A_354, %add3A_355 : i32
    %sub3A_357 = arith.constant 1 : i32
    %sub3A_358 = arith.subi %add3A_356, %sub3A_357 : i32
    %get3A_359 = arith.index_cast %sub3A_358 : i32 to index
    %get3A_360 = memref.load %arg1[%get3A_359] : memref<2500xi32, #tpu.memory_space<smem>>
    %add3A_361 = arith.constant 144 : i32
    %add3A_362 = arith.addi %get3A_360, %add3A_361 : i32
    %iota3A_363 = tpu.iota {dimensions = array<i32: 0>} : vector<144x1xi32>
    %add3A_364 = vector.broadcast %multiple_of3A_336 : i32 to vector<144x1xi32>
    %add3A_365 = arith.addi %iota3A_363, %add3A_364 : vector<144x1xi32>
    %lt3A_366 = vector.broadcast %add3A_362 : i32 to vector<144x1xi32>
    %lt3A_367 = arith.cmpi slt, %add3A_365, %lt3A_366 : vector<144x1xi32>
    %get3A_368 = arith.index_cast %multiple_of3A_336 : i32 to index
    %get3A_369 = arith.constant 0 : index
    %get3A_370 = vector.load %arg8[%get3A_368, %get3A_369] : memref<10240x128xf32, #tpu.memory_space<vmem>>, vector<144x128xf32>
    %get3A_371 = arith.index_cast %multiple_of3A_336 : i32 to index
    %get3A_372 = arith.constant 0 : index
    %get3A_373 = vector.load %arg9[%get3A_371, %get3A_372] : memref<10240x128xf32, #tpu.memory_space<vmem>>, vector<144x128xf32>
    %jit3A_374 = arith.constant 0.000000e+00 : f32
    %broadcast_in_dim3A_375 = vector.shape_cast %lt3A_367 : vector<144x1xi1> to vector<144x1xi1>
    %broadcast_in_dim3A_376 = vector.broadcast %broadcast_in_dim3A_375 : vector<144x1xi1> to vector<144x128xi1>
    %broadcast_in_dim3A_377 = vector.broadcast %jit3A_374 : f32 to vector<144x128xf32>
    %select_n3A_378 = arith.select %broadcast_in_dim3A_376, %get3A_370, %broadcast_in_dim3A_377 : vector<144x128xi1>, vector<144x128xf32>
    %add3A_379 = arith.addf %dot_general3A_349, %select_n3A_378 : vector<144x128xf32>
    %swap3A_380 = arith.index_cast %multiple_of3A_336 : i32 to index
    %swap3A_381 = arith.constant 0 : index
    %swap3A_382 = vector.load %arg8[%swap3A_380, %swap3A_381] : memref<10240x128xf32, #tpu.memory_space<vmem>>, vector<144x128xf32>
    tpu.vector_store %arg8[%swap3A_380, %swap3A_381], %add3A_379 {strides = array<i32>} : memref<10240x128xf32, #tpu.memory_space<vmem>>, vector<144x128xf32>,
    %jit3A_383 = arith.constant 0.000000e+00 : f32
    %broadcast_in_dim3A_384 = vector.shape_cast %lt3A_367 : vector<144x1xi1> to vector<144x1xi1>
    %broadcast_in_dim3A_385 = vector.broadcast %broadcast_in_dim3A_384 : vector<144x1xi1> to vector<144x128xi1>
    %broadcast_in_dim3A_386 = vector.broadcast %jit3A_383 : f32 to vector<144x128xf32>
    %select_n3A_387 = arith.select %broadcast_in_dim3A_385, %get3A_373, %broadcast_in_dim3A_386 : vector<144x128xi1>, vector<144x128xf32>
    %add3A_388 = arith.addf %dot_general3A_352, %select_n3A_387 : vector<144x128xf32>
    %swap3A_389 = arith.index_cast %multiple_of3A_336 : i32 to index
    %swap3A_390 = arith.constant 0 : index
    %swap3A_391 = vector.load %arg9[%swap3A_389, %swap3A_390] : memref<10240x128xf32, #tpu.memory_space<vmem>>, vector<144x128xf32>
    tpu.vector_store %arg9[%swap3A_389, %swap3A_390], %add3A_388 {strides = array<i32>} : memref<10240x128xf32, #tpu.memory_space<vmem>>, vector<144x128xf32>,
    %mul3A_392 = arith.constant 50 : i32
    %mul3A_393 = arith.muli %arg0, %mul3A_392 : i32
    %add3A_394 = arith.constant 6 : i32
    %add3A_395 = arith.addi %mul3A_393, %add3A_394 : i32
    %get3A_396 = arith.index_cast %add3A_395 : i32 to index
    %get3A_397 = memref.load %arg1[%get3A_396] : memref<2500xi32, #tpu.memory_space<smem>>
    %multiple_of3A_398 = tpu.assume_multiple %get3A_397, 16 : i32
    %slice3A_399 = vector.extract_strided_slice %get3A_26 {offsets = [6, 0], sizes = [1, 128], strides = [1, 1]} : vector<50x128xi32> to vector<1x128xi32>
    %sub3A_400 = vector.broadcast %multiple_of3A_398 : i32 to vector<1x128xi32>
    %sub3A_401 = arith.subi %slice3A_399, %sub3A_400 : vector<1x128xi32>
    %iota3A_402 = tpu.iota {dimensions = array<i32: 0>} : vector<144x128xi32>
    %broadcast_in_dim3A_403 = vector.shape_cast %sub3A_401 : vector<1x128xi32> to vector<1x128xi32>
    %broadcast_in_dim3A_404 = vector.broadcast %broadcast_in_dim3A_403 : vector<1x128xi32> to vector<144x128xi32>
    %eq3A_405 = arith.cmpi eq, %iota3A_402, %broadcast_in_dim3A_404 : vector<144x128xi32>
    %convert_element_type3A_406 = arith.extui %eq3A_405 : vector<144x128xi1> to vector<144x128xi32>
    %convert_element_type3A_407 = arith.sitofp %convert_element_type3A_406 : vector<144x128xi32> to vector<144x128xf32>
    %convert_element_type3A_408 = arith.truncf %convert_element_type3A_407 : vector<144x128xf32> to vector<144x128xbf16>
    %slice3A_409 = vector.extract_strided_slice %convert_element_type3A_20 {offsets = [768, 0], sizes = [128, 128], strides = [1, 1]} : vector<6400x128xbf16> to vector<128x128xbf16>
    %dot_general3A_410 = arith.constant dense<0.000000e+00> : vector<144x128xf32>
    %dot_general3A_411 = tpu.matmul %convert_element_type3A_408, %slice3A_409, %dot_general3A_410 {dimension_numbers = #tpu.dot_dimension_numbers<[1], [0], [0], [1], [0, 0, 1, 1], [], []>, transpose_lhs_hint = false} : vector<144x128xbf16>, vector<128x128xbf16>, vector<144x128xf32> -> vector<144x128xf32>
    %slice3A_412 = vector.extract_strided_slice %convert_element_type3A_21 {offsets = [768, 0], sizes = [128, 128], strides = [1, 1]} : vector<6400x128xbf16> to vector<128x128xbf16>
    %dot_general3A_413 = arith.constant dense<0.000000e+00> : vector<144x128xf32>
    %dot_general3A_414 = tpu.matmul %convert_element_type3A_408, %slice3A_412, %dot_general3A_413 {dimension_numbers = #tpu.dot_dimension_numbers<[1], [0], [0], [1], [0, 0, 1, 1], [], []>, transpose_lhs_hint = false} : vector<144x128xbf16>, vector<128x128xbf16>, vector<144x128xf32> -> vector<144x128xf32>
    %mul3A_415 = arith.constant 50 : i32
    %mul3A_416 = arith.muli %arg0, %mul3A_415 : i32
    %add3A_417 = arith.constant 6 : i32
    %add3A_418 = arith.addi %mul3A_416, %add3A_417 : i32
    %sub3A_419 = arith.constant 1 : i32
    %sub3A_420 = arith.subi %add3A_418, %sub3A_419 : i32
    %get3A_421 = arith.index_cast %sub3A_420 : i32 to index
    %get3A_422 = memref.load %arg1[%get3A_421] : memref<2500xi32, #tpu.memory_space<smem>>
    %add3A_423 = arith.constant 144 : i32
    %add3A_424 = arith.addi %get3A_422, %add3A_423 : i32
    %iota3A_425 = tpu.iota {dimensions = array<i32: 0>} : vector<144x1xi32>
    %add3A_426 = vector.broadcast %multiple_of3A_398 : i32 to vector<144x1xi32>
    %add3A_427 = arith.addi %iota3A_425, %add3A_426 : vector<144x1xi32>
    %lt3A_428 = vector.broadcast %add3A_424 : i32 to vector<144x1xi32>
    %lt3A_429 = arith.cmpi slt, %add3A_427, %lt3A_428 : vector<144x1xi32>
    %get3A_430 = arith.index_cast %multiple_of3A_398 : i32 to index
    %get3A_431 = arith.constant 0 : index
    %get3A_432 = vector.load %arg8[%get3A_430, %get3A_431] : memref<10240x128xf32, #tpu.memory_space<vmem>>, vector<144x128xf32>
    %get3A_433 = arith.index_cast %multiple_of3A_398 : i32 to index
    %get3A_434 = arith.constant 0 : index
    %get3A_435 = vector.load %arg9[%get3A_433, %get3A_434] : memref<10240x128xf32, #tpu.memory_space<vmem>>, vector<144x128xf32>
    %jit3A_436 = arith.constant 0.000000e+00 : f32
    %broadcast_in_dim3A_437 = vector.shape_cast %lt3A_429 : vector<144x1xi1> to vector<144x1xi1>
    %broadcast_in_dim3A_438 = vector.broadcast %broadcast_in_dim3A_437 : vector<144x1xi1> to vector<144x128xi1>
    %broadcast_in_dim3A_439 = vector.broadcast %jit3A_436 : f32 to vector<144x128xf32>
    %select_n3A_440 = arith.select %broadcast_in_dim3A_438, %get3A_432, %broadcast_in_dim3A_439 : vector<144x128xi1>, vector<144x128xf32>
    %add3A_441 = arith.addf %dot_general3A_411, %select_n3A_440 : vector<144x128xf32>
    %swap3A_442 = arith.index_cast %multiple_of3A_398 : i32 to index
    %swap3A_443 = arith.constant 0 : index
    %swap3A_444 = vector.load %arg8[%swap3A_442, %swap3A_443] : memref<10240x128xf32, #tpu.memory_space<vmem>>, vector<144x128xf32>
    tpu.vector_store %arg8[%swap3A_442, %swap3A_443], %add3A_441 {strides = array<i32>} : memref<10240x128xf32, #tpu.memory_space<vmem>>, vector<144x128xf32>,
    %jit3A_445 = arith.constant 0.000000e+00 : f32
    %broadcast_in_dim3A_446 = vector.shape_cast %lt3A_429 : vector<144x1xi1> to vector<144x1xi1>
    %broadcast_in_dim3A_447 = vector.broadcast %broadcast_in_dim3A_446 : vector<144x1xi1> to vector<144x128xi1>
    %broadcast_in_dim3A_448 = vector.broadcast %jit3A_445 : f32 to vector<144x128xf32>
    %select_n3A_449 = arith.select %broadcast_in_dim3A_447, %get3A_435, %broadcast_in_dim3A_448 : vector<144x128xi1>, vector<144x128xf32>
    %add3A_450 = arith.addf %dot_general3A_414, %select_n3A_449 : vector<144x128xf32>
    %swap3A_451 = arith.index_cast %multiple_of3A_398 : i32 to index
    %swap3A_452 = arith.constant 0 : index
    %swap3A_453 = vector.load %arg9[%swap3A_451, %swap3A_452] : memref<10240x128xf32, #tpu.memory_space<vmem>>, vector<144x128xf32>
    tpu.vector_store %arg9[%swap3A_451, %swap3A_452], %add3A_450 {strides = array<i32>} : memref<10240x128xf32, #tpu.memory_space<vmem>>, vector<144x128xf32>,
    %mul3A_454 = arith.constant 50 : i32
    %mul3A_455 = arith.muli %arg0, %mul3A_454 : i32
    %add3A_456 = arith.constant 7 : i32
    %add3A_457 = arith.addi %mul3A_455, %add3A_456 : i32
    %get3A_458 = arith.index_cast %add3A_457 : i32 to index
    %get3A_459 = memref.load %arg1[%get3A_458] : memref<2500xi32, #tpu.memory_space<smem>>
    %multiple_of3A_460 = tpu.assume_multiple %get3A_459, 16 : i32
    %slice3A_461 = vector.extract_strided_slice %get3A_26 {offsets = [7, 0], sizes = [1, 128], strides = [1, 1]} : vector<50x128xi32> to vector<1x128xi32>
    %sub3A_462 = vector.broadcast %multiple_of3A_460 : i32 to vector<1x128xi32>
    %sub3A_463 = arith.subi %slice3A_461, %sub3A_462 : vector<1x128xi32>
    %iota3A_464 = tpu.iota {dimensions = array<i32: 0>} : vector<144x128xi32>
    %broadcast_in_dim3A_465 = vector.shape_cast %sub3A_463 : vector<1x128xi32> to vector<1x128xi32>
    %broadcast_in_dim3A_466 = vector.broadcast %broadcast_in_dim3A_465 : vector<1x128xi32> to vector<144x128xi32>
    %eq3A_467 = arith.cmpi eq, %iota3A_464, %broadcast_in_dim3A_466 : vector<144x128xi32>
    %convert_element_type3A_468 = arith.extui %eq3A_467 : vector<144x128xi1> to vector<144x128xi32>
    %convert_element_type3A_469 = arith.sitofp %convert_element_type3A_468 : vector<144x128xi32> to vector<144x128xf32>
    %convert_element_type3A_470 = arith.truncf %convert_element_type3A_469 : vector<144x128xf32> to vector<144x128xbf16>
    %slice3A_471 = vector.extract_strided_slice %convert_element_type3A_20 {offsets = [896, 0], sizes = [128, 128], strides = [1, 1]} : vector<6400x128xbf16> to vector<128x128xbf16>
    %dot_general3A_472 = arith.constant dense<0.000000e+00> : vector<144x128xf32>
    %dot_general3A_473 = tpu.matmul %convert_element_type3A_470, %slice3A_471, %dot_general3A_472 {dimension_numbers = #tpu.dot_dimension_numbers<[1], [0], [0], [1], [0, 0, 1, 1], [], []>, transpose_lhs_hint = false} : vector<144x128xbf16>, vector<128x128xbf16>, vector<144x128xf32> -> vector<144x128xf32>
    %slice3A_474 = vector.extract_strided_slice %convert_element_type3A_21 {offsets = [896, 0], sizes = [128, 128], strides = [1, 1]} : vector<6400x128xbf16> to vector<128x128xbf16>
    %dot_general3A_475 = arith.constant dense<0.000000e+00> : vector<144x128xf32>
    %dot_general3A_476 = tpu.matmul %convert_element_type3A_470, %slice3A_474, %dot_general3A_475 {dimension_numbers = #tpu.dot_dimension_numbers<[1], [0], [0], [1], [0, 0, 1, 1], [], []>, transpose_lhs_hint = false} : vector<144x128xbf16>, vector<128x128xbf16>, vector<144x128xf32> -> vector<144x128xf32>
    %mul3A_477 = arith.constant 50 : i32
    %mul3A_478 = arith.muli %arg0, %mul3A_477 : i32
    %add3A_479 = arith.constant 7 : i32
    %add3A_480 = arith.addi %mul3A_478, %add3A_479 : i32
    %sub3A_481 = arith.constant 1 : i32
    %sub3A_482 = arith.subi %add3A_480, %sub3A_481 : i32
    %get3A_483 = arith.index_cast %sub3A_482 : i32 to index
    %get3A_484 = memref.load %arg1[%get3A_483] : memref<2500xi32, #tpu.memory_space<smem>>
    %add3A_485 = arith.constant 144 : i32
    %add3A_486 = arith.addi %get3A_484, %add3A_485 : i32
    %iota3A_487 = tpu.iota {dimensions = array<i32: 0>} : vector<144x1xi32>
    %add3A_488 = vector.broadcast %multiple_of3A_460 : i32 to vector<144x1xi32>
    %add3A_489 = arith.addi %iota3A_487, %add3A_488 : vector<144x1xi32>
    %lt3A_490 = vector.broadcast %add3A_486 : i32 to vector<144x1xi32>
    %lt3A_491 = arith.cmpi slt, %add3A_489, %lt3A_490 : vector<144x1xi32>
    %get3A_492 = arith.index_cast %multiple_of3A_460 : i32 to index
    %get3A_493 = arith.constant 0 : index
    %get3A_494 = vector.load %arg8[%get3A_492, %get3A_493] : memref<10240x128xf32, #tpu.memory_space<vmem>>, vector<144x128xf32>
    %get3A_495 = arith.index_cast %multiple_of3A_460 : i32 to index
    %get3A_496 = arith.constant 0 : index
    %get3A_497 = vector.load %arg9[%get3A_495, %get3A_496] : memref<10240x128xf32, #tpu.memory_space<vmem>>, vector<144x128xf32>
    %jit3A_498 = arith.constant 0.000000e+00 : f32
    %broadcast_in_dim3A_499 = vector.shape_cast %lt3A_491 : vector<144x1xi1> to vector<144x1xi1>
    %broadcast_in_dim3A_500 = vector.broadcast %broadcast_in_dim3A_499 : vector<144x1xi1> to vector<144x128xi1>
    %broadcast_in_dim3A_501 = vector.broadcast %jit3A_498 : f32 to vector<144x128xf32>
    %select_n3A_502 = arith.select %broadcast_in_dim3A_500, %get3A_494, %broadcast_in_dim3A_501 : vector<144x128xi1>, vector<144x128xf32>
    %add3A_503 = arith.addf %dot_general3A_473, %select_n3A_502 : vector<144x128xf32>
    %swap3A_504 = arith.index_cast %multiple_of3A_460 : i32 to index
    %swap3A_505 = arith.constant 0 : index
    %swap3A_506 = vector.load %arg8[%swap3A_504, %swap3A_505] : memref<10240x128xf32, #tpu.memory_space<vmem>>, vector<144x128xf32>
    tpu.vector_store %arg8[%swap3A_504, %swap3A_505], %add3A_503 {strides = array<i32>} : memref<10240x128xf32, #tpu.memory_space<vmem>>, vector<144x128xf32>,
    %jit3A_507 = arith.constant 0.000000e+00 : f32
    %broadcast_in_dim3A_508 = vector.shape_cast %lt3A_491 : vector<144x1xi1> to vector<144x1xi1>
    %broadcast_in_dim3A_509 = vector.broadcast %broadcast_in_dim3A_508 : vector<144x1xi1> to vector<144x128xi1>
    %broadcast_in_dim3A_510 = vector.broadcast %jit3A_507 : f32 to vector<144x128xf32>
    %select_n3A_511 = arith.select %broadcast_in_dim3A_509, %get3A_497, %broadcast_in_dim3A_510 : vector<144x128xi1>, vector<144x128xf32>
    %add3A_512 = arith.addf %dot_general3A_476, %select_n3A_511 : vector<144x128xf32>
    %swap3A_513 = arith.index_cast %multiple_of3A_460 : i32 to index
    %swap3A_514 = arith.constant 0 : index
    %swap3A_515 = vector.load %arg9[%swap3A_513, %swap3A_514] : memref<10240x128xf32, #tpu.memory_space<vmem>>, vector<144x128xf32>
    tpu.vector_store %arg9[%swap3A_513, %swap3A_514], %add3A_512 {strides = array<i32>} : memref<10240x128xf32, #tpu.memory_space<vmem>>, vector<144x128xf32>,
    %mul3A_516 = arith.constant 50 : i32
    %mul3A_517 = arith.muli %arg0, %mul3A_516 : i32
    %add3A_518 = arith.constant 8 : i32
    %add3A_519 = arith.addi %mul3A_517, %add3A_518 : i32
    %get3A_520 = arith.index_cast %add3A_519 : i32 to index
    %get3A_521 = memref.load %arg1[%get3A_520] : memref<2500xi32, #tpu.memory_space<smem>>
    %multiple_of3A_522 = tpu.assume_multiple %get3A_521, 16 : i32
    %slice3A_523 = vector.extract_strided_slice %get3A_26 {offsets = [8, 0], sizes = [1, 128], strides = [1, 1]} : vector<50x128xi32> to vector<1x128xi32>
    %sub3A_524 = vector.broadcast %multiple_of3A_522 : i32 to vector<1x128xi32>
    %sub3A_525 = arith.subi %slice3A_523, %sub3A_524 : vector<1x128xi32>
    %iota3A_526 = tpu.iota {dimensions = array<i32: 0>} : vector<144x128xi32>
    %broadcast_in_dim3A_527 = vector.shape_cast %sub3A_525 : vector<1x128xi32> to vector<1x128xi32>
    %broadcast_in_dim3A_528 = vector.broadcast %broadcast_in_dim3A_527 : vector<1x128xi32> to vector<144x128xi32>
    %eq3A_529 = arith.cmpi eq, %iota3A_526, %broadcast_in_dim3A_528 : vector<144x128xi32>
    %convert_element_type3A_530 = arith.extui %eq3A_529 : vector<144x128xi1> to vector<144x128xi32>
    %convert_element_type3A_531 = arith.sitofp %convert_element_type3A_530 : vector<144x128xi32> to vector<144x128xf32>
    %convert_element_type3A_532 = arith.truncf %convert_element_type3A_531 : vector<144x128xf32> to vector<144x128xbf16>
    %slice3A_533 = vector.extract_strided_slice %convert_element_type3A_20 {offsets = [1024, 0], sizes = [128, 128], strides = [1, 1]} : vector<6400x128xbf16> to vector<128x128xbf16>
    %dot_general3A_534 = arith.constant dense<0.000000e+00> : vector<144x128xf32>
    %dot_general3A_535 = tpu.matmul %convert_element_type3A_532, %slice3A_533, %dot_general3A_534 {dimension_numbers = #tpu.dot_dimension_numbers<[1], [0], [0], [1], [0, 0, 1, 1], [], []>, transpose_lhs_hint = false} : vector<144x128xbf16>, vector<128x128xbf16>, vector<144x128xf32> -> vector<144x128xf32>
    %slice3A_536 = vector.extract_strided_slice %convert_element_type3A_21 {offsets = [1024, 0], sizes = [128, 128], strides = [1, 1]} : vector<6400x128xbf16> to vector<128x128xbf16>
    %dot_general3A_537 = arith.constant dense<0.000000e+00> : vector<144x128xf32>
    %dot_general3A_538 = tpu.matmul %convert_element_type3A_532, %slice3A_536, %dot_general3A_537 {dimension_numbers = #tpu.dot_dimension_numbers<[1], [0], [0], [1], [0, 0, 1, 1], [], []>, transpose_lhs_hint = false} : vector<144x128xbf16>, vector<128x128xbf16>, vector<144x128xf32> -> vector<144x128xf32>
    %mul3A_539 = arith.constant 50 : i32
    %mul3A_540 = arith.muli %arg0, %mul3A_539 : i32
    %add3A_541 = arith.constant 8 : i32
    %add3A_542 = arith.addi %mul3A_540, %add3A_541 : i32
    %sub3A_543 = arith.constant 1 : i32
    %sub3A_544 = arith.subi %add3A_542, %sub3A_543 : i32
    %get3A_545 = arith.index_cast %sub3A_544 : i32 to index
    %get3A_546 = memref.load %arg1[%get3A_545] : memref<2500xi32, #tpu.memory_space<smem>>
    %add3A_547 = arith.constant 144 : i32
    %add3A_548 = arith.addi %get3A_546, %add3A_547 : i32
    %iota3A_549 = tpu.iota {dimensions = array<i32: 0>} : vector<144x1xi32>
    %add3A_550 = vector.broadcast %multiple_of3A_522 : i32 to vector<144x1xi32>
    %add3A_551 = arith.addi %iota3A_549, %add3A_550 : vector<144x1xi32>
    %lt3A_552 = vector.broadcast %add3A_548 : i32 to vector<144x1xi32>
    %lt3A_553 = arith.cmpi slt, %add3A_551, %lt3A_552 : vector<144x1xi32>
    %get3A_554 = arith.index_cast %multiple_of3A_522 : i32 to index
    %get3A_555 = arith.constant 0 : index
    %get3A_556 = vector.load %arg8[%get3A_554, %get3A_555] : memref<10240x128xf32, #tpu.memory_space<vmem>>, vector<144x128xf32>
    %get3A_557 = arith.index_cast %multiple_of3A_522 : i32 to index
    %get3A_558 = arith.constant 0 : index
    %get3A_559 = vector.load %arg9[%get3A_557, %get3A_558] : memref<10240x128xf32, #tpu.memory_space<vmem>>, vector<144x128xf32>
    %jit3A_560 = arith.constant 0.000000e+00 : f32
    %broadcast_in_dim3A_561 = vector.shape_cast %lt3A_553 : vector<144x1xi1> to vector<144x1xi1>
    %broadcast_in_dim3A_562 = vector.broadcast %broadcast_in_dim3A_561 : vector<144x1xi1> to vector<144x128xi1>
    %broadcast_in_dim3A_563 = vector.broadcast %jit3A_560 : f32 to vector<144x128xf32>
    %select_n3A_564 = arith.select %broadcast_in_dim3A_562, %get3A_556, %broadcast_in_dim3A_563 : vector<144x128xi1>, vector<144x128xf32>
    %add3A_565 = arith.addf %dot_general3A_535, %select_n3A_564 : vector<144x128xf32>
    %swap3A_566 = arith.index_cast %multiple_of3A_522 : i32 to index
    %swap3A_567 = arith.constant 0 : index
    %swap3A_568 = vector.load %arg8[%swap3A_566, %swap3A_567] : memref<10240x128xf32, #tpu.memory_space<vmem>>, vector<144x128xf32>
    tpu.vector_store %arg8[%swap3A_566, %swap3A_567], %add3A_565 {strides = array<i32>} : memref<10240x128xf32, #tpu.memory_space<vmem>>, vector<144x128xf32>,
    %jit3A_569 = arith.constant 0.000000e+00 : f32
    %broadcast_in_dim3A_570 = vector.shape_cast %lt3A_553 : vector<144x1xi1> to vector<144x1xi1>
    %broadcast_in_dim3A_571 = vector.broadcast %broadcast_in_dim3A_570 : vector<144x1xi1> to vector<144x128xi1>
    %broadcast_in_dim3A_572 = vector.broadcast %jit3A_569 : f32 to vector<144x128xf32>
    %select_n3A_573 = arith.select %broadcast_in_dim3A_571, %get3A_559, %broadcast_in_dim3A_572 : vector<144x128xi1>, vector<144x128xf32>
    %add3A_574 = arith.addf %dot_general3A_538, %select_n3A_573 : vector<144x128xf32>
    %swap3A_575 = arith.index_cast %multiple_of3A_522 : i32 to index
    %swap3A_576 = arith.constant 0 : index
    %swap3A_577 = vector.load %arg9[%swap3A_575, %swap3A_576] : memref<10240x128xf32, #tpu.memory_space<vmem>>, vector<144x128xf32>
    tpu.vector_store %arg9[%swap3A_575, %swap3A_576], %add3A_574 {strides = array<i32>} : memref<10240x128xf32, #tpu.memory_space<vmem>>, vector<144x128xf32>,
    %mul3A_578 = arith.constant 50 : i32
    %mul3A_579 = arith.muli %arg0, %mul3A_578 : i32
    %add3A_580 = arith.constant 9 : i32
    %add3A_581 = arith.addi %mul3A_579, %add3A_580 : i32
    %get3A_582 = arith.index_cast %add3A_581 : i32 to index
    %get3A_583 = memref.load %arg1[%get3A_582] : memref<2500xi32, #tpu.memory_space<smem>>
    %multiple_of3A_584 = tpu.assume_multiple %get3A_583, 16 : i32
    %slice3A_585 = vector.extract_strided_slice %get3A_26 {offsets = [9, 0], sizes = [1, 128], strides = [1, 1]} : vector<50x128xi32> to vector<1x128xi32>
    %sub3A_586 = vector.broadcast %multiple_of3A_584 : i32 to vector<1x128xi32>
    %sub3A_587 = arith.subi %slice3A_585, %sub3A_586 : vector<1x128xi32>
    %iota3A_588 = tpu.iota {dimensions = array<i32: 0>} : vector<144x128xi32>
    %broadcast_in_dim3A_589 = vector.shape_cast %sub3A_587 : vector<1x128xi32> to vector<1x128xi32>
    %broadcast_in_dim3A_590 = vector.broadcast %broadcast_in_dim3A_589 : vector<1x128xi32> to vector<144x128xi32>
    %eq3A_591 = arith.cmpi eq, %iota3A_588, %broadcast_in_dim3A_590 : vector<144x128xi32>
    %convert_element_type3A_592 = arith.extui %eq3A_591 : vector<144x128xi1> to vector<144x128xi32>
    %convert_element_type3A_593 = arith.sitofp %convert_element_type3A_592 : vector<144x128xi32> to vector<144x128xf32>
    %convert_element_type3A_594 = arith.truncf %convert_element_type3A_593 : vector<144x128xf32> to vector<144x128xbf16>
    %slice3A_595 = vector.extract_strided_slice %convert_element_type3A_20 {offsets = [1152, 0], sizes = [128, 128], strides = [1, 1]} : vector<6400x128xbf16> to vector<128x128xbf16>
    %dot_general3A_596 = arith.constant dense<0.000000e+00> : vector<144x128xf32>
    %dot_general3A_597 = tpu.matmul %convert_element_type3A_594, %slice3A_595, %dot_general3A_596 {dimension_numbers = #tpu.dot_dimension_numbers<[1], [0], [0], [1], [0, 0, 1, 1], [], []>, transpose_lhs_hint = false} : vector<144x128xbf16>, vector<128x128xbf16>, vector<144x128xf32> -> vector<144x128xf32>
    %slice3A_598 = vector.extract_strided_slice %convert_element_type3A_21 {offsets = [1152, 0], sizes = [128, 128], strides = [1, 1]} : vector<6400x128xbf16> to vector<128x128xbf16>
    %dot_general3A_599 = arith.constant dense<0.000000e+00> : vector<144x128xf32>
    %dot_general3A_600 = tpu.matmul %convert_element_type3A_594, %slice3A_598, %dot_general3A_599 {dimension_numbers = #tpu.dot_dimension_numbers<[1], [0], [0], [1], [0, 0, 1, 1], [], []>, transpose_lhs_hint = false} : vector<144x128xbf16>, vector<128x128xbf16>, vector<144x128xf32> -> vector<144x128xf32>
    %mul3A_601 = arith.constant 50 : i32
    %mul3A_602 = arith.muli %arg0, %mul3A_601 : i32
    %add3A_603 = arith.constant 9 : i32
    %add3A_604 = arith.addi %mul3A_602, %add3A_603 : i32
    %sub3A_605 = arith.constant 1 : i32
    %sub3A_606 = arith.subi %add3A_604, %sub3A_605 : i32
    %get3A_607 = arith.index_cast %sub3A_606 : i32 to index
    %get3A_608 = memref.load %arg1[%get3A_607] : memref<2500xi32, #tpu.memory_space<smem>>
    %add3A_609 = arith.constant 144 : i32
    %add3A_610 = arith.addi %get3A_608, %add3A_609 : i32
    %iota3A_611 = tpu.iota {dimensions = array<i32: 0>} : vector<144x1xi32>
    %add3A_612 = vector.broadcast %multiple_of3A_584 : i32 to vector<144x1xi32>
    %add3A_613 = arith.addi %iota3A_611, %add3A_612 : vector<144x1xi32>
    %lt3A_614 = vector.broadcast %add3A_610 : i32 to vector<144x1xi32>
    %lt3A_615 = arith.cmpi slt, %add3A_613, %lt3A_614 : vector<144x1xi32>
    %get3A_616 = arith.index_cast %multiple_of3A_584 : i32 to index
    %get3A_617 = arith.constant 0 : index
    %get3A_618 = vector.load %arg8[%get3A_616, %get3A_617] : memref<10240x128xf32, #tpu.memory_space<vmem>>, vector<144x128xf32>
    %get3A_619 = arith.index_cast %multiple_of3A_584 : i32 to index
    %get3A_620 = arith.constant 0 : index
    %get3A_621 = vector.load %arg9[%get3A_619, %get3A_620] : memref<10240x128xf32, #tpu.memory_space<vmem>>, vector<144x128xf32>
    %jit3A_622 = arith.constant 0.000000e+00 : f32
    %broadcast_in_dim3A_623 = vector.shape_cast %lt3A_615 : vector<144x1xi1> to vector<144x1xi1>
    %broadcast_in_dim3A_624 = vector.broadcast %broadcast_in_dim3A_623 : vector<144x1xi1> to vector<144x128xi1>
    %broadcast_in_dim3A_625 = vector.broadcast %jit3A_622 : f32 to vector<144x128xf32>
    %select_n3A_626 = arith.select %broadcast_in_dim3A_624, %get3A_618, %broadcast_in_dim3A_625 : vector<144x128xi1>, vector<144x128xf32>
    %add3A_627 = arith.addf %dot_general3A_597, %select_n3A_626 : vector<144x128xf32>
    %swap3A_628 = arith.index_cast %multiple_of3A_584 : i32 to index
    %swap3A_629 = arith.constant 0 : index
    %swap3A_630 = vector.load %arg8[%swap3A_628, %swap3A_629] : memref<10240x128xf32, #tpu.memory_space<vmem>>, vector<144x128xf32>
    tpu.vector_store %arg8[%swap3A_628, %swap3A_629], %add3A_627 {strides = array<i32>} : memref<10240x128xf32, #tpu.memory_space<vmem>>, vector<144x128xf32>,
    %jit3A_631 = arith.constant 0.000000e+00 : f32
    %broadcast_in_dim3A_632 = vector.shape_cast %lt3A_615 : vector<144x1xi1> to vector<144x1xi1>
    %broadcast_in_dim3A_633 = vector.broadcast %broadcast_in_dim3A_632 : vector<144x1xi1> to vector<144x128xi1>
    %broadcast_in_dim3A_634 = vector.broadcast %jit3A_631 : f32 to vector<144x128xf32>
    %select_n3A_635 = arith.select %broadcast_in_dim3A_633, %get3A_621, %broadcast_in_dim3A_634 : vector<144x128xi1>, vector<144x128xf32>
    %add3A_636 = arith.addf %dot_general3A_600, %select_n3A_635 : vector<144x128xf32>
    %swap3A_637 = arith.index_cast %multiple_of3A_584 : i32 to index
    %swap3A_638 = arith.constant 0 : index
    %swap3A_639 = vector.load %arg9[%swap3A_637, %swap3A_638] : memref<10240x128xf32, #tpu.memory_space<vmem>>, vector<144x128xf32>
    tpu.vector_store %arg9[%swap3A_637, %swap3A_638], %add3A_636 {strides = array<i32>} : memref<10240x128xf32, #tpu.memory_space<vmem>>, vector<144x128xf32>,
    %mul3A_640 = arith.constant 50 : i32
    %mul3A_641 = arith.muli %arg0, %mul3A_640 : i32
    %add3A_642 = arith.constant 10 : i32
    %add3A_643 = arith.addi %mul3A_641, %add3A_642 : i32
    %get3A_644 = arith.index_cast %add3A_643 : i32 to index
    %get3A_645 = memref.load %arg1[%get3A_644] : memref<2500xi32, #tpu.memory_space<smem>>
    %multiple_of3A_646 = tpu.assume_multiple %get3A_645, 16 : i32
    %slice3A_647 = vector.extract_strided_slice %get3A_26 {offsets = [10, 0], sizes = [1, 128], strides = [1, 1]} : vector<50x128xi32> to vector<1x128xi32>
    %sub3A_648 = vector.broadcast %multiple_of3A_646 : i32 to vector<1x128xi32>
    %sub3A_649 = arith.subi %slice3A_647, %sub3A_648 : vector<1x128xi32>
    %iota3A_650 = tpu.iota {dimensions = array<i32: 0>} : vector<144x128xi32>
    %broadcast_in_dim3A_651 = vector.shape_cast %sub3A_649 : vector<1x128xi32> to vector<1x128xi32>
    %broadcast_in_dim3A_652 = vector.broadcast %broadcast_in_dim3A_651 : vector<1x128xi32> to vector<144x128xi32>
    %eq3A_653 = arith.cmpi eq, %iota3A_650, %broadcast_in_dim3A_652 : vector<144x128xi32>
    %convert_element_type3A_654 = arith.extui %eq3A_653 : vector<144x128xi1> to vector<144x128xi32>
    %convert_element_type3A_655 = arith.sitofp %convert_element_type3A_654 : vector<144x128xi32> to vector<144x128xf32>
    %convert_element_type3A_656 = arith.truncf %convert_element_type3A_655 : vector<144x128xf32> to vector<144x128xbf16>
    %slice3A_657 = vector.extract_strided_slice %convert_element_type3A_20 {offsets = [1280, 0], sizes = [128, 128], strides = [1, 1]} : vector<6400x128xbf16> to vector<128x128xbf16>
    %dot_general3A_658 = arith.constant dense<0.000000e+00> : vector<144x128xf32>
    %dot_general3A_659 = tpu.matmul %convert_element_type3A_656, %slice3A_657, %dot_general3A_658 {dimension_numbers = #tpu.dot_dimension_numbers<[1], [0], [0], [1], [0, 0, 1, 1], [], []>, transpose_lhs_hint = false} : vector<144x128xbf16>, vector<128x128xbf16>, vector<144x128xf32> -> vector<144x128xf32>
    %slice3A_660 = vector.extract_strided_slice %convert_element_type3A_21 {offsets = [1280, 0], sizes = [128, 128], strides = [1, 1]} : vector<6400x128xbf16> to vector<128x128xbf16>
    %dot_general3A_661 = arith.constant dense<0.000000e+00> : vector<144x128xf32>
    %dot_general3A_662 = tpu.matmul %convert_element_type3A_656, %slice3A_660, %dot_general3A_661 {dimension_numbers = #tpu.dot_dimension_numbers<[1], [0], [0], [1], [0, 0, 1, 1], [], []>, transpose_lhs_hint = false} : vector<144x128xbf16>, vector<128x128xbf16>, vector<144x128xf32> -> vector<144x128xf32>
    %mul3A_663 = arith.constant 50 : i32
    %mul3A_664 = arith.muli %arg0, %mul3A_663 : i32
    %add3A_665 = arith.constant 10 : i32
    %add3A_666 = arith.addi %mul3A_664, %add3A_665 : i32
    %sub3A_667 = arith.constant 1 : i32
    %sub3A_668 = arith.subi %add3A_666, %sub3A_667 : i32
    %get3A_669 = arith.index_cast %sub3A_668 : i32 to index
    %get3A_670 = memref.load %arg1[%get3A_669] : memref<2500xi32, #tpu.memory_space<smem>>
    %add3A_671 = arith.constant 144 : i32
    %add3A_672 = arith.addi %get3A_670, %add3A_671 : i32
    %iota3A_673 = tpu.iota {dimensions = array<i32: 0>} : vector<144x1xi32>
    %add3A_674 = vector.broadcast %multiple_of3A_646 : i32 to vector<144x1xi32>
    %add3A_675 = arith.addi %iota3A_673, %add3A_674 : vector<144x1xi32>
    %lt3A_676 = vector.broadcast %add3A_672 : i32 to vector<144x1xi32>
    %lt3A_677 = arith.cmpi slt, %add3A_675, %lt3A_676 : vector<144x1xi32>
    %get3A_678 = arith.index_cast %multiple_of3A_646 : i32 to index
    %get3A_679 = arith.constant 0 : index
    %get3A_680 = vector.load %arg8[%get3A_678, %get3A_679] : memref<10240x128xf32, #tpu.memory_space<vmem>>, vector<144x128xf32>
    %get3A_681 = arith.index_cast %multiple_of3A_646 : i32 to index
    %get3A_682 = arith.constant 0 : index
    %get3A_683 = vector.load %arg9[%get3A_681, %get3A_682] : memref<10240x128xf32, #tpu.memory_space<vmem>>, vector<144x128xf32>
    %jit3A_684 = arith.constant 0.000000e+00 : f32
    %broadcast_in_dim3A_685 = vector.shape_cast %lt3A_677 : vector<144x1xi1> to vector<144x1xi1>
    %broadcast_in_dim3A_686 = vector.broadcast %broadcast_in_dim3A_685 : vector<144x1xi1> to vector<144x128xi1>
    %broadcast_in_dim3A_687 = vector.broadcast %jit3A_684 : f32 to vector<144x128xf32>
    %select_n3A_688 = arith.select %broadcast_in_dim3A_686, %get3A_680, %broadcast_in_dim3A_687 : vector<144x128xi1>, vector<144x128xf32>
    %add3A_689 = arith.addf %dot_general3A_659, %select_n3A_688 : vector<144x128xf32>
    %swap3A_690 = arith.index_cast %multiple_of3A_646 : i32 to index
    %swap3A_691 = arith.constant 0 : index
    %swap3A_692 = vector.load %arg8[%swap3A_690, %swap3A_691] : memref<10240x128xf32, #tpu.memory_space<vmem>>, vector<144x128xf32>
    tpu.vector_store %arg8[%swap3A_690, %swap3A_691], %add3A_689 {strides = array<i32>} : memref<10240x128xf32, #tpu.memory_space<vmem>>, vector<144x128xf32>,
    %jit3A_693 = arith.constant 0.000000e+00 : f32
    %broadcast_in_dim3A_694 = vector.shape_cast %lt3A_677 : vector<144x1xi1> to vector<144x1xi1>
    %broadcast_in_dim3A_695 = vector.broadcast %broadcast_in_dim3A_694 : vector<144x1xi1> to vector<144x128xi1>
    %broadcast_in_dim3A_696 = vector.broadcast %jit3A_693 : f32 to vector<144x128xf32>
    %select_n3A_697 = arith.select %broadcast_in_dim3A_695, %get3A_683, %broadcast_in_dim3A_696 : vector<144x128xi1>, vector<144x128xf32>
    %add3A_698 = arith.addf %dot_general3A_662, %select_n3A_697 : vector<144x128xf32>
    %swap3A_699 = arith.index_cast %multiple_of3A_646 : i32 to index
    %swap3A_700 = arith.constant 0 : index
    %swap3A_701 = vector.load %arg9[%swap3A_699, %swap3A_700] : memref<10240x128xf32, #tpu.memory_space<vmem>>, vector<144x128xf32>
    tpu.vector_store %arg9[%swap3A_699, %swap3A_700], %add3A_698 {strides = array<i32>} : memref<10240x128xf32, #tpu.memory_space<vmem>>, vector<144x128xf32>,
    %mul3A_702 = arith.constant 50 : i32
    %mul3A_703 = arith.muli %arg0, %mul3A_702 : i32
    %add3A_704 = arith.constant 11 : i32
    %add3A_705 = arith.addi %mul3A_703, %add3A_704 : i32
    %get3A_706 = arith.index_cast %add3A_705 : i32 to index
    %get3A_707 = memref.load %arg1[%get3A_706] : memref<2500xi32, #tpu.memory_space<smem>>
    %multiple_of3A_708 = tpu.assume_multiple %get3A_707, 16 : i32
    %slice3A_709 = vector.extract_strided_slice %get3A_26 {offsets = [11, 0], sizes = [1, 128], strides = [1, 1]} : vector<50x128xi32> to vector<1x128xi32>
    %sub3A_710 = vector.broadcast %multiple_of3A_708 : i32 to vector<1x128xi32>
    %sub3A_711 = arith.subi %slice3A_709, %sub3A_710 : vector<1x128xi32>
    %iota3A_712 = tpu.iota {dimensions = array<i32: 0>} : vector<144x128xi32>
    %broadcast_in_dim3A_713 = vector.shape_cast %sub3A_711 : vector<1x128xi32> to vector<1x128xi32>
    %broadcast_in_dim3A_714 = vector.broadcast %broadcast_in_dim3A_713 : vector<1x128xi32> to vector<144x128xi32>
    %eq3A_715 = arith.cmpi eq, %iota3A_712, %broadcast_in_dim3A_714 : vector<144x128xi32>
    %convert_element_type3A_716 = arith.extui %eq3A_715 : vector<144x128xi1> to vector<144x128xi32>
    %convert_element_type3A_717 = arith.sitofp %convert_element_type3A_716 : vector<144x128xi32> to vector<144x128xf32>
    %convert_element_type3A_718 = arith.truncf %convert_element_type3A_717 : vector<144x128xf32> to vector<144x128xbf16>
    %slice3A_719 = vector.extract_strided_slice %convert_element_type3A_20 {offsets = [1408, 0], sizes = [128, 128], strides = [1, 1]} : vector<6400x128xbf16> to vector<128x128xbf16>
    %dot_general3A_720 = arith.constant dense<0.000000e+00> : vector<144x128xf32>
    %dot_general3A_721 = tpu.matmul %convert_element_type3A_718, %slice3A_719, %dot_general3A_720 {dimension_numbers = #tpu.dot_dimension_numbers<[1], [0], [0], [1], [0, 0, 1, 1], [], []>, transpose_lhs_hint = false} : vector<144x128xbf16>, vector<128x128xbf16>, vector<144x128xf32> -> vector<144x128xf32>
    %slice3A_722 = vector.extract_strided_slice %convert_element_type3A_21 {offsets = [1408, 0], sizes = [128, 128], strides = [1, 1]} : vector<6400x128xbf16> to vector<128x128xbf16>
    %dot_general3A_723 = arith.constant dense<0.000000e+00> : vector<144x128xf32>
    %dot_general3A_724 = tpu.matmul %convert_element_type3A_718, %slice3A_722, %dot_general3A_723 {dimension_numbers = #tpu.dot_dimension_numbers<[1], [0], [0], [1], [0, 0, 1, 1], [], []>, transpose_lhs_hint = false} : vector<144x128xbf16>, vector<128x128xbf16>, vector<144x128xf32> -> vector<144x128xf32>
    %mul3A_725 = arith.constant 50 : i32
    %mul3A_726 = arith.muli %arg0, %mul3A_725 : i32
    %add3A_727 = arith.constant 11 : i32
    %add3A_728 = arith.addi %mul3A_726, %add3A_727 : i32
    %sub3A_729 = arith.constant 1 : i32
    %sub3A_730 = arith.subi %add3A_728, %sub3A_729 : i32
    %get3A_731 = arith.index_cast %sub3A_730 : i32 to index
    %get3A_732 = memref.load %arg1[%get3A_731] : memref<2500xi32, #tpu.memory_space<smem>>
    %add3A_733 = arith.constant 144 : i32
    %add3A_734 = arith.addi %get3A_732, %add3A_733 : i32
    %iota3A_735 = tpu.iota {dimensions = array<i32: 0>} : vector<144x1xi32>
    %add3A_736 = vector.broadcast %multiple_of3A_708 : i32 to vector<144x1xi32>
    %add3A_737 = arith.addi %iota3A_735, %add3A_736 : vector<144x1xi32>
    %lt3A_738 = vector.broadcast %add3A_734 : i32 to vector<144x1xi32>
    %lt3A_739 = arith.cmpi slt, %add3A_737, %lt3A_738 : vector<144x1xi32>
    %get3A_740 = arith.index_cast %multiple_of3A_708 : i32 to index
    %get3A_741 = arith.constant 0 : index
    %get3A_742 = vector.load %arg8[%get3A_740, %get3A_741] : memref<10240x128xf32, #tpu.memory_space<vmem>>, vector<144x128xf32>
    %get3A_743 = arith.index_cast %multiple_of3A_708 : i32 to index
    %get3A_744 = arith.constant 0 : index
    %get3A_745 = vector.load %arg9[%get3A_743, %get3A_744] : memref<10240x128xf32, #tpu.memory_space<vmem>>, vector<144x128xf32>
    %jit3A_746 = arith.constant 0.000000e+00 : f32
    %broadcast_in_dim3A_747 = vector.shape_cast %lt3A_739 : vector<144x1xi1> to vector<144x1xi1>
    %broadcast_in_dim3A_748 = vector.broadcast %broadcast_in_dim3A_747 : vector<144x1xi1> to vector<144x128xi1>
    %broadcast_in_dim3A_749 = vector.broadcast %jit3A_746 : f32 to vector<144x128xf32>
    %select_n3A_750 = arith.select %broadcast_in_dim3A_748, %get3A_742, %broadcast_in_dim3A_749 : vector<144x128xi1>, vector<144x128xf32>
    %add3A_751 = arith.addf %dot_general3A_721, %select_n3A_750 : vector<144x128xf32>
    %swap3A_752 = arith.index_cast %multiple_of3A_708 : i32 to index
    %swap3A_753 = arith.constant 0 : index
    %swap3A_754 = vector.load %arg8[%swap3A_752, %swap3A_753] : memref<10240x128xf32, #tpu.memory_space<vmem>>, vector<144x128xf32>
    tpu.vector_store %arg8[%swap3A_752, %swap3A_753], %add3A_751 {strides = array<i32>} : memref<10240x128xf32, #tpu.memory_space<vmem>>, vector<144x128xf32>,
    %jit3A_755 = arith.constant 0.000000e+00 : f32
    %broadcast_in_dim3A_756 = vector.shape_cast %lt3A_739 : vector<144x1xi1> to vector<144x1xi1>
    %broadcast_in_dim3A_757 = vector.broadcast %broadcast_in_dim3A_756 : vector<144x1xi1> to vector<144x128xi1>
    %broadcast_in_dim3A_758 = vector.broadcast %jit3A_755 : f32 to vector<144x128xf32>
    %select_n3A_759 = arith.select %broadcast_in_dim3A_757, %get3A_745, %broadcast_in_dim3A_758 : vector<144x128xi1>, vector<144x128xf32>
    %add3A_760 = arith.addf %dot_general3A_724, %select_n3A_759 : vector<144x128xf32>
    %swap3A_761 = arith.index_cast %multiple_of3A_708 : i32 to index
    %swap3A_762 = arith.constant 0 : index
    %swap3A_763 = vector.load %arg9[%swap3A_761, %swap3A_762] : memref<10240x128xf32, #tpu.memory_space<vmem>>, vector<144x128xf32>
    tpu.vector_store %arg9[%swap3A_761, %swap3A_762], %add3A_760 {strides = array<i32>} : memref<10240x128xf32, #tpu.memory_space<vmem>>, vector<144x128xf32>,
    %mul3A_764 = arith.constant 50 : i32
    %mul3A_765 = arith.muli %arg0, %mul3A_764 : i32
    %add3A_766 = arith.constant 12 : i32
    %add3A_767 = arith.addi %mul3A_765, %add3A_766 : i32
    %get3A_768 = arith.index_cast %add3A_767 : i32 to index
    %get3A_769 = memref.load %arg1[%get3A_768] : memref<2500xi32, #tpu.memory_space<smem>>
    %multiple_of3A_770 = tpu.assume_multiple %get3A_769, 16 : i32
    %slice3A_771 = vector.extract_strided_slice %get3A_26 {offsets = [12, 0], sizes = [1, 128], strides = [1, 1]} : vector<50x128xi32> to vector<1x128xi32>
    %sub3A_772 = vector.broadcast %multiple_of3A_770 : i32 to vector<1x128xi32>
    %sub3A_773 = arith.subi %slice3A_771, %sub3A_772 : vector<1x128xi32>
    %iota3A_774 = tpu.iota {dimensions = array<i32: 0>} : vector<144x128xi32>
    %broadcast_in_dim3A_775 = vector.shape_cast %sub3A_773 : vector<1x128xi32> to vector<1x128xi32>
    %broadcast_in_dim3A_776 = vector.broadcast %broadcast_in_dim3A_775 : vector<1x128xi32> to vector<144x128xi32>
    %eq3A_777 = arith.cmpi eq, %iota3A_774, %broadcast_in_dim3A_776 : vector<144x128xi32>
    %convert_element_type3A_778 = arith.extui %eq3A_777 : vector<144x128xi1> to vector<144x128xi32>
    %convert_element_type3A_779 = arith.sitofp %convert_element_type3A_778 : vector<144x128xi32> to vector<144x128xf32>
    %convert_element_type3A_780 = arith.truncf %convert_element_type3A_779 : vector<144x128xf32> to vector<144x128xbf16>
    %slice3A_781 = vector.extract_strided_slice %convert_element_type3A_20 {offsets = [1536, 0], sizes = [128, 128], strides = [1, 1]} : vector<6400x128xbf16> to vector<128x128xbf16>
    %dot_general3A_782 = arith.constant dense<0.000000e+00> : vector<144x128xf32>
    %dot_general3A_783 = tpu.matmul %convert_element_type3A_780, %slice3A_781, %dot_general3A_782 {dimension_numbers = #tpu.dot_dimension_numbers<[1], [0], [0], [1], [0, 0, 1, 1], [], []>, transpose_lhs_hint = false} : vector<144x128xbf16>, vector<128x128xbf16>, vector<144x128xf32> -> vector<144x128xf32>
    %slice3A_784 = vector.extract_strided_slice %convert_element_type3A_21 {offsets = [1536, 0], sizes = [128, 128], strides = [1, 1]} : vector<6400x128xbf16> to vector<128x128xbf16>
    %dot_general3A_785 = arith.constant dense<0.000000e+00> : vector<144x128xf32>
    %dot_general3A_786 = tpu.matmul %convert_element_type3A_780, %slice3A_784, %dot_general3A_785 {dimension_numbers = #tpu.dot_dimension_numbers<[1], [0], [0], [1], [0, 0, 1, 1], [], []>, transpose_lhs_hint = false} : vector<144x128xbf16>, vector<128x128xbf16>, vector<144x128xf32> -> vector<144x128xf32>
    %mul3A_787 = arith.constant 50 : i32
    %mul3A_788 = arith.muli %arg0, %mul3A_787 : i32
    %add3A_789 = arith.constant 12 : i32
    %add3A_790 = arith.addi %mul3A_788, %add3A_789 : i32
    %sub3A_791 = arith.constant 1 : i32
    %sub3A_792 = arith.subi %add3A_790, %sub3A_791 : i32
    %get3A_793 = arith.index_cast %sub3A_792 : i32 to index
    %get3A_794 = memref.load %arg1[%get3A_793] : memref<2500xi32, #tpu.memory_space<smem>>
    %add3A_795 = arith.constant 144 : i32
    %add3A_796 = arith.addi %get3A_794, %add3A_795 : i32
    %iota3A_797 = tpu.iota {dimensions = array<i32: 0>} : vector<144x1xi32>
    %add3A_798 = vector.broadcast %multiple_of3A_770 : i32 to vector<144x1xi32>
    %add3A_799 = arith.addi %iota3A_797, %add3A_798 : vector<144x1xi32>
    %lt3A_800 = vector.broadcast %add3A_796 : i32 to vector<144x1xi32>
    %lt3A_801 = arith.cmpi slt, %add3A_799, %lt3A_800 : vector<144x1xi32>
    %get3A_802 = arith.index_cast %multiple_of3A_770 : i32 to index
    %get3A_803 = arith.constant 0 : index
    %get3A_804 = vector.load %arg8[%get3A_802, %get3A_803] : memref<10240x128xf32, #tpu.memory_space<vmem>>, vector<144x128xf32>
    %get3A_805 = arith.index_cast %multiple_of3A_770 : i32 to index
    %get3A_806 = arith.constant 0 : index
    %get3A_807 = vector.load %arg9[%get3A_805, %get3A_806] : memref<10240x128xf32, #tpu.memory_space<vmem>>, vector<144x128xf32>
    %jit3A_808 = arith.constant 0.000000e+00 : f32
    %broadcast_in_dim3A_809 = vector.shape_cast %lt3A_801 : vector<144x1xi1> to vector<144x1xi1>
    %broadcast_in_dim3A_810 = vector.broadcast %broadcast_in_dim3A_809 : vector<144x1xi1> to vector<144x128xi1>
    %broadcast_in_dim3A_811 = vector.broadcast %jit3A_808 : f32 to vector<144x128xf32>
    %select_n3A_812 = arith.select %broadcast_in_dim3A_810, %get3A_804, %broadcast_in_dim3A_811 : vector<144x128xi1>, vector<144x128xf32>
    %add3A_813 = arith.addf %dot_general3A_783, %select_n3A_812 : vector<144x128xf32>
    %swap3A_814 = arith.index_cast %multiple_of3A_770 : i32 to index
    %swap3A_815 = arith.constant 0 : index
    %swap3A_816 = vector.load %arg8[%swap3A_814, %swap3A_815] : memref<10240x128xf32, #tpu.memory_space<vmem>>, vector<144x128xf32>
    tpu.vector_store %arg8[%swap3A_814, %swap3A_815], %add3A_813 {strides = array<i32>} : memref<10240x128xf32, #tpu.memory_space<vmem>>, vector<144x128xf32>,
    %jit3A_817 = arith.constant 0.000000e+00 : f32
    %broadcast_in_dim3A_818 = vector.shape_cast %lt3A_801 : vector<144x1xi1> to vector<144x1xi1>
    %broadcast_in_dim3A_819 = vector.broadcast %broadcast_in_dim3A_818 : vector<144x1xi1> to vector<144x128xi1>
    %broadcast_in_dim3A_820 = vector.broadcast %jit3A_817 : f32 to vector<144x128xf32>
    %select_n3A_821 = arith.select %broadcast_in_dim3A_819, %get3A_807, %broadcast_in_dim3A_820 : vector<144x128xi1>, vector<144x128xf32>
    %add3A_822 = arith.addf %dot_general3A_786, %select_n3A_821 : vector<144x128xf32>
    %swap3A_823 = arith.index_cast %multiple_of3A_770 : i32 to index
    %swap3A_824 = arith.constant 0 : index
    %swap3A_825 = vector.load %arg9[%swap3A_823, %swap3A_824] : memref<10240x128xf32, #tpu.memory_space<vmem>>, vector<144x128xf32>
    tpu.vector_store %arg9[%swap3A_823, %swap3A_824], %add3A_822 {strides = array<i32>} : memref<10240x128xf32, #tpu.memory_space<vmem>>, vector<144x128xf32>,
    %mul3A_826 = arith.constant 50 : i32
    %mul3A_827 = arith.muli %arg0, %mul3A_826 : i32
    %add3A_828 = arith.constant 13 : i32
    %add3A_829 = arith.addi %mul3A_827, %add3A_828 : i32
    %get3A_830 = arith.index_cast %add3A_829 : i32 to index
    %get3A_831 = memref.load %arg1[%get3A_830] : memref<2500xi32, #tpu.memory_space<smem>>
    %multiple_of3A_832 = tpu.assume_multiple %get3A_831, 16 : i32
    %slice3A_833 = vector.extract_strided_slice %get3A_26 {offsets = [13, 0], sizes = [1, 128], strides = [1, 1]} : vector<50x128xi32> to vector<1x128xi32>
    %sub3A_834 = vector.broadcast %multiple_of3A_832 : i32 to vector<1x128xi32>
    %sub3A_835 = arith.subi %slice3A_833, %sub3A_834 : vector<1x128xi32>
    %iota3A_836 = tpu.iota {dimensions = array<i32: 0>} : vector<144x128xi32>
    %broadcast_in_dim3A_837 = vector.shape_cast %sub3A_835 : vector<1x128xi32> to vector<1x128xi32>
    %broadcast_in_dim3A_838 = vector.broadcast %broadcast_in_dim3A_837 : vector<1x128xi32> to vector<144x128xi32>
    %eq3A_839 = arith.cmpi eq, %iota3A_836, %broadcast_in_dim3A_838 : vector<144x128xi32>
    %convert_element_type3A_840 = arith.extui %eq3A_839 : vector<144x128xi1> to vector<144x128xi32>
    %convert_element_type3A_841 = arith.sitofp %convert_element_type3A_840 : vector<144x128xi32> to vector<144x128xf32>
    %convert_element_type3A_842 = arith.truncf %convert_element_type3A_841 : vector<144x128xf32> to vector<144x128xbf16>
    %slice3A_843 = vector.extract_strided_slice %convert_element_type3A_20 {offsets = [1664, 0], sizes = [128, 128], strides = [1, 1]} : vector<6400x128xbf16> to vector<128x128xbf16>
    %dot_general3A_844 = arith.constant dense<0.000000e+00> : vector<144x128xf32>
    %dot_general3A_845 = tpu.matmul %convert_element_type3A_842, %slice3A_843, %dot_general3A_844 {dimension_numbers = #tpu.dot_dimension_numbers<[1], [0], [0], [1], [0, 0, 1, 1], [], []>, transpose_lhs_hint = false} : vector<144x128xbf16>, vector<128x128xbf16>, vector<144x128xf32> -> vector<144x128xf32>
    %slice3A_846 = vector.extract_strided_slice %convert_element_type3A_21 {offsets = [1664, 0], sizes = [128, 128], strides = [1, 1]} : vector<6400x128xbf16> to vector<128x128xbf16>
    %dot_general3A_847 = arith.constant dense<0.000000e+00> : vector<144x128xf32>
    %dot_general3A_848 = tpu.matmul %convert_element_type3A_842, %slice3A_846, %dot_general3A_847 {dimension_numbers = #tpu.dot_dimension_numbers<[1], [0], [0], [1], [0, 0, 1, 1], [], []>, transpose_lhs_hint = false} : vector<144x128xbf16>, vector<128x128xbf16>, vector<144x128xf32> -> vector<144x128xf32>
    %mul3A_849 = arith.constant 50 : i32
    %mul3A_850 = arith.muli %arg0, %mul3A_849 : i32
    %add3A_851 = arith.constant 13 : i32
    %add3A_852 = arith.addi %mul3A_850, %add3A_851 : i32
    %sub3A_853 = arith.constant 1 : i32
    %sub3A_854 = arith.subi %add3A_852, %sub3A_853 : i32
    %get3A_855 = arith.index_cast %sub3A_854 : i32 to index
    %get3A_856 = memref.load %arg1[%get3A_855] : memref<2500xi32, #tpu.memory_space<smem>>
    %add3A_857 = arith.constant 144 : i32
    %add3A_858 = arith.addi %get3A_856, %add3A_857 : i32
    %iota3A_859 = tpu.iota {dimensions = array<i32: 0>} : vector<144x1xi32>
    %add3A_860 = vector.broadcast %multiple_of3A_832 : i32 to vector<144x1xi32>
    %add3A_861 = arith.addi %iota3A_859, %add3A_860 : vector<144x1xi32>
    %lt3A_862 = vector.broadcast %add3A_858 : i32 to vector<144x1xi32>
    %lt3A_863 = arith.cmpi slt, %add3A_861, %lt3A_862 : vector<144x1xi32>
    %get3A_864 = arith.index_cast %multiple_of3A_832 : i32 to index
    %get3A_865 = arith.constant 0 : index
    %get3A_866 = vector.load %arg8[%get3A_864, %get3A_865] : memref<10240x128xf32, #tpu.memory_space<vmem>>, vector<144x128xf32>
    %get3A_867 = arith.index_cast %multiple_of3A_832 : i32 to index
    %get3A_868 = arith.constant 0 : index
    %get3A_869 = vector.load %arg9[%get3A_867, %get3A_868] : memref<10240x128xf32, #tpu.memory_space<vmem>>, vector<144x128xf32>
    %jit3A_870 = arith.constant 0.000000e+00 : f32
    %broadcast_in_dim3A_871 = vector.shape_cast %lt3A_863 : vector<144x1xi1> to vector<144x1xi1>
    %broadcast_in_dim3A_872 = vector.broadcast %broadcast_in_dim3A_871 : vector<144x1xi1> to vector<144x128xi1>
    %broadcast_in_dim3A_873 = vector.broadcast %jit3A_870 : f32 to vector<144x128xf32>
    %select_n3A_874 = arith.select %broadcast_in_dim3A_872, %get3A_866, %broadcast_in_dim3A_873 : vector<144x128xi1>, vector<144x128xf32>
    %add3A_875 = arith.addf %dot_general3A_845, %select_n3A_874 : vector<144x128xf32>
    %swap3A_876 = arith.index_cast %multiple_of3A_832 : i32 to index
    %swap3A_877 = arith.constant 0 : index
    %swap3A_878 = vector.load %arg8[%swap3A_876, %swap3A_877] : memref<10240x128xf32, #tpu.memory_space<vmem>>, vector<144x128xf32>
    tpu.vector_store %arg8[%swap3A_876, %swap3A_877], %add3A_875 {strides = array<i32>} : memref<10240x128xf32, #tpu.memory_space<vmem>>, vector<144x128xf32>,
    %jit3A_879 = arith.constant 0.000000e+00 : f32
    %broadcast_in_dim3A_880 = vector.shape_cast %lt3A_863 : vector<144x1xi1> to vector<144x1xi1>
    %broadcast_in_dim3A_881 = vector.broadcast %broadcast_in_dim3A_880 : vector<144x1xi1> to vector<144x128xi1>
    %broadcast_in_dim3A_882 = vector.broadcast %jit3A_879 : f32 to vector<144x128xf32>
    %select_n3A_883 = arith.select %broadcast_in_dim3A_881, %get3A_869, %broadcast_in_dim3A_882 : vector<144x128xi1>, vector<144x128xf32>
    %add3A_884 = arith.addf %dot_general3A_848, %select_n3A_883 : vector<144x128xf32>
    %swap3A_885 = arith.index_cast %multiple_of3A_832 : i32 to index
    %swap3A_886 = arith.constant 0 : index
    %swap3A_887 = vector.load %arg9[%swap3A_885, %swap3A_886] : memref<10240x128xf32, #tpu.memory_space<vmem>>, vector<144x128xf32>
    tpu.vector_store %arg9[%swap3A_885, %swap3A_886], %add3A_884 {strides = array<i32>} : memref<10240x128xf32, #tpu.memory_space<vmem>>, vector<144x128xf32>,
    %mul3A_888 = arith.constant 50 : i32
    %mul3A_889 = arith.muli %arg0, %mul3A_888 : i32
    %add3A_890 = arith.constant 14 : i32
    %add3A_891 = arith.addi %mul3A_889, %add3A_890 : i32
    %get3A_892 = arith.index_cast %add3A_891 : i32 to index
    %get3A_893 = memref.load %arg1[%get3A_892] : memref<2500xi32, #tpu.memory_space<smem>>
    %multiple_of3A_894 = tpu.assume_multiple %get3A_893, 16 : i32
    %slice3A_895 = vector.extract_strided_slice %get3A_26 {offsets = [14, 0], sizes = [1, 128], strides = [1, 1]} : vector<50x128xi32> to vector<1x128xi32>
    %sub3A_896 = vector.broadcast %multiple_of3A_894 : i32 to vector<1x128xi32>
    %sub3A_897 = arith.subi %slice3A_895, %sub3A_896 : vector<1x128xi32>
    %iota3A_898 = tpu.iota {dimensions = array<i32: 0>} : vector<144x128xi32>
    %broadcast_in_dim3A_899 = vector.shape_cast %sub3A_897 : vector<1x128xi32> to vector<1x128xi32>
    %broadcast_in_dim3A_900 = vector.broadcast %broadcast_in_dim3A_899 : vector<1x128xi32> to vector<144x128xi32>
    %eq3A_901 = arith.cmpi eq, %iota3A_898, %broadcast_in_dim3A_900 : vector<144x128xi32>
    %convert_element_type3A_902 = arith.extui %eq3A_901 : vector<144x128xi1> to vector<144x128xi32>
    %convert_element_type3A_903 = arith.sitofp %convert_element_type3A_902 : vector<144x128xi32> to vector<144x128xf32>
    %convert_element_type3A_904 = arith.truncf %convert_element_type3A_903 : vector<144x128xf32> to vector<144x128xbf16>
    %slice3A_905 = vector.extract_strided_slice %convert_element_type3A_20 {offsets = [1792, 0], sizes = [128, 128], strides = [1, 1]} : vector<6400x128xbf16> to vector<128x128xbf16>
    %dot_general3A_906 = arith.constant dense<0.000000e+00> : vector<144x128xf32>
    %dot_general3A_907 = tpu.matmul %convert_element_type3A_904, %slice3A_905, %dot_general3A_906 {dimension_numbers = #tpu.dot_dimension_numbers<[1], [0], [0], [1], [0, 0, 1, 1], [], []>, transpose_lhs_hint = false} : vector<144x128xbf16>, vector<128x128xbf16>, vector<144x128xf32> -> vector<144x128xf32>
    %slice3A_908 = vector.extract_strided_slice %convert_element_type3A_21 {offsets = [1792, 0], sizes = [128, 128], strides = [1, 1]} : vector<6400x128xbf16> to vector<128x128xbf16>
    %dot_general3A_909 = arith.constant dense<0.000000e+00> : vector<144x128xf32>
    %dot_general3A_910 = tpu.matmul %convert_element_type3A_904, %slice3A_908, %dot_general3A_909 {dimension_numbers = #tpu.dot_dimension_numbers<[1], [0], [0], [1], [0, 0, 1, 1], [], []>, transpose_lhs_hint = false} : vector<144x128xbf16>, vector<128x128xbf16>, vector<144x128xf32> -> vector<144x128xf32>
    %mul3A_911 = arith.constant 50 : i32
    %mul3A_912 = arith.muli %arg0, %mul3A_911 : i32
    %add3A_913 = arith.constant 14 : i32
    %add3A_914 = arith.addi %mul3A_912, %add3A_913 : i32
    %sub3A_915 = arith.constant 1 : i32
    %sub3A_916 = arith.subi %add3A_914, %sub3A_915 : i32
    %get3A_917 = arith.index_cast %sub3A_916 : i32 to index
    %get3A_918 = memref.load %arg1[%get3A_917] : memref<2500xi32, #tpu.memory_space<smem>>
    %add3A_919 = arith.constant 144 : i32
    %add3A_920 = arith.addi %get3A_918, %add3A_919 : i32
    %iota3A_921 = tpu.iota {dimensions = array<i32: 0>} : vector<144x1xi32>
    %add3A_922 = vector.broadcast %multiple_of3A_894 : i32 to vector<144x1xi32>
    %add3A_923 = arith.addi %iota3A_921, %add3A_922 : vector<144x1xi32>
    %lt3A_924 = vector.broadcast %add3A_920 : i32 to vector<144x1xi32>
    %lt3A_925 = arith.cmpi slt, %add3A_923, %lt3A_924 : vector<144x1xi32>
    %get3A_926 = arith.index_cast %multiple_of3A_894 : i32 to index
    %get3A_927 = arith.constant 0 : index
    %get3A_928 = vector.load %arg8[%get3A_926, %get3A_927] : memref<10240x128xf32, #tpu.memory_space<vmem>>, vector<144x128xf32>
    %get3A_929 = arith.index_cast %multiple_of3A_894 : i32 to index
    %get3A_930 = arith.constant 0 : index
    %get3A_931 = vector.load %arg9[%get3A_929, %get3A_930] : memref<10240x128xf32, #tpu.memory_space<vmem>>, vector<144x128xf32>
    %jit3A_932 = arith.constant 0.000000e+00 : f32
    %broadcast_in_dim3A_933 = vector.shape_cast %lt3A_925 : vector<144x1xi1> to vector<144x1xi1>
    %broadcast_in_dim3A_934 = vector.broadcast %broadcast_in_dim3A_933 : vector<144x1xi1> to vector<144x128xi1>
    %broadcast_in_dim3A_935 = vector.broadcast %jit3A_932 : f32 to vector<144x128xf32>
    %select_n3A_936 = arith.select %broadcast_in_dim3A_934, %get3A_928, %broadcast_in_dim3A_935 : vector<144x128xi1>, vector<144x128xf32>
    %add3A_937 = arith.addf %dot_general3A_907, %select_n3A_936 : vector<144x128xf32>
    %swap3A_938 = arith.index_cast %multiple_of3A_894 : i32 to index
    %swap3A_939 = arith.constant 0 : index
    %swap3A_940 = vector.load %arg8[%swap3A_938, %swap3A_939] : memref<10240x128xf32, #tpu.memory_space<vmem>>, vector<144x128xf32>
    tpu.vector_store %arg8[%swap3A_938, %swap3A_939], %add3A_937 {strides = array<i32>} : memref<10240x128xf32, #tpu.memory_space<vmem>>, vector<144x128xf32>,
    %jit3A_941 = arith.constant 0.000000e+00 : f32
    %broadcast_in_dim3A_942 = vector.shape_cast %lt3A_925 : vector<144x1xi1> to vector<144x1xi1>
    %broadcast_in_dim3A_943 = vector.broadcast %broadcast_in_dim3A_942 : vector<144x1xi1> to vector<144x128xi1>
    %broadcast_in_dim3A_944 = vector.broadcast %jit3A_941 : f32 to vector<144x128xf32>
    %select_n3A_945 = arith.select %broadcast_in_dim3A_943, %get3A_931, %broadcast_in_dim3A_944 : vector<144x128xi1>, vector<144x128xf32>
    %add3A_946 = arith.addf %dot_general3A_910, %select_n3A_945 : vector<144x128xf32>
    %swap3A_947 = arith.index_cast %multiple_of3A_894 : i32 to index
    %swap3A_948 = arith.constant 0 : index
    %swap3A_949 = vector.load %arg9[%swap3A_947, %swap3A_948] : memref<10240x128xf32, #tpu.memory_space<vmem>>, vector<144x128xf32>
    tpu.vector_store %arg9[%swap3A_947, %swap3A_948], %add3A_946 {strides = array<i32>} : memref<10240x128xf32, #tpu.memory_space<vmem>>, vector<144x128xf32>,
    %mul3A_950 = arith.constant 50 : i32
    %mul3A_951 = arith.muli %arg0, %mul3A_950 : i32
    %add3A_952 = arith.constant 15 : i32
    %add3A_953 = arith.addi %mul3A_951, %add3A_952 : i32
    %get3A_954 = arith.index_cast %add3A_953 : i32 to index
    %get3A_955 = memref.load %arg1[%get3A_954] : memref<2500xi32, #tpu.memory_space<smem>>
    %multiple_of3A_956 = tpu.assume_multiple %get3A_955, 16 : i32
    %slice3A_957 = vector.extract_strided_slice %get3A_26 {offsets = [15, 0], sizes = [1, 128], strides = [1, 1]} : vector<50x128xi32> to vector<1x128xi32>
    %sub3A_958 = vector.broadcast %multiple_of3A_956 : i32 to vector<1x128xi32>
    %sub3A_959 = arith.subi %slice3A_957, %sub3A_958 : vector<1x128xi32>
    %iota3A_960 = tpu.iota {dimensions = array<i32: 0>} : vector<144x128xi32>
    %broadcast_in_dim3A_961 = vector.shape_cast %sub3A_959 : vector<1x128xi32> to vector<1x128xi32>
    %broadcast_in_dim3A_962 = vector.broadcast %broadcast_in_dim3A_961 : vector<1x128xi32> to vector<144x128xi32>
    %eq3A_963 = arith.cmpi eq, %iota3A_960, %broadcast_in_dim3A_962 : vector<144x128xi32>
    %convert_element_type3A_964 = arith.extui %eq3A_963 : vector<144x128xi1> to vector<144x128xi32>
    %convert_element_type3A_965 = arith.sitofp %convert_element_type3A_964 : vector<144x128xi32> to vector<144x128xf32>
    %convert_element_type3A_966 = arith.truncf %convert_element_type3A_965 : vector<144x128xf32> to vector<144x128xbf16>
    %slice3A_967 = vector.extract_strided_slice %convert_element_type3A_20 {offsets = [1920, 0], sizes = [128, 128], strides = [1, 1]} : vector<6400x128xbf16> to vector<128x128xbf16>
    %dot_general3A_968 = arith.constant dense<0.000000e+00> : vector<144x128xf32>
    %dot_general3A_969 = tpu.matmul %convert_element_type3A_966, %slice3A_967, %dot_general3A_968 {dimension_numbers = #tpu.dot_dimension_numbers<[1], [0], [0], [1], [0, 0, 1, 1], [], []>, transpose_lhs_hint = false} : vector<144x128xbf16>, vector<128x128xbf16>, vector<144x128xf32> -> vector<144x128xf32>
    %slice3A_970 = vector.extract_strided_slice %convert_element_type3A_21 {offsets = [1920, 0], sizes = [128, 128], strides = [1, 1]} : vector<6400x128xbf16> to vector<128x128xbf16>
    %dot_general3A_971 = arith.constant dense<0.000000e+00> : vector<144x128xf32>
    %dot_general3A_972 = tpu.matmul %convert_element_type3A_966, %slice3A_970, %dot_general3A_971 {dimension_numbers = #tpu.dot_dimension_numbers<[1], [0], [0], [1], [0, 0, 1, 1], [], []>, transpose_lhs_hint = false} : vector<144x128xbf16>, vector<128x128xbf16>, vector<144x128xf32> -> vector<144x128xf32>
    %mul3A_973 = arith.constant 50 : i32
    %mul3A_974 = arith.muli %arg0, %mul3A_973 : i32
    %add3A_975 = arith.constant 15 : i32
    %add3A_976 = arith.addi %mul3A_974, %add3A_975 : i32
    %sub3A_977 = arith.constant 1 : i32
    %sub3A_978 = arith.subi %add3A_976, %sub3A_977 : i32
    %get3A_979 = arith.index_cast %sub3A_978 : i32 to index
    %get3A_980 = memref.load %arg1[%get3A_979] : memref<2500xi32, #tpu.memory_space<smem>>
    %add3A_981 = arith.constant 144 : i32
    %add3A_982 = arith.addi %get3A_980, %add3A_981 : i32
    %iota3A_983 = tpu.iota {dimensions = array<i32: 0>} : vector<144x1xi32>
    %add3A_984 = vector.broadcast %multiple_of3A_956 : i32 to vector<144x1xi32>
    %add3A_985 = arith.addi %iota3A_983, %add3A_984 : vector<144x1xi32>
    %lt3A_986 = vector.broadcast %add3A_982 : i32 to vector<144x1xi32>
    %lt3A_987 = arith.cmpi slt, %add3A_985, %lt3A_986 : vector<144x1xi32>
    %get3A_988 = arith.index_cast %multiple_of3A_956 : i32 to index
    %get3A_989 = arith.constant 0 : index
    %get3A_990 = vector.load %arg8[%get3A_988, %get3A_989] : memref<10240x128xf32, #tpu.memory_space<vmem>>, vector<144x128xf32>
    %get3A_991 = arith.index_cast %multiple_of3A_956 : i32 to index
    %get3A_992 = arith.constant 0 : index
    %get3A_993 = vector.load %arg9[%get3A_991, %get3A_992] : memref<10240x128xf32, #tpu.memory_space<vmem>>, vector<144x128xf32>
    %jit3A_994 = arith.constant 0.000000e+00 : f32
    %broadcast_in_dim3A_995 = vector.shape_cast %lt3A_987 : vector<144x1xi1> to vector<144x1xi1>
    %broadcast_in_dim3A_996 = vector.broadcast %broadcast_in_dim3A_995 : vector<144x1xi1> to vector<144x128xi1>
    %broadcast_in_dim3A_997 = vector.broadcast %jit3A_994 : f32 to vector<144x128xf32>
    %select_n3A_998 = arith.select %broadcast_in_dim3A_996, %get3A_990, %broadcast_in_dim3A_997 : vector<144x128xi1>, vector<144x128xf32>
    %add3A_999 = arith.addf %dot_general3A_969, %select_n3A_998 : vector<144x128xf32>
    %swap3A_1000 = arith.index_cast %multiple_of3A_956 : i32 to index
    %swap3A_1001 = arith.constant 0 : index
    %swap3A_1002 = vector.load %arg8[%swap3A_1000, %swap3A_1001] : memref<10240x128xf32, #tpu.memory_space<vmem>>, vector<144x128xf32>
    tpu.vector_store %arg8[%swap3A_1000, %swap3A_1001], %add3A_999 {strides = array<i32>} : memref<10240x128xf32, #tpu.memory_space<vmem>>, vector<144x128xf32>,
    %jit3A_1003 = arith.constant 0.000000e+00 : f32
    %broadcast_in_dim3A_1004 = vector.shape_cast %lt3A_987 : vector<144x1xi1> to vector<144x1xi1>
    %broadcast_in_dim3A_1005 = vector.broadcast %broadcast_in_dim3A_1004 : vector<144x1xi1> to vector<144x128xi1>
    %broadcast_in_dim3A_1006 = vector.broadcast %jit3A_1003 : f32 to vector<144x128xf32>
    %select_n3A_1007 = arith.select %broadcast_in_dim3A_1005, %get3A_993, %broadcast_in_dim3A_1006 : vector<144x128xi1>, vector<144x128xf32>
    %add3A_1008 = arith.addf %dot_general3A_972, %select_n3A_1007 : vector<144x128xf32>
    %swap3A_1009 = arith.index_cast %multiple_of3A_956 : i32 to index
    %swap3A_1010 = arith.constant 0 : index
    %swap3A_1011 = vector.load %arg9[%swap3A_1009, %swap3A_1010] : memref<10240x128xf32, #tpu.memory_space<vmem>>, vector<144x128xf32>
    tpu.vector_store %arg9[%swap3A_1009, %swap3A_1010], %add3A_1008 {strides = array<i32>} : memref<10240x128xf32, #tpu.memory_space<vmem>>, vector<144x128xf32>,
    %mul3A_1012 = arith.constant 50 : i32
    %mul3A_1013 = arith.muli %arg0, %mul3A_1012 : i32
    %add3A_1014 = arith.constant 16 : i32
    %add3A_1015 = arith.addi %mul3A_1013, %add3A_1014 : i32
    %get3A_1016 = arith.index_cast %add3A_1015 : i32 to index
    %get3A_1017 = memref.load %arg1[%get3A_1016] : memref<2500xi32, #tpu.memory_space<smem>>
    %multiple_of3A_1018 = tpu.assume_multiple %get3A_1017, 16 : i32
    %slice3A_1019 = vector.extract_strided_slice %get3A_26 {offsets = [16, 0], sizes = [1, 128], strides = [1, 1]} : vector<50x128xi32> to vector<1x128xi32>
    %sub3A_1020 = vector.broadcast %multiple_of3A_1018 : i32 to vector<1x128xi32>
    %sub3A_1021 = arith.subi %slice3A_1019, %sub3A_1020 : vector<1x128xi32>
    %iota3A_1022 = tpu.iota {dimensions = array<i32: 0>} : vector<144x128xi32>
    %broadcast_in_dim3A_1023 = vector.shape_cast %sub3A_1021 : vector<1x128xi32> to vector<1x128xi32>
    %broadcast_in_dim3A_1024 = vector.broadcast %broadcast_in_dim3A_1023 : vector<1x128xi32> to vector<144x128xi32>
    %eq3A_1025 = arith.cmpi eq, %iota3A_1022, %broadcast_in_dim3A_1024 : vector<144x128xi32>
    %convert_element_type3A_1026 = arith.extui %eq3A_1025 : vector<144x128xi1> to vector<144x128xi32>
    %convert_element_type3A_1027 = arith.sitofp %convert_element_type3A_1026 : vector<144x128xi32> to vector<144x128xf32>
    %convert_element_type3A_1028 = arith.truncf %convert_element_type3A_1027 : vector<144x128xf32> to vector<144x128xbf16>
    %slice3A_1029 = vector.extract_strided_slice %convert_element_type3A_20 {offsets = [2048, 0], sizes = [128, 128], strides = [1, 1]} : vector<6400x128xbf16> to vector<128x128xbf16>
    %dot_general3A_1030 = arith.constant dense<0.000000e+00> : vector<144x128xf32>
    %dot_general3A_1031 = tpu.matmul %convert_element_type3A_1028, %slice3A_1029, %dot_general3A_1030 {dimension_numbers = #tpu.dot_dimension_numbers<[1], [0], [0], [1], [0, 0, 1, 1], [], []>, transpose_lhs_hint = false} : vector<144x128xbf16>, vector<128x128xbf16>, vector<144x128xf32> -> vector<144x128xf32>
    %slice3A_1032 = vector.extract_strided_slice %convert_element_type3A_21 {offsets = [2048, 0], sizes = [128, 128], strides = [1, 1]} : vector<6400x128xbf16> to vector<128x128xbf16>
    %dot_general3A_1033 = arith.constant dense<0.000000e+00> : vector<144x128xf32>
    %dot_general3A_1034 = tpu.matmul %convert_element_type3A_1028, %slice3A_1032, %dot_general3A_1033 {dimension_numbers = #tpu.dot_dimension_numbers<[1], [0], [0], [1], [0, 0, 1, 1], [], []>, transpose_lhs_hint = false} : vector<144x128xbf16>, vector<128x128xbf16>, vector<144x128xf32> -> vector<144x128xf32>
    %mul3A_1035 = arith.constant 50 : i32
    %mul3A_1036 = arith.muli %arg0, %mul3A_1035 : i32
    %add3A_1037 = arith.constant 16 : i32
    %add3A_1038 = arith.addi %mul3A_1036, %add3A_1037 : i32
    %sub3A_1039 = arith.constant 1 : i32
    %sub3A_1040 = arith.subi %add3A_1038, %sub3A_1039 : i32
    %get3A_1041 = arith.index_cast %sub3A_1040 : i32 to index
    %get3A_1042 = memref.load %arg1[%get3A_1041] : memref<2500xi32, #tpu.memory_space<smem>>
    %add3A_1043 = arith.constant 144 : i32
    %add3A_1044 = arith.addi %get3A_1042, %add3A_1043 : i32
    %iota3A_1045 = tpu.iota {dimensions = array<i32: 0>} : vector<144x1xi32>
    %add3A_1046 = vector.broadcast %multiple_of3A_1018 : i32 to vector<144x1xi32>
    %add3A_1047 = arith.addi %iota3A_1045, %add3A_1046 : vector<144x1xi32>
    %lt3A_1048 = vector.broadcast %add3A_1044 : i32 to vector<144x1xi32>
    %lt3A_1049 = arith.cmpi slt, %add3A_1047, %lt3A_1048 : vector<144x1xi32>
    %get3A_1050 = arith.index_cast %multiple_of3A_1018 : i32 to index
    %get3A_1051 = arith.constant 0 : index
    %get3A_1052 = vector.load %arg8[%get3A_1050, %get3A_1051] : memref<10240x128xf32, #tpu.memory_space<vmem>>, vector<144x128xf32>
    %get3A_1053 = arith.index_cast %multiple_of3A_1018 : i32 to index
    %get3A_1054 = arith.constant 0 : index
    %get3A_1055 = vector.load %arg9[%get3A_1053, %get3A_1054] : memref<10240x128xf32, #tpu.memory_space<vmem>>, vector<144x128xf32>
    %jit3A_1056 = arith.constant 0.000000e+00 : f32
    %broadcast_in_dim3A_1057 = vector.shape_cast %lt3A_1049 : vector<144x1xi1> to vector<144x1xi1>
    %broadcast_in_dim3A_1058 = vector.broadcast %broadcast_in_dim3A_1057 : vector<144x1xi1> to vector<144x128xi1>
    %broadcast_in_dim3A_1059 = vector.broadcast %jit3A_1056 : f32 to vector<144x128xf32>
    %select_n3A_1060 = arith.select %broadcast_in_dim3A_1058, %get3A_1052, %broadcast_in_dim3A_1059 : vector<144x128xi1>, vector<144x128xf32>
    %add3A_1061 = arith.addf %dot_general3A_1031, %select_n3A_1060 : vector<144x128xf32>
    %swap3A_1062 = arith.index_cast %multiple_of3A_1018 : i32 to index
    %swap3A_1063 = arith.constant 0 : index
    %swap3A_1064 = vector.load %arg8[%swap3A_1062, %swap3A_1063] : memref<10240x128xf32, #tpu.memory_space<vmem>>, vector<144x128xf32>
    tpu.vector_store %arg8[%swap3A_1062, %swap3A_1063], %add3A_1061 {strides = array<i32>} : memref<10240x128xf32, #tpu.memory_space<vmem>>, vector<144x128xf32>,
    %jit3A_1065 = arith.constant 0.000000e+00 : f32
    %broadcast_in_dim3A_1066 = vector.shape_cast %lt3A_1049 : vector<144x1xi1> to vector<144x1xi1>
    %broadcast_in_dim3A_1067 = vector.broadcast %broadcast_in_dim3A_1066 : vector<144x1xi1> to vector<144x128xi1>
    %broadcast_in_dim3A_1068 = vector.broadcast %jit3A_1065 : f32 to vector<144x128xf32>
    %select_n3A_1069 = arith.select %broadcast_in_dim3A_1067, %get3A_1055, %broadcast_in_dim3A_1068 : vector<144x128xi1>, vector<144x128xf32>
    %add3A_1070 = arith.addf %dot_general3A_1034, %select_n3A_1069 : vector<144x128xf32>
    %swap3A_1071 = arith.index_cast %multiple_of3A_1018 : i32 to index
    %swap3A_1072 = arith.constant 0 : index
    %swap3A_1073 = vector.load %arg9[%swap3A_1071, %swap3A_1072] : memref<10240x128xf32, #tpu.memory_space<vmem>>, vector<144x128xf32>
    tpu.vector_store %arg9[%swap3A_1071, %swap3A_1072], %add3A_1070 {strides = array<i32>} : memref<10240x128xf32, #tpu.memory_space<vmem>>, vector<144x128xf32>,
    %mul3A_1074 = arith.constant 50 : i32
    %mul3A_1075 = arith.muli %arg0, %mul3A_1074 : i32
    %add3A_1076 = arith.constant 17 : i32
    %add3A_1077 = arith.addi %mul3A_1075, %add3A_1076 : i32
    %get3A_1078 = arith.index_cast %add3A_1077 : i32 to index
    %get3A_1079 = memref.load %arg1[%get3A_1078] : memref<2500xi32, #tpu.memory_space<smem>>
    %multiple_of3A_1080 = tpu.assume_multiple %get3A_1079, 16 : i32
    %slice3A_1081 = vector.extract_strided_slice %get3A_26 {offsets = [17, 0], sizes = [1, 128], strides = [1, 1]} : vector<50x128xi32> to vector<1x128xi32>
    %sub3A_1082 = vector.broadcast %multiple_of3A_1080 : i32 to vector<1x128xi32>
    %sub3A_1083 = arith.subi %slice3A_1081, %sub3A_1082 : vector<1x128xi32>
    %iota3A_1084 = tpu.iota {dimensions = array<i32: 0>} : vector<144x128xi32>
    %broadcast_in_dim3A_1085 = vector.shape_cast %sub3A_1083 : vector<1x128xi32> to vector<1x128xi32>
    %broadcast_in_dim3A_1086 = vector.broadcast %broadcast_in_dim3A_1085 : vector<1x128xi32> to vector<144x128xi32>
    %eq3A_1087 = arith.cmpi eq, %iota3A_1084, %broadcast_in_dim3A_1086 : vector<144x128xi32>
    %convert_element_type3A_1088 = arith.extui %eq3A_1087 : vector<144x128xi1> to vector<144x128xi32>
    %convert_element_type3A_1089 = arith.sitofp %convert_element_type3A_1088 : vector<144x128xi32> to vector<144x128xf32>
    %convert_element_type3A_1090 = arith.truncf %convert_element_type3A_1089 : vector<144x128xf32> to vector<144x128xbf16>
    %slice3A_1091 = vector.extract_strided_slice %convert_element_type3A_20 {offsets = [2176, 0], sizes = [128, 128], strides = [1, 1]} : vector<6400x128xbf16> to vector<128x128xbf16>
    %dot_general3A_1092 = arith.constant dense<0.000000e+00> : vector<144x128xf32>
    %dot_general3A_1093 = tpu.matmul %convert_element_type3A_1090, %slice3A_1091, %dot_general3A_1092 {dimension_numbers = #tpu.dot_dimension_numbers<[1], [0], [0], [1], [0, 0, 1, 1], [], []>, transpose_lhs_hint = false} : vector<144x128xbf16>, vector<128x128xbf16>, vector<144x128xf32> -> vector<144x128xf32>
    %slice3A_1094 = vector.extract_strided_slice %convert_element_type3A_21 {offsets = [2176, 0], sizes = [128, 128], strides = [1, 1]} : vector<6400x128xbf16> to vector<128x128xbf16>
    %dot_general3A_1095 = arith.constant dense<0.000000e+00> : vector<144x128xf32>
    %dot_general3A_1096 = tpu.matmul %convert_element_type3A_1090, %slice3A_1094, %dot_general3A_1095 {dimension_numbers = #tpu.dot_dimension_numbers<[1], [0], [0], [1], [0, 0, 1, 1], [], []>, transpose_lhs_hint = false} : vector<144x128xbf16>, vector<128x128xbf16>, vector<144x128xf32> -> vector<144x128xf32>
    %mul3A_1097 = arith.constant 50 : i32
    %mul3A_1098 = arith.muli %arg0, %mul3A_1097 : i32
    %add3A_1099 = arith.constant 17 : i32
    %add3A_1100 = arith.addi %mul3A_1098, %add3A_1099 : i32
    %sub3A_1101 = arith.constant 1 : i32
    %sub3A_1102 = arith.subi %add3A_1100, %sub3A_1101 : i32
    %get3A_1103 = arith.index_cast %sub3A_1102 : i32 to index
    %get3A_1104 = memref.load %arg1[%get3A_1103] : memref<2500xi32, #tpu.memory_space<smem>>
    %add3A_1105 = arith.constant 144 : i32
    %add3A_1106 = arith.addi %get3A_1104, %add3A_1105 : i32
    %iota3A_1107 = tpu.iota {dimensions = array<i32: 0>} : vector<144x1xi32>
    %add3A_1108 = vector.broadcast %multiple_of3A_1080 : i32 to vector<144x1xi32>
    %add3A_1109 = arith.addi %iota3A_1107, %add3A_1108 : vector<144x1xi32>
    %lt3A_1110 = vector.broadcast %add3A_1106 : i32 to vector<144x1xi32>
    %lt3A_1111 = arith.cmpi slt, %add3A_1109, %lt3A_1110 : vector<144x1xi32>
    %get3A_1112 = arith.index_cast %multiple_of3A_1080 : i32 to index
    %get3A_1113 = arith.constant 0 : index
    %get3A_1114 = vector.load %arg8[%get3A_1112, %get3A_1113] : memref<10240x128xf32, #tpu.memory_space<vmem>>, vector<144x128xf32>
    %get3A_1115 = arith.index_cast %multiple_of3A_1080 : i32 to index
    %get3A_1116 = arith.constant 0 : index
    %get3A_1117 = vector.load %arg9[%get3A_1115, %get3A_1116] : memref<10240x128xf32, #tpu.memory_space<vmem>>, vector<144x128xf32>
    %jit3A_1118 = arith.constant 0.000000e+00 : f32
    %broadcast_in_dim3A_1119 = vector.shape_cast %lt3A_1111 : vector<144x1xi1> to vector<144x1xi1>
    %broadcast_in_dim3A_1120 = vector.broadcast %broadcast_in_dim3A_1119 : vector<144x1xi1> to vector<144x128xi1>
    %broadcast_in_dim3A_1121 = vector.broadcast %jit3A_1118 : f32 to vector<144x128xf32>
    %select_n3A_1122 = arith.select %broadcast_in_dim3A_1120, %get3A_1114, %broadcast_in_dim3A_1121 : vector<144x128xi1>, vector<144x128xf32>
    %add3A_1123 = arith.addf %dot_general3A_1093, %select_n3A_1122 : vector<144x128xf32>
    %swap3A_1124 = arith.index_cast %multiple_of3A_1080 : i32 to index
    %swap3A_1125 = arith.constant 0 : index
    %swap3A_1126 = vector.load %arg8[%swap3A_1124, %swap3A_1125] : memref<10240x128xf32, #tpu.memory_space<vmem>>, vector<144x128xf32>
    tpu.vector_store %arg8[%swap3A_1124, %swap3A_1125], %add3A_1123 {strides = array<i32>} : memref<10240x128xf32, #tpu.memory_space<vmem>>, vector<144x128xf32>,
    %jit3A_1127 = arith.constant 0.000000e+00 : f32
    %broadcast_in_dim3A_1128 = vector.shape_cast %lt3A_1111 : vector<144x1xi1> to vector<144x1xi1>
    %broadcast_in_dim3A_1129 = vector.broadcast %broadcast_in_dim3A_1128 : vector<144x1xi1> to vector<144x128xi1>
    %broadcast_in_dim3A_1130 = vector.broadcast %jit3A_1127 : f32 to vector<144x128xf32>
    %select_n3A_1131 = arith.select %broadcast_in_dim3A_1129, %get3A_1117, %broadcast_in_dim3A_1130 : vector<144x128xi1>, vector<144x128xf32>
    %add3A_1132 = arith.addf %dot_general3A_1096, %select_n3A_1131 : vector<144x128xf32>
    %swap3A_1133 = arith.index_cast %multiple_of3A_1080 : i32 to index
    %swap3A_1134 = arith.constant 0 : index
    %swap3A_1135 = vector.load %arg9[%swap3A_1133, %swap3A_1134] : memref<10240x128xf32, #tpu.memory_space<vmem>>, vector<144x128xf32>
    tpu.vector_store %arg9[%swap3A_1133, %swap3A_1134], %add3A_1132 {strides = array<i32>} : memref<10240x128xf32, #tpu.memory_space<vmem>>, vector<144x128xf32>,
    %mul3A_1136 = arith.constant 50 : i32
    %mul3A_1137 = arith.muli %arg0, %mul3A_1136 : i32
    %add3A_1138 = arith.constant 18 : i32
    %add3A_1139 = arith.addi %mul3A_1137, %add3A_1138 : i32
    %get3A_1140 = arith.index_cast %add3A_1139 : i32 to index
    %get3A_1141 = memref.load %arg1[%get3A_1140] : memref<2500xi32, #tpu.memory_space<smem>>
    %multiple_of3A_1142 = tpu.assume_multiple %get3A_1141, 16 : i32
    %slice3A_1143 = vector.extract_strided_slice %get3A_26 {offsets = [18, 0], sizes = [1, 128], strides = [1, 1]} : vector<50x128xi32> to vector<1x128xi32>
    %sub3A_1144 = vector.broadcast %multiple_of3A_1142 : i32 to vector<1x128xi32>
    %sub3A_1145 = arith.subi %slice3A_1143, %sub3A_1144 : vector<1x128xi32>
    %iota3A_1146 = tpu.iota {dimensions = array<i32: 0>} : vector<144x128xi32>
    %broadcast_in_dim3A_1147 = vector.shape_cast %sub3A_1145 : vector<1x128xi32> to vector<1x128xi32>
    %broadcast_in_dim3A_1148 = vector.broadcast %broadcast_in_dim3A_1147 : vector<1x128xi32> to vector<144x128xi32>
    %eq3A_1149 = arith.cmpi eq, %iota3A_1146, %broadcast_in_dim3A_1148 : vector<144x128xi32>
    %convert_element_type3A_1150 = arith.extui %eq3A_1149 : vector<144x128xi1> to vector<144x128xi32>
    %convert_element_type3A_1151 = arith.sitofp %convert_element_type3A_1150 : vector<144x128xi32> to vector<144x128xf32>
    %convert_element_type3A_1152 = arith.truncf %convert_element_type3A_1151 : vector<144x128xf32> to vector<144x128xbf16>
    %slice3A_1153 = vector.extract_strided_slice %convert_element_type3A_20 {offsets = [2304, 0], sizes = [128, 128], strides = [1, 1]} : vector<6400x128xbf16> to vector<128x128xbf16>
    %dot_general3A_1154 = arith.constant dense<0.000000e+00> : vector<144x128xf32>
    %dot_general3A_1155 = tpu.matmul %convert_element_type3A_1152, %slice3A_1153, %dot_general3A_1154 {dimension_numbers = #tpu.dot_dimension_numbers<[1], [0], [0], [1], [0, 0, 1, 1], [], []>, transpose_lhs_hint = false} : vector<144x128xbf16>, vector<128x128xbf16>, vector<144x128xf32> -> vector<144x128xf32>
    %slice3A_1156 = vector.extract_strided_slice %convert_element_type3A_21 {offsets = [2304, 0], sizes = [128, 128], strides = [1, 1]} : vector<6400x128xbf16> to vector<128x128xbf16>
    %dot_general3A_1157 = arith.constant dense<0.000000e+00> : vector<144x128xf32>
    %dot_general3A_1158 = tpu.matmul %convert_element_type3A_1152, %slice3A_1156, %dot_general3A_1157 {dimension_numbers = #tpu.dot_dimension_numbers<[1], [0], [0], [1], [0, 0, 1, 1], [], []>, transpose_lhs_hint = false} : vector<144x128xbf16>, vector<128x128xbf16>, vector<144x128xf32> -> vector<144x128xf32>
    %mul3A_1159 = arith.constant 50 : i32
    %mul3A_1160 = arith.muli %arg0, %mul3A_1159 : i32
    %add3A_1161 = arith.constant 18 : i32
    %add3A_1162 = arith.addi %mul3A_1160, %add3A_1161 : i32
    %sub3A_1163 = arith.constant 1 : i32
    %sub3A_1164 = arith.subi %add3A_1162, %sub3A_1163 : i32
    %get3A_1165 = arith.index_cast %sub3A_1164 : i32 to index
    %get3A_1166 = memref.load %arg1[%get3A_1165] : memref<2500xi32, #tpu.memory_space<smem>>
    %add3A_1167 = arith.constant 144 : i32
    %add3A_1168 = arith.addi %get3A_1166, %add3A_1167 : i32
    %iota3A_1169 = tpu.iota {dimensions = array<i32: 0>} : vector<144x1xi32>
    %add3A_1170 = vector.broadcast %multiple_of3A_1142 : i32 to vector<144x1xi32>
    %add3A_1171 = arith.addi %iota3A_1169, %add3A_1170 : vector<144x1xi32>
    %lt3A_1172 = vector.broadcast %add3A_1168 : i32 to vector<144x1xi32>
    %lt3A_1173 = arith.cmpi slt, %add3A_1171, %lt3A_1172 : vector<144x1xi32>
    %get3A_1174 = arith.index_cast %multiple_of3A_1142 : i32 to index
    %get3A_1175 = arith.constant 0 : index
    %get3A_1176 = vector.load %arg8[%get3A_1174, %get3A_1175] : memref<10240x128xf32, #tpu.memory_space<vmem>>, vector<144x128xf32>
    %get3A_1177 = arith.index_cast %multiple_of3A_1142 : i32 to index
    %get3A_1178 = arith.constant 0 : index
    %get3A_1179 = vector.load %arg9[%get3A_1177, %get3A_1178] : memref<10240x128xf32, #tpu.memory_space<vmem>>, vector<144x128xf32>
    %jit3A_1180 = arith.constant 0.000000e+00 : f32
    %broadcast_in_dim3A_1181 = vector.shape_cast %lt3A_1173 : vector<144x1xi1> to vector<144x1xi1>
    %broadcast_in_dim3A_1182 = vector.broadcast %broadcast_in_dim3A_1181 : vector<144x1xi1> to vector<144x128xi1>
    %broadcast_in_dim3A_1183 = vector.broadcast %jit3A_1180 : f32 to vector<144x128xf32>
    %select_n3A_1184 = arith.select %broadcast_in_dim3A_1182, %get3A_1176, %broadcast_in_dim3A_1183 : vector<144x128xi1>, vector<144x128xf32>
    %add3A_1185 = arith.addf %dot_general3A_1155, %select_n3A_1184 : vector<144x128xf32>
    %swap3A_1186 = arith.index_cast %multiple_of3A_1142 : i32 to index
    %swap3A_1187 = arith.constant 0 : index
    %swap3A_1188 = vector.load %arg8[%swap3A_1186, %swap3A_1187] : memref<10240x128xf32, #tpu.memory_space<vmem>>, vector<144x128xf32>
    tpu.vector_store %arg8[%swap3A_1186, %swap3A_1187], %add3A_1185 {strides = array<i32>} : memref<10240x128xf32, #tpu.memory_space<vmem>>, vector<144x128xf32>,
    %jit3A_1189 = arith.constant 0.000000e+00 : f32
    %broadcast_in_dim3A_1190 = vector.shape_cast %lt3A_1173 : vector<144x1xi1> to vector<144x1xi1>
    %broadcast_in_dim3A_1191 = vector.broadcast %broadcast_in_dim3A_1190 : vector<144x1xi1> to vector<144x128xi1>
    %broadcast_in_dim3A_1192 = vector.broadcast %jit3A_1189 : f32 to vector<144x128xf32>
    %select_n3A_1193 = arith.select %broadcast_in_dim3A_1191, %get3A_1179, %broadcast_in_dim3A_1192 : vector<144x128xi1>, vector<144x128xf32>
    %add3A_1194 = arith.addf %dot_general3A_1158, %select_n3A_1193 : vector<144x128xf32>
    %swap3A_1195 = arith.index_cast %multiple_of3A_1142 : i32 to index
    %swap3A_1196 = arith.constant 0 : index
    %swap3A_1197 = vector.load %arg9[%swap3A_1195, %swap3A_1196] : memref<10240x128xf32, #tpu.memory_space<vmem>>, vector<144x128xf32>
    tpu.vector_store %arg9[%swap3A_1195, %swap3A_1196], %add3A_1194 {strides = array<i32>} : memref<10240x128xf32, #tpu.memory_space<vmem>>, vector<144x128xf32>,
    %mul3A_1198 = arith.constant 50 : i32
    %mul3A_1199 = arith.muli %arg0, %mul3A_1198 : i32
    %add3A_1200 = arith.constant 19 : i32
    %add3A_1201 = arith.addi %mul3A_1199, %add3A_1200 : i32
    %get3A_1202 = arith.index_cast %add3A_1201 : i32 to index
    %get3A_1203 = memref.load %arg1[%get3A_1202] : memref<2500xi32, #tpu.memory_space<smem>>
    %multiple_of3A_1204 = tpu.assume_multiple %get3A_1203, 16 : i32
    %slice3A_1205 = vector.extract_strided_slice %get3A_26 {offsets = [19, 0], sizes = [1, 128], strides = [1, 1]} : vector<50x128xi32> to vector<1x128xi32>
    %sub3A_1206 = vector.broadcast %multiple_of3A_1204 : i32 to vector<1x128xi32>
    %sub3A_1207 = arith.subi %slice3A_1205, %sub3A_1206 : vector<1x128xi32>
    %iota3A_1208 = tpu.iota {dimensions = array<i32: 0>} : vector<144x128xi32>
    %broadcast_in_dim3A_1209 = vector.shape_cast %sub3A_1207 : vector<1x128xi32> to vector<1x128xi32>
    %broadcast_in_dim3A_1210 = vector.broadcast %broadcast_in_dim3A_1209 : vector<1x128xi32> to vector<144x128xi32>
    %eq3A_1211 = arith.cmpi eq, %iota3A_1208, %broadcast_in_dim3A_1210 : vector<144x128xi32>
    %convert_element_type3A_1212 = arith.extui %eq3A_1211 : vector<144x128xi1> to vector<144x128xi32>
    %convert_element_type3A_1213 = arith.sitofp %convert_element_type3A_1212 : vector<144x128xi32> to vector<144x128xf32>
    %convert_element_type3A_1214 = arith.truncf %convert_element_type3A_1213 : vector<144x128xf32> to vector<144x128xbf16>
    %slice3A_1215 = vector.extract_strided_slice %convert_element_type3A_20 {offsets = [2432, 0], sizes = [128, 128], strides = [1, 1]} : vector<6400x128xbf16> to vector<128x128xbf16>
    %dot_general3A_1216 = arith.constant dense<0.000000e+00> : vector<144x128xf32>
    %dot_general3A_1217 = tpu.matmul %convert_element_type3A_1214, %slice3A_1215, %dot_general3A_1216 {dimension_numbers = #tpu.dot_dimension_numbers<[1], [0], [0], [1], [0, 0, 1, 1], [], []>, transpose_lhs_hint = false} : vector<144x128xbf16>, vector<128x128xbf16>, vector<144x128xf32> -> vector<144x128xf32>
    %slice3A_1218 = vector.extract_strided_slice %convert_element_type3A_21 {offsets = [2432, 0], sizes = [128, 128], strides = [1, 1]} : vector<6400x128xbf16> to vector<128x128xbf16>
    %dot_general3A_1219 = arith.constant dense<0.000000e+00> : vector<144x128xf32>
    %dot_general3A_1220 = tpu.matmul %convert_element_type3A_1214, %slice3A_1218, %dot_general3A_1219 {dimension_numbers = #tpu.dot_dimension_numbers<[1], [0], [0], [1], [0, 0, 1, 1], [], []>, transpose_lhs_hint = false} : vector<144x128xbf16>, vector<128x128xbf16>, vector<144x128xf32> -> vector<144x128xf32>
    %mul3A_1221 = arith.constant 50 : i32
    %mul3A_1222 = arith.muli %arg0, %mul3A_1221 : i32
    %add3A_1223 = arith.constant 19 : i32
    %add3A_1224 = arith.addi %mul3A_1222, %add3A_1223 : i32
    %sub3A_1225 = arith.constant 1 : i32
    %sub3A_1226 = arith.subi %add3A_1224, %sub3A_1225 : i32
    %get3A_1227 = arith.index_cast %sub3A_1226 : i32 to index
    %get3A_1228 = memref.load %arg1[%get3A_1227] : memref<2500xi32, #tpu.memory_space<smem>>
    %add3A_1229 = arith.constant 144 : i32
    %add3A_1230 = arith.addi %get3A_1228, %add3A_1229 : i32
    %iota3A_1231 = tpu.iota {dimensions = array<i32: 0>} : vector<144x1xi32>
    %add3A_1232 = vector.broadcast %multiple_of3A_1204 : i32 to vector<144x1xi32>
    %add3A_1233 = arith.addi %iota3A_1231, %add3A_1232 : vector<144x1xi32>
    %lt3A_1234 = vector.broadcast %add3A_1230 : i32 to vector<144x1xi32>
    %lt3A_1235 = arith.cmpi slt, %add3A_1233, %lt3A_1234 : vector<144x1xi32>
    %get3A_1236 = arith.index_cast %multiple_of3A_1204 : i32 to index
    %get3A_1237 = arith.constant 0 : index
    %get3A_1238 = vector.load %arg8[%get3A_1236, %get3A_1237] : memref<10240x128xf32, #tpu.memory_space<vmem>>, vector<144x128xf32>
    %get3A_1239 = arith.index_cast %multiple_of3A_1204 : i32 to index
    %get3A_1240 = arith.constant 0 : index
    %get3A_1241 = vector.load %arg9[%get3A_1239, %get3A_1240] : memref<10240x128xf32, #tpu.memory_space<vmem>>, vector<144x128xf32>
    %jit3A_1242 = arith.constant 0.000000e+00 : f32
    %broadcast_in_dim3A_1243 = vector.shape_cast %lt3A_1235 : vector<144x1xi1> to vector<144x1xi1>
    %broadcast_in_dim3A_1244 = vector.broadcast %broadcast_in_dim3A_1243 : vector<144x1xi1> to vector<144x128xi1>
    %broadcast_in_dim3A_1245 = vector.broadcast %jit3A_1242 : f32 to vector<144x128xf32>
    %select_n3A_1246 = arith.select %broadcast_in_dim3A_1244, %get3A_1238, %broadcast_in_dim3A_1245 : vector<144x128xi1>, vector<144x128xf32>
    %add3A_1247 = arith.addf %dot_general3A_1217, %select_n3A_1246 : vector<144x128xf32>
    %swap3A_1248 = arith.index_cast %multiple_of3A_1204 : i32 to index
    %swap3A_1249 = arith.constant 0 : index
    %swap3A_1250 = vector.load %arg8[%swap3A_1248, %swap3A_1249] : memref<10240x128xf32, #tpu.memory_space<vmem>>, vector<144x128xf32>
    tpu.vector_store %arg8[%swap3A_1248, %swap3A_1249], %add3A_1247 {strides = array<i32>} : memref<10240x128xf32, #tpu.memory_space<vmem>>, vector<144x128xf32>,
    %jit3A_1251 = arith.constant 0.000000e+00 : f32
    %broadcast_in_dim3A_1252 = vector.shape_cast %lt3A_1235 : vector<144x1xi1> to vector<144x1xi1>
    %broadcast_in_dim3A_1253 = vector.broadcast %broadcast_in_dim3A_1252 : vector<144x1xi1> to vector<144x128xi1>
    %broadcast_in_dim3A_1254 = vector.broadcast %jit3A_1251 : f32 to vector<144x128xf32>
    %select_n3A_1255 = arith.select %broadcast_in_dim3A_1253, %get3A_1241, %broadcast_in_dim3A_1254 : vector<144x128xi1>, vector<144x128xf32>
    %add3A_1256 = arith.addf %dot_general3A_1220, %select_n3A_1255 : vector<144x128xf32>
    %swap3A_1257 = arith.index_cast %multiple_of3A_1204 : i32 to index
    %swap3A_1258 = arith.constant 0 : index
    %swap3A_1259 = vector.load %arg9[%swap3A_1257, %swap3A_1258] : memref<10240x128xf32, #tpu.memory_space<vmem>>, vector<144x128xf32>
    tpu.vector_store %arg9[%swap3A_1257, %swap3A_1258], %add3A_1256 {strides = array<i32>} : memref<10240x128xf32, #tpu.memory_space<vmem>>, vector<144x128xf32>,
    %mul3A_1260 = arith.constant 50 : i32
    %mul3A_1261 = arith.muli %arg0, %mul3A_1260 : i32
    %add3A_1262 = arith.constant 20 : i32
    %add3A_1263 = arith.addi %mul3A_1261, %add3A_1262 : i32
    %get3A_1264 = arith.index_cast %add3A_1263 : i32 to index
    %get3A_1265 = memref.load %arg1[%get3A_1264] : memref<2500xi32, #tpu.memory_space<smem>>
    %multiple_of3A_1266 = tpu.assume_multiple %get3A_1265, 16 : i32
    %slice3A_1267 = vector.extract_strided_slice %get3A_26 {offsets = [20, 0], sizes = [1, 128], strides = [1, 1]} : vector<50x128xi32> to vector<1x128xi32>
    %sub3A_1268 = vector.broadcast %multiple_of3A_1266 : i32 to vector<1x128xi32>
    %sub3A_1269 = arith.subi %slice3A_1267, %sub3A_1268 : vector<1x128xi32>
    %iota3A_1270 = tpu.iota {dimensions = array<i32: 0>} : vector<144x128xi32>
    %broadcast_in_dim3A_1271 = vector.shape_cast %sub3A_1269 : vector<1x128xi32> to vector<1x128xi32>
    %broadcast_in_dim3A_1272 = vector.broadcast %broadcast_in_dim3A_1271 : vector<1x128xi32> to vector<144x128xi32>
    %eq3A_1273 = arith.cmpi eq, %iota3A_1270, %broadcast_in_dim3A_1272 : vector<144x128xi32>
    %convert_element_type3A_1274 = arith.extui %eq3A_1273 : vector<144x128xi1> to vector<144x128xi32>
    %convert_element_type3A_1275 = arith.sitofp %convert_element_type3A_1274 : vector<144x128xi32> to vector<144x128xf32>
    %convert_element_type3A_1276 = arith.truncf %convert_element_type3A_1275 : vector<144x128xf32> to vector<144x128xbf16>
    %slice3A_1277 = vector.extract_strided_slice %convert_element_type3A_20 {offsets = [2560, 0], sizes = [128, 128], strides = [1, 1]} : vector<6400x128xbf16> to vector<128x128xbf16>
    %dot_general3A_1278 = arith.constant dense<0.000000e+00> : vector<144x128xf32>
    %dot_general3A_1279 = tpu.matmul %convert_element_type3A_1276, %slice3A_1277, %dot_general3A_1278 {dimension_numbers = #tpu.dot_dimension_numbers<[1], [0], [0], [1], [0, 0, 1, 1], [], []>, transpose_lhs_hint = false} : vector<144x128xbf16>, vector<128x128xbf16>, vector<144x128xf32> -> vector<144x128xf32>
    %slice3A_1280 = vector.extract_strided_slice %convert_element_type3A_21 {offsets = [2560, 0], sizes = [128, 128], strides = [1, 1]} : vector<6400x128xbf16> to vector<128x128xbf16>
    %dot_general3A_1281 = arith.constant dense<0.000000e+00> : vector<144x128xf32>
    %dot_general3A_1282 = tpu.matmul %convert_element_type3A_1276, %slice3A_1280, %dot_general3A_1281 {dimension_numbers = #tpu.dot_dimension_numbers<[1], [0], [0], [1], [0, 0, 1, 1], [], []>, transpose_lhs_hint = false} : vector<144x128xbf16>, vector<128x128xbf16>, vector<144x128xf32> -> vector<144x128xf32>
    %mul3A_1283 = arith.constant 50 : i32
    %mul3A_1284 = arith.muli %arg0, %mul3A_1283 : i32
    %add3A_1285 = arith.constant 20 : i32
    %add3A_1286 = arith.addi %mul3A_1284, %add3A_1285 : i32
    %sub3A_1287 = arith.constant 1 : i32
    %sub3A_1288 = arith.subi %add3A_1286, %sub3A_1287 : i32
    %get3A_1289 = arith.index_cast %sub3A_1288 : i32 to index
    %get3A_1290 = memref.load %arg1[%get3A_1289] : memref<2500xi32, #tpu.memory_space<smem>>
    %add3A_1291 = arith.constant 144 : i32
    %add3A_1292 = arith.addi %get3A_1290, %add3A_1291 : i32
    %iota3A_1293 = tpu.iota {dimensions = array<i32: 0>} : vector<144x1xi32>
    %add3A_1294 = vector.broadcast %multiple_of3A_1266 : i32 to vector<144x1xi32>
    %add3A_1295 = arith.addi %iota3A_1293, %add3A_1294 : vector<144x1xi32>
    %lt3A_1296 = vector.broadcast %add3A_1292 : i32 to vector<144x1xi32>
    %lt3A_1297 = arith.cmpi slt, %add3A_1295, %lt3A_1296 : vector<144x1xi32>
    %get3A_1298 = arith.index_cast %multiple_of3A_1266 : i32 to index
    %get3A_1299 = arith.constant 0 : index
    %get3A_1300 = vector.load %arg8[%get3A_1298, %get3A_1299] : memref<10240x128xf32, #tpu.memory_space<vmem>>, vector<144x128xf32>
    %get3A_1301 = arith.index_cast %multiple_of3A_1266 : i32 to index
    %get3A_1302 = arith.constant 0 : index
    %get3A_1303 = vector.load %arg9[%get3A_1301, %get3A_1302] : memref<10240x128xf32, #tpu.memory_space<vmem>>, vector<144x128xf32>
    %jit3A_1304 = arith.constant 0.000000e+00 : f32
    %broadcast_in_dim3A_1305 = vector.shape_cast %lt3A_1297 : vector<144x1xi1> to vector<144x1xi1>
    %broadcast_in_dim3A_1306 = vector.broadcast %broadcast_in_dim3A_1305 : vector<144x1xi1> to vector<144x128xi1>
    %broadcast_in_dim3A_1307 = vector.broadcast %jit3A_1304 : f32 to vector<144x128xf32>
    %select_n3A_1308 = arith.select %broadcast_in_dim3A_1306, %get3A_1300, %broadcast_in_dim3A_1307 : vector<144x128xi1>, vector<144x128xf32>
    %add3A_1309 = arith.addf %dot_general3A_1279, %select_n3A_1308 : vector<144x128xf32>
    %swap3A_1310 = arith.index_cast %multiple_of3A_1266 : i32 to index
    %swap3A_1311 = arith.constant 0 : index
    %swap3A_1312 = vector.load %arg8[%swap3A_1310, %swap3A_1311] : memref<10240x128xf32, #tpu.memory_space<vmem>>, vector<144x128xf32>
    tpu.vector_store %arg8[%swap3A_1310, %swap3A_1311], %add3A_1309 {strides = array<i32>} : memref<10240x128xf32, #tpu.memory_space<vmem>>, vector<144x128xf32>,
    %jit3A_1313 = arith.constant 0.000000e+00 : f32
    %broadcast_in_dim3A_1314 = vector.shape_cast %lt3A_1297 : vector<144x1xi1> to vector<144x1xi1>
    %broadcast_in_dim3A_1315 = vector.broadcast %broadcast_in_dim3A_1314 : vector<144x1xi1> to vector<144x128xi1>
    %broadcast_in_dim3A_1316 = vector.broadcast %jit3A_1313 : f32 to vector<144x128xf32>
    %select_n3A_1317 = arith.select %broadcast_in_dim3A_1315, %get3A_1303, %broadcast_in_dim3A_1316 : vector<144x128xi1>, vector<144x128xf32>
    %add3A_1318 = arith.addf %dot_general3A_1282, %select_n3A_1317 : vector<144x128xf32>
    %swap3A_1319 = arith.index_cast %multiple_of3A_1266 : i32 to index
    %swap3A_1320 = arith.constant 0 : index
    %swap3A_1321 = vector.load %arg9[%swap3A_1319, %swap3A_1320] : memref<10240x128xf32, #tpu.memory_space<vmem>>, vector<144x128xf32>
    tpu.vector_store %arg9[%swap3A_1319, %swap3A_1320], %add3A_1318 {strides = array<i32>} : memref<10240x128xf32, #tpu.memory_space<vmem>>, vector<144x128xf32>,
    %mul3A_1322 = arith.constant 50 : i32
    %mul3A_1323 = arith.muli %arg0, %mul3A_1322 : i32
    %add3A_1324 = arith.constant 21 : i32
    %add3A_1325 = arith.addi %mul3A_1323, %add3A_1324 : i32
    %get3A_1326 = arith.index_cast %add3A_1325 : i32 to index
    %get3A_1327 = memref.load %arg1[%get3A_1326] : memref<2500xi32, #tpu.memory_space<smem>>
    %multiple_of3A_1328 = tpu.assume_multiple %get3A_1327, 16 : i32
    %slice3A_1329 = vector.extract_strided_slice %get3A_26 {offsets = [21, 0], sizes = [1, 128], strides = [1, 1]} : vector<50x128xi32> to vector<1x128xi32>
    %sub3A_1330 = vector.broadcast %multiple_of3A_1328 : i32 to vector<1x128xi32>
    %sub3A_1331 = arith.subi %slice3A_1329, %sub3A_1330 : vector<1x128xi32>
    %iota3A_1332 = tpu.iota {dimensions = array<i32: 0>} : vector<144x128xi32>
    %broadcast_in_dim3A_1333 = vector.shape_cast %sub3A_1331 : vector<1x128xi32> to vector<1x128xi32>
    %broadcast_in_dim3A_1334 = vector.broadcast %broadcast_in_dim3A_1333 : vector<1x128xi32> to vector<144x128xi32>
    %eq3A_1335 = arith.cmpi eq, %iota3A_1332, %broadcast_in_dim3A_1334 : vector<144x128xi32>
    %convert_element_type3A_1336 = arith.extui %eq3A_1335 : vector<144x128xi1> to vector<144x128xi32>
    %convert_element_type3A_1337 = arith.sitofp %convert_element_type3A_1336 : vector<144x128xi32> to vector<144x128xf32>
    %convert_element_type3A_1338 = arith.truncf %convert_element_type3A_1337 : vector<144x128xf32> to vector<144x128xbf16>
    %slice3A_1339 = vector.extract_strided_slice %convert_element_type3A_20 {offsets = [2688, 0], sizes = [128, 128], strides = [1, 1]} : vector<6400x128xbf16> to vector<128x128xbf16>
    %dot_general3A_1340 = arith.constant dense<0.000000e+00> : vector<144x128xf32>
    %dot_general3A_1341 = tpu.matmul %convert_element_type3A_1338, %slice3A_1339, %dot_general3A_1340 {dimension_numbers = #tpu.dot_dimension_numbers<[1], [0], [0], [1], [0, 0, 1, 1], [], []>, transpose_lhs_hint = false} : vector<144x128xbf16>, vector<128x128xbf16>, vector<144x128xf32> -> vector<144x128xf32>
    %slice3A_1342 = vector.extract_strided_slice %convert_element_type3A_21 {offsets = [2688, 0], sizes = [128, 128], strides = [1, 1]} : vector<6400x128xbf16> to vector<128x128xbf16>
    %dot_general3A_1343 = arith.constant dense<0.000000e+00> : vector<144x128xf32>
    %dot_general3A_1344 = tpu.matmul %convert_element_type3A_1338, %slice3A_1342, %dot_general3A_1343 {dimension_numbers = #tpu.dot_dimension_numbers<[1], [0], [0], [1], [0, 0, 1, 1], [], []>, transpose_lhs_hint = false} : vector<144x128xbf16>, vector<128x128xbf16>, vector<144x128xf32> -> vector<144x128xf32>
    %mul3A_1345 = arith.constant 50 : i32
    %mul3A_1346 = arith.muli %arg0, %mul3A_1345 : i32
    %add3A_1347 = arith.constant 21 : i32
    %add3A_1348 = arith.addi %mul3A_1346, %add3A_1347 : i32
    %sub3A_1349 = arith.constant 1 : i32
    %sub3A_1350 = arith.subi %add3A_1348, %sub3A_1349 : i32
    %get3A_1351 = arith.index_cast %sub3A_1350 : i32 to index
    %get3A_1352 = memref.load %arg1[%get3A_1351] : memref<2500xi32, #tpu.memory_space<smem>>
    %add3A_1353 = arith.constant 144 : i32
    %add3A_1354 = arith.addi %get3A_1352, %add3A_1353 : i32
    %iota3A_1355 = tpu.iota {dimensions = array<i32: 0>} : vector<144x1xi32>
    %add3A_1356 = vector.broadcast %multiple_of3A_1328 : i32 to vector<144x1xi32>
    %add3A_1357 = arith.addi %iota3A_1355, %add3A_1356 : vector<144x1xi32>
    %lt3A_1358 = vector.broadcast %add3A_1354 : i32 to vector<144x1xi32>
    %lt3A_1359 = arith.cmpi slt, %add3A_1357, %lt3A_1358 : vector<144x1xi32>
    %get3A_1360 = arith.index_cast %multiple_of3A_1328 : i32 to index
    %get3A_1361 = arith.constant 0 : index
    %get3A_1362 = vector.load %arg8[%get3A_1360, %get3A_1361] : memref<10240x128xf32, #tpu.memory_space<vmem>>, vector<144x128xf32>
    %get3A_1363 = arith.index_cast %multiple_of3A_1328 : i32 to index
    %get3A_1364 = arith.constant 0 : index
    %get3A_1365 = vector.load %arg9[%get3A_1363, %get3A_1364] : memref<10240x128xf32, #tpu.memory_space<vmem>>, vector<144x128xf32>
    %jit3A_1366 = arith.constant 0.000000e+00 : f32
    %broadcast_in_dim3A_1367 = vector.shape_cast %lt3A_1359 : vector<144x1xi1> to vector<144x1xi1>
    %broadcast_in_dim3A_1368 = vector.broadcast %broadcast_in_dim3A_1367 : vector<144x1xi1> to vector<144x128xi1>
    %broadcast_in_dim3A_1369 = vector.broadcast %jit3A_1366 : f32 to vector<144x128xf32>
    %select_n3A_1370 = arith.select %broadcast_in_dim3A_1368, %get3A_1362, %broadcast_in_dim3A_1369 : vector<144x128xi1>, vector<144x128xf32>
    %add3A_1371 = arith.addf %dot_general3A_1341, %select_n3A_1370 : vector<144x128xf32>
    %swap3A_1372 = arith.index_cast %multiple_of3A_1328 : i32 to index
    %swap3A_1373 = arith.constant 0 : index
    %swap3A_1374 = vector.load %arg8[%swap3A_1372, %swap3A_1373] : memref<10240x128xf32, #tpu.memory_space<vmem>>, vector<144x128xf32>
    tpu.vector_store %arg8[%swap3A_1372, %swap3A_1373], %add3A_1371 {strides = array<i32>} : memref<10240x128xf32, #tpu.memory_space<vmem>>, vector<144x128xf32>,
    %jit3A_1375 = arith.constant 0.000000e+00 : f32
    %broadcast_in_dim3A_1376 = vector.shape_cast %lt3A_1359 : vector<144x1xi1> to vector<144x1xi1>
    %broadcast_in_dim3A_1377 = vector.broadcast %broadcast_in_dim3A_1376 : vector<144x1xi1> to vector<144x128xi1>
    %broadcast_in_dim3A_1378 = vector.broadcast %jit3A_1375 : f32 to vector<144x128xf32>
    %select_n3A_1379 = arith.select %broadcast_in_dim3A_1377, %get3A_1365, %broadcast_in_dim3A_1378 : vector<144x128xi1>, vector<144x128xf32>
    %add3A_1380 = arith.addf %dot_general3A_1344, %select_n3A_1379 : vector<144x128xf32>
    %swap3A_1381 = arith.index_cast %multiple_of3A_1328 : i32 to index
    %swap3A_1382 = arith.constant 0 : index
    %swap3A_1383 = vector.load %arg9[%swap3A_1381, %swap3A_1382] : memref<10240x128xf32, #tpu.memory_space<vmem>>, vector<144x128xf32>
    tpu.vector_store %arg9[%swap3A_1381, %swap3A_1382], %add3A_1380 {strides = array<i32>} : memref<10240x128xf32, #tpu.memory_space<vmem>>, vector<144x128xf32>,
    %mul3A_1384 = arith.constant 50 : i32
    %mul3A_1385 = arith.muli %arg0, %mul3A_1384 : i32
    %add3A_1386 = arith.constant 22 : i32
    %add3A_1387 = arith.addi %mul3A_1385, %add3A_1386 : i32
    %get3A_1388 = arith.index_cast %add3A_1387 : i32 to index
    %get3A_1389 = memref.load %arg1[%get3A_1388] : memref<2500xi32, #tpu.memory_space<smem>>
    %multiple_of3A_1390 = tpu.assume_multiple %get3A_1389, 16 : i32
    %slice3A_1391 = vector.extract_strided_slice %get3A_26 {offsets = [22, 0], sizes = [1, 128], strides = [1, 1]} : vector<50x128xi32> to vector<1x128xi32>
    %sub3A_1392 = vector.broadcast %multiple_of3A_1390 : i32 to vector<1x128xi32>
    %sub3A_1393 = arith.subi %slice3A_1391, %sub3A_1392 : vector<1x128xi32>
    %iota3A_1394 = tpu.iota {dimensions = array<i32: 0>} : vector<144x128xi32>
    %broadcast_in_dim3A_1395 = vector.shape_cast %sub3A_1393 : vector<1x128xi32> to vector<1x128xi32>
    %broadcast_in_dim3A_1396 = vector.broadcast %broadcast_in_dim3A_1395 : vector<1x128xi32> to vector<144x128xi32>
    %eq3A_1397 = arith.cmpi eq, %iota3A_1394, %broadcast_in_dim3A_1396 : vector<144x128xi32>
    %convert_element_type3A_1398 = arith.extui %eq3A_1397 : vector<144x128xi1> to vector<144x128xi32>
    %convert_element_type3A_1399 = arith.sitofp %convert_element_type3A_1398 : vector<144x128xi32> to vector<144x128xf32>
    %convert_element_type3A_1400 = arith.truncf %convert_element_type3A_1399 : vector<144x128xf32> to vector<144x128xbf16>
    %slice3A_1401 = vector.extract_strided_slice %convert_element_type3A_20 {offsets = [2816, 0], sizes = [128, 128], strides = [1, 1]} : vector<6400x128xbf16> to vector<128x128xbf16>
    %dot_general3A_1402 = arith.constant dense<0.000000e+00> : vector<144x128xf32>
    %dot_general3A_1403 = tpu.matmul %convert_element_type3A_1400, %slice3A_1401, %dot_general3A_1402 {dimension_numbers = #tpu.dot_dimension_numbers<[1], [0], [0], [1], [0, 0, 1, 1], [], []>, transpose_lhs_hint = false} : vector<144x128xbf16>, vector<128x128xbf16>, vector<144x128xf32> -> vector<144x128xf32>
    %slice3A_1404 = vector.extract_strided_slice %convert_element_type3A_21 {offsets = [2816, 0], sizes = [128, 128], strides = [1, 1]} : vector<6400x128xbf16> to vector<128x128xbf16>
    %dot_general3A_1405 = arith.constant dense<0.000000e+00> : vector<144x128xf32>
    %dot_general3A_1406 = tpu.matmul %convert_element_type3A_1400, %slice3A_1404, %dot_general3A_1405 {dimension_numbers = #tpu.dot_dimension_numbers<[1], [0], [0], [1], [0, 0, 1, 1], [], []>, transpose_lhs_hint = false} : vector<144x128xbf16>, vector<128x128xbf16>, vector<144x128xf32> -> vector<144x128xf32>
    %mul3A_1407 = arith.constant 50 : i32
    %mul3A_1408 = arith.muli %arg0, %mul3A_1407 : i32
    %add3A_1409 = arith.constant 22 : i32
    %add3A_1410 = arith.addi %mul3A_1408, %add3A_1409 : i32
    %sub3A_1411 = arith.constant 1 : i32
    %sub3A_1412 = arith.subi %add3A_1410, %sub3A_1411 : i32
    %get3A_1413 = arith.index_cast %sub3A_1412 : i32 to index
    %get3A_1414 = memref.load %arg1[%get3A_1413] : memref<2500xi32, #tpu.memory_space<smem>>
    %add3A_1415 = arith.constant 144 : i32
    %add3A_1416 = arith.addi %get3A_1414, %add3A_1415 : i32
    %iota3A_1417 = tpu.iota {dimensions = array<i32: 0>} : vector<144x1xi32>
    %add3A_1418 = vector.broadcast %multiple_of3A_1390 : i32 to vector<144x1xi32>
    %add3A_1419 = arith.addi %iota3A_1417, %add3A_1418 : vector<144x1xi32>
    %lt3A_1420 = vector.broadcast %add3A_1416 : i32 to vector<144x1xi32>
    %lt3A_1421 = arith.cmpi slt, %add3A_1419, %lt3A_1420 : vector<144x1xi32>
    %get3A_1422 = arith.index_cast %multiple_of3A_1390 : i32 to index
    %get3A_1423 = arith.constant 0 : index
    %get3A_1424 = vector.load %arg8[%get3A_1422, %get3A_1423] : memref<10240x128xf32, #tpu.memory_space<vmem>>, vector<144x128xf32>
    %get3A_1425 = arith.index_cast %multiple_of3A_1390 : i32 to index
    %get3A_1426 = arith.constant 0 : index
    %get3A_1427 = vector.load %arg9[%get3A_1425, %get3A_1426] : memref<10240x128xf32, #tpu.memory_space<vmem>>, vector<144x128xf32>
    %jit3A_1428 = arith.constant 0.000000e+00 : f32
    %broadcast_in_dim3A_1429 = vector.shape_cast %lt3A_1421 : vector<144x1xi1> to vector<144x1xi1>
    %broadcast_in_dim3A_1430 = vector.broadcast %broadcast_in_dim3A_1429 : vector<144x1xi1> to vector<144x128xi1>
    %broadcast_in_dim3A_1431 = vector.broadcast %jit3A_1428 : f32 to vector<144x128xf32>
    %select_n3A_1432 = arith.select %broadcast_in_dim3A_1430, %get3A_1424, %broadcast_in_dim3A_1431 : vector<144x128xi1>, vector<144x128xf32>
    %add3A_1433 = arith.addf %dot_general3A_1403, %select_n3A_1432 : vector<144x128xf32>
    %swap3A_1434 = arith.index_cast %multiple_of3A_1390 : i32 to index
    %swap3A_1435 = arith.constant 0 : index
    %swap3A_1436 = vector.load %arg8[%swap3A_1434, %swap3A_1435] : memref<10240x128xf32, #tpu.memory_space<vmem>>, vector<144x128xf32>
    tpu.vector_store %arg8[%swap3A_1434, %swap3A_1435], %add3A_1433 {strides = array<i32>} : memref<10240x128xf32, #tpu.memory_space<vmem>>, vector<144x128xf32>,
    %jit3A_1437 = arith.constant 0.000000e+00 : f32
    %broadcast_in_dim3A_1438 = vector.shape_cast %lt3A_1421 : vector<144x1xi1> to vector<144x1xi1>
    %broadcast_in_dim3A_1439 = vector.broadcast %broadcast_in_dim3A_1438 : vector<144x1xi1> to vector<144x128xi1>
    %broadcast_in_dim3A_1440 = vector.broadcast %jit3A_1437 : f32 to vector<144x128xf32>
    %select_n3A_1441 = arith.select %broadcast_in_dim3A_1439, %get3A_1427, %broadcast_in_dim3A_1440 : vector<144x128xi1>, vector<144x128xf32>
    %add3A_1442 = arith.addf %dot_general3A_1406, %select_n3A_1441 : vector<144x128xf32>
    %swap3A_1443 = arith.index_cast %multiple_of3A_1390 : i32 to index
    %swap3A_1444 = arith.constant 0 : index
    %swap3A_1445 = vector.load %arg9[%swap3A_1443, %swap3A_1444] : memref<10240x128xf32, #tpu.memory_space<vmem>>, vector<144x128xf32>
    tpu.vector_store %arg9[%swap3A_1443, %swap3A_1444], %add3A_1442 {strides = array<i32>} : memref<10240x128xf32, #tpu.memory_space<vmem>>, vector<144x128xf32>,
    %mul3A_1446 = arith.constant 50 : i32
    %mul3A_1447 = arith.muli %arg0, %mul3A_1446 : i32
    %add3A_1448 = arith.constant 23 : i32
    %add3A_1449 = arith.addi %mul3A_1447, %add3A_1448 : i32
    %get3A_1450 = arith.index_cast %add3A_1449 : i32 to index
    %get3A_1451 = memref.load %arg1[%get3A_1450] : memref<2500xi32, #tpu.memory_space<smem>>
    %multiple_of3A_1452 = tpu.assume_multiple %get3A_1451, 16 : i32
    %slice3A_1453 = vector.extract_strided_slice %get3A_26 {offsets = [23, 0], sizes = [1, 128], strides = [1, 1]} : vector<50x128xi32> to vector<1x128xi32>
    %sub3A_1454 = vector.broadcast %multiple_of3A_1452 : i32 to vector<1x128xi32>
    %sub3A_1455 = arith.subi %slice3A_1453, %sub3A_1454 : vector<1x128xi32>
    %iota3A_1456 = tpu.iota {dimensions = array<i32: 0>} : vector<144x128xi32>
    %broadcast_in_dim3A_1457 = vector.shape_cast %sub3A_1455 : vector<1x128xi32> to vector<1x128xi32>
    %broadcast_in_dim3A_1458 = vector.broadcast %broadcast_in_dim3A_1457 : vector<1x128xi32> to vector<144x128xi32>
    %eq3A_1459 = arith.cmpi eq, %iota3A_1456, %broadcast_in_dim3A_1458 : vector<144x128xi32>
    %convert_element_type3A_1460 = arith.extui %eq3A_1459 : vector<144x128xi1> to vector<144x128xi32>
    %convert_element_type3A_1461 = arith.sitofp %convert_element_type3A_1460 : vector<144x128xi32> to vector<144x128xf32>
    %convert_element_type3A_1462 = arith.truncf %convert_element_type3A_1461 : vector<144x128xf32> to vector<144x128xbf16>
    %slice3A_1463 = vector.extract_strided_slice %convert_element_type3A_20 {offsets = [2944, 0], sizes = [128, 128], strides = [1, 1]} : vector<6400x128xbf16> to vector<128x128xbf16>
    %dot_general3A_1464 = arith.constant dense<0.000000e+00> : vector<144x128xf32>
    %dot_general3A_1465 = tpu.matmul %convert_element_type3A_1462, %slice3A_1463, %dot_general3A_1464 {dimension_numbers = #tpu.dot_dimension_numbers<[1], [0], [0], [1], [0, 0, 1, 1], [], []>, transpose_lhs_hint = false} : vector<144x128xbf16>, vector<128x128xbf16>, vector<144x128xf32> -> vector<144x128xf32>
    %slice3A_1466 = vector.extract_strided_slice %convert_element_type3A_21 {offsets = [2944, 0], sizes = [128, 128], strides = [1, 1]} : vector<6400x128xbf16> to vector<128x128xbf16>
    %dot_general3A_1467 = arith.constant dense<0.000000e+00> : vector<144x128xf32>
    %dot_general3A_1468 = tpu.matmul %convert_element_type3A_1462, %slice3A_1466, %dot_general3A_1467 {dimension_numbers = #tpu.dot_dimension_numbers<[1], [0], [0], [1], [0, 0, 1, 1], [], []>, transpose_lhs_hint = false} : vector<144x128xbf16>, vector<128x128xbf16>, vector<144x128xf32> -> vector<144x128xf32>
    %mul3A_1469 = arith.constant 50 : i32
    %mul3A_1470 = arith.muli %arg0, %mul3A_1469 : i32
    %add3A_1471 = arith.constant 23 : i32
    %add3A_1472 = arith.addi %mul3A_1470, %add3A_1471 : i32
    %sub3A_1473 = arith.constant 1 : i32
    %sub3A_1474 = arith.subi %add3A_1472, %sub3A_1473 : i32
    %get3A_1475 = arith.index_cast %sub3A_1474 : i32 to index
    %get3A_1476 = memref.load %arg1[%get3A_1475] : memref<2500xi32, #tpu.memory_space<smem>>
    %add3A_1477 = arith.constant 144 : i32
    %add3A_1478 = arith.addi %get3A_1476, %add3A_1477 : i32
    %iota3A_1479 = tpu.iota {dimensions = array<i32: 0>} : vector<144x1xi32>
    %add3A_1480 = vector.broadcast %multiple_of3A_1452 : i32 to vector<144x1xi32>
    %add3A_1481 = arith.addi %iota3A_1479, %add3A_1480 : vector<144x1xi32>
    %lt3A_1482 = vector.broadcast %add3A_1478 : i32 to vector<144x1xi32>
    %lt3A_1483 = arith.cmpi slt, %add3A_1481, %lt3A_1482 : vector<144x1xi32>
    %get3A_1484 = arith.index_cast %multiple_of3A_1452 : i32 to index
    %get3A_1485 = arith.constant 0 : index
    %get3A_1486 = vector.load %arg8[%get3A_1484, %get3A_1485] : memref<10240x128xf32, #tpu.memory_space<vmem>>, vector<144x128xf32>
    %get3A_1487 = arith.index_cast %multiple_of3A_1452 : i32 to index
    %get3A_1488 = arith.constant 0 : index
    %get3A_1489 = vector.load %arg9[%get3A_1487, %get3A_1488] : memref<10240x128xf32, #tpu.memory_space<vmem>>, vector<144x128xf32>
    %jit3A_1490 = arith.constant 0.000000e+00 : f32
    %broadcast_in_dim3A_1491 = vector.shape_cast %lt3A_1483 : vector<144x1xi1> to vector<144x1xi1>
    %broadcast_in_dim3A_1492 = vector.broadcast %broadcast_in_dim3A_1491 : vector<144x1xi1> to vector<144x128xi1>
    %broadcast_in_dim3A_1493 = vector.broadcast %jit3A_1490 : f32 to vector<144x128xf32>
    %select_n3A_1494 = arith.select %broadcast_in_dim3A_1492, %get3A_1486, %broadcast_in_dim3A_1493 : vector<144x128xi1>, vector<144x128xf32>
    %add3A_1495 = arith.addf %dot_general3A_1465, %select_n3A_1494 : vector<144x128xf32>
    %swap3A_1496 = arith.index_cast %multiple_of3A_1452 : i32 to index
    %swap3A_1497 = arith.constant 0 : index
    %swap3A_1498 = vector.load %arg8[%swap3A_1496, %swap3A_1497] : memref<10240x128xf32, #tpu.memory_space<vmem>>, vector<144x128xf32>
    tpu.vector_store %arg8[%swap3A_1496, %swap3A_1497], %add3A_1495 {strides = array<i32>} : memref<10240x128xf32, #tpu.memory_space<vmem>>, vector<144x128xf32>,
    %jit3A_1499 = arith.constant 0.000000e+00 : f32
    %broadcast_in_dim3A_1500 = vector.shape_cast %lt3A_1483 : vector<144x1xi1> to vector<144x1xi1>
    %broadcast_in_dim3A_1501 = vector.broadcast %broadcast_in_dim3A_1500 : vector<144x1xi1> to vector<144x128xi1>
    %broadcast_in_dim3A_1502 = vector.broadcast %jit3A_1499 : f32 to vector<144x128xf32>
    %select_n3A_1503 = arith.select %broadcast_in_dim3A_1501, %get3A_1489, %broadcast_in_dim3A_1502 : vector<144x128xi1>, vector<144x128xf32>
    %add3A_1504 = arith.addf %dot_general3A_1468, %select_n3A_1503 : vector<144x128xf32>
    %swap3A_1505 = arith.index_cast %multiple_of3A_1452 : i32 to index
    %swap3A_1506 = arith.constant 0 : index
    %swap3A_1507 = vector.load %arg9[%swap3A_1505, %swap3A_1506] : memref<10240x128xf32, #tpu.memory_space<vmem>>, vector<144x128xf32>
    tpu.vector_store %arg9[%swap3A_1505, %swap3A_1506], %add3A_1504 {strides = array<i32>} : memref<10240x128xf32, #tpu.memory_space<vmem>>, vector<144x128xf32>,
    %mul3A_1508 = arith.constant 50 : i32
    %mul3A_1509 = arith.muli %arg0, %mul3A_1508 : i32
    %add3A_1510 = arith.constant 24 : i32
    %add3A_1511 = arith.addi %mul3A_1509, %add3A_1510 : i32
    %get3A_1512 = arith.index_cast %add3A_1511 : i32 to index
    %get3A_1513 = memref.load %arg1[%get3A_1512] : memref<2500xi32, #tpu.memory_space<smem>>
    %multiple_of3A_1514 = tpu.assume_multiple %get3A_1513, 16 : i32
    %slice3A_1515 = vector.extract_strided_slice %get3A_26 {offsets = [24, 0], sizes = [1, 128], strides = [1, 1]} : vector<50x128xi32> to vector<1x128xi32>
    %sub3A_1516 = vector.broadcast %multiple_of3A_1514 : i32 to vector<1x128xi32>
    %sub3A_1517 = arith.subi %slice3A_1515, %sub3A_1516 : vector<1x128xi32>
    %iota3A_1518 = tpu.iota {dimensions = array<i32: 0>} : vector<144x128xi32>
    %broadcast_in_dim3A_1519 = vector.shape_cast %sub3A_1517 : vector<1x128xi32> to vector<1x128xi32>
    %broadcast_in_dim3A_1520 = vector.broadcast %broadcast_in_dim3A_1519 : vector<1x128xi32> to vector<144x128xi32>
    %eq3A_1521 = arith.cmpi eq, %iota3A_1518, %broadcast_in_dim3A_1520 : vector<144x128xi32>
    %convert_element_type3A_1522 = arith.extui %eq3A_1521 : vector<144x128xi1> to vector<144x128xi32>
    %convert_element_type3A_1523 = arith.sitofp %convert_element_type3A_1522 : vector<144x128xi32> to vector<144x128xf32>
    %convert_element_type3A_1524 = arith.truncf %convert_element_type3A_1523 : vector<144x128xf32> to vector<144x128xbf16>
    %slice3A_1525 = vector.extract_strided_slice %convert_element_type3A_20 {offsets = [3072, 0], sizes = [128, 128], strides = [1, 1]} : vector<6400x128xbf16> to vector<128x128xbf16>
    %dot_general3A_1526 = arith.constant dense<0.000000e+00> : vector<144x128xf32>
    %dot_general3A_1527 = tpu.matmul %convert_element_type3A_1524, %slice3A_1525, %dot_general3A_1526 {dimension_numbers = #tpu.dot_dimension_numbers<[1], [0], [0], [1], [0, 0, 1, 1], [], []>, transpose_lhs_hint = false} : vector<144x128xbf16>, vector<128x128xbf16>, vector<144x128xf32> -> vector<144x128xf32>
    %slice3A_1528 = vector.extract_strided_slice %convert_element_type3A_21 {offsets = [3072, 0], sizes = [128, 128], strides = [1, 1]} : vector<6400x128xbf16> to vector<128x128xbf16>
    %dot_general3A_1529 = arith.constant dense<0.000000e+00> : vector<144x128xf32>
    %dot_general3A_1530 = tpu.matmul %convert_element_type3A_1524, %slice3A_1528, %dot_general3A_1529 {dimension_numbers = #tpu.dot_dimension_numbers<[1], [0], [0], [1], [0, 0, 1, 1], [], []>, transpose_lhs_hint = false} : vector<144x128xbf16>, vector<128x128xbf16>, vector<144x128xf32> -> vector<144x128xf32>
    %mul3A_1531 = arith.constant 50 : i32
    %mul3A_1532 = arith.muli %arg0, %mul3A_1531 : i32
    %add3A_1533 = arith.constant 24 : i32
    %add3A_1534 = arith.addi %mul3A_1532, %add3A_1533 : i32
    %sub3A_1535 = arith.constant 1 : i32
    %sub3A_1536 = arith.subi %add3A_1534, %sub3A_1535 : i32
    %get3A_1537 = arith.index_cast %sub3A_1536 : i32 to index
    %get3A_1538 = memref.load %arg1[%get3A_1537] : memref<2500xi32, #tpu.memory_space<smem>>
    %add3A_1539 = arith.constant 144 : i32
    %add3A_1540 = arith.addi %get3A_1538, %add3A_1539 : i32
    %iota3A_1541 = tpu.iota {dimensions = array<i32: 0>} : vector<144x1xi32>
    %add3A_1542 = vector.broadcast %multiple_of3A_1514 : i32 to vector<144x1xi32>
    %add3A_1543 = arith.addi %iota3A_1541, %add3A_1542 : vector<144x1xi32>
    %lt3A_1544 = vector.broadcast %add3A_1540 : i32 to vector<144x1xi32>
    %lt3A_1545 = arith.cmpi slt, %add3A_1543, %lt3A_1544 : vector<144x1xi32>
    %get3A_1546 = arith.index_cast %multiple_of3A_1514 : i32 to index
    %get3A_1547 = arith.constant 0 : index
    %get3A_1548 = vector.load %arg8[%get3A_1546, %get3A_1547] : memref<10240x128xf32, #tpu.memory_space<vmem>>, vector<144x128xf32>
    %get3A_1549 = arith.index_cast %multiple_of3A_1514 : i32 to index
    %get3A_1550 = arith.constant 0 : index
    %get3A_1551 = vector.load %arg9[%get3A_1549, %get3A_1550] : memref<10240x128xf32, #tpu.memory_space<vmem>>, vector<144x128xf32>
    %jit3A_1552 = arith.constant 0.000000e+00 : f32
    %broadcast_in_dim3A_1553 = vector.shape_cast %lt3A_1545 : vector<144x1xi1> to vector<144x1xi1>
    %broadcast_in_dim3A_1554 = vector.broadcast %broadcast_in_dim3A_1553 : vector<144x1xi1> to vector<144x128xi1>
    %broadcast_in_dim3A_1555 = vector.broadcast %jit3A_1552 : f32 to vector<144x128xf32>
    %select_n3A_1556 = arith.select %broadcast_in_dim3A_1554, %get3A_1548, %broadcast_in_dim3A_1555 : vector<144x128xi1>, vector<144x128xf32>
    %add3A_1557 = arith.addf %dot_general3A_1527, %select_n3A_1556 : vector<144x128xf32>
    %swap3A_1558 = arith.index_cast %multiple_of3A_1514 : i32 to index
    %swap3A_1559 = arith.constant 0 : index
    %swap3A_1560 = vector.load %arg8[%swap3A_1558, %swap3A_1559] : memref<10240x128xf32, #tpu.memory_space<vmem>>, vector<144x128xf32>
    tpu.vector_store %arg8[%swap3A_1558, %swap3A_1559], %add3A_1557 {strides = array<i32>} : memref<10240x128xf32, #tpu.memory_space<vmem>>, vector<144x128xf32>,
    %jit3A_1561 = arith.constant 0.000000e+00 : f32
    %broadcast_in_dim3A_1562 = vector.shape_cast %lt3A_1545 : vector<144x1xi1> to vector<144x1xi1>
    %broadcast_in_dim3A_1563 = vector.broadcast %broadcast_in_dim3A_1562 : vector<144x1xi1> to vector<144x128xi1>
    %broadcast_in_dim3A_1564 = vector.broadcast %jit3A_1561 : f32 to vector<144x128xf32>
    %select_n3A_1565 = arith.select %broadcast_in_dim3A_1563, %get3A_1551, %broadcast_in_dim3A_1564 : vector<144x128xi1>, vector<144x128xf32>
    %add3A_1566 = arith.addf %dot_general3A_1530, %select_n3A_1565 : vector<144x128xf32>
    %swap3A_1567 = arith.index_cast %multiple_of3A_1514 : i32 to index
    %swap3A_1568 = arith.constant 0 : index
    %swap3A_1569 = vector.load %arg9[%swap3A_1567, %swap3A_1568] : memref<10240x128xf32, #tpu.memory_space<vmem>>, vector<144x128xf32>
    tpu.vector_store %arg9[%swap3A_1567, %swap3A_1568], %add3A_1566 {strides = array<i32>} : memref<10240x128xf32, #tpu.memory_space<vmem>>, vector<144x128xf32>,
    %mul3A_1570 = arith.constant 50 : i32
    %mul3A_1571 = arith.muli %arg0, %mul3A_1570 : i32
    %add3A_1572 = arith.constant 25 : i32
    %add3A_1573 = arith.addi %mul3A_1571, %add3A_1572 : i32
    %get3A_1574 = arith.index_cast %add3A_1573 : i32 to index
    %get3A_1575 = memref.load %arg1[%get3A_1574] : memref<2500xi32, #tpu.memory_space<smem>>
    %multiple_of3A_1576 = tpu.assume_multiple %get3A_1575, 16 : i32
    %slice3A_1577 = vector.extract_strided_slice %get3A_26 {offsets = [25, 0], sizes = [1, 128], strides = [1, 1]} : vector<50x128xi32> to vector<1x128xi32>
    %sub3A_1578 = vector.broadcast %multiple_of3A_1576 : i32 to vector<1x128xi32>
    %sub3A_1579 = arith.subi %slice3A_1577, %sub3A_1578 : vector<1x128xi32>
    %iota3A_1580 = tpu.iota {dimensions = array<i32: 0>} : vector<144x128xi32>
    %broadcast_in_dim3A_1581 = vector.shape_cast %sub3A_1579 : vector<1x128xi32> to vector<1x128xi32>
    %broadcast_in_dim3A_1582 = vector.broadcast %broadcast_in_dim3A_1581 : vector<1x128xi32> to vector<144x128xi32>
    %eq3A_1583 = arith.cmpi eq, %iota3A_1580, %broadcast_in_dim3A_1582 : vector<144x128xi32>
    %convert_element_type3A_1584 = arith.extui %eq3A_1583 : vector<144x128xi1> to vector<144x128xi32>
    %convert_element_type3A_1585 = arith.sitofp %convert_element_type3A_1584 : vector<144x128xi32> to vector<144x128xf32>
    %convert_element_type3A_1586 = arith.truncf %convert_element_type3A_1585 : vector<144x128xf32> to vector<144x128xbf16>
    %slice3A_1587 = vector.extract_strided_slice %convert_element_type3A_20 {offsets = [3200, 0], sizes = [128, 128], strides = [1, 1]} : vector<6400x128xbf16> to vector<128x128xbf16>
    %dot_general3A_1588 = arith.constant dense<0.000000e+00> : vector<144x128xf32>
    %dot_general3A_1589 = tpu.matmul %convert_element_type3A_1586, %slice3A_1587, %dot_general3A_1588 {dimension_numbers = #tpu.dot_dimension_numbers<[1], [0], [0], [1], [0, 0, 1, 1], [], []>, transpose_lhs_hint = false} : vector<144x128xbf16>, vector<128x128xbf16>, vector<144x128xf32> -> vector<144x128xf32>
    %slice3A_1590 = vector.extract_strided_slice %convert_element_type3A_21 {offsets = [3200, 0], sizes = [128, 128], strides = [1, 1]} : vector<6400x128xbf16> to vector<128x128xbf16>
    %dot_general3A_1591 = arith.constant dense<0.000000e+00> : vector<144x128xf32>
    %dot_general3A_1592 = tpu.matmul %convert_element_type3A_1586, %slice3A_1590, %dot_general3A_1591 {dimension_numbers = #tpu.dot_dimension_numbers<[1], [0], [0], [1], [0, 0, 1, 1], [], []>, transpose_lhs_hint = false} : vector<144x128xbf16>, vector<128x128xbf16>, vector<144x128xf32> -> vector<144x128xf32>
    %mul3A_1593 = arith.constant 50 : i32
    %mul3A_1594 = arith.muli %arg0, %mul3A_1593 : i32
    %add3A_1595 = arith.constant 25 : i32
    %add3A_1596 = arith.addi %mul3A_1594, %add3A_1595 : i32
    %sub3A_1597 = arith.constant 1 : i32
    %sub3A_1598 = arith.subi %add3A_1596, %sub3A_1597 : i32
    %get3A_1599 = arith.index_cast %sub3A_1598 : i32 to index
    %get3A_1600 = memref.load %arg1[%get3A_1599] : memref<2500xi32, #tpu.memory_space<smem>>
    %add3A_1601 = arith.constant 144 : i32
    %add3A_1602 = arith.addi %get3A_1600, %add3A_1601 : i32
    %iota3A_1603 = tpu.iota {dimensions = array<i32: 0>} : vector<144x1xi32>
    %add3A_1604 = vector.broadcast %multiple_of3A_1576 : i32 to vector<144x1xi32>
    %add3A_1605 = arith.addi %iota3A_1603, %add3A_1604 : vector<144x1xi32>
    %lt3A_1606 = vector.broadcast %add3A_1602 : i32 to vector<144x1xi32>
    %lt3A_1607 = arith.cmpi slt, %add3A_1605, %lt3A_1606 : vector<144x1xi32>
    %get3A_1608 = arith.index_cast %multiple_of3A_1576 : i32 to index
    %get3A_1609 = arith.constant 0 : index
    %get3A_1610 = vector.load %arg8[%get3A_1608, %get3A_1609] : memref<10240x128xf32, #tpu.memory_space<vmem>>, vector<144x128xf32>
    %get3A_1611 = arith.index_cast %multiple_of3A_1576 : i32 to index
    %get3A_1612 = arith.constant 0 : index
    %get3A_1613 = vector.load %arg9[%get3A_1611, %get3A_1612] : memref<10240x128xf32, #tpu.memory_space<vmem>>, vector<144x128xf32>
    %jit3A_1614 = arith.constant 0.000000e+00 : f32
    %broadcast_in_dim3A_1615 = vector.shape_cast %lt3A_1607 : vector<144x1xi1> to vector<144x1xi1>
    %broadcast_in_dim3A_1616 = vector.broadcast %broadcast_in_dim3A_1615 : vector<144x1xi1> to vector<144x128xi1>
    %broadcast_in_dim3A_1617 = vector.broadcast %jit3A_1614 : f32 to vector<144x128xf32>
    %select_n3A_1618 = arith.select %broadcast_in_dim3A_1616, %get3A_1610, %broadcast_in_dim3A_1617 : vector<144x128xi1>, vector<144x128xf32>
    %add3A_1619 = arith.addf %dot_general3A_1589, %select_n3A_1618 : vector<144x128xf32>
    %swap3A_1620 = arith.index_cast %multiple_of3A_1576 : i32 to index
    %swap3A_1621 = arith.constant 0 : index
    %swap3A_1622 = vector.load %arg8[%swap3A_1620, %swap3A_1621] : memref<10240x128xf32, #tpu.memory_space<vmem>>, vector<144x128xf32>
    tpu.vector_store %arg8[%swap3A_1620, %swap3A_1621], %add3A_1619 {strides = array<i32>} : memref<10240x128xf32, #tpu.memory_space<vmem>>, vector<144x128xf32>,
    %jit3A_1623 = arith.constant 0.000000e+00 : f32
    %broadcast_in_dim3A_1624 = vector.shape_cast %lt3A_1607 : vector<144x1xi1> to vector<144x1xi1>
    %broadcast_in_dim3A_1625 = vector.broadcast %broadcast_in_dim3A_1624 : vector<144x1xi1> to vector<144x128xi1>
    %broadcast_in_dim3A_1626 = vector.broadcast %jit3A_1623 : f32 to vector<144x128xf32>
    %select_n3A_1627 = arith.select %broadcast_in_dim3A_1625, %get3A_1613, %broadcast_in_dim3A_1626 : vector<144x128xi1>, vector<144x128xf32>
    %add3A_1628 = arith.addf %dot_general3A_1592, %select_n3A_1627 : vector<144x128xf32>
    %swap3A_1629 = arith.index_cast %multiple_of3A_1576 : i32 to index
    %swap3A_1630 = arith.constant 0 : index
    %swap3A_1631 = vector.load %arg9[%swap3A_1629, %swap3A_1630] : memref<10240x128xf32, #tpu.memory_space<vmem>>, vector<144x128xf32>
    tpu.vector_store %arg9[%swap3A_1629, %swap3A_1630], %add3A_1628 {strides = array<i32>} : memref<10240x128xf32, #tpu.memory_space<vmem>>, vector<144x128xf32>,
    %mul3A_1632 = arith.constant 50 : i32
    %mul3A_1633 = arith.muli %arg0, %mul3A_1632 : i32
    %add3A_1634 = arith.constant 26 : i32
    %add3A_1635 = arith.addi %mul3A_1633, %add3A_1634 : i32
    %get3A_1636 = arith.index_cast %add3A_1635 : i32 to index
    %get3A_1637 = memref.load %arg1[%get3A_1636] : memref<2500xi32, #tpu.memory_space<smem>>
    %multiple_of3A_1638 = tpu.assume_multiple %get3A_1637, 16 : i32
    %slice3A_1639 = vector.extract_strided_slice %get3A_26 {offsets = [26, 0], sizes = [1, 128], strides = [1, 1]} : vector<50x128xi32> to vector<1x128xi32>
    %sub3A_1640 = vector.broadcast %multiple_of3A_1638 : i32 to vector<1x128xi32>
    %sub3A_1641 = arith.subi %slice3A_1639, %sub3A_1640 : vector<1x128xi32>
    %iota3A_1642 = tpu.iota {dimensions = array<i32: 0>} : vector<144x128xi32>
    %broadcast_in_dim3A_1643 = vector.shape_cast %sub3A_1641 : vector<1x128xi32> to vector<1x128xi32>
    %broadcast_in_dim3A_1644 = vector.broadcast %broadcast_in_dim3A_1643 : vector<1x128xi32> to vector<144x128xi32>
    %eq3A_1645 = arith.cmpi eq, %iota3A_1642, %broadcast_in_dim3A_1644 : vector<144x128xi32>
    %convert_element_type3A_1646 = arith.extui %eq3A_1645 : vector<144x128xi1> to vector<144x128xi32>
    %convert_element_type3A_1647 = arith.sitofp %convert_element_type3A_1646 : vector<144x128xi32> to vector<144x128xf32>
    %convert_element_type3A_1648 = arith.truncf %convert_element_type3A_1647 : vector<144x128xf32> to vector<144x128xbf16>
    %slice3A_1649 = vector.extract_strided_slice %convert_element_type3A_20 {offsets = [3328, 0], sizes = [128, 128], strides = [1, 1]} : vector<6400x128xbf16> to vector<128x128xbf16>
    %dot_general3A_1650 = arith.constant dense<0.000000e+00> : vector<144x128xf32>
    %dot_general3A_1651 = tpu.matmul %convert_element_type3A_1648, %slice3A_1649, %dot_general3A_1650 {dimension_numbers = #tpu.dot_dimension_numbers<[1], [0], [0], [1], [0, 0, 1, 1], [], []>, transpose_lhs_hint = false} : vector<144x128xbf16>, vector<128x128xbf16>, vector<144x128xf32> -> vector<144x128xf32>
    %slice3A_1652 = vector.extract_strided_slice %convert_element_type3A_21 {offsets = [3328, 0], sizes = [128, 128], strides = [1, 1]} : vector<6400x128xbf16> to vector<128x128xbf16>
    %dot_general3A_1653 = arith.constant dense<0.000000e+00> : vector<144x128xf32>
    %dot_general3A_1654 = tpu.matmul %convert_element_type3A_1648, %slice3A_1652, %dot_general3A_1653 {dimension_numbers = #tpu.dot_dimension_numbers<[1], [0], [0], [1], [0, 0, 1, 1], [], []>, transpose_lhs_hint = false} : vector<144x128xbf16>, vector<128x128xbf16>, vector<144x128xf32> -> vector<144x128xf32>
    %mul3A_1655 = arith.constant 50 : i32
    %mul3A_1656 = arith.muli %arg0, %mul3A_1655 : i32
    %add3A_1657 = arith.constant 26 : i32
    %add3A_1658 = arith.addi %mul3A_1656, %add3A_1657 : i32
    %sub3A_1659 = arith.constant 1 : i32
    %sub3A_1660 = arith.subi %add3A_1658, %sub3A_1659 : i32
    %get3A_1661 = arith.index_cast %sub3A_1660 : i32 to index
    %get3A_1662 = memref.load %arg1[%get3A_1661] : memref<2500xi32, #tpu.memory_space<smem>>
    %add3A_1663 = arith.constant 144 : i32
    %add3A_1664 = arith.addi %get3A_1662, %add3A_1663 : i32
    %iota3A_1665 = tpu.iota {dimensions = array<i32: 0>} : vector<144x1xi32>
    %add3A_1666 = vector.broadcast %multiple_of3A_1638 : i32 to vector<144x1xi32>
    %add3A_1667 = arith.addi %iota3A_1665, %add3A_1666 : vector<144x1xi32>
    %lt3A_1668 = vector.broadcast %add3A_1664 : i32 to vector<144x1xi32>
    %lt3A_1669 = arith.cmpi slt, %add3A_1667, %lt3A_1668 : vector<144x1xi32>
    %get3A_1670 = arith.index_cast %multiple_of3A_1638 : i32 to index
    %get3A_1671 = arith.constant 0 : index
    %get3A_1672 = vector.load %arg8[%get3A_1670, %get3A_1671] : memref<10240x128xf32, #tpu.memory_space<vmem>>, vector<144x128xf32>
    %get3A_1673 = arith.index_cast %multiple_of3A_1638 : i32 to index
    %get3A_1674 = arith.constant 0 : index
    %get3A_1675 = vector.load %arg9[%get3A_1673, %get3A_1674] : memref<10240x128xf32, #tpu.memory_space<vmem>>, vector<144x128xf32>
    %jit3A_1676 = arith.constant 0.000000e+00 : f32
    %broadcast_in_dim3A_1677 = vector.shape_cast %lt3A_1669 : vector<144x1xi1> to vector<144x1xi1>
    %broadcast_in_dim3A_1678 = vector.broadcast %broadcast_in_dim3A_1677 : vector<144x1xi1> to vector<144x128xi1>
    %broadcast_in_dim3A_1679 = vector.broadcast %jit3A_1676 : f32 to vector<144x128xf32>
    %select_n3A_1680 = arith.select %broadcast_in_dim3A_1678, %get3A_1672, %broadcast_in_dim3A_1679 : vector<144x128xi1>, vector<144x128xf32>
    %add3A_1681 = arith.addf %dot_general3A_1651, %select_n3A_1680 : vector<144x128xf32>
    %swap3A_1682 = arith.index_cast %multiple_of3A_1638 : i32 to index
    %swap3A_1683 = arith.constant 0 : index
    %swap3A_1684 = vector.load %arg8[%swap3A_1682, %swap3A_1683] : memref<10240x128xf32, #tpu.memory_space<vmem>>, vector<144x128xf32>
    tpu.vector_store %arg8[%swap3A_1682, %swap3A_1683], %add3A_1681 {strides = array<i32>} : memref<10240x128xf32, #tpu.memory_space<vmem>>, vector<144x128xf32>,
    %jit3A_1685 = arith.constant 0.000000e+00 : f32
    %broadcast_in_dim3A_1686 = vector.shape_cast %lt3A_1669 : vector<144x1xi1> to vector<144x1xi1>
    %broadcast_in_dim3A_1687 = vector.broadcast %broadcast_in_dim3A_1686 : vector<144x1xi1> to vector<144x128xi1>
    %broadcast_in_dim3A_1688 = vector.broadcast %jit3A_1685 : f32 to vector<144x128xf32>
    %select_n3A_1689 = arith.select %broadcast_in_dim3A_1687, %get3A_1675, %broadcast_in_dim3A_1688 : vector<144x128xi1>, vector<144x128xf32>
    %add3A_1690 = arith.addf %dot_general3A_1654, %select_n3A_1689 : vector<144x128xf32>
    %swap3A_1691 = arith.index_cast %multiple_of3A_1638 : i32 to index
    %swap3A_1692 = arith.constant 0 : index
    %swap3A_1693 = vector.load %arg9[%swap3A_1691, %swap3A_1692] : memref<10240x128xf32, #tpu.memory_space<vmem>>, vector<144x128xf32>
    tpu.vector_store %arg9[%swap3A_1691, %swap3A_1692], %add3A_1690 {strides = array<i32>} : memref<10240x128xf32, #tpu.memory_space<vmem>>, vector<144x128xf32>,
    %mul3A_1694 = arith.constant 50 : i32
    %mul3A_1695 = arith.muli %arg0, %mul3A_1694 : i32
    %add3A_1696 = arith.constant 27 : i32
    %add3A_1697 = arith.addi %mul3A_1695, %add3A_1696 : i32
    %get3A_1698 = arith.index_cast %add3A_1697 : i32 to index
    %get3A_1699 = memref.load %arg1[%get3A_1698] : memref<2500xi32, #tpu.memory_space<smem>>
    %multiple_of3A_1700 = tpu.assume_multiple %get3A_1699, 16 : i32
    %slice3A_1701 = vector.extract_strided_slice %get3A_26 {offsets = [27, 0], sizes = [1, 128], strides = [1, 1]} : vector<50x128xi32> to vector<1x128xi32>
    %sub3A_1702 = vector.broadcast %multiple_of3A_1700 : i32 to vector<1x128xi32>
    %sub3A_1703 = arith.subi %slice3A_1701, %sub3A_1702 : vector<1x128xi32>
    %iota3A_1704 = tpu.iota {dimensions = array<i32: 0>} : vector<144x128xi32>
    %broadcast_in_dim3A_1705 = vector.shape_cast %sub3A_1703 : vector<1x128xi32> to vector<1x128xi32>
    %broadcast_in_dim3A_1706 = vector.broadcast %broadcast_in_dim3A_1705 : vector<1x128xi32> to vector<144x128xi32>
    %eq3A_1707 = arith.cmpi eq, %iota3A_1704, %broadcast_in_dim3A_1706 : vector<144x128xi32>
    %convert_element_type3A_1708 = arith.extui %eq3A_1707 : vector<144x128xi1> to vector<144x128xi32>
    %convert_element_type3A_1709 = arith.sitofp %convert_element_type3A_1708 : vector<144x128xi32> to vector<144x128xf32>
    %convert_element_type3A_1710 = arith.truncf %convert_element_type3A_1709 : vector<144x128xf32> to vector<144x128xbf16>
    %slice3A_1711 = vector.extract_strided_slice %convert_element_type3A_20 {offsets = [3456, 0], sizes = [128, 128], strides = [1, 1]} : vector<6400x128xbf16> to vector<128x128xbf16>
    %dot_general3A_1712 = arith.constant dense<0.000000e+00> : vector<144x128xf32>
    %dot_general3A_1713 = tpu.matmul %convert_element_type3A_1710, %slice3A_1711, %dot_general3A_1712 {dimension_numbers = #tpu.dot_dimension_numbers<[1], [0], [0], [1], [0, 0, 1, 1], [], []>, transpose_lhs_hint = false} : vector<144x128xbf16>, vector<128x128xbf16>, vector<144x128xf32> -> vector<144x128xf32>
    %slice3A_1714 = vector.extract_strided_slice %convert_element_type3A_21 {offsets = [3456, 0], sizes = [128, 128], strides = [1, 1]} : vector<6400x128xbf16> to vector<128x128xbf16>
    %dot_general3A_1715 = arith.constant dense<0.000000e+00> : vector<144x128xf32>
    %dot_general3A_1716 = tpu.matmul %convert_element_type3A_1710, %slice3A_1714, %dot_general3A_1715 {dimension_numbers = #tpu.dot_dimension_numbers<[1], [0], [0], [1], [0, 0, 1, 1], [], []>, transpose_lhs_hint = false} : vector<144x128xbf16>, vector<128x128xbf16>, vector<144x128xf32> -> vector<144x128xf32>
    %mul3A_1717 = arith.constant 50 : i32
    %mul3A_1718 = arith.muli %arg0, %mul3A_1717 : i32
    %add3A_1719 = arith.constant 27 : i32
    %add3A_1720 = arith.addi %mul3A_1718, %add3A_1719 : i32
    %sub3A_1721 = arith.constant 1 : i32
    %sub3A_1722 = arith.subi %add3A_1720, %sub3A_1721 : i32
    %get3A_1723 = arith.index_cast %sub3A_1722 : i32 to index
    %get3A_1724 = memref.load %arg1[%get3A_1723] : memref<2500xi32, #tpu.memory_space<smem>>
    %add3A_1725 = arith.constant 144 : i32
    %add3A_1726 = arith.addi %get3A_1724, %add3A_1725 : i32
    %iota3A_1727 = tpu.iota {dimensions = array<i32: 0>} : vector<144x1xi32>
    %add3A_1728 = vector.broadcast %multiple_of3A_1700 : i32 to vector<144x1xi32>
    %add3A_1729 = arith.addi %iota3A_1727, %add3A_1728 : vector<144x1xi32>
    %lt3A_1730 = vector.broadcast %add3A_1726 : i32 to vector<144x1xi32>
    %lt3A_1731 = arith.cmpi slt, %add3A_1729, %lt3A_1730 : vector<144x1xi32>
    %get3A_1732 = arith.index_cast %multiple_of3A_1700 : i32 to index
    %get3A_1733 = arith.constant 0 : index
    %get3A_1734 = vector.load %arg8[%get3A_1732, %get3A_1733] : memref<10240x128xf32, #tpu.memory_space<vmem>>, vector<144x128xf32>
    %get3A_1735 = arith.index_cast %multiple_of3A_1700 : i32 to index
    %get3A_1736 = arith.constant 0 : index
    %get3A_1737 = vector.load %arg9[%get3A_1735, %get3A_1736] : memref<10240x128xf32, #tpu.memory_space<vmem>>, vector<144x128xf32>
    %jit3A_1738 = arith.constant 0.000000e+00 : f32
    %broadcast_in_dim3A_1739 = vector.shape_cast %lt3A_1731 : vector<144x1xi1> to vector<144x1xi1>
    %broadcast_in_dim3A_1740 = vector.broadcast %broadcast_in_dim3A_1739 : vector<144x1xi1> to vector<144x128xi1>
    %broadcast_in_dim3A_1741 = vector.broadcast %jit3A_1738 : f32 to vector<144x128xf32>
    %select_n3A_1742 = arith.select %broadcast_in_dim3A_1740, %get3A_1734, %broadcast_in_dim3A_1741 : vector<144x128xi1>, vector<144x128xf32>
    %add3A_1743 = arith.addf %dot_general3A_1713, %select_n3A_1742 : vector<144x128xf32>
    %swap3A_1744 = arith.index_cast %multiple_of3A_1700 : i32 to index
    %swap3A_1745 = arith.constant 0 : index
    %swap3A_1746 = vector.load %arg8[%swap3A_1744, %swap3A_1745] : memref<10240x128xf32, #tpu.memory_space<vmem>>, vector<144x128xf32>
    tpu.vector_store %arg8[%swap3A_1744, %swap3A_1745], %add3A_1743 {strides = array<i32>} : memref<10240x128xf32, #tpu.memory_space<vmem>>, vector<144x128xf32>,
    %jit3A_1747 = arith.constant 0.000000e+00 : f32
    %broadcast_in_dim3A_1748 = vector.shape_cast %lt3A_1731 : vector<144x1xi1> to vector<144x1xi1>
    %broadcast_in_dim3A_1749 = vector.broadcast %broadcast_in_dim3A_1748 : vector<144x1xi1> to vector<144x128xi1>
    %broadcast_in_dim3A_1750 = vector.broadcast %jit3A_1747 : f32 to vector<144x128xf32>
    %select_n3A_1751 = arith.select %broadcast_in_dim3A_1749, %get3A_1737, %broadcast_in_dim3A_1750 : vector<144x128xi1>, vector<144x128xf32>
    %add3A_1752 = arith.addf %dot_general3A_1716, %select_n3A_1751 : vector<144x128xf32>
    %swap3A_1753 = arith.index_cast %multiple_of3A_1700 : i32 to index
    %swap3A_1754 = arith.constant 0 : index
    %swap3A_1755 = vector.load %arg9[%swap3A_1753, %swap3A_1754] : memref<10240x128xf32, #tpu.memory_space<vmem>>, vector<144x128xf32>
    tpu.vector_store %arg9[%swap3A_1753, %swap3A_1754], %add3A_1752 {strides = array<i32>} : memref<10240x128xf32, #tpu.memory_space<vmem>>, vector<144x128xf32>,
    %mul3A_1756 = arith.constant 50 : i32
    %mul3A_1757 = arith.muli %arg0, %mul3A_1756 : i32
    %add3A_1758 = arith.constant 28 : i32
    %add3A_1759 = arith.addi %mul3A_1757, %add3A_1758 : i32
    %get3A_1760 = arith.index_cast %add3A_1759 : i32 to index
    %get3A_1761 = memref.load %arg1[%get3A_1760] : memref<2500xi32, #tpu.memory_space<smem>>
    %multiple_of3A_1762 = tpu.assume_multiple %get3A_1761, 16 : i32
    %slice3A_1763 = vector.extract_strided_slice %get3A_26 {offsets = [28, 0], sizes = [1, 128], strides = [1, 1]} : vector<50x128xi32> to vector<1x128xi32>
    %sub3A_1764 = vector.broadcast %multiple_of3A_1762 : i32 to vector<1x128xi32>
    %sub3A_1765 = arith.subi %slice3A_1763, %sub3A_1764 : vector<1x128xi32>
    %iota3A_1766 = tpu.iota {dimensions = array<i32: 0>} : vector<144x128xi32>
    %broadcast_in_dim3A_1767 = vector.shape_cast %sub3A_1765 : vector<1x128xi32> to vector<1x128xi32>
    %broadcast_in_dim3A_1768 = vector.broadcast %broadcast_in_dim3A_1767 : vector<1x128xi32> to vector<144x128xi32>
    %eq3A_1769 = arith.cmpi eq, %iota3A_1766, %broadcast_in_dim3A_1768 : vector<144x128xi32>
    %convert_element_type3A_1770 = arith.extui %eq3A_1769 : vector<144x128xi1> to vector<144x128xi32>
    %convert_element_type3A_1771 = arith.sitofp %convert_element_type3A_1770 : vector<144x128xi32> to vector<144x128xf32>
    %convert_element_type3A_1772 = arith.truncf %convert_element_type3A_1771 : vector<144x128xf32> to vector<144x128xbf16>
    %slice3A_1773 = vector.extract_strided_slice %convert_element_type3A_20 {offsets = [3584, 0], sizes = [128, 128], strides = [1, 1]} : vector<6400x128xbf16> to vector<128x128xbf16>
    %dot_general3A_1774 = arith.constant dense<0.000000e+00> : vector<144x128xf32>
    %dot_general3A_1775 = tpu.matmul %convert_element_type3A_1772, %slice3A_1773, %dot_general3A_1774 {dimension_numbers = #tpu.dot_dimension_numbers<[1], [0], [0], [1], [0, 0, 1, 1], [], []>, transpose_lhs_hint = false} : vector<144x128xbf16>, vector<128x128xbf16>, vector<144x128xf32> -> vector<144x128xf32>
    %slice3A_1776 = vector.extract_strided_slice %convert_element_type3A_21 {offsets = [3584, 0], sizes = [128, 128], strides = [1, 1]} : vector<6400x128xbf16> to vector<128x128xbf16>
    %dot_general3A_1777 = arith.constant dense<0.000000e+00> : vector<144x128xf32>
    %dot_general3A_1778 = tpu.matmul %convert_element_type3A_1772, %slice3A_1776, %dot_general3A_1777 {dimension_numbers = #tpu.dot_dimension_numbers<[1], [0], [0], [1], [0, 0, 1, 1], [], []>, transpose_lhs_hint = false} : vector<144x128xbf16>, vector<128x128xbf16>, vector<144x128xf32> -> vector<144x128xf32>
    %mul3A_1779 = arith.constant 50 : i32
    %mul3A_1780 = arith.muli %arg0, %mul3A_1779 : i32
    %add3A_1781 = arith.constant 28 : i32
    %add3A_1782 = arith.addi %mul3A_1780, %add3A_1781 : i32
    %sub3A_1783 = arith.constant 1 : i32
    %sub3A_1784 = arith.subi %add3A_1782, %sub3A_1783 : i32
    %get3A_1785 = arith.index_cast %sub3A_1784 : i32 to index
    %get3A_1786 = memref.load %arg1[%get3A_1785] : memref<2500xi32, #tpu.memory_space<smem>>
    %add3A_1787 = arith.constant 144 : i32
    %add3A_1788 = arith.addi %get3A_1786, %add3A_1787 : i32
    %iota3A_1789 = tpu.iota {dimensions = array<i32: 0>} : vector<144x1xi32>
    %add3A_1790 = vector.broadcast %multiple_of3A_1762 : i32 to vector<144x1xi32>
    %add3A_1791 = arith.addi %iota3A_1789, %add3A_1790 : vector<144x1xi32>
    %lt3A_1792 = vector.broadcast %add3A_1788 : i32 to vector<144x1xi32>
    %lt3A_1793 = arith.cmpi slt, %add3A_1791, %lt3A_1792 : vector<144x1xi32>
    %get3A_1794 = arith.index_cast %multiple_of3A_1762 : i32 to index
    %get3A_1795 = arith.constant 0 : index
    %get3A_1796 = vector.load %arg8[%get3A_1794, %get3A_1795] : memref<10240x128xf32, #tpu.memory_space<vmem>>, vector<144x128xf32>
    %get3A_1797 = arith.index_cast %multiple_of3A_1762 : i32 to index
    %get3A_1798 = arith.constant 0 : index
    %get3A_1799 = vector.load %arg9[%get3A_1797, %get3A_1798] : memref<10240x128xf32, #tpu.memory_space<vmem>>, vector<144x128xf32>
    %jit3A_1800 = arith.constant 0.000000e+00 : f32
    %broadcast_in_dim3A_1801 = vector.shape_cast %lt3A_1793 : vector<144x1xi1> to vector<144x1xi1>
    %broadcast_in_dim3A_1802 = vector.broadcast %broadcast_in_dim3A_1801 : vector<144x1xi1> to vector<144x128xi1>
    %broadcast_in_dim3A_1803 = vector.broadcast %jit3A_1800 : f32 to vector<144x128xf32>
    %select_n3A_1804 = arith.select %broadcast_in_dim3A_1802, %get3A_1796, %broadcast_in_dim3A_1803 : vector<144x128xi1>, vector<144x128xf32>
    %add3A_1805 = arith.addf %dot_general3A_1775, %select_n3A_1804 : vector<144x128xf32>
    %swap3A_1806 = arith.index_cast %multiple_of3A_1762 : i32 to index
    %swap3A_1807 = arith.constant 0 : index
    %swap3A_1808 = vector.load %arg8[%swap3A_1806, %swap3A_1807] : memref<10240x128xf32, #tpu.memory_space<vmem>>, vector<144x128xf32>
    tpu.vector_store %arg8[%swap3A_1806, %swap3A_1807], %add3A_1805 {strides = array<i32>} : memref<10240x128xf32, #tpu.memory_space<vmem>>, vector<144x128xf32>,
    %jit3A_1809 = arith.constant 0.000000e+00 : f32
    %broadcast_in_dim3A_1810 = vector.shape_cast %lt3A_1793 : vector<144x1xi1> to vector<144x1xi1>
    %broadcast_in_dim3A_1811 = vector.broadcast %broadcast_in_dim3A_1810 : vector<144x1xi1> to vector<144x128xi1>
    %broadcast_in_dim3A_1812 = vector.broadcast %jit3A_1809 : f32 to vector<144x128xf32>
    %select_n3A_1813 = arith.select %broadcast_in_dim3A_1811, %get3A_1799, %broadcast_in_dim3A_1812 : vector<144x128xi1>, vector<144x128xf32>
    %add3A_1814 = arith.addf %dot_general3A_1778, %select_n3A_1813 : vector<144x128xf32>
    %swap3A_1815 = arith.index_cast %multiple_of3A_1762 : i32 to index
    %swap3A_1816 = arith.constant 0 : index
    %swap3A_1817 = vector.load %arg9[%swap3A_1815, %swap3A_1816] : memref<10240x128xf32, #tpu.memory_space<vmem>>, vector<144x128xf32>
    tpu.vector_store %arg9[%swap3A_1815, %swap3A_1816], %add3A_1814 {strides = array<i32>} : memref<10240x128xf32, #tpu.memory_space<vmem>>, vector<144x128xf32>,
    %mul3A_1818 = arith.constant 50 : i32
    %mul3A_1819 = arith.muli %arg0, %mul3A_1818 : i32
    %add3A_1820 = arith.constant 29 : i32
    %add3A_1821 = arith.addi %mul3A_1819, %add3A_1820 : i32
    %get3A_1822 = arith.index_cast %add3A_1821 : i32 to index
    %get3A_1823 = memref.load %arg1[%get3A_1822] : memref<2500xi32, #tpu.memory_space<smem>>
    %multiple_of3A_1824 = tpu.assume_multiple %get3A_1823, 16 : i32
    %slice3A_1825 = vector.extract_strided_slice %get3A_26 {offsets = [29, 0], sizes = [1, 128], strides = [1, 1]} : vector<50x128xi32> to vector<1x128xi32>
    %sub3A_1826 = vector.broadcast %multiple_of3A_1824 : i32 to vector<1x128xi32>
    %sub3A_1827 = arith.subi %slice3A_1825, %sub3A_1826 : vector<1x128xi32>
    %iota3A_1828 = tpu.iota {dimensions = array<i32: 0>} : vector<144x128xi32>
    %broadcast_in_dim3A_1829 = vector.shape_cast %sub3A_1827 : vector<1x128xi32> to vector<1x128xi32>
    %broadcast_in_dim3A_1830 = vector.broadcast %broadcast_in_dim3A_1829 : vector<1x128xi32> to vector<144x128xi32>
    %eq3A_1831 = arith.cmpi eq, %iota3A_1828, %broadcast_in_dim3A_1830 : vector<144x128xi32>
    %convert_element_type3A_1832 = arith.extui %eq3A_1831 : vector<144x128xi1> to vector<144x128xi32>
    %convert_element_type3A_1833 = arith.sitofp %convert_element_type3A_1832 : vector<144x128xi32> to vector<144x128xf32>
    %convert_element_type3A_1834 = arith.truncf %convert_element_type3A_1833 : vector<144x128xf32> to vector<144x128xbf16>
    %slice3A_1835 = vector.extract_strided_slice %convert_element_type3A_20 {offsets = [3712, 0], sizes = [128, 128], strides = [1, 1]} : vector<6400x128xbf16> to vector<128x128xbf16>
    %dot_general3A_1836 = arith.constant dense<0.000000e+00> : vector<144x128xf32>
    %dot_general3A_1837 = tpu.matmul %convert_element_type3A_1834, %slice3A_1835, %dot_general3A_1836 {dimension_numbers = #tpu.dot_dimension_numbers<[1], [0], [0], [1], [0, 0, 1, 1], [], []>, transpose_lhs_hint = false} : vector<144x128xbf16>, vector<128x128xbf16>, vector<144x128xf32> -> vector<144x128xf32>
    %slice3A_1838 = vector.extract_strided_slice %convert_element_type3A_21 {offsets = [3712, 0], sizes = [128, 128], strides = [1, 1]} : vector<6400x128xbf16> to vector<128x128xbf16>
    %dot_general3A_1839 = arith.constant dense<0.000000e+00> : vector<144x128xf32>
    %dot_general3A_1840 = tpu.matmul %convert_element_type3A_1834, %slice3A_1838, %dot_general3A_1839 {dimension_numbers = #tpu.dot_dimension_numbers<[1], [0], [0], [1], [0, 0, 1, 1], [], []>, transpose_lhs_hint = false} : vector<144x128xbf16>, vector<128x128xbf16>, vector<144x128xf32> -> vector<144x128xf32>
    %mul3A_1841 = arith.constant 50 : i32
    %mul3A_1842 = arith.muli %arg0, %mul3A_1841 : i32
    %add3A_1843 = arith.constant 29 : i32
    %add3A_1844 = arith.addi %mul3A_1842, %add3A_1843 : i32
    %sub3A_1845 = arith.constant 1 : i32
    %sub3A_1846 = arith.subi %add3A_1844, %sub3A_1845 : i32
    %get3A_1847 = arith.index_cast %sub3A_1846 : i32 to index
    %get3A_1848 = memref.load %arg1[%get3A_1847] : memref<2500xi32, #tpu.memory_space<smem>>
    %add3A_1849 = arith.constant 144 : i32
    %add3A_1850 = arith.addi %get3A_1848, %add3A_1849 : i32
    %iota3A_1851 = tpu.iota {dimensions = array<i32: 0>} : vector<144x1xi32>
    %add3A_1852 = vector.broadcast %multiple_of3A_1824 : i32 to vector<144x1xi32>
    %add3A_1853 = arith.addi %iota3A_1851, %add3A_1852 : vector<144x1xi32>
    %lt3A_1854 = vector.broadcast %add3A_1850 : i32 to vector<144x1xi32>
    %lt3A_1855 = arith.cmpi slt, %add3A_1853, %lt3A_1854 : vector<144x1xi32>
    %get3A_1856 = arith.index_cast %multiple_of3A_1824 : i32 to index
    %get3A_1857 = arith.constant 0 : index
    %get3A_1858 = vector.load %arg8[%get3A_1856, %get3A_1857] : memref<10240x128xf32, #tpu.memory_space<vmem>>, vector<144x128xf32>
    %get3A_1859 = arith.index_cast %multiple_of3A_1824 : i32 to index
    %get3A_1860 = arith.constant 0 : index
    %get3A_1861 = vector.load %arg9[%get3A_1859, %get3A_1860] : memref<10240x128xf32, #tpu.memory_space<vmem>>, vector<144x128xf32>
    %jit3A_1862 = arith.constant 0.000000e+00 : f32
    %broadcast_in_dim3A_1863 = vector.shape_cast %lt3A_1855 : vector<144x1xi1> to vector<144x1xi1>
    %broadcast_in_dim3A_1864 = vector.broadcast %broadcast_in_dim3A_1863 : vector<144x1xi1> to vector<144x128xi1>
    %broadcast_in_dim3A_1865 = vector.broadcast %jit3A_1862 : f32 to vector<144x128xf32>
    %select_n3A_1866 = arith.select %broadcast_in_dim3A_1864, %get3A_1858, %broadcast_in_dim3A_1865 : vector<144x128xi1>, vector<144x128xf32>
    %add3A_1867 = arith.addf %dot_general3A_1837, %select_n3A_1866 : vector<144x128xf32>
    %swap3A_1868 = arith.index_cast %multiple_of3A_1824 : i32 to index
    %swap3A_1869 = arith.constant 0 : index
    %swap3A_1870 = vector.load %arg8[%swap3A_1868, %swap3A_1869] : memref<10240x128xf32, #tpu.memory_space<vmem>>, vector<144x128xf32>
    tpu.vector_store %arg8[%swap3A_1868, %swap3A_1869], %add3A_1867 {strides = array<i32>} : memref<10240x128xf32, #tpu.memory_space<vmem>>, vector<144x128xf32>,
    %jit3A_1871 = arith.constant 0.000000e+00 : f32
    %broadcast_in_dim3A_1872 = vector.shape_cast %lt3A_1855 : vector<144x1xi1> to vector<144x1xi1>
    %broadcast_in_dim3A_1873 = vector.broadcast %broadcast_in_dim3A_1872 : vector<144x1xi1> to vector<144x128xi1>
    %broadcast_in_dim3A_1874 = vector.broadcast %jit3A_1871 : f32 to vector<144x128xf32>
    %select_n3A_1875 = arith.select %broadcast_in_dim3A_1873, %get3A_1861, %broadcast_in_dim3A_1874 : vector<144x128xi1>, vector<144x128xf32>
    %add3A_1876 = arith.addf %dot_general3A_1840, %select_n3A_1875 : vector<144x128xf32>
    %swap3A_1877 = arith.index_cast %multiple_of3A_1824 : i32 to index
    %swap3A_1878 = arith.constant 0 : index
    %swap3A_1879 = vector.load %arg9[%swap3A_1877, %swap3A_1878] : memref<10240x128xf32, #tpu.memory_space<vmem>>, vector<144x128xf32>
    tpu.vector_store %arg9[%swap3A_1877, %swap3A_1878], %add3A_1876 {strides = array<i32>} : memref<10240x128xf32, #tpu.memory_space<vmem>>, vector<144x128xf32>,
    %mul3A_1880 = arith.constant 50 : i32
    %mul3A_1881 = arith.muli %arg0, %mul3A_1880 : i32
    %add3A_1882 = arith.constant 30 : i32
    %add3A_1883 = arith.addi %mul3A_1881, %add3A_1882 : i32
    %get3A_1884 = arith.index_cast %add3A_1883 : i32 to index
    %get3A_1885 = memref.load %arg1[%get3A_1884] : memref<2500xi32, #tpu.memory_space<smem>>
    %multiple_of3A_1886 = tpu.assume_multiple %get3A_1885, 16 : i32
    %slice3A_1887 = vector.extract_strided_slice %get3A_26 {offsets = [30, 0], sizes = [1, 128], strides = [1, 1]} : vector<50x128xi32> to vector<1x128xi32>
    %sub3A_1888 = vector.broadcast %multiple_of3A_1886 : i32 to vector<1x128xi32>
    %sub3A_1889 = arith.subi %slice3A_1887, %sub3A_1888 : vector<1x128xi32>
    %iota3A_1890 = tpu.iota {dimensions = array<i32: 0>} : vector<144x128xi32>
    %broadcast_in_dim3A_1891 = vector.shape_cast %sub3A_1889 : vector<1x128xi32> to vector<1x128xi32>
    %broadcast_in_dim3A_1892 = vector.broadcast %broadcast_in_dim3A_1891 : vector<1x128xi32> to vector<144x128xi32>
    %eq3A_1893 = arith.cmpi eq, %iota3A_1890, %broadcast_in_dim3A_1892 : vector<144x128xi32>
    %convert_element_type3A_1894 = arith.extui %eq3A_1893 : vector<144x128xi1> to vector<144x128xi32>
    %convert_element_type3A_1895 = arith.sitofp %convert_element_type3A_1894 : vector<144x128xi32> to vector<144x128xf32>
    %convert_element_type3A_1896 = arith.truncf %convert_element_type3A_1895 : vector<144x128xf32> to vector<144x128xbf16>
    %slice3A_1897 = vector.extract_strided_slice %convert_element_type3A_20 {offsets = [3840, 0], sizes = [128, 128], strides = [1, 1]} : vector<6400x128xbf16> to vector<128x128xbf16>
    %dot_general3A_1898 = arith.constant dense<0.000000e+00> : vector<144x128xf32>
    %dot_general3A_1899 = tpu.matmul %convert_element_type3A_1896, %slice3A_1897, %dot_general3A_1898 {dimension_numbers = #tpu.dot_dimension_numbers<[1], [0], [0], [1], [0, 0, 1, 1], [], []>, transpose_lhs_hint = false} : vector<144x128xbf16>, vector<128x128xbf16>, vector<144x128xf32> -> vector<144x128xf32>
    %slice3A_1900 = vector.extract_strided_slice %convert_element_type3A_21 {offsets = [3840, 0], sizes = [128, 128], strides = [1, 1]} : vector<6400x128xbf16> to vector<128x128xbf16>
    %dot_general3A_1901 = arith.constant dense<0.000000e+00> : vector<144x128xf32>
    %dot_general3A_1902 = tpu.matmul %convert_element_type3A_1896, %slice3A_1900, %dot_general3A_1901 {dimension_numbers = #tpu.dot_dimension_numbers<[1], [0], [0], [1], [0, 0, 1, 1], [], []>, transpose_lhs_hint = false} : vector<144x128xbf16>, vector<128x128xbf16>, vector<144x128xf32> -> vector<144x128xf32>
    %mul3A_1903 = arith.constant 50 : i32
    %mul3A_1904 = arith.muli %arg0, %mul3A_1903 : i32
    %add3A_1905 = arith.constant 30 : i32
    %add3A_1906 = arith.addi %mul3A_1904, %add3A_1905 : i32
    %sub3A_1907 = arith.constant 1 : i32
    %sub3A_1908 = arith.subi %add3A_1906, %sub3A_1907 : i32
    %get3A_1909 = arith.index_cast %sub3A_1908 : i32 to index
    %get3A_1910 = memref.load %arg1[%get3A_1909] : memref<2500xi32, #tpu.memory_space<smem>>
    %add3A_1911 = arith.constant 144 : i32
    %add3A_1912 = arith.addi %get3A_1910, %add3A_1911 : i32
    %iota3A_1913 = tpu.iota {dimensions = array<i32: 0>} : vector<144x1xi32>
    %add3A_1914 = vector.broadcast %multiple_of3A_1886 : i32 to vector<144x1xi32>
    %add3A_1915 = arith.addi %iota3A_1913, %add3A_1914 : vector<144x1xi32>
    %lt3A_1916 = vector.broadcast %add3A_1912 : i32 to vector<144x1xi32>
    %lt3A_1917 = arith.cmpi slt, %add3A_1915, %lt3A_1916 : vector<144x1xi32>
    %get3A_1918 = arith.index_cast %multiple_of3A_1886 : i32 to index
    %get3A_1919 = arith.constant 0 : index
    %get3A_1920 = vector.load %arg8[%get3A_1918, %get3A_1919] : memref<10240x128xf32, #tpu.memory_space<vmem>>, vector<144x128xf32>
    %get3A_1921 = arith.index_cast %multiple_of3A_1886 : i32 to index
    %get3A_1922 = arith.constant 0 : index
    %get3A_1923 = vector.load %arg9[%get3A_1921, %get3A_1922] : memref<10240x128xf32, #tpu.memory_space<vmem>>, vector<144x128xf32>
    %jit3A_1924 = arith.constant 0.000000e+00 : f32
    %broadcast_in_dim3A_1925 = vector.shape_cast %lt3A_1917 : vector<144x1xi1> to vector<144x1xi1>
    %broadcast_in_dim3A_1926 = vector.broadcast %broadcast_in_dim3A_1925 : vector<144x1xi1> to vector<144x128xi1>
    %broadcast_in_dim3A_1927 = vector.broadcast %jit3A_1924 : f32 to vector<144x128xf32>
    %select_n3A_1928 = arith.select %broadcast_in_dim3A_1926, %get3A_1920, %broadcast_in_dim3A_1927 : vector<144x128xi1>, vector<144x128xf32>
    %add3A_1929 = arith.addf %dot_general3A_1899, %select_n3A_1928 : vector<144x128xf32>
    %swap3A_1930 = arith.index_cast %multiple_of3A_1886 : i32 to index
    %swap3A_1931 = arith.constant 0 : index
    %swap3A_1932 = vector.load %arg8[%swap3A_1930, %swap3A_1931] : memref<10240x128xf32, #tpu.memory_space<vmem>>, vector<144x128xf32>
    tpu.vector_store %arg8[%swap3A_1930, %swap3A_1931], %add3A_1929 {strides = array<i32>} : memref<10240x128xf32, #tpu.memory_space<vmem>>, vector<144x128xf32>,
    %jit3A_1933 = arith.constant 0.000000e+00 : f32
    %broadcast_in_dim3A_1934 = vector.shape_cast %lt3A_1917 : vector<144x1xi1> to vector<144x1xi1>
    %broadcast_in_dim3A_1935 = vector.broadcast %broadcast_in_dim3A_1934 : vector<144x1xi1> to vector<144x128xi1>
    %broadcast_in_dim3A_1936 = vector.broadcast %jit3A_1933 : f32 to vector<144x128xf32>
    %select_n3A_1937 = arith.select %broadcast_in_dim3A_1935, %get3A_1923, %broadcast_in_dim3A_1936 : vector<144x128xi1>, vector<144x128xf32>
    %add3A_1938 = arith.addf %dot_general3A_1902, %select_n3A_1937 : vector<144x128xf32>
    %swap3A_1939 = arith.index_cast %multiple_of3A_1886 : i32 to index
    %swap3A_1940 = arith.constant 0 : index
    %swap3A_1941 = vector.load %arg9[%swap3A_1939, %swap3A_1940] : memref<10240x128xf32, #tpu.memory_space<vmem>>, vector<144x128xf32>
    tpu.vector_store %arg9[%swap3A_1939, %swap3A_1940], %add3A_1938 {strides = array<i32>} : memref<10240x128xf32, #tpu.memory_space<vmem>>, vector<144x128xf32>,
    %mul3A_1942 = arith.constant 50 : i32
    %mul3A_1943 = arith.muli %arg0, %mul3A_1942 : i32
    %add3A_1944 = arith.constant 31 : i32
    %add3A_1945 = arith.addi %mul3A_1943, %add3A_1944 : i32
    %get3A_1946 = arith.index_cast %add3A_1945 : i32 to index
    %get3A_1947 = memref.load %arg1[%get3A_1946] : memref<2500xi32, #tpu.memory_space<smem>>
    %multiple_of3A_1948 = tpu.assume_multiple %get3A_1947, 16 : i32
    %slice3A_1949 = vector.extract_strided_slice %get3A_26 {offsets = [31, 0], sizes = [1, 128], strides = [1, 1]} : vector<50x128xi32> to vector<1x128xi32>
    %sub3A_1950 = vector.broadcast %multiple_of3A_1948 : i32 to vector<1x128xi32>
    %sub3A_1951 = arith.subi %slice3A_1949, %sub3A_1950 : vector<1x128xi32>
    %iota3A_1952 = tpu.iota {dimensions = array<i32: 0>} : vector<144x128xi32>
    %broadcast_in_dim3A_1953 = vector.shape_cast %sub3A_1951 : vector<1x128xi32> to vector<1x128xi32>
    %broadcast_in_dim3A_1954 = vector.broadcast %broadcast_in_dim3A_1953 : vector<1x128xi32> to vector<144x128xi32>
    %eq3A_1955 = arith.cmpi eq, %iota3A_1952, %broadcast_in_dim3A_1954 : vector<144x128xi32>
    %convert_element_type3A_1956 = arith.extui %eq3A_1955 : vector<144x128xi1> to vector<144x128xi32>
    %convert_element_type3A_1957 = arith.sitofp %convert_element_type3A_1956 : vector<144x128xi32> to vector<144x128xf32>
    %convert_element_type3A_1958 = arith.truncf %convert_element_type3A_1957 : vector<144x128xf32> to vector<144x128xbf16>
    %slice3A_1959 = vector.extract_strided_slice %convert_element_type3A_20 {offsets = [3968, 0], sizes = [128, 128], strides = [1, 1]} : vector<6400x128xbf16> to vector<128x128xbf16>
    %dot_general3A_1960 = arith.constant dense<0.000000e+00> : vector<144x128xf32>
    %dot_general3A_1961 = tpu.matmul %convert_element_type3A_1958, %slice3A_1959, %dot_general3A_1960 {dimension_numbers = #tpu.dot_dimension_numbers<[1], [0], [0], [1], [0, 0, 1, 1], [], []>, transpose_lhs_hint = false} : vector<144x128xbf16>, vector<128x128xbf16>, vector<144x128xf32> -> vector<144x128xf32>
    %slice3A_1962 = vector.extract_strided_slice %convert_element_type3A_21 {offsets = [3968, 0], sizes = [128, 128], strides = [1, 1]} : vector<6400x128xbf16> to vector<128x128xbf16>
    %dot_general3A_1963 = arith.constant dense<0.000000e+00> : vector<144x128xf32>
    %dot_general3A_1964 = tpu.matmul %convert_element_type3A_1958, %slice3A_1962, %dot_general3A_1963 {dimension_numbers = #tpu.dot_dimension_numbers<[1], [0], [0], [1], [0, 0, 1, 1], [], []>, transpose_lhs_hint = false} : vector<144x128xbf16>, vector<128x128xbf16>, vector<144x128xf32> -> vector<144x128xf32>
    %mul3A_1965 = arith.constant 50 : i32
    %mul3A_1966 = arith.muli %arg0, %mul3A_1965 : i32
    %add3A_1967 = arith.constant 31 : i32
    %add3A_1968 = arith.addi %mul3A_1966, %add3A_1967 : i32
    %sub3A_1969 = arith.constant 1 : i32
    %sub3A_1970 = arith.subi %add3A_1968, %sub3A_1969 : i32
    %get3A_1971 = arith.index_cast %sub3A_1970 : i32 to index
    %get3A_1972 = memref.load %arg1[%get3A_1971] : memref<2500xi32, #tpu.memory_space<smem>>
    %add3A_1973 = arith.constant 144 : i32
    %add3A_1974 = arith.addi %get3A_1972, %add3A_1973 : i32
    %iota3A_1975 = tpu.iota {dimensions = array<i32: 0>} : vector<144x1xi32>
    %add3A_1976 = vector.broadcast %multiple_of3A_1948 : i32 to vector<144x1xi32>
    %add3A_1977 = arith.addi %iota3A_1975, %add3A_1976 : vector<144x1xi32>
    %lt3A_1978 = vector.broadcast %add3A_1974 : i32 to vector<144x1xi32>
    %lt3A_1979 = arith.cmpi slt, %add3A_1977, %lt3A_1978 : vector<144x1xi32>
    %get3A_1980 = arith.index_cast %multiple_of3A_1948 : i32 to index
    %get3A_1981 = arith.constant 0 : index
    %get3A_1982 = vector.load %arg8[%get3A_1980, %get3A_1981] : memref<10240x128xf32, #tpu.memory_space<vmem>>, vector<144x128xf32>
    %get3A_1983 = arith.index_cast %multiple_of3A_1948 : i32 to index
    %get3A_1984 = arith.constant 0 : index
    %get3A_1985 = vector.load %arg9[%get3A_1983, %get3A_1984] : memref<10240x128xf32, #tpu.memory_space<vmem>>, vector<144x128xf32>
    %jit3A_1986 = arith.constant 0.000000e+00 : f32
    %broadcast_in_dim3A_1987 = vector.shape_cast %lt3A_1979 : vector<144x1xi1> to vector<144x1xi1>
    %broadcast_in_dim3A_1988 = vector.broadcast %broadcast_in_dim3A_1987 : vector<144x1xi1> to vector<144x128xi1>
    %broadcast_in_dim3A_1989 = vector.broadcast %jit3A_1986 : f32 to vector<144x128xf32>
    %select_n3A_1990 = arith.select %broadcast_in_dim3A_1988, %get3A_1982, %broadcast_in_dim3A_1989 : vector<144x128xi1>, vector<144x128xf32>
    %add3A_1991 = arith.addf %dot_general3A_1961, %select_n3A_1990 : vector<144x128xf32>
    %swap3A_1992 = arith.index_cast %multiple_of3A_1948 : i32 to index
    %swap3A_1993 = arith.constant 0 : index
    %swap3A_1994 = vector.load %arg8[%swap3A_1992, %swap3A_1993] : memref<10240x128xf32, #tpu.memory_space<vmem>>, vector<144x128xf32>
    tpu.vector_store %arg8[%swap3A_1992, %swap3A_1993], %add3A_1991 {strides = array<i32>} : memref<10240x128xf32, #tpu.memory_space<vmem>>, vector<144x128xf32>,
    %jit3A_1995 = arith.constant 0.000000e+00 : f32
    %broadcast_in_dim3A_1996 = vector.shape_cast %lt3A_1979 : vector<144x1xi1> to vector<144x1xi1>
    %broadcast_in_dim3A_1997 = vector.broadcast %broadcast_in_dim3A_1996 : vector<144x1xi1> to vector<144x128xi1>
    %broadcast_in_dim3A_1998 = vector.broadcast %jit3A_1995 : f32 to vector<144x128xf32>
    %select_n3A_1999 = arith.select %broadcast_in_dim3A_1997, %get3A_1985, %broadcast_in_dim3A_1998 : vector<144x128xi1>, vector<144x128xf32>
    %add3A_2000 = arith.addf %dot_general3A_1964, %select_n3A_1999 : vector<144x128xf32>
    %swap3A_2001 = arith.index_cast %multiple_of3A_1948 : i32 to index
    %swap3A_2002 = arith.constant 0 : index
    %swap3A_2003 = vector.load %arg9[%swap3A_2001, %swap3A_2002] : memref<10240x128xf32, #tpu.memory_space<vmem>>, vector<144x128xf32>
    tpu.vector_store %arg9[%swap3A_2001, %swap3A_2002], %add3A_2000 {strides = array<i32>} : memref<10240x128xf32, #tpu.memory_space<vmem>>, vector<144x128xf32>,
    %mul3A_2004 = arith.constant 50 : i32
    %mul3A_2005 = arith.muli %arg0, %mul3A_2004 : i32
    %add3A_2006 = arith.constant 32 : i32
    %add3A_2007 = arith.addi %mul3A_2005, %add3A_2006 : i32
    %get3A_2008 = arith.index_cast %add3A_2007 : i32 to index
    %get3A_2009 = memref.load %arg1[%get3A_2008] : memref<2500xi32, #tpu.memory_space<smem>>
    %multiple_of3A_2010 = tpu.assume_multiple %get3A_2009, 16 : i32
    %slice3A_2011 = vector.extract_strided_slice %get3A_26 {offsets = [32, 0], sizes = [1, 128], strides = [1, 1]} : vector<50x128xi32> to vector<1x128xi32>
    %sub3A_2012 = vector.broadcast %multiple_of3A_2010 : i32 to vector<1x128xi32>
    %sub3A_2013 = arith.subi %slice3A_2011, %sub3A_2012 : vector<1x128xi32>
    %iota3A_2014 = tpu.iota {dimensions = array<i32: 0>} : vector<144x128xi32>
    %broadcast_in_dim3A_2015 = vector.shape_cast %sub3A_2013 : vector<1x128xi32> to vector<1x128xi32>
    %broadcast_in_dim3A_2016 = vector.broadcast %broadcast_in_dim3A_2015 : vector<1x128xi32> to vector<144x128xi32>
    %eq3A_2017 = arith.cmpi eq, %iota3A_2014, %broadcast_in_dim3A_2016 : vector<144x128xi32>
    %convert_element_type3A_2018 = arith.extui %eq3A_2017 : vector<144x128xi1> to vector<144x128xi32>
    %convert_element_type3A_2019 = arith.sitofp %convert_element_type3A_2018 : vector<144x128xi32> to vector<144x128xf32>
    %convert_element_type3A_2020 = arith.truncf %convert_element_type3A_2019 : vector<144x128xf32> to vector<144x128xbf16>
    %slice3A_2021 = vector.extract_strided_slice %convert_element_type3A_20 {offsets = [4096, 0], sizes = [128, 128], strides = [1, 1]} : vector<6400x128xbf16> to vector<128x128xbf16>
    %dot_general3A_2022 = arith.constant dense<0.000000e+00> : vector<144x128xf32>
    %dot_general3A_2023 = tpu.matmul %convert_element_type3A_2020, %slice3A_2021, %dot_general3A_2022 {dimension_numbers = #tpu.dot_dimension_numbers<[1], [0], [0], [1], [0, 0, 1, 1], [], []>, transpose_lhs_hint = false} : vector<144x128xbf16>, vector<128x128xbf16>, vector<144x128xf32> -> vector<144x128xf32>
    %slice3A_2024 = vector.extract_strided_slice %convert_element_type3A_21 {offsets = [4096, 0], sizes = [128, 128], strides = [1, 1]} : vector<6400x128xbf16> to vector<128x128xbf16>
    %dot_general3A_2025 = arith.constant dense<0.000000e+00> : vector<144x128xf32>
    %dot_general3A_2026 = tpu.matmul %convert_element_type3A_2020, %slice3A_2024, %dot_general3A_2025 {dimension_numbers = #tpu.dot_dimension_numbers<[1], [0], [0], [1], [0, 0, 1, 1], [], []>, transpose_lhs_hint = false} : vector<144x128xbf16>, vector<128x128xbf16>, vector<144x128xf32> -> vector<144x128xf32>
    %mul3A_2027 = arith.constant 50 : i32
    %mul3A_2028 = arith.muli %arg0, %mul3A_2027 : i32
    %add3A_2029 = arith.constant 32 : i32
    %add3A_2030 = arith.addi %mul3A_2028, %add3A_2029 : i32
    %sub3A_2031 = arith.constant 1 : i32
    %sub3A_2032 = arith.subi %add3A_2030, %sub3A_2031 : i32
    %get3A_2033 = arith.index_cast %sub3A_2032 : i32 to index
    %get3A_2034 = memref.load %arg1[%get3A_2033] : memref<2500xi32, #tpu.memory_space<smem>>
    %add3A_2035 = arith.constant 144 : i32
    %add3A_2036 = arith.addi %get3A_2034, %add3A_2035 : i32
    %iota3A_2037 = tpu.iota {dimensions = array<i32: 0>} : vector<144x1xi32>
    %add3A_2038 = vector.broadcast %multiple_of3A_2010 : i32 to vector<144x1xi32>
    %add3A_2039 = arith.addi %iota3A_2037, %add3A_2038 : vector<144x1xi32>
    %lt3A_2040 = vector.broadcast %add3A_2036 : i32 to vector<144x1xi32>
    %lt3A_2041 = arith.cmpi slt, %add3A_2039, %lt3A_2040 : vector<144x1xi32>
    %get3A_2042 = arith.index_cast %multiple_of3A_2010 : i32 to index
    %get3A_2043 = arith.constant 0 : index
    %get3A_2044 = vector.load %arg8[%get3A_2042, %get3A_2043] : memref<10240x128xf32, #tpu.memory_space<vmem>>, vector<144x128xf32>
    %get3A_2045 = arith.index_cast %multiple_of3A_2010 : i32 to index
    %get3A_2046 = arith.constant 0 : index
    %get3A_2047 = vector.load %arg9[%get3A_2045, %get3A_2046] : memref<10240x128xf32, #tpu.memory_space<vmem>>, vector<144x128xf32>
    %jit3A_2048 = arith.constant 0.000000e+00 : f32
    %broadcast_in_dim3A_2049 = vector.shape_cast %lt3A_2041 : vector<144x1xi1> to vector<144x1xi1>
    %broadcast_in_dim3A_2050 = vector.broadcast %broadcast_in_dim3A_2049 : vector<144x1xi1> to vector<144x128xi1>
    %broadcast_in_dim3A_2051 = vector.broadcast %jit3A_2048 : f32 to vector<144x128xf32>
    %select_n3A_2052 = arith.select %broadcast_in_dim3A_2050, %get3A_2044, %broadcast_in_dim3A_2051 : vector<144x128xi1>, vector<144x128xf32>
    %add3A_2053 = arith.addf %dot_general3A_2023, %select_n3A_2052 : vector<144x128xf32>
    %swap3A_2054 = arith.index_cast %multiple_of3A_2010 : i32 to index
    %swap3A_2055 = arith.constant 0 : index
    %swap3A_2056 = vector.load %arg8[%swap3A_2054, %swap3A_2055] : memref<10240x128xf32, #tpu.memory_space<vmem>>, vector<144x128xf32>
    tpu.vector_store %arg8[%swap3A_2054, %swap3A_2055], %add3A_2053 {strides = array<i32>} : memref<10240x128xf32, #tpu.memory_space<vmem>>, vector<144x128xf32>,
    %jit3A_2057 = arith.constant 0.000000e+00 : f32
    %broadcast_in_dim3A_2058 = vector.shape_cast %lt3A_2041 : vector<144x1xi1> to vector<144x1xi1>
    %broadcast_in_dim3A_2059 = vector.broadcast %broadcast_in_dim3A_2058 : vector<144x1xi1> to vector<144x128xi1>
    %broadcast_in_dim3A_2060 = vector.broadcast %jit3A_2057 : f32 to vector<144x128xf32>
    %select_n3A_2061 = arith.select %broadcast_in_dim3A_2059, %get3A_2047, %broadcast_in_dim3A_2060 : vector<144x128xi1>, vector<144x128xf32>
    %add3A_2062 = arith.addf %dot_general3A_2026, %select_n3A_2061 : vector<144x128xf32>
    %swap3A_2063 = arith.index_cast %multiple_of3A_2010 : i32 to index
    %swap3A_2064 = arith.constant 0 : index
    %swap3A_2065 = vector.load %arg9[%swap3A_2063, %swap3A_2064] : memref<10240x128xf32, #tpu.memory_space<vmem>>, vector<144x128xf32>
    tpu.vector_store %arg9[%swap3A_2063, %swap3A_2064], %add3A_2062 {strides = array<i32>} : memref<10240x128xf32, #tpu.memory_space<vmem>>, vector<144x128xf32>,
    %mul3A_2066 = arith.constant 50 : i32
    %mul3A_2067 = arith.muli %arg0, %mul3A_2066 : i32
    %add3A_2068 = arith.constant 33 : i32
    %add3A_2069 = arith.addi %mul3A_2067, %add3A_2068 : i32
    %get3A_2070 = arith.index_cast %add3A_2069 : i32 to index
    %get3A_2071 = memref.load %arg1[%get3A_2070] : memref<2500xi32, #tpu.memory_space<smem>>
    %multiple_of3A_2072 = tpu.assume_multiple %get3A_2071, 16 : i32
    %slice3A_2073 = vector.extract_strided_slice %get3A_26 {offsets = [33, 0], sizes = [1, 128], strides = [1, 1]} : vector<50x128xi32> to vector<1x128xi32>
    %sub3A_2074 = vector.broadcast %multiple_of3A_2072 : i32 to vector<1x128xi32>
    %sub3A_2075 = arith.subi %slice3A_2073, %sub3A_2074 : vector<1x128xi32>
    %iota3A_2076 = tpu.iota {dimensions = array<i32: 0>} : vector<144x128xi32>
    %broadcast_in_dim3A_2077 = vector.shape_cast %sub3A_2075 : vector<1x128xi32> to vector<1x128xi32>
    %broadcast_in_dim3A_2078 = vector.broadcast %broadcast_in_dim3A_2077 : vector<1x128xi32> to vector<144x128xi32>
    %eq3A_2079 = arith.cmpi eq, %iota3A_2076, %broadcast_in_dim3A_2078 : vector<144x128xi32>
    %convert_element_type3A_2080 = arith.extui %eq3A_2079 : vector<144x128xi1> to vector<144x128xi32>
    %convert_element_type3A_2081 = arith.sitofp %convert_element_type3A_2080 : vector<144x128xi32> to vector<144x128xf32>
    %convert_element_type3A_2082 = arith.truncf %convert_element_type3A_2081 : vector<144x128xf32> to vector<144x128xbf16>
    %slice3A_2083 = vector.extract_strided_slice %convert_element_type3A_20 {offsets = [4224, 0], sizes = [128, 128], strides = [1, 1]} : vector<6400x128xbf16> to vector<128x128xbf16>
    %dot_general3A_2084 = arith.constant dense<0.000000e+00> : vector<144x128xf32>
    %dot_general3A_2085 = tpu.matmul %convert_element_type3A_2082, %slice3A_2083, %dot_general3A_2084 {dimension_numbers = #tpu.dot_dimension_numbers<[1], [0], [0], [1], [0, 0, 1, 1], [], []>, transpose_lhs_hint = false} : vector<144x128xbf16>, vector<128x128xbf16>, vector<144x128xf32> -> vector<144x128xf32>
    %slice3A_2086 = vector.extract_strided_slice %convert_element_type3A_21 {offsets = [4224, 0], sizes = [128, 128], strides = [1, 1]} : vector<6400x128xbf16> to vector<128x128xbf16>
    %dot_general3A_2087 = arith.constant dense<0.000000e+00> : vector<144x128xf32>
    %dot_general3A_2088 = tpu.matmul %convert_element_type3A_2082, %slice3A_2086, %dot_general3A_2087 {dimension_numbers = #tpu.dot_dimension_numbers<[1], [0], [0], [1], [0, 0, 1, 1], [], []>, transpose_lhs_hint = false} : vector<144x128xbf16>, vector<128x128xbf16>, vector<144x128xf32> -> vector<144x128xf32>
    %mul3A_2089 = arith.constant 50 : i32
    %mul3A_2090 = arith.muli %arg0, %mul3A_2089 : i32
    %add3A_2091 = arith.constant 33 : i32
    %add3A_2092 = arith.addi %mul3A_2090, %add3A_2091 : i32
    %sub3A_2093 = arith.constant 1 : i32
    %sub3A_2094 = arith.subi %add3A_2092, %sub3A_2093 : i32
    %get3A_2095 = arith.index_cast %sub3A_2094 : i32 to index
    %get3A_2096 = memref.load %arg1[%get3A_2095] : memref<2500xi32, #tpu.memory_space<smem>>
    %add3A_2097 = arith.constant 144 : i32
    %add3A_2098 = arith.addi %get3A_2096, %add3A_2097 : i32
    %iota3A_2099 = tpu.iota {dimensions = array<i32: 0>} : vector<144x1xi32>
    %add3A_2100 = vector.broadcast %multiple_of3A_2072 : i32 to vector<144x1xi32>
    %add3A_2101 = arith.addi %iota3A_2099, %add3A_2100 : vector<144x1xi32>
    %lt3A_2102 = vector.broadcast %add3A_2098 : i32 to vector<144x1xi32>
    %lt3A_2103 = arith.cmpi slt, %add3A_2101, %lt3A_2102 : vector<144x1xi32>
    %get3A_2104 = arith.index_cast %multiple_of3A_2072 : i32 to index
    %get3A_2105 = arith.constant 0 : index
    %get3A_2106 = vector.load %arg8[%get3A_2104, %get3A_2105] : memref<10240x128xf32, #tpu.memory_space<vmem>>, vector<144x128xf32>
    %get3A_2107 = arith.index_cast %multiple_of3A_2072 : i32 to index
    %get3A_2108 = arith.constant 0 : index
    %get3A_2109 = vector.load %arg9[%get3A_2107, %get3A_2108] : memref<10240x128xf32, #tpu.memory_space<vmem>>, vector<144x128xf32>
    %jit3A_2110 = arith.constant 0.000000e+00 : f32
    %broadcast_in_dim3A_2111 = vector.shape_cast %lt3A_2103 : vector<144x1xi1> to vector<144x1xi1>
    %broadcast_in_dim3A_2112 = vector.broadcast %broadcast_in_dim3A_2111 : vector<144x1xi1> to vector<144x128xi1>
    %broadcast_in_dim3A_2113 = vector.broadcast %jit3A_2110 : f32 to vector<144x128xf32>
    %select_n3A_2114 = arith.select %broadcast_in_dim3A_2112, %get3A_2106, %broadcast_in_dim3A_2113 : vector<144x128xi1>, vector<144x128xf32>
    %add3A_2115 = arith.addf %dot_general3A_2085, %select_n3A_2114 : vector<144x128xf32>
    %swap3A_2116 = arith.index_cast %multiple_of3A_2072 : i32 to index
    %swap3A_2117 = arith.constant 0 : index
    %swap3A_2118 = vector.load %arg8[%swap3A_2116, %swap3A_2117] : memref<10240x128xf32, #tpu.memory_space<vmem>>, vector<144x128xf32>
    tpu.vector_store %arg8[%swap3A_2116, %swap3A_2117], %add3A_2115 {strides = array<i32>} : memref<10240x128xf32, #tpu.memory_space<vmem>>, vector<144x128xf32>,
    %jit3A_2119 = arith.constant 0.000000e+00 : f32
    %broadcast_in_dim3A_2120 = vector.shape_cast %lt3A_2103 : vector<144x1xi1> to vector<144x1xi1>
    %broadcast_in_dim3A_2121 = vector.broadcast %broadcast_in_dim3A_2120 : vector<144x1xi1> to vector<144x128xi1>
    %broadcast_in_dim3A_2122 = vector.broadcast %jit3A_2119 : f32 to vector<144x128xf32>
    %select_n3A_2123 = arith.select %broadcast_in_dim3A_2121, %get3A_2109, %broadcast_in_dim3A_2122 : vector<144x128xi1>, vector<144x128xf32>
    %add3A_2124 = arith.addf %dot_general3A_2088, %select_n3A_2123 : vector<144x128xf32>
    %swap3A_2125 = arith.index_cast %multiple_of3A_2072 : i32 to index
    %swap3A_2126 = arith.constant 0 : index
    %swap3A_2127 = vector.load %arg9[%swap3A_2125, %swap3A_2126] : memref<10240x128xf32, #tpu.memory_space<vmem>>, vector<144x128xf32>
    tpu.vector_store %arg9[%swap3A_2125, %swap3A_2126], %add3A_2124 {strides = array<i32>} : memref<10240x128xf32, #tpu.memory_space<vmem>>, vector<144x128xf32>,
    %mul3A_2128 = arith.constant 50 : i32
    %mul3A_2129 = arith.muli %arg0, %mul3A_2128 : i32
    %add3A_2130 = arith.constant 34 : i32
    %add3A_2131 = arith.addi %mul3A_2129, %add3A_2130 : i32
    %get3A_2132 = arith.index_cast %add3A_2131 : i32 to index
    %get3A_2133 = memref.load %arg1[%get3A_2132] : memref<2500xi32, #tpu.memory_space<smem>>
    %multiple_of3A_2134 = tpu.assume_multiple %get3A_2133, 16 : i32
    %slice3A_2135 = vector.extract_strided_slice %get3A_26 {offsets = [34, 0], sizes = [1, 128], strides = [1, 1]} : vector<50x128xi32> to vector<1x128xi32>
    %sub3A_2136 = vector.broadcast %multiple_of3A_2134 : i32 to vector<1x128xi32>
    %sub3A_2137 = arith.subi %slice3A_2135, %sub3A_2136 : vector<1x128xi32>
    %iota3A_2138 = tpu.iota {dimensions = array<i32: 0>} : vector<144x128xi32>
    %broadcast_in_dim3A_2139 = vector.shape_cast %sub3A_2137 : vector<1x128xi32> to vector<1x128xi32>
    %broadcast_in_dim3A_2140 = vector.broadcast %broadcast_in_dim3A_2139 : vector<1x128xi32> to vector<144x128xi32>
    %eq3A_2141 = arith.cmpi eq, %iota3A_2138, %broadcast_in_dim3A_2140 : vector<144x128xi32>
    %convert_element_type3A_2142 = arith.extui %eq3A_2141 : vector<144x128xi1> to vector<144x128xi32>
    %convert_element_type3A_2143 = arith.sitofp %convert_element_type3A_2142 : vector<144x128xi32> to vector<144x128xf32>
    %convert_element_type3A_2144 = arith.truncf %convert_element_type3A_2143 : vector<144x128xf32> to vector<144x128xbf16>
    %slice3A_2145 = vector.extract_strided_slice %convert_element_type3A_20 {offsets = [4352, 0], sizes = [128, 128], strides = [1, 1]} : vector<6400x128xbf16> to vector<128x128xbf16>
    %dot_general3A_2146 = arith.constant dense<0.000000e+00> : vector<144x128xf32>
    %dot_general3A_2147 = tpu.matmul %convert_element_type3A_2144, %slice3A_2145, %dot_general3A_2146 {dimension_numbers = #tpu.dot_dimension_numbers<[1], [0], [0], [1], [0, 0, 1, 1], [], []>, transpose_lhs_hint = false} : vector<144x128xbf16>, vector<128x128xbf16>, vector<144x128xf32> -> vector<144x128xf32>
    %slice3A_2148 = vector.extract_strided_slice %convert_element_type3A_21 {offsets = [4352, 0], sizes = [128, 128], strides = [1, 1]} : vector<6400x128xbf16> to vector<128x128xbf16>
    %dot_general3A_2149 = arith.constant dense<0.000000e+00> : vector<144x128xf32>
    %dot_general3A_2150 = tpu.matmul %convert_element_type3A_2144, %slice3A_2148, %dot_general3A_2149 {dimension_numbers = #tpu.dot_dimension_numbers<[1], [0], [0], [1], [0, 0, 1, 1], [], []>, transpose_lhs_hint = false} : vector<144x128xbf16>, vector<128x128xbf16>, vector<144x128xf32> -> vector<144x128xf32>
    %mul3A_2151 = arith.constant 50 : i32
    %mul3A_2152 = arith.muli %arg0, %mul3A_2151 : i32
    %add3A_2153 = arith.constant 34 : i32
    %add3A_2154 = arith.addi %mul3A_2152, %add3A_2153 : i32
    %sub3A_2155 = arith.constant 1 : i32
    %sub3A_2156 = arith.subi %add3A_2154, %sub3A_2155 : i32
    %get3A_2157 = arith.index_cast %sub3A_2156 : i32 to index
    %get3A_2158 = memref.load %arg1[%get3A_2157] : memref<2500xi32, #tpu.memory_space<smem>>
    %add3A_2159 = arith.constant 144 : i32
    %add3A_2160 = arith.addi %get3A_2158, %add3A_2159 : i32
    %iota3A_2161 = tpu.iota {dimensions = array<i32: 0>} : vector<144x1xi32>
    %add3A_2162 = vector.broadcast %multiple_of3A_2134 : i32 to vector<144x1xi32>
    %add3A_2163 = arith.addi %iota3A_2161, %add3A_2162 : vector<144x1xi32>
    %lt3A_2164 = vector.broadcast %add3A_2160 : i32 to vector<144x1xi32>
    %lt3A_2165 = arith.cmpi slt, %add3A_2163, %lt3A_2164 : vector<144x1xi32>
    %get3A_2166 = arith.index_cast %multiple_of3A_2134 : i32 to index
    %get3A_2167 = arith.constant 0 : index
    %get3A_2168 = vector.load %arg8[%get3A_2166, %get3A_2167] : memref<10240x128xf32, #tpu.memory_space<vmem>>, vector<144x128xf32>
    %get3A_2169 = arith.index_cast %multiple_of3A_2134 : i32 to index
    %get3A_2170 = arith.constant 0 : index
    %get3A_2171 = vector.load %arg9[%get3A_2169, %get3A_2170] : memref<10240x128xf32, #tpu.memory_space<vmem>>, vector<144x128xf32>
    %jit3A_2172 = arith.constant 0.000000e+00 : f32
    %broadcast_in_dim3A_2173 = vector.shape_cast %lt3A_2165 : vector<144x1xi1> to vector<144x1xi1>
    %broadcast_in_dim3A_2174 = vector.broadcast %broadcast_in_dim3A_2173 : vector<144x1xi1> to vector<144x128xi1>
    %broadcast_in_dim3A_2175 = vector.broadcast %jit3A_2172 : f32 to vector<144x128xf32>
    %select_n3A_2176 = arith.select %broadcast_in_dim3A_2174, %get3A_2168, %broadcast_in_dim3A_2175 : vector<144x128xi1>, vector<144x128xf32>
    %add3A_2177 = arith.addf %dot_general3A_2147, %select_n3A_2176 : vector<144x128xf32>
    %swap3A_2178 = arith.index_cast %multiple_of3A_2134 : i32 to index
    %swap3A_2179 = arith.constant 0 : index
    %swap3A_2180 = vector.load %arg8[%swap3A_2178, %swap3A_2179] : memref<10240x128xf32, #tpu.memory_space<vmem>>, vector<144x128xf32>
    tpu.vector_store %arg8[%swap3A_2178, %swap3A_2179], %add3A_2177 {strides = array<i32>} : memref<10240x128xf32, #tpu.memory_space<vmem>>, vector<144x128xf32>,
    %jit3A_2181 = arith.constant 0.000000e+00 : f32
    %broadcast_in_dim3A_2182 = vector.shape_cast %lt3A_2165 : vector<144x1xi1> to vector<144x1xi1>
    %broadcast_in_dim3A_2183 = vector.broadcast %broadcast_in_dim3A_2182 : vector<144x1xi1> to vector<144x128xi1>
    %broadcast_in_dim3A_2184 = vector.broadcast %jit3A_2181 : f32 to vector<144x128xf32>
    %select_n3A_2185 = arith.select %broadcast_in_dim3A_2183, %get3A_2171, %broadcast_in_dim3A_2184 : vector<144x128xi1>, vector<144x128xf32>
    %add3A_2186 = arith.addf %dot_general3A_2150, %select_n3A_2185 : vector<144x128xf32>
    %swap3A_2187 = arith.index_cast %multiple_of3A_2134 : i32 to index
    %swap3A_2188 = arith.constant 0 : index
    %swap3A_2189 = vector.load %arg9[%swap3A_2187, %swap3A_2188] : memref<10240x128xf32, #tpu.memory_space<vmem>>, vector<144x128xf32>
    tpu.vector_store %arg9[%swap3A_2187, %swap3A_2188], %add3A_2186 {strides = array<i32>} : memref<10240x128xf32, #tpu.memory_space<vmem>>, vector<144x128xf32>,
    %mul3A_2190 = arith.constant 50 : i32
    %mul3A_2191 = arith.muli %arg0, %mul3A_2190 : i32
    %add3A_2192 = arith.constant 35 : i32
    %add3A_2193 = arith.addi %mul3A_2191, %add3A_2192 : i32
    %get3A_2194 = arith.index_cast %add3A_2193 : i32 to index
    %get3A_2195 = memref.load %arg1[%get3A_2194] : memref<2500xi32, #tpu.memory_space<smem>>
    %multiple_of3A_2196 = tpu.assume_multiple %get3A_2195, 16 : i32
    %slice3A_2197 = vector.extract_strided_slice %get3A_26 {offsets = [35, 0], sizes = [1, 128], strides = [1, 1]} : vector<50x128xi32> to vector<1x128xi32>
    %sub3A_2198 = vector.broadcast %multiple_of3A_2196 : i32 to vector<1x128xi32>
    %sub3A_2199 = arith.subi %slice3A_2197, %sub3A_2198 : vector<1x128xi32>
    %iota3A_2200 = tpu.iota {dimensions = array<i32: 0>} : vector<144x128xi32>
    %broadcast_in_dim3A_2201 = vector.shape_cast %sub3A_2199 : vector<1x128xi32> to vector<1x128xi32>
    %broadcast_in_dim3A_2202 = vector.broadcast %broadcast_in_dim3A_2201 : vector<1x128xi32> to vector<144x128xi32>
    %eq3A_2203 = arith.cmpi eq, %iota3A_2200, %broadcast_in_dim3A_2202 : vector<144x128xi32>
    %convert_element_type3A_2204 = arith.extui %eq3A_2203 : vector<144x128xi1> to vector<144x128xi32>
    %convert_element_type3A_2205 = arith.sitofp %convert_element_type3A_2204 : vector<144x128xi32> to vector<144x128xf32>
    %convert_element_type3A_2206 = arith.truncf %convert_element_type3A_2205 : vector<144x128xf32> to vector<144x128xbf16>
    %slice3A_2207 = vector.extract_strided_slice %convert_element_type3A_20 {offsets = [4480, 0], sizes = [128, 128], strides = [1, 1]} : vector<6400x128xbf16> to vector<128x128xbf16>
    %dot_general3A_2208 = arith.constant dense<0.000000e+00> : vector<144x128xf32>
    %dot_general3A_2209 = tpu.matmul %convert_element_type3A_2206, %slice3A_2207, %dot_general3A_2208 {dimension_numbers = #tpu.dot_dimension_numbers<[1], [0], [0], [1], [0, 0, 1, 1], [], []>, transpose_lhs_hint = false} : vector<144x128xbf16>, vector<128x128xbf16>, vector<144x128xf32> -> vector<144x128xf32>
    %slice3A_2210 = vector.extract_strided_slice %convert_element_type3A_21 {offsets = [4480, 0], sizes = [128, 128], strides = [1, 1]} : vector<6400x128xbf16> to vector<128x128xbf16>
    %dot_general3A_2211 = arith.constant dense<0.000000e+00> : vector<144x128xf32>
    %dot_general3A_2212 = tpu.matmul %convert_element_type3A_2206, %slice3A_2210, %dot_general3A_2211 {dimension_numbers = #tpu.dot_dimension_numbers<[1], [0], [0], [1], [0, 0, 1, 1], [], []>, transpose_lhs_hint = false} : vector<144x128xbf16>, vector<128x128xbf16>, vector<144x128xf32> -> vector<144x128xf32>
    %mul3A_2213 = arith.constant 50 : i32
    %mul3A_2214 = arith.muli %arg0, %mul3A_2213 : i32
    %add3A_2215 = arith.constant 35 : i32
    %add3A_2216 = arith.addi %mul3A_2214, %add3A_2215 : i32
    %sub3A_2217 = arith.constant 1 : i32
    %sub3A_2218 = arith.subi %add3A_2216, %sub3A_2217 : i32
    %get3A_2219 = arith.index_cast %sub3A_2218 : i32 to index
    %get3A_2220 = memref.load %arg1[%get3A_2219] : memref<2500xi32, #tpu.memory_space<smem>>
    %add3A_2221 = arith.constant 144 : i32
    %add3A_2222 = arith.addi %get3A_2220, %add3A_2221 : i32
    %iota3A_2223 = tpu.iota {dimensions = array<i32: 0>} : vector<144x1xi32>
    %add3A_2224 = vector.broadcast %multiple_of3A_2196 : i32 to vector<144x1xi32>
    %add3A_2225 = arith.addi %iota3A_2223, %add3A_2224 : vector<144x1xi32>
    %lt3A_2226 = vector.broadcast %add3A_2222 : i32 to vector<144x1xi32>
    %lt3A_2227 = arith.cmpi slt, %add3A_2225, %lt3A_2226 : vector<144x1xi32>
    %get3A_2228 = arith.index_cast %multiple_of3A_2196 : i32 to index
    %get3A_2229 = arith.constant 0 : index
    %get3A_2230 = vector.load %arg8[%get3A_2228, %get3A_2229] : memref<10240x128xf32, #tpu.memory_space<vmem>>, vector<144x128xf32>
    %get3A_2231 = arith.index_cast %multiple_of3A_2196 : i32 to index
    %get3A_2232 = arith.constant 0 : index
    %get3A_2233 = vector.load %arg9[%get3A_2231, %get3A_2232] : memref<10240x128xf32, #tpu.memory_space<vmem>>, vector<144x128xf32>
    %jit3A_2234 = arith.constant 0.000000e+00 : f32
    %broadcast_in_dim3A_2235 = vector.shape_cast %lt3A_2227 : vector<144x1xi1> to vector<144x1xi1>
    %broadcast_in_dim3A_2236 = vector.broadcast %broadcast_in_dim3A_2235 : vector<144x1xi1> to vector<144x128xi1>
    %broadcast_in_dim3A_2237 = vector.broadcast %jit3A_2234 : f32 to vector<144x128xf32>
    %select_n3A_2238 = arith.select %broadcast_in_dim3A_2236, %get3A_2230, %broadcast_in_dim3A_2237 : vector<144x128xi1>, vector<144x128xf32>
    %add3A_2239 = arith.addf %dot_general3A_2209, %select_n3A_2238 : vector<144x128xf32>
    %swap3A_2240 = arith.index_cast %multiple_of3A_2196 : i32 to index
    %swap3A_2241 = arith.constant 0 : index
    %swap3A_2242 = vector.load %arg8[%swap3A_2240, %swap3A_2241] : memref<10240x128xf32, #tpu.memory_space<vmem>>, vector<144x128xf32>
    tpu.vector_store %arg8[%swap3A_2240, %swap3A_2241], %add3A_2239 {strides = array<i32>} : memref<10240x128xf32, #tpu.memory_space<vmem>>, vector<144x128xf32>,
    %jit3A_2243 = arith.constant 0.000000e+00 : f32
    %broadcast_in_dim3A_2244 = vector.shape_cast %lt3A_2227 : vector<144x1xi1> to vector<144x1xi1>
    %broadcast_in_dim3A_2245 = vector.broadcast %broadcast_in_dim3A_2244 : vector<144x1xi1> to vector<144x128xi1>
    %broadcast_in_dim3A_2246 = vector.broadcast %jit3A_2243 : f32 to vector<144x128xf32>
    %select_n3A_2247 = arith.select %broadcast_in_dim3A_2245, %get3A_2233, %broadcast_in_dim3A_2246 : vector<144x128xi1>, vector<144x128xf32>
    %add3A_2248 = arith.addf %dot_general3A_2212, %select_n3A_2247 : vector<144x128xf32>
    %swap3A_2249 = arith.index_cast %multiple_of3A_2196 : i32 to index
    %swap3A_2250 = arith.constant 0 : index
    %swap3A_2251 = vector.load %arg9[%swap3A_2249, %swap3A_2250] : memref<10240x128xf32, #tpu.memory_space<vmem>>, vector<144x128xf32>
    tpu.vector_store %arg9[%swap3A_2249, %swap3A_2250], %add3A_2248 {strides = array<i32>} : memref<10240x128xf32, #tpu.memory_space<vmem>>, vector<144x128xf32>,
    %mul3A_2252 = arith.constant 50 : i32
    %mul3A_2253 = arith.muli %arg0, %mul3A_2252 : i32
    %add3A_2254 = arith.constant 36 : i32
    %add3A_2255 = arith.addi %mul3A_2253, %add3A_2254 : i32
    %get3A_2256 = arith.index_cast %add3A_2255 : i32 to index
    %get3A_2257 = memref.load %arg1[%get3A_2256] : memref<2500xi32, #tpu.memory_space<smem>>
    %multiple_of3A_2258 = tpu.assume_multiple %get3A_2257, 16 : i32
    %slice3A_2259 = vector.extract_strided_slice %get3A_26 {offsets = [36, 0], sizes = [1, 128], strides = [1, 1]} : vector<50x128xi32> to vector<1x128xi32>
    %sub3A_2260 = vector.broadcast %multiple_of3A_2258 : i32 to vector<1x128xi32>
    %sub3A_2261 = arith.subi %slice3A_2259, %sub3A_2260 : vector<1x128xi32>
    %iota3A_2262 = tpu.iota {dimensions = array<i32: 0>} : vector<144x128xi32>
    %broadcast_in_dim3A_2263 = vector.shape_cast %sub3A_2261 : vector<1x128xi32> to vector<1x128xi32>
    %broadcast_in_dim3A_2264 = vector.broadcast %broadcast_in_dim3A_2263 : vector<1x128xi32> to vector<144x128xi32>
    %eq3A_2265 = arith.cmpi eq, %iota3A_2262, %broadcast_in_dim3A_2264 : vector<144x128xi32>
    %convert_element_type3A_2266 = arith.extui %eq3A_2265 : vector<144x128xi1> to vector<144x128xi32>
    %convert_element_type3A_2267 = arith.sitofp %convert_element_type3A_2266 : vector<144x128xi32> to vector<144x128xf32>
    %convert_element_type3A_2268 = arith.truncf %convert_element_type3A_2267 : vector<144x128xf32> to vector<144x128xbf16>
    %slice3A_2269 = vector.extract_strided_slice %convert_element_type3A_20 {offsets = [4608, 0], sizes = [128, 128], strides = [1, 1]} : vector<6400x128xbf16> to vector<128x128xbf16>
    %dot_general3A_2270 = arith.constant dense<0.000000e+00> : vector<144x128xf32>
    %dot_general3A_2271 = tpu.matmul %convert_element_type3A_2268, %slice3A_2269, %dot_general3A_2270 {dimension_numbers = #tpu.dot_dimension_numbers<[1], [0], [0], [1], [0, 0, 1, 1], [], []>, transpose_lhs_hint = false} : vector<144x128xbf16>, vector<128x128xbf16>, vector<144x128xf32> -> vector<144x128xf32>
    %slice3A_2272 = vector.extract_strided_slice %convert_element_type3A_21 {offsets = [4608, 0], sizes = [128, 128], strides = [1, 1]} : vector<6400x128xbf16> to vector<128x128xbf16>
    %dot_general3A_2273 = arith.constant dense<0.000000e+00> : vector<144x128xf32>
    %dot_general3A_2274 = tpu.matmul %convert_element_type3A_2268, %slice3A_2272, %dot_general3A_2273 {dimension_numbers = #tpu.dot_dimension_numbers<[1], [0], [0], [1], [0, 0, 1, 1], [], []>, transpose_lhs_hint = false} : vector<144x128xbf16>, vector<128x128xbf16>, vector<144x128xf32> -> vector<144x128xf32>
    %mul3A_2275 = arith.constant 50 : i32
    %mul3A_2276 = arith.muli %arg0, %mul3A_2275 : i32
    %add3A_2277 = arith.constant 36 : i32
    %add3A_2278 = arith.addi %mul3A_2276, %add3A_2277 : i32
    %sub3A_2279 = arith.constant 1 : i32
    %sub3A_2280 = arith.subi %add3A_2278, %sub3A_2279 : i32
    %get3A_2281 = arith.index_cast %sub3A_2280 : i32 to index
    %get3A_2282 = memref.load %arg1[%get3A_2281] : memref<2500xi32, #tpu.memory_space<smem>>
    %add3A_2283 = arith.constant 144 : i32
    %add3A_2284 = arith.addi %get3A_2282, %add3A_2283 : i32
    %iota3A_2285 = tpu.iota {dimensions = array<i32: 0>} : vector<144x1xi32>
    %add3A_2286 = vector.broadcast %multiple_of3A_2258 : i32 to vector<144x1xi32>
    %add3A_2287 = arith.addi %iota3A_2285, %add3A_2286 : vector<144x1xi32>
    %lt3A_2288 = vector.broadcast %add3A_2284 : i32 to vector<144x1xi32>
    %lt3A_2289 = arith.cmpi slt, %add3A_2287, %lt3A_2288 : vector<144x1xi32>
    %get3A_2290 = arith.index_cast %multiple_of3A_2258 : i32 to index
    %get3A_2291 = arith.constant 0 : index
    %get3A_2292 = vector.load %arg8[%get3A_2290, %get3A_2291] : memref<10240x128xf32, #tpu.memory_space<vmem>>, vector<144x128xf32>
    %get3A_2293 = arith.index_cast %multiple_of3A_2258 : i32 to index
    %get3A_2294 = arith.constant 0 : index
    %get3A_2295 = vector.load %arg9[%get3A_2293, %get3A_2294] : memref<10240x128xf32, #tpu.memory_space<vmem>>, vector<144x128xf32>
    %jit3A_2296 = arith.constant 0.000000e+00 : f32
    %broadcast_in_dim3A_2297 = vector.shape_cast %lt3A_2289 : vector<144x1xi1> to vector<144x1xi1>
    %broadcast_in_dim3A_2298 = vector.broadcast %broadcast_in_dim3A_2297 : vector<144x1xi1> to vector<144x128xi1>
    %broadcast_in_dim3A_2299 = vector.broadcast %jit3A_2296 : f32 to vector<144x128xf32>
    %select_n3A_2300 = arith.select %broadcast_in_dim3A_2298, %get3A_2292, %broadcast_in_dim3A_2299 : vector<144x128xi1>, vector<144x128xf32>
    %add3A_2301 = arith.addf %dot_general3A_2271, %select_n3A_2300 : vector<144x128xf32>
    %swap3A_2302 = arith.index_cast %multiple_of3A_2258 : i32 to index
    %swap3A_2303 = arith.constant 0 : index
    %swap3A_2304 = vector.load %arg8[%swap3A_2302, %swap3A_2303] : memref<10240x128xf32, #tpu.memory_space<vmem>>, vector<144x128xf32>
    tpu.vector_store %arg8[%swap3A_2302, %swap3A_2303], %add3A_2301 {strides = array<i32>} : memref<10240x128xf32, #tpu.memory_space<vmem>>, vector<144x128xf32>,
    %jit3A_2305 = arith.constant 0.000000e+00 : f32
    %broadcast_in_dim3A_2306 = vector.shape_cast %lt3A_2289 : vector<144x1xi1> to vector<144x1xi1>
    %broadcast_in_dim3A_2307 = vector.broadcast %broadcast_in_dim3A_2306 : vector<144x1xi1> to vector<144x128xi1>
    %broadcast_in_dim3A_2308 = vector.broadcast %jit3A_2305 : f32 to vector<144x128xf32>
    %select_n3A_2309 = arith.select %broadcast_in_dim3A_2307, %get3A_2295, %broadcast_in_dim3A_2308 : vector<144x128xi1>, vector<144x128xf32>
    %add3A_2310 = arith.addf %dot_general3A_2274, %select_n3A_2309 : vector<144x128xf32>
    %swap3A_2311 = arith.index_cast %multiple_of3A_2258 : i32 to index
    %swap3A_2312 = arith.constant 0 : index
    %swap3A_2313 = vector.load %arg9[%swap3A_2311, %swap3A_2312] : memref<10240x128xf32, #tpu.memory_space<vmem>>, vector<144x128xf32>
    tpu.vector_store %arg9[%swap3A_2311, %swap3A_2312], %add3A_2310 {strides = array<i32>} : memref<10240x128xf32, #tpu.memory_space<vmem>>, vector<144x128xf32>,
    %mul3A_2314 = arith.constant 50 : i32
    %mul3A_2315 = arith.muli %arg0, %mul3A_2314 : i32
    %add3A_2316 = arith.constant 37 : i32
    %add3A_2317 = arith.addi %mul3A_2315, %add3A_2316 : i32
    %get3A_2318 = arith.index_cast %add3A_2317 : i32 to index
    %get3A_2319 = memref.load %arg1[%get3A_2318] : memref<2500xi32, #tpu.memory_space<smem>>
    %multiple_of3A_2320 = tpu.assume_multiple %get3A_2319, 16 : i32
    %slice3A_2321 = vector.extract_strided_slice %get3A_26 {offsets = [37, 0], sizes = [1, 128], strides = [1, 1]} : vector<50x128xi32> to vector<1x128xi32>
    %sub3A_2322 = vector.broadcast %multiple_of3A_2320 : i32 to vector<1x128xi32>
    %sub3A_2323 = arith.subi %slice3A_2321, %sub3A_2322 : vector<1x128xi32>
    %iota3A_2324 = tpu.iota {dimensions = array<i32: 0>} : vector<144x128xi32>
    %broadcast_in_dim3A_2325 = vector.shape_cast %sub3A_2323 : vector<1x128xi32> to vector<1x128xi32>
    %broadcast_in_dim3A_2326 = vector.broadcast %broadcast_in_dim3A_2325 : vector<1x128xi32> to vector<144x128xi32>
    %eq3A_2327 = arith.cmpi eq, %iota3A_2324, %broadcast_in_dim3A_2326 : vector<144x128xi32>
    %convert_element_type3A_2328 = arith.extui %eq3A_2327 : vector<144x128xi1> to vector<144x128xi32>
    %convert_element_type3A_2329 = arith.sitofp %convert_element_type3A_2328 : vector<144x128xi32> to vector<144x128xf32>
    %convert_element_type3A_2330 = arith.truncf %convert_element_type3A_2329 : vector<144x128xf32> to vector<144x128xbf16>
    %slice3A_2331 = vector.extract_strided_slice %convert_element_type3A_20 {offsets = [4736, 0], sizes = [128, 128], strides = [1, 1]} : vector<6400x128xbf16> to vector<128x128xbf16>
    %dot_general3A_2332 = arith.constant dense<0.000000e+00> : vector<144x128xf32>
    %dot_general3A_2333 = tpu.matmul %convert_element_type3A_2330, %slice3A_2331, %dot_general3A_2332 {dimension_numbers = #tpu.dot_dimension_numbers<[1], [0], [0], [1], [0, 0, 1, 1], [], []>, transpose_lhs_hint = false} : vector<144x128xbf16>, vector<128x128xbf16>, vector<144x128xf32> -> vector<144x128xf32>
    %slice3A_2334 = vector.extract_strided_slice %convert_element_type3A_21 {offsets = [4736, 0], sizes = [128, 128], strides = [1, 1]} : vector<6400x128xbf16> to vector<128x128xbf16>
    %dot_general3A_2335 = arith.constant dense<0.000000e+00> : vector<144x128xf32>
    %dot_general3A_2336 = tpu.matmul %convert_element_type3A_2330, %slice3A_2334, %dot_general3A_2335 {dimension_numbers = #tpu.dot_dimension_numbers<[1], [0], [0], [1], [0, 0, 1, 1], [], []>, transpose_lhs_hint = false} : vector<144x128xbf16>, vector<128x128xbf16>, vector<144x128xf32> -> vector<144x128xf32>
    %mul3A_2337 = arith.constant 50 : i32
    %mul3A_2338 = arith.muli %arg0, %mul3A_2337 : i32
    %add3A_2339 = arith.constant 37 : i32
    %add3A_2340 = arith.addi %mul3A_2338, %add3A_2339 : i32
    %sub3A_2341 = arith.constant 1 : i32
    %sub3A_2342 = arith.subi %add3A_2340, %sub3A_2341 : i32
    %get3A_2343 = arith.index_cast %sub3A_2342 : i32 to index
    %get3A_2344 = memref.load %arg1[%get3A_2343] : memref<2500xi32, #tpu.memory_space<smem>>
    %add3A_2345 = arith.constant 144 : i32
    %add3A_2346 = arith.addi %get3A_2344, %add3A_2345 : i32
    %iota3A_2347 = tpu.iota {dimensions = array<i32: 0>} : vector<144x1xi32>
    %add3A_2348 = vector.broadcast %multiple_of3A_2320 : i32 to vector<144x1xi32>
    %add3A_2349 = arith.addi %iota3A_2347, %add3A_2348 : vector<144x1xi32>
    %lt3A_2350 = vector.broadcast %add3A_2346 : i32 to vector<144x1xi32>
    %lt3A_2351 = arith.cmpi slt, %add3A_2349, %lt3A_2350 : vector<144x1xi32>
    %get3A_2352 = arith.index_cast %multiple_of3A_2320 : i32 to index
    %get3A_2353 = arith.constant 0 : index
    %get3A_2354 = vector.load %arg8[%get3A_2352, %get3A_2353] : memref<10240x128xf32, #tpu.memory_space<vmem>>, vector<144x128xf32>
    %get3A_2355 = arith.index_cast %multiple_of3A_2320 : i32 to index
    %get3A_2356 = arith.constant 0 : index
    %get3A_2357 = vector.load %arg9[%get3A_2355, %get3A_2356] : memref<10240x128xf32, #tpu.memory_space<vmem>>, vector<144x128xf32>
    %jit3A_2358 = arith.constant 0.000000e+00 : f32
    %broadcast_in_dim3A_2359 = vector.shape_cast %lt3A_2351 : vector<144x1xi1> to vector<144x1xi1>
    %broadcast_in_dim3A_2360 = vector.broadcast %broadcast_in_dim3A_2359 : vector<144x1xi1> to vector<144x128xi1>
    %broadcast_in_dim3A_2361 = vector.broadcast %jit3A_2358 : f32 to vector<144x128xf32>
    %select_n3A_2362 = arith.select %broadcast_in_dim3A_2360, %get3A_2354, %broadcast_in_dim3A_2361 : vector<144x128xi1>, vector<144x128xf32>
    %add3A_2363 = arith.addf %dot_general3A_2333, %select_n3A_2362 : vector<144x128xf32>
    %swap3A_2364 = arith.index_cast %multiple_of3A_2320 : i32 to index
    %swap3A_2365 = arith.constant 0 : index
    %swap3A_2366 = vector.load %arg8[%swap3A_2364, %swap3A_2365] : memref<10240x128xf32, #tpu.memory_space<vmem>>, vector<144x128xf32>
    tpu.vector_store %arg8[%swap3A_2364, %swap3A_2365], %add3A_2363 {strides = array<i32>} : memref<10240x128xf32, #tpu.memory_space<vmem>>, vector<144x128xf32>,
    %jit3A_2367 = arith.constant 0.000000e+00 : f32
    %broadcast_in_dim3A_2368 = vector.shape_cast %lt3A_2351 : vector<144x1xi1> to vector<144x1xi1>
    %broadcast_in_dim3A_2369 = vector.broadcast %broadcast_in_dim3A_2368 : vector<144x1xi1> to vector<144x128xi1>
    %broadcast_in_dim3A_2370 = vector.broadcast %jit3A_2367 : f32 to vector<144x128xf32>
    %select_n3A_2371 = arith.select %broadcast_in_dim3A_2369, %get3A_2357, %broadcast_in_dim3A_2370 : vector<144x128xi1>, vector<144x128xf32>
    %add3A_2372 = arith.addf %dot_general3A_2336, %select_n3A_2371 : vector<144x128xf32>
    %swap3A_2373 = arith.index_cast %multiple_of3A_2320 : i32 to index
    %swap3A_2374 = arith.constant 0 : index
    %swap3A_2375 = vector.load %arg9[%swap3A_2373, %swap3A_2374] : memref<10240x128xf32, #tpu.memory_space<vmem>>, vector<144x128xf32>
    tpu.vector_store %arg9[%swap3A_2373, %swap3A_2374], %add3A_2372 {strides = array<i32>} : memref<10240x128xf32, #tpu.memory_space<vmem>>, vector<144x128xf32>,
    %mul3A_2376 = arith.constant 50 : i32
    %mul3A_2377 = arith.muli %arg0, %mul3A_2376 : i32
    %add3A_2378 = arith.constant 38 : i32
    %add3A_2379 = arith.addi %mul3A_2377, %add3A_2378 : i32
    %get3A_2380 = arith.index_cast %add3A_2379 : i32 to index
    %get3A_2381 = memref.load %arg1[%get3A_2380] : memref<2500xi32, #tpu.memory_space<smem>>
    %multiple_of3A_2382 = tpu.assume_multiple %get3A_2381, 16 : i32
    %slice3A_2383 = vector.extract_strided_slice %get3A_26 {offsets = [38, 0], sizes = [1, 128], strides = [1, 1]} : vector<50x128xi32> to vector<1x128xi32>
    %sub3A_2384 = vector.broadcast %multiple_of3A_2382 : i32 to vector<1x128xi32>
    %sub3A_2385 = arith.subi %slice3A_2383, %sub3A_2384 : vector<1x128xi32>
    %iota3A_2386 = tpu.iota {dimensions = array<i32: 0>} : vector<144x128xi32>
    %broadcast_in_dim3A_2387 = vector.shape_cast %sub3A_2385 : vector<1x128xi32> to vector<1x128xi32>
    %broadcast_in_dim3A_2388 = vector.broadcast %broadcast_in_dim3A_2387 : vector<1x128xi32> to vector<144x128xi32>
    %eq3A_2389 = arith.cmpi eq, %iota3A_2386, %broadcast_in_dim3A_2388 : vector<144x128xi32>
    %convert_element_type3A_2390 = arith.extui %eq3A_2389 : vector<144x128xi1> to vector<144x128xi32>
    %convert_element_type3A_2391 = arith.sitofp %convert_element_type3A_2390 : vector<144x128xi32> to vector<144x128xf32>
    %convert_element_type3A_2392 = arith.truncf %convert_element_type3A_2391 : vector<144x128xf32> to vector<144x128xbf16>
    %slice3A_2393 = vector.extract_strided_slice %convert_element_type3A_20 {offsets = [4864, 0], sizes = [128, 128], strides = [1, 1]} : vector<6400x128xbf16> to vector<128x128xbf16>
    %dot_general3A_2394 = arith.constant dense<0.000000e+00> : vector<144x128xf32>
    %dot_general3A_2395 = tpu.matmul %convert_element_type3A_2392, %slice3A_2393, %dot_general3A_2394 {dimension_numbers = #tpu.dot_dimension_numbers<[1], [0], [0], [1], [0, 0, 1, 1], [], []>, transpose_lhs_hint = false} : vector<144x128xbf16>, vector<128x128xbf16>, vector<144x128xf32> -> vector<144x128xf32>
    %slice3A_2396 = vector.extract_strided_slice %convert_element_type3A_21 {offsets = [4864, 0], sizes = [128, 128], strides = [1, 1]} : vector<6400x128xbf16> to vector<128x128xbf16>
    %dot_general3A_2397 = arith.constant dense<0.000000e+00> : vector<144x128xf32>
    %dot_general3A_2398 = tpu.matmul %convert_element_type3A_2392, %slice3A_2396, %dot_general3A_2397 {dimension_numbers = #tpu.dot_dimension_numbers<[1], [0], [0], [1], [0, 0, 1, 1], [], []>, transpose_lhs_hint = false} : vector<144x128xbf16>, vector<128x128xbf16>, vector<144x128xf32> -> vector<144x128xf32>
    %mul3A_2399 = arith.constant 50 : i32
    %mul3A_2400 = arith.muli %arg0, %mul3A_2399 : i32
    %add3A_2401 = arith.constant 38 : i32
    %add3A_2402 = arith.addi %mul3A_2400, %add3A_2401 : i32
    %sub3A_2403 = arith.constant 1 : i32
    %sub3A_2404 = arith.subi %add3A_2402, %sub3A_2403 : i32
    %get3A_2405 = arith.index_cast %sub3A_2404 : i32 to index
    %get3A_2406 = memref.load %arg1[%get3A_2405] : memref<2500xi32, #tpu.memory_space<smem>>
    %add3A_2407 = arith.constant 144 : i32
    %add3A_2408 = arith.addi %get3A_2406, %add3A_2407 : i32
    %iota3A_2409 = tpu.iota {dimensions = array<i32: 0>} : vector<144x1xi32>
    %add3A_2410 = vector.broadcast %multiple_of3A_2382 : i32 to vector<144x1xi32>
    %add3A_2411 = arith.addi %iota3A_2409, %add3A_2410 : vector<144x1xi32>
    %lt3A_2412 = vector.broadcast %add3A_2408 : i32 to vector<144x1xi32>
    %lt3A_2413 = arith.cmpi slt, %add3A_2411, %lt3A_2412 : vector<144x1xi32>
    %get3A_2414 = arith.index_cast %multiple_of3A_2382 : i32 to index
    %get3A_2415 = arith.constant 0 : index
    %get3A_2416 = vector.load %arg8[%get3A_2414, %get3A_2415] : memref<10240x128xf32, #tpu.memory_space<vmem>>, vector<144x128xf32>
    %get3A_2417 = arith.index_cast %multiple_of3A_2382 : i32 to index
    %get3A_2418 = arith.constant 0 : index
    %get3A_2419 = vector.load %arg9[%get3A_2417, %get3A_2418] : memref<10240x128xf32, #tpu.memory_space<vmem>>, vector<144x128xf32>
    %jit3A_2420 = arith.constant 0.000000e+00 : f32
    %broadcast_in_dim3A_2421 = vector.shape_cast %lt3A_2413 : vector<144x1xi1> to vector<144x1xi1>
    %broadcast_in_dim3A_2422 = vector.broadcast %broadcast_in_dim3A_2421 : vector<144x1xi1> to vector<144x128xi1>
    %broadcast_in_dim3A_2423 = vector.broadcast %jit3A_2420 : f32 to vector<144x128xf32>
    %select_n3A_2424 = arith.select %broadcast_in_dim3A_2422, %get3A_2416, %broadcast_in_dim3A_2423 : vector<144x128xi1>, vector<144x128xf32>
    %add3A_2425 = arith.addf %dot_general3A_2395, %select_n3A_2424 : vector<144x128xf32>
    %swap3A_2426 = arith.index_cast %multiple_of3A_2382 : i32 to index
    %swap3A_2427 = arith.constant 0 : index
    %swap3A_2428 = vector.load %arg8[%swap3A_2426, %swap3A_2427] : memref<10240x128xf32, #tpu.memory_space<vmem>>, vector<144x128xf32>
    tpu.vector_store %arg8[%swap3A_2426, %swap3A_2427], %add3A_2425 {strides = array<i32>} : memref<10240x128xf32, #tpu.memory_space<vmem>>, vector<144x128xf32>,
    %jit3A_2429 = arith.constant 0.000000e+00 : f32
    %broadcast_in_dim3A_2430 = vector.shape_cast %lt3A_2413 : vector<144x1xi1> to vector<144x1xi1>
    %broadcast_in_dim3A_2431 = vector.broadcast %broadcast_in_dim3A_2430 : vector<144x1xi1> to vector<144x128xi1>
    %broadcast_in_dim3A_2432 = vector.broadcast %jit3A_2429 : f32 to vector<144x128xf32>
    %select_n3A_2433 = arith.select %broadcast_in_dim3A_2431, %get3A_2419, %broadcast_in_dim3A_2432 : vector<144x128xi1>, vector<144x128xf32>
    %add3A_2434 = arith.addf %dot_general3A_2398, %select_n3A_2433 : vector<144x128xf32>
    %swap3A_2435 = arith.index_cast %multiple_of3A_2382 : i32 to index
    %swap3A_2436 = arith.constant 0 : index
    %swap3A_2437 = vector.load %arg9[%swap3A_2435, %swap3A_2436] : memref<10240x128xf32, #tpu.memory_space<vmem>>, vector<144x128xf32>
    tpu.vector_store %arg9[%swap3A_2435, %swap3A_2436], %add3A_2434 {strides = array<i32>} : memref<10240x128xf32, #tpu.memory_space<vmem>>, vector<144x128xf32>,
    %mul3A_2438 = arith.constant 50 : i32
    %mul3A_2439 = arith.muli %arg0, %mul3A_2438 : i32
    %add3A_2440 = arith.constant 39 : i32
    %add3A_2441 = arith.addi %mul3A_2439, %add3A_2440 : i32
    %get3A_2442 = arith.index_cast %add3A_2441 : i32 to index
    %get3A_2443 = memref.load %arg1[%get3A_2442] : memref<2500xi32, #tpu.memory_space<smem>>
    %multiple_of3A_2444 = tpu.assume_multiple %get3A_2443, 16 : i32
    %slice3A_2445 = vector.extract_strided_slice %get3A_26 {offsets = [39, 0], sizes = [1, 128], strides = [1, 1]} : vector<50x128xi32> to vector<1x128xi32>
    %sub3A_2446 = vector.broadcast %multiple_of3A_2444 : i32 to vector<1x128xi32>
    %sub3A_2447 = arith.subi %slice3A_2445, %sub3A_2446 : vector<1x128xi32>
    %iota3A_2448 = tpu.iota {dimensions = array<i32: 0>} : vector<144x128xi32>
    %broadcast_in_dim3A_2449 = vector.shape_cast %sub3A_2447 : vector<1x128xi32> to vector<1x128xi32>
    %broadcast_in_dim3A_2450 = vector.broadcast %broadcast_in_dim3A_2449 : vector<1x128xi32> to vector<144x128xi32>
    %eq3A_2451 = arith.cmpi eq, %iota3A_2448, %broadcast_in_dim3A_2450 : vector<144x128xi32>
    %convert_element_type3A_2452 = arith.extui %eq3A_2451 : vector<144x128xi1> to vector<144x128xi32>
    %convert_element_type3A_2453 = arith.sitofp %convert_element_type3A_2452 : vector<144x128xi32> to vector<144x128xf32>
    %convert_element_type3A_2454 = arith.truncf %convert_element_type3A_2453 : vector<144x128xf32> to vector<144x128xbf16>
    %slice3A_2455 = vector.extract_strided_slice %convert_element_type3A_20 {offsets = [4992, 0], sizes = [128, 128], strides = [1, 1]} : vector<6400x128xbf16> to vector<128x128xbf16>
    %dot_general3A_2456 = arith.constant dense<0.000000e+00> : vector<144x128xf32>
    %dot_general3A_2457 = tpu.matmul %convert_element_type3A_2454, %slice3A_2455, %dot_general3A_2456 {dimension_numbers = #tpu.dot_dimension_numbers<[1], [0], [0], [1], [0, 0, 1, 1], [], []>, transpose_lhs_hint = false} : vector<144x128xbf16>, vector<128x128xbf16>, vector<144x128xf32> -> vector<144x128xf32>
    %slice3A_2458 = vector.extract_strided_slice %convert_element_type3A_21 {offsets = [4992, 0], sizes = [128, 128], strides = [1, 1]} : vector<6400x128xbf16> to vector<128x128xbf16>
    %dot_general3A_2459 = arith.constant dense<0.000000e+00> : vector<144x128xf32>
    %dot_general3A_2460 = tpu.matmul %convert_element_type3A_2454, %slice3A_2458, %dot_general3A_2459 {dimension_numbers = #tpu.dot_dimension_numbers<[1], [0], [0], [1], [0, 0, 1, 1], [], []>, transpose_lhs_hint = false} : vector<144x128xbf16>, vector<128x128xbf16>, vector<144x128xf32> -> vector<144x128xf32>
    %mul3A_2461 = arith.constant 50 : i32
    %mul3A_2462 = arith.muli %arg0, %mul3A_2461 : i32
    %add3A_2463 = arith.constant 39 : i32
    %add3A_2464 = arith.addi %mul3A_2462, %add3A_2463 : i32
    %sub3A_2465 = arith.constant 1 : i32
    %sub3A_2466 = arith.subi %add3A_2464, %sub3A_2465 : i32
    %get3A_2467 = arith.index_cast %sub3A_2466 : i32 to index
    %get3A_2468 = memref.load %arg1[%get3A_2467] : memref<2500xi32, #tpu.memory_space<smem>>
    %add3A_2469 = arith.constant 144 : i32
    %add3A_2470 = arith.addi %get3A_2468, %add3A_2469 : i32
    %iota3A_2471 = tpu.iota {dimensions = array<i32: 0>} : vector<144x1xi32>
    %add3A_2472 = vector.broadcast %multiple_of3A_2444 : i32 to vector<144x1xi32>
    %add3A_2473 = arith.addi %iota3A_2471, %add3A_2472 : vector<144x1xi32>
    %lt3A_2474 = vector.broadcast %add3A_2470 : i32 to vector<144x1xi32>
    %lt3A_2475 = arith.cmpi slt, %add3A_2473, %lt3A_2474 : vector<144x1xi32>
    %get3A_2476 = arith.index_cast %multiple_of3A_2444 : i32 to index
    %get3A_2477 = arith.constant 0 : index
    %get3A_2478 = vector.load %arg8[%get3A_2476, %get3A_2477] : memref<10240x128xf32, #tpu.memory_space<vmem>>, vector<144x128xf32>
    %get3A_2479 = arith.index_cast %multiple_of3A_2444 : i32 to index
    %get3A_2480 = arith.constant 0 : index
    %get3A_2481 = vector.load %arg9[%get3A_2479, %get3A_2480] : memref<10240x128xf32, #tpu.memory_space<vmem>>, vector<144x128xf32>
    %jit3A_2482 = arith.constant 0.000000e+00 : f32
    %broadcast_in_dim3A_2483 = vector.shape_cast %lt3A_2475 : vector<144x1xi1> to vector<144x1xi1>
    %broadcast_in_dim3A_2484 = vector.broadcast %broadcast_in_dim3A_2483 : vector<144x1xi1> to vector<144x128xi1>
    %broadcast_in_dim3A_2485 = vector.broadcast %jit3A_2482 : f32 to vector<144x128xf32>
    %select_n3A_2486 = arith.select %broadcast_in_dim3A_2484, %get3A_2478, %broadcast_in_dim3A_2485 : vector<144x128xi1>, vector<144x128xf32>
    %add3A_2487 = arith.addf %dot_general3A_2457, %select_n3A_2486 : vector<144x128xf32>
    %swap3A_2488 = arith.index_cast %multiple_of3A_2444 : i32 to index
    %swap3A_2489 = arith.constant 0 : index
    %swap3A_2490 = vector.load %arg8[%swap3A_2488, %swap3A_2489] : memref<10240x128xf32, #tpu.memory_space<vmem>>, vector<144x128xf32>
    tpu.vector_store %arg8[%swap3A_2488, %swap3A_2489], %add3A_2487 {strides = array<i32>} : memref<10240x128xf32, #tpu.memory_space<vmem>>, vector<144x128xf32>,
    %jit3A_2491 = arith.constant 0.000000e+00 : f32
    %broadcast_in_dim3A_2492 = vector.shape_cast %lt3A_2475 : vector<144x1xi1> to vector<144x1xi1>
    %broadcast_in_dim3A_2493 = vector.broadcast %broadcast_in_dim3A_2492 : vector<144x1xi1> to vector<144x128xi1>
    %broadcast_in_dim3A_2494 = vector.broadcast %jit3A_2491 : f32 to vector<144x128xf32>
    %select_n3A_2495 = arith.select %broadcast_in_dim3A_2493, %get3A_2481, %broadcast_in_dim3A_2494 : vector<144x128xi1>, vector<144x128xf32>
    %add3A_2496 = arith.addf %dot_general3A_2460, %select_n3A_2495 : vector<144x128xf32>
    %swap3A_2497 = arith.index_cast %multiple_of3A_2444 : i32 to index
    %swap3A_2498 = arith.constant 0 : index
    %swap3A_2499 = vector.load %arg9[%swap3A_2497, %swap3A_2498] : memref<10240x128xf32, #tpu.memory_space<vmem>>, vector<144x128xf32>
    tpu.vector_store %arg9[%swap3A_2497, %swap3A_2498], %add3A_2496 {strides = array<i32>} : memref<10240x128xf32, #tpu.memory_space<vmem>>, vector<144x128xf32>,
    %mul3A_2500 = arith.constant 50 : i32
    %mul3A_2501 = arith.muli %arg0, %mul3A_2500 : i32
    %add3A_2502 = arith.constant 40 : i32
    %add3A_2503 = arith.addi %mul3A_2501, %add3A_2502 : i32
    %get3A_2504 = arith.index_cast %add3A_2503 : i32 to index
    %get3A_2505 = memref.load %arg1[%get3A_2504] : memref<2500xi32, #tpu.memory_space<smem>>
    %multiple_of3A_2506 = tpu.assume_multiple %get3A_2505, 16 : i32
    %slice3A_2507 = vector.extract_strided_slice %get3A_26 {offsets = [40, 0], sizes = [1, 128], strides = [1, 1]} : vector<50x128xi32> to vector<1x128xi32>
    %sub3A_2508 = vector.broadcast %multiple_of3A_2506 : i32 to vector<1x128xi32>
    %sub3A_2509 = arith.subi %slice3A_2507, %sub3A_2508 : vector<1x128xi32>
    %iota3A_2510 = tpu.iota {dimensions = array<i32: 0>} : vector<144x128xi32>
    %broadcast_in_dim3A_2511 = vector.shape_cast %sub3A_2509 : vector<1x128xi32> to vector<1x128xi32>
    %broadcast_in_dim3A_2512 = vector.broadcast %broadcast_in_dim3A_2511 : vector<1x128xi32> to vector<144x128xi32>
    %eq3A_2513 = arith.cmpi eq, %iota3A_2510, %broadcast_in_dim3A_2512 : vector<144x128xi32>
    %convert_element_type3A_2514 = arith.extui %eq3A_2513 : vector<144x128xi1> to vector<144x128xi32>
    %convert_element_type3A_2515 = arith.sitofp %convert_element_type3A_2514 : vector<144x128xi32> to vector<144x128xf32>
    %convert_element_type3A_2516 = arith.truncf %convert_element_type3A_2515 : vector<144x128xf32> to vector<144x128xbf16>
    %slice3A_2517 = vector.extract_strided_slice %convert_element_type3A_20 {offsets = [5120, 0], sizes = [128, 128], strides = [1, 1]} : vector<6400x128xbf16> to vector<128x128xbf16>
    %dot_general3A_2518 = arith.constant dense<0.000000e+00> : vector<144x128xf32>
    %dot_general3A_2519 = tpu.matmul %convert_element_type3A_2516, %slice3A_2517, %dot_general3A_2518 {dimension_numbers = #tpu.dot_dimension_numbers<[1], [0], [0], [1], [0, 0, 1, 1], [], []>, transpose_lhs_hint = false} : vector<144x128xbf16>, vector<128x128xbf16>, vector<144x128xf32> -> vector<144x128xf32>
    %slice3A_2520 = vector.extract_strided_slice %convert_element_type3A_21 {offsets = [5120, 0], sizes = [128, 128], strides = [1, 1]} : vector<6400x128xbf16> to vector<128x128xbf16>
    %dot_general3A_2521 = arith.constant dense<0.000000e+00> : vector<144x128xf32>
    %dot_general3A_2522 = tpu.matmul %convert_element_type3A_2516, %slice3A_2520, %dot_general3A_2521 {dimension_numbers = #tpu.dot_dimension_numbers<[1], [0], [0], [1], [0, 0, 1, 1], [], []>, transpose_lhs_hint = false} : vector<144x128xbf16>, vector<128x128xbf16>, vector<144x128xf32> -> vector<144x128xf32>
    %mul3A_2523 = arith.constant 50 : i32
    %mul3A_2524 = arith.muli %arg0, %mul3A_2523 : i32
    %add3A_2525 = arith.constant 40 : i32
    %add3A_2526 = arith.addi %mul3A_2524, %add3A_2525 : i32
    %sub3A_2527 = arith.constant 1 : i32
    %sub3A_2528 = arith.subi %add3A_2526, %sub3A_2527 : i32
    %get3A_2529 = arith.index_cast %sub3A_2528 : i32 to index
    %get3A_2530 = memref.load %arg1[%get3A_2529] : memref<2500xi32, #tpu.memory_space<smem>>
    %add3A_2531 = arith.constant 144 : i32
    %add3A_2532 = arith.addi %get3A_2530, %add3A_2531 : i32
    %iota3A_2533 = tpu.iota {dimensions = array<i32: 0>} : vector<144x1xi32>
    %add3A_2534 = vector.broadcast %multiple_of3A_2506 : i32 to vector<144x1xi32>
    %add3A_2535 = arith.addi %iota3A_2533, %add3A_2534 : vector<144x1xi32>
    %lt3A_2536 = vector.broadcast %add3A_2532 : i32 to vector<144x1xi32>
    %lt3A_2537 = arith.cmpi slt, %add3A_2535, %lt3A_2536 : vector<144x1xi32>
    %get3A_2538 = arith.index_cast %multiple_of3A_2506 : i32 to index
    %get3A_2539 = arith.constant 0 : index
    %get3A_2540 = vector.load %arg8[%get3A_2538, %get3A_2539] : memref<10240x128xf32, #tpu.memory_space<vmem>>, vector<144x128xf32>
    %get3A_2541 = arith.index_cast %multiple_of3A_2506 : i32 to index
    %get3A_2542 = arith.constant 0 : index
    %get3A_2543 = vector.load %arg9[%get3A_2541, %get3A_2542] : memref<10240x128xf32, #tpu.memory_space<vmem>>, vector<144x128xf32>
    %jit3A_2544 = arith.constant 0.000000e+00 : f32
    %broadcast_in_dim3A_2545 = vector.shape_cast %lt3A_2537 : vector<144x1xi1> to vector<144x1xi1>
    %broadcast_in_dim3A_2546 = vector.broadcast %broadcast_in_dim3A_2545 : vector<144x1xi1> to vector<144x128xi1>
    %broadcast_in_dim3A_2547 = vector.broadcast %jit3A_2544 : f32 to vector<144x128xf32>
    %select_n3A_2548 = arith.select %broadcast_in_dim3A_2546, %get3A_2540, %broadcast_in_dim3A_2547 : vector<144x128xi1>, vector<144x128xf32>
    %add3A_2549 = arith.addf %dot_general3A_2519, %select_n3A_2548 : vector<144x128xf32>
    %swap3A_2550 = arith.index_cast %multiple_of3A_2506 : i32 to index
    %swap3A_2551 = arith.constant 0 : index
    %swap3A_2552 = vector.load %arg8[%swap3A_2550, %swap3A_2551] : memref<10240x128xf32, #tpu.memory_space<vmem>>, vector<144x128xf32>
    tpu.vector_store %arg8[%swap3A_2550, %swap3A_2551], %add3A_2549 {strides = array<i32>} : memref<10240x128xf32, #tpu.memory_space<vmem>>, vector<144x128xf32>,
    %jit3A_2553 = arith.constant 0.000000e+00 : f32
    %broadcast_in_dim3A_2554 = vector.shape_cast %lt3A_2537 : vector<144x1xi1> to vector<144x1xi1>
    %broadcast_in_dim3A_2555 = vector.broadcast %broadcast_in_dim3A_2554 : vector<144x1xi1> to vector<144x128xi1>
    %broadcast_in_dim3A_2556 = vector.broadcast %jit3A_2553 : f32 to vector<144x128xf32>
    %select_n3A_2557 = arith.select %broadcast_in_dim3A_2555, %get3A_2543, %broadcast_in_dim3A_2556 : vector<144x128xi1>, vector<144x128xf32>
    %add3A_2558 = arith.addf %dot_general3A_2522, %select_n3A_2557 : vector<144x128xf32>
    %swap3A_2559 = arith.index_cast %multiple_of3A_2506 : i32 to index
    %swap3A_2560 = arith.constant 0 : index
    %swap3A_2561 = vector.load %arg9[%swap3A_2559, %swap3A_2560] : memref<10240x128xf32, #tpu.memory_space<vmem>>, vector<144x128xf32>
    tpu.vector_store %arg9[%swap3A_2559, %swap3A_2560], %add3A_2558 {strides = array<i32>} : memref<10240x128xf32, #tpu.memory_space<vmem>>, vector<144x128xf32>,
    %mul3A_2562 = arith.constant 50 : i32
    %mul3A_2563 = arith.muli %arg0, %mul3A_2562 : i32
    %add3A_2564 = arith.constant 41 : i32
    %add3A_2565 = arith.addi %mul3A_2563, %add3A_2564 : i32
    %get3A_2566 = arith.index_cast %add3A_2565 : i32 to index
    %get3A_2567 = memref.load %arg1[%get3A_2566] : memref<2500xi32, #tpu.memory_space<smem>>
    %multiple_of3A_2568 = tpu.assume_multiple %get3A_2567, 16 : i32
    %slice3A_2569 = vector.extract_strided_slice %get3A_26 {offsets = [41, 0], sizes = [1, 128], strides = [1, 1]} : vector<50x128xi32> to vector<1x128xi32>
    %sub3A_2570 = vector.broadcast %multiple_of3A_2568 : i32 to vector<1x128xi32>
    %sub3A_2571 = arith.subi %slice3A_2569, %sub3A_2570 : vector<1x128xi32>
    %iota3A_2572 = tpu.iota {dimensions = array<i32: 0>} : vector<144x128xi32>
    %broadcast_in_dim3A_2573 = vector.shape_cast %sub3A_2571 : vector<1x128xi32> to vector<1x128xi32>
    %broadcast_in_dim3A_2574 = vector.broadcast %broadcast_in_dim3A_2573 : vector<1x128xi32> to vector<144x128xi32>
    %eq3A_2575 = arith.cmpi eq, %iota3A_2572, %broadcast_in_dim3A_2574 : vector<144x128xi32>
    %convert_element_type3A_2576 = arith.extui %eq3A_2575 : vector<144x128xi1> to vector<144x128xi32>
    %convert_element_type3A_2577 = arith.sitofp %convert_element_type3A_2576 : vector<144x128xi32> to vector<144x128xf32>
    %convert_element_type3A_2578 = arith.truncf %convert_element_type3A_2577 : vector<144x128xf32> to vector<144x128xbf16>
    %slice3A_2579 = vector.extract_strided_slice %convert_element_type3A_20 {offsets = [5248, 0], sizes = [128, 128], strides = [1, 1]} : vector<6400x128xbf16> to vector<128x128xbf16>
    %dot_general3A_2580 = arith.constant dense<0.000000e+00> : vector<144x128xf32>
    %dot_general3A_2581 = tpu.matmul %convert_element_type3A_2578, %slice3A_2579, %dot_general3A_2580 {dimension_numbers = #tpu.dot_dimension_numbers<[1], [0], [0], [1], [0, 0, 1, 1], [], []>, transpose_lhs_hint = false} : vector<144x128xbf16>, vector<128x128xbf16>, vector<144x128xf32> -> vector<144x128xf32>
    %slice3A_2582 = vector.extract_strided_slice %convert_element_type3A_21 {offsets = [5248, 0], sizes = [128, 128], strides = [1, 1]} : vector<6400x128xbf16> to vector<128x128xbf16>
    %dot_general3A_2583 = arith.constant dense<0.000000e+00> : vector<144x128xf32>
    %dot_general3A_2584 = tpu.matmul %convert_element_type3A_2578, %slice3A_2582, %dot_general3A_2583 {dimension_numbers = #tpu.dot_dimension_numbers<[1], [0], [0], [1], [0, 0, 1, 1], [], []>, transpose_lhs_hint = false} : vector<144x128xbf16>, vector<128x128xbf16>, vector<144x128xf32> -> vector<144x128xf32>
    %mul3A_2585 = arith.constant 50 : i32
    %mul3A_2586 = arith.muli %arg0, %mul3A_2585 : i32
    %add3A_2587 = arith.constant 41 : i32
    %add3A_2588 = arith.addi %mul3A_2586, %add3A_2587 : i32
    %sub3A_2589 = arith.constant 1 : i32
    %sub3A_2590 = arith.subi %add3A_2588, %sub3A_2589 : i32
    %get3A_2591 = arith.index_cast %sub3A_2590 : i32 to index
    %get3A_2592 = memref.load %arg1[%get3A_2591] : memref<2500xi32, #tpu.memory_space<smem>>
    %add3A_2593 = arith.constant 144 : i32
    %add3A_2594 = arith.addi %get3A_2592, %add3A_2593 : i32
    %iota3A_2595 = tpu.iota {dimensions = array<i32: 0>} : vector<144x1xi32>
    %add3A_2596 = vector.broadcast %multiple_of3A_2568 : i32 to vector<144x1xi32>
    %add3A_2597 = arith.addi %iota3A_2595, %add3A_2596 : vector<144x1xi32>
    %lt3A_2598 = vector.broadcast %add3A_2594 : i32 to vector<144x1xi32>
    %lt3A_2599 = arith.cmpi slt, %add3A_2597, %lt3A_2598 : vector<144x1xi32>
    %get3A_2600 = arith.index_cast %multiple_of3A_2568 : i32 to index
    %get3A_2601 = arith.constant 0 : index
    %get3A_2602 = vector.load %arg8[%get3A_2600, %get3A_2601] : memref<10240x128xf32, #tpu.memory_space<vmem>>, vector<144x128xf32>
    %get3A_2603 = arith.index_cast %multiple_of3A_2568 : i32 to index
    %get3A_2604 = arith.constant 0 : index
    %get3A_2605 = vector.load %arg9[%get3A_2603, %get3A_2604] : memref<10240x128xf32, #tpu.memory_space<vmem>>, vector<144x128xf32>
    %jit3A_2606 = arith.constant 0.000000e+00 : f32
    %broadcast_in_dim3A_2607 = vector.shape_cast %lt3A_2599 : vector<144x1xi1> to vector<144x1xi1>
    %broadcast_in_dim3A_2608 = vector.broadcast %broadcast_in_dim3A_2607 : vector<144x1xi1> to vector<144x128xi1>
    %broadcast_in_dim3A_2609 = vector.broadcast %jit3A_2606 : f32 to vector<144x128xf32>
    %select_n3A_2610 = arith.select %broadcast_in_dim3A_2608, %get3A_2602, %broadcast_in_dim3A_2609 : vector<144x128xi1>, vector<144x128xf32>
    %add3A_2611 = arith.addf %dot_general3A_2581, %select_n3A_2610 : vector<144x128xf32>
    %swap3A_2612 = arith.index_cast %multiple_of3A_2568 : i32 to index
    %swap3A_2613 = arith.constant 0 : index
    %swap3A_2614 = vector.load %arg8[%swap3A_2612, %swap3A_2613] : memref<10240x128xf32, #tpu.memory_space<vmem>>, vector<144x128xf32>
    tpu.vector_store %arg8[%swap3A_2612, %swap3A_2613], %add3A_2611 {strides = array<i32>} : memref<10240x128xf32, #tpu.memory_space<vmem>>, vector<144x128xf32>,
    %jit3A_2615 = arith.constant 0.000000e+00 : f32
    %broadcast_in_dim3A_2616 = vector.shape_cast %lt3A_2599 : vector<144x1xi1> to vector<144x1xi1>
    %broadcast_in_dim3A_2617 = vector.broadcast %broadcast_in_dim3A_2616 : vector<144x1xi1> to vector<144x128xi1>
    %broadcast_in_dim3A_2618 = vector.broadcast %jit3A_2615 : f32 to vector<144x128xf32>
    %select_n3A_2619 = arith.select %broadcast_in_dim3A_2617, %get3A_2605, %broadcast_in_dim3A_2618 : vector<144x128xi1>, vector<144x128xf32>
    %add3A_2620 = arith.addf %dot_general3A_2584, %select_n3A_2619 : vector<144x128xf32>
    %swap3A_2621 = arith.index_cast %multiple_of3A_2568 : i32 to index
    %swap3A_2622 = arith.constant 0 : index
    %swap3A_2623 = vector.load %arg9[%swap3A_2621, %swap3A_2622] : memref<10240x128xf32, #tpu.memory_space<vmem>>, vector<144x128xf32>
    tpu.vector_store %arg9[%swap3A_2621, %swap3A_2622], %add3A_2620 {strides = array<i32>} : memref<10240x128xf32, #tpu.memory_space<vmem>>, vector<144x128xf32>,
    %mul3A_2624 = arith.constant 50 : i32
    %mul3A_2625 = arith.muli %arg0, %mul3A_2624 : i32
    %add3A_2626 = arith.constant 42 : i32
    %add3A_2627 = arith.addi %mul3A_2625, %add3A_2626 : i32
    %get3A_2628 = arith.index_cast %add3A_2627 : i32 to index
    %get3A_2629 = memref.load %arg1[%get3A_2628] : memref<2500xi32, #tpu.memory_space<smem>>
    %multiple_of3A_2630 = tpu.assume_multiple %get3A_2629, 16 : i32
    %slice3A_2631 = vector.extract_strided_slice %get3A_26 {offsets = [42, 0], sizes = [1, 128], strides = [1, 1]} : vector<50x128xi32> to vector<1x128xi32>
    %sub3A_2632 = vector.broadcast %multiple_of3A_2630 : i32 to vector<1x128xi32>
    %sub3A_2633 = arith.subi %slice3A_2631, %sub3A_2632 : vector<1x128xi32>
    %iota3A_2634 = tpu.iota {dimensions = array<i32: 0>} : vector<144x128xi32>
    %broadcast_in_dim3A_2635 = vector.shape_cast %sub3A_2633 : vector<1x128xi32> to vector<1x128xi32>
    %broadcast_in_dim3A_2636 = vector.broadcast %broadcast_in_dim3A_2635 : vector<1x128xi32> to vector<144x128xi32>
    %eq3A_2637 = arith.cmpi eq, %iota3A_2634, %broadcast_in_dim3A_2636 : vector<144x128xi32>
    %convert_element_type3A_2638 = arith.extui %eq3A_2637 : vector<144x128xi1> to vector<144x128xi32>
    %convert_element_type3A_2639 = arith.sitofp %convert_element_type3A_2638 : vector<144x128xi32> to vector<144x128xf32>
    %convert_element_type3A_2640 = arith.truncf %convert_element_type3A_2639 : vector<144x128xf32> to vector<144x128xbf16>
    %slice3A_2641 = vector.extract_strided_slice %convert_element_type3A_20 {offsets = [5376, 0], sizes = [128, 128], strides = [1, 1]} : vector<6400x128xbf16> to vector<128x128xbf16>
    %dot_general3A_2642 = arith.constant dense<0.000000e+00> : vector<144x128xf32>
    %dot_general3A_2643 = tpu.matmul %convert_element_type3A_2640, %slice3A_2641, %dot_general3A_2642 {dimension_numbers = #tpu.dot_dimension_numbers<[1], [0], [0], [1], [0, 0, 1, 1], [], []>, transpose_lhs_hint = false} : vector<144x128xbf16>, vector<128x128xbf16>, vector<144x128xf32> -> vector<144x128xf32>
    %slice3A_2644 = vector.extract_strided_slice %convert_element_type3A_21 {offsets = [5376, 0], sizes = [128, 128], strides = [1, 1]} : vector<6400x128xbf16> to vector<128x128xbf16>
    %dot_general3A_2645 = arith.constant dense<0.000000e+00> : vector<144x128xf32>
    %dot_general3A_2646 = tpu.matmul %convert_element_type3A_2640, %slice3A_2644, %dot_general3A_2645 {dimension_numbers = #tpu.dot_dimension_numbers<[1], [0], [0], [1], [0, 0, 1, 1], [], []>, transpose_lhs_hint = false} : vector<144x128xbf16>, vector<128x128xbf16>, vector<144x128xf32> -> vector<144x128xf32>
    %mul3A_2647 = arith.constant 50 : i32
    %mul3A_2648 = arith.muli %arg0, %mul3A_2647 : i32
    %add3A_2649 = arith.constant 42 : i32
    %add3A_2650 = arith.addi %mul3A_2648, %add3A_2649 : i32
    %sub3A_2651 = arith.constant 1 : i32
    %sub3A_2652 = arith.subi %add3A_2650, %sub3A_2651 : i32
    %get3A_2653 = arith.index_cast %sub3A_2652 : i32 to index
    %get3A_2654 = memref.load %arg1[%get3A_2653] : memref<2500xi32, #tpu.memory_space<smem>>
    %add3A_2655 = arith.constant 144 : i32
    %add3A_2656 = arith.addi %get3A_2654, %add3A_2655 : i32
    %iota3A_2657 = tpu.iota {dimensions = array<i32: 0>} : vector<144x1xi32>
    %add3A_2658 = vector.broadcast %multiple_of3A_2630 : i32 to vector<144x1xi32>
    %add3A_2659 = arith.addi %iota3A_2657, %add3A_2658 : vector<144x1xi32>
    %lt3A_2660 = vector.broadcast %add3A_2656 : i32 to vector<144x1xi32>
    %lt3A_2661 = arith.cmpi slt, %add3A_2659, %lt3A_2660 : vector<144x1xi32>
    %get3A_2662 = arith.index_cast %multiple_of3A_2630 : i32 to index
    %get3A_2663 = arith.constant 0 : index
    %get3A_2664 = vector.load %arg8[%get3A_2662, %get3A_2663] : memref<10240x128xf32, #tpu.memory_space<vmem>>, vector<144x128xf32>
    %get3A_2665 = arith.index_cast %multiple_of3A_2630 : i32 to index
    %get3A_2666 = arith.constant 0 : index
    %get3A_2667 = vector.load %arg9[%get3A_2665, %get3A_2666] : memref<10240x128xf32, #tpu.memory_space<vmem>>, vector<144x128xf32>
    %jit3A_2668 = arith.constant 0.000000e+00 : f32
    %broadcast_in_dim3A_2669 = vector.shape_cast %lt3A_2661 : vector<144x1xi1> to vector<144x1xi1>
    %broadcast_in_dim3A_2670 = vector.broadcast %broadcast_in_dim3A_2669 : vector<144x1xi1> to vector<144x128xi1>
    %broadcast_in_dim3A_2671 = vector.broadcast %jit3A_2668 : f32 to vector<144x128xf32>
    %select_n3A_2672 = arith.select %broadcast_in_dim3A_2670, %get3A_2664, %broadcast_in_dim3A_2671 : vector<144x128xi1>, vector<144x128xf32>
    %add3A_2673 = arith.addf %dot_general3A_2643, %select_n3A_2672 : vector<144x128xf32>
    %swap3A_2674 = arith.index_cast %multiple_of3A_2630 : i32 to index
    %swap3A_2675 = arith.constant 0 : index
    %swap3A_2676 = vector.load %arg8[%swap3A_2674, %swap3A_2675] : memref<10240x128xf32, #tpu.memory_space<vmem>>, vector<144x128xf32>
    tpu.vector_store %arg8[%swap3A_2674, %swap3A_2675], %add3A_2673 {strides = array<i32>} : memref<10240x128xf32, #tpu.memory_space<vmem>>, vector<144x128xf32>,
    %jit3A_2677 = arith.constant 0.000000e+00 : f32
    %broadcast_in_dim3A_2678 = vector.shape_cast %lt3A_2661 : vector<144x1xi1> to vector<144x1xi1>
    %broadcast_in_dim3A_2679 = vector.broadcast %broadcast_in_dim3A_2678 : vector<144x1xi1> to vector<144x128xi1>
    %broadcast_in_dim3A_2680 = vector.broadcast %jit3A_2677 : f32 to vector<144x128xf32>
    %select_n3A_2681 = arith.select %broadcast_in_dim3A_2679, %get3A_2667, %broadcast_in_dim3A_2680 : vector<144x128xi1>, vector<144x128xf32>
    %add3A_2682 = arith.addf %dot_general3A_2646, %select_n3A_2681 : vector<144x128xf32>
    %swap3A_2683 = arith.index_cast %multiple_of3A_2630 : i32 to index
    %swap3A_2684 = arith.constant 0 : index
    %swap3A_2685 = vector.load %arg9[%swap3A_2683, %swap3A_2684] : memref<10240x128xf32, #tpu.memory_space<vmem>>, vector<144x128xf32>
    tpu.vector_store %arg9[%swap3A_2683, %swap3A_2684], %add3A_2682 {strides = array<i32>} : memref<10240x128xf32, #tpu.memory_space<vmem>>, vector<144x128xf32>,
    %mul3A_2686 = arith.constant 50 : i32
    %mul3A_2687 = arith.muli %arg0, %mul3A_2686 : i32
    %add3A_2688 = arith.constant 43 : i32
    %add3A_2689 = arith.addi %mul3A_2687, %add3A_2688 : i32
    %get3A_2690 = arith.index_cast %add3A_2689 : i32 to index
    %get3A_2691 = memref.load %arg1[%get3A_2690] : memref<2500xi32, #tpu.memory_space<smem>>
    %multiple_of3A_2692 = tpu.assume_multiple %get3A_2691, 16 : i32
    %slice3A_2693 = vector.extract_strided_slice %get3A_26 {offsets = [43, 0], sizes = [1, 128], strides = [1, 1]} : vector<50x128xi32> to vector<1x128xi32>
    %sub3A_2694 = vector.broadcast %multiple_of3A_2692 : i32 to vector<1x128xi32>
    %sub3A_2695 = arith.subi %slice3A_2693, %sub3A_2694 : vector<1x128xi32>
    %iota3A_2696 = tpu.iota {dimensions = array<i32: 0>} : vector<144x128xi32>
    %broadcast_in_dim3A_2697 = vector.shape_cast %sub3A_2695 : vector<1x128xi32> to vector<1x128xi32>
    %broadcast_in_dim3A_2698 = vector.broadcast %broadcast_in_dim3A_2697 : vector<1x128xi32> to vector<144x128xi32>
    %eq3A_2699 = arith.cmpi eq, %iota3A_2696, %broadcast_in_dim3A_2698 : vector<144x128xi32>
    %convert_element_type3A_2700 = arith.extui %eq3A_2699 : vector<144x128xi1> to vector<144x128xi32>
    %convert_element_type3A_2701 = arith.sitofp %convert_element_type3A_2700 : vector<144x128xi32> to vector<144x128xf32>
    %convert_element_type3A_2702 = arith.truncf %convert_element_type3A_2701 : vector<144x128xf32> to vector<144x128xbf16>
    %slice3A_2703 = vector.extract_strided_slice %convert_element_type3A_20 {offsets = [5504, 0], sizes = [128, 128], strides = [1, 1]} : vector<6400x128xbf16> to vector<128x128xbf16>
    %dot_general3A_2704 = arith.constant dense<0.000000e+00> : vector<144x128xf32>
    %dot_general3A_2705 = tpu.matmul %convert_element_type3A_2702, %slice3A_2703, %dot_general3A_2704 {dimension_numbers = #tpu.dot_dimension_numbers<[1], [0], [0], [1], [0, 0, 1, 1], [], []>, transpose_lhs_hint = false} : vector<144x128xbf16>, vector<128x128xbf16>, vector<144x128xf32> -> vector<144x128xf32>
    %slice3A_2706 = vector.extract_strided_slice %convert_element_type3A_21 {offsets = [5504, 0], sizes = [128, 128], strides = [1, 1]} : vector<6400x128xbf16> to vector<128x128xbf16>
    %dot_general3A_2707 = arith.constant dense<0.000000e+00> : vector<144x128xf32>
    %dot_general3A_2708 = tpu.matmul %convert_element_type3A_2702, %slice3A_2706, %dot_general3A_2707 {dimension_numbers = #tpu.dot_dimension_numbers<[1], [0], [0], [1], [0, 0, 1, 1], [], []>, transpose_lhs_hint = false} : vector<144x128xbf16>, vector<128x128xbf16>, vector<144x128xf32> -> vector<144x128xf32>
    %mul3A_2709 = arith.constant 50 : i32
    %mul3A_2710 = arith.muli %arg0, %mul3A_2709 : i32
    %add3A_2711 = arith.constant 43 : i32
    %add3A_2712 = arith.addi %mul3A_2710, %add3A_2711 : i32
    %sub3A_2713 = arith.constant 1 : i32
    %sub3A_2714 = arith.subi %add3A_2712, %sub3A_2713 : i32
    %get3A_2715 = arith.index_cast %sub3A_2714 : i32 to index
    %get3A_2716 = memref.load %arg1[%get3A_2715] : memref<2500xi32, #tpu.memory_space<smem>>
    %add3A_2717 = arith.constant 144 : i32
    %add3A_2718 = arith.addi %get3A_2716, %add3A_2717 : i32
    %iota3A_2719 = tpu.iota {dimensions = array<i32: 0>} : vector<144x1xi32>
    %add3A_2720 = vector.broadcast %multiple_of3A_2692 : i32 to vector<144x1xi32>
    %add3A_2721 = arith.addi %iota3A_2719, %add3A_2720 : vector<144x1xi32>
    %lt3A_2722 = vector.broadcast %add3A_2718 : i32 to vector<144x1xi32>
    %lt3A_2723 = arith.cmpi slt, %add3A_2721, %lt3A_2722 : vector<144x1xi32>
    %get3A_2724 = arith.index_cast %multiple_of3A_2692 : i32 to index
    %get3A_2725 = arith.constant 0 : index
    %get3A_2726 = vector.load %arg8[%get3A_2724, %get3A_2725] : memref<10240x128xf32, #tpu.memory_space<vmem>>, vector<144x128xf32>
    %get3A_2727 = arith.index_cast %multiple_of3A_2692 : i32 to index
    %get3A_2728 = arith.constant 0 : index
    %get3A_2729 = vector.load %arg9[%get3A_2727, %get3A_2728] : memref<10240x128xf32, #tpu.memory_space<vmem>>, vector<144x128xf32>
    %jit3A_2730 = arith.constant 0.000000e+00 : f32
    %broadcast_in_dim3A_2731 = vector.shape_cast %lt3A_2723 : vector<144x1xi1> to vector<144x1xi1>
    %broadcast_in_dim3A_2732 = vector.broadcast %broadcast_in_dim3A_2731 : vector<144x1xi1> to vector<144x128xi1>
    %broadcast_in_dim3A_2733 = vector.broadcast %jit3A_2730 : f32 to vector<144x128xf32>
    %select_n3A_2734 = arith.select %broadcast_in_dim3A_2732, %get3A_2726, %broadcast_in_dim3A_2733 : vector<144x128xi1>, vector<144x128xf32>
    %add3A_2735 = arith.addf %dot_general3A_2705, %select_n3A_2734 : vector<144x128xf32>
    %swap3A_2736 = arith.index_cast %multiple_of3A_2692 : i32 to index
    %swap3A_2737 = arith.constant 0 : index
    %swap3A_2738 = vector.load %arg8[%swap3A_2736, %swap3A_2737] : memref<10240x128xf32, #tpu.memory_space<vmem>>, vector<144x128xf32>
    tpu.vector_store %arg8[%swap3A_2736, %swap3A_2737], %add3A_2735 {strides = array<i32>} : memref<10240x128xf32, #tpu.memory_space<vmem>>, vector<144x128xf32>,
    %jit3A_2739 = arith.constant 0.000000e+00 : f32
    %broadcast_in_dim3A_2740 = vector.shape_cast %lt3A_2723 : vector<144x1xi1> to vector<144x1xi1>
    %broadcast_in_dim3A_2741 = vector.broadcast %broadcast_in_dim3A_2740 : vector<144x1xi1> to vector<144x128xi1>
    %broadcast_in_dim3A_2742 = vector.broadcast %jit3A_2739 : f32 to vector<144x128xf32>
    %select_n3A_2743 = arith.select %broadcast_in_dim3A_2741, %get3A_2729, %broadcast_in_dim3A_2742 : vector<144x128xi1>, vector<144x128xf32>
    %add3A_2744 = arith.addf %dot_general3A_2708, %select_n3A_2743 : vector<144x128xf32>
    %swap3A_2745 = arith.index_cast %multiple_of3A_2692 : i32 to index
    %swap3A_2746 = arith.constant 0 : index
    %swap3A_2747 = vector.load %arg9[%swap3A_2745, %swap3A_2746] : memref<10240x128xf32, #tpu.memory_space<vmem>>, vector<144x128xf32>
    tpu.vector_store %arg9[%swap3A_2745, %swap3A_2746], %add3A_2744 {strides = array<i32>} : memref<10240x128xf32, #tpu.memory_space<vmem>>, vector<144x128xf32>,
    %mul3A_2748 = arith.constant 50 : i32
    %mul3A_2749 = arith.muli %arg0, %mul3A_2748 : i32
    %add3A_2750 = arith.constant 44 : i32
    %add3A_2751 = arith.addi %mul3A_2749, %add3A_2750 : i32
    %get3A_2752 = arith.index_cast %add3A_2751 : i32 to index
    %get3A_2753 = memref.load %arg1[%get3A_2752] : memref<2500xi32, #tpu.memory_space<smem>>
    %multiple_of3A_2754 = tpu.assume_multiple %get3A_2753, 16 : i32
    %slice3A_2755 = vector.extract_strided_slice %get3A_26 {offsets = [44, 0], sizes = [1, 128], strides = [1, 1]} : vector<50x128xi32> to vector<1x128xi32>
    %sub3A_2756 = vector.broadcast %multiple_of3A_2754 : i32 to vector<1x128xi32>
    %sub3A_2757 = arith.subi %slice3A_2755, %sub3A_2756 : vector<1x128xi32>
    %iota3A_2758 = tpu.iota {dimensions = array<i32: 0>} : vector<144x128xi32>
    %broadcast_in_dim3A_2759 = vector.shape_cast %sub3A_2757 : vector<1x128xi32> to vector<1x128xi32>
    %broadcast_in_dim3A_2760 = vector.broadcast %broadcast_in_dim3A_2759 : vector<1x128xi32> to vector<144x128xi32>
    %eq3A_2761 = arith.cmpi eq, %iota3A_2758, %broadcast_in_dim3A_2760 : vector<144x128xi32>
    %convert_element_type3A_2762 = arith.extui %eq3A_2761 : vector<144x128xi1> to vector<144x128xi32>
    %convert_element_type3A_2763 = arith.sitofp %convert_element_type3A_2762 : vector<144x128xi32> to vector<144x128xf32>
    %convert_element_type3A_2764 = arith.truncf %convert_element_type3A_2763 : vector<144x128xf32> to vector<144x128xbf16>
    %slice3A_2765 = vector.extract_strided_slice %convert_element_type3A_20 {offsets = [5632, 0], sizes = [128, 128], strides = [1, 1]} : vector<6400x128xbf16> to vector<128x128xbf16>
    %dot_general3A_2766 = arith.constant dense<0.000000e+00> : vector<144x128xf32>
    %dot_general3A_2767 = tpu.matmul %convert_element_type3A_2764, %slice3A_2765, %dot_general3A_2766 {dimension_numbers = #tpu.dot_dimension_numbers<[1], [0], [0], [1], [0, 0, 1, 1], [], []>, transpose_lhs_hint = false} : vector<144x128xbf16>, vector<128x128xbf16>, vector<144x128xf32> -> vector<144x128xf32>
    %slice3A_2768 = vector.extract_strided_slice %convert_element_type3A_21 {offsets = [5632, 0], sizes = [128, 128], strides = [1, 1]} : vector<6400x128xbf16> to vector<128x128xbf16>
    %dot_general3A_2769 = arith.constant dense<0.000000e+00> : vector<144x128xf32>
    %dot_general3A_2770 = tpu.matmul %convert_element_type3A_2764, %slice3A_2768, %dot_general3A_2769 {dimension_numbers = #tpu.dot_dimension_numbers<[1], [0], [0], [1], [0, 0, 1, 1], [], []>, transpose_lhs_hint = false} : vector<144x128xbf16>, vector<128x128xbf16>, vector<144x128xf32> -> vector<144x128xf32>
    %mul3A_2771 = arith.constant 50 : i32
    %mul3A_2772 = arith.muli %arg0, %mul3A_2771 : i32
    %add3A_2773 = arith.constant 44 : i32
    %add3A_2774 = arith.addi %mul3A_2772, %add3A_2773 : i32
    %sub3A_2775 = arith.constant 1 : i32
    %sub3A_2776 = arith.subi %add3A_2774, %sub3A_2775 : i32
    %get3A_2777 = arith.index_cast %sub3A_2776 : i32 to index
    %get3A_2778 = memref.load %arg1[%get3A_2777] : memref<2500xi32, #tpu.memory_space<smem>>
    %add3A_2779 = arith.constant 144 : i32
    %add3A_2780 = arith.addi %get3A_2778, %add3A_2779 : i32
    %iota3A_2781 = tpu.iota {dimensions = array<i32: 0>} : vector<144x1xi32>
    %add3A_2782 = vector.broadcast %multiple_of3A_2754 : i32 to vector<144x1xi32>
    %add3A_2783 = arith.addi %iota3A_2781, %add3A_2782 : vector<144x1xi32>
    %lt3A_2784 = vector.broadcast %add3A_2780 : i32 to vector<144x1xi32>
    %lt3A_2785 = arith.cmpi slt, %add3A_2783, %lt3A_2784 : vector<144x1xi32>
    %get3A_2786 = arith.index_cast %multiple_of3A_2754 : i32 to index
    %get3A_2787 = arith.constant 0 : index
    %get3A_2788 = vector.load %arg8[%get3A_2786, %get3A_2787] : memref<10240x128xf32, #tpu.memory_space<vmem>>, vector<144x128xf32>
    %get3A_2789 = arith.index_cast %multiple_of3A_2754 : i32 to index
    %get3A_2790 = arith.constant 0 : index
    %get3A_2791 = vector.load %arg9[%get3A_2789, %get3A_2790] : memref<10240x128xf32, #tpu.memory_space<vmem>>, vector<144x128xf32>
    %jit3A_2792 = arith.constant 0.000000e+00 : f32
    %broadcast_in_dim3A_2793 = vector.shape_cast %lt3A_2785 : vector<144x1xi1> to vector<144x1xi1>
    %broadcast_in_dim3A_2794 = vector.broadcast %broadcast_in_dim3A_2793 : vector<144x1xi1> to vector<144x128xi1>
    %broadcast_in_dim3A_2795 = vector.broadcast %jit3A_2792 : f32 to vector<144x128xf32>
    %select_n3A_2796 = arith.select %broadcast_in_dim3A_2794, %get3A_2788, %broadcast_in_dim3A_2795 : vector<144x128xi1>, vector<144x128xf32>
    %add3A_2797 = arith.addf %dot_general3A_2767, %select_n3A_2796 : vector<144x128xf32>
    %swap3A_2798 = arith.index_cast %multiple_of3A_2754 : i32 to index
    %swap3A_2799 = arith.constant 0 : index
    %swap3A_2800 = vector.load %arg8[%swap3A_2798, %swap3A_2799] : memref<10240x128xf32, #tpu.memory_space<vmem>>, vector<144x128xf32>
    tpu.vector_store %arg8[%swap3A_2798, %swap3A_2799], %add3A_2797 {strides = array<i32>} : memref<10240x128xf32, #tpu.memory_space<vmem>>, vector<144x128xf32>,
    %jit3A_2801 = arith.constant 0.000000e+00 : f32
    %broadcast_in_dim3A_2802 = vector.shape_cast %lt3A_2785 : vector<144x1xi1> to vector<144x1xi1>
    %broadcast_in_dim3A_2803 = vector.broadcast %broadcast_in_dim3A_2802 : vector<144x1xi1> to vector<144x128xi1>
    %broadcast_in_dim3A_2804 = vector.broadcast %jit3A_2801 : f32 to vector<144x128xf32>
    %select_n3A_2805 = arith.select %broadcast_in_dim3A_2803, %get3A_2791, %broadcast_in_dim3A_2804 : vector<144x128xi1>, vector<144x128xf32>
    %add3A_2806 = arith.addf %dot_general3A_2770, %select_n3A_2805 : vector<144x128xf32>
    %swap3A_2807 = arith.index_cast %multiple_of3A_2754 : i32 to index
    %swap3A_2808 = arith.constant 0 : index
    %swap3A_2809 = vector.load %arg9[%swap3A_2807, %swap3A_2808] : memref<10240x128xf32, #tpu.memory_space<vmem>>, vector<144x128xf32>
    tpu.vector_store %arg9[%swap3A_2807, %swap3A_2808], %add3A_2806 {strides = array<i32>} : memref<10240x128xf32, #tpu.memory_space<vmem>>, vector<144x128xf32>,
    %mul3A_2810 = arith.constant 50 : i32
    %mul3A_2811 = arith.muli %arg0, %mul3A_2810 : i32
    %add3A_2812 = arith.constant 45 : i32
    %add3A_2813 = arith.addi %mul3A_2811, %add3A_2812 : i32
    %get3A_2814 = arith.index_cast %add3A_2813 : i32 to index
    %get3A_2815 = memref.load %arg1[%get3A_2814] : memref<2500xi32, #tpu.memory_space<smem>>
    %multiple_of3A_2816 = tpu.assume_multiple %get3A_2815, 16 : i32
    %slice3A_2817 = vector.extract_strided_slice %get3A_26 {offsets = [45, 0], sizes = [1, 128], strides = [1, 1]} : vector<50x128xi32> to vector<1x128xi32>
    %sub3A_2818 = vector.broadcast %multiple_of3A_2816 : i32 to vector<1x128xi32>
    %sub3A_2819 = arith.subi %slice3A_2817, %sub3A_2818 : vector<1x128xi32>
    %iota3A_2820 = tpu.iota {dimensions = array<i32: 0>} : vector<144x128xi32>
    %broadcast_in_dim3A_2821 = vector.shape_cast %sub3A_2819 : vector<1x128xi32> to vector<1x128xi32>
    %broadcast_in_dim3A_2822 = vector.broadcast %broadcast_in_dim3A_2821 : vector<1x128xi32> to vector<144x128xi32>
    %eq3A_2823 = arith.cmpi eq, %iota3A_2820, %broadcast_in_dim3A_2822 : vector<144x128xi32>
    %convert_element_type3A_2824 = arith.extui %eq3A_2823 : vector<144x128xi1> to vector<144x128xi32>
    %convert_element_type3A_2825 = arith.sitofp %convert_element_type3A_2824 : vector<144x128xi32> to vector<144x128xf32>
    %convert_element_type3A_2826 = arith.truncf %convert_element_type3A_2825 : vector<144x128xf32> to vector<144x128xbf16>
    %slice3A_2827 = vector.extract_strided_slice %convert_element_type3A_20 {offsets = [5760, 0], sizes = [128, 128], strides = [1, 1]} : vector<6400x128xbf16> to vector<128x128xbf16>
    %dot_general3A_2828 = arith.constant dense<0.000000e+00> : vector<144x128xf32>
    %dot_general3A_2829 = tpu.matmul %convert_element_type3A_2826, %slice3A_2827, %dot_general3A_2828 {dimension_numbers = #tpu.dot_dimension_numbers<[1], [0], [0], [1], [0, 0, 1, 1], [], []>, transpose_lhs_hint = false} : vector<144x128xbf16>, vector<128x128xbf16>, vector<144x128xf32> -> vector<144x128xf32>
    %slice3A_2830 = vector.extract_strided_slice %convert_element_type3A_21 {offsets = [5760, 0], sizes = [128, 128], strides = [1, 1]} : vector<6400x128xbf16> to vector<128x128xbf16>
    %dot_general3A_2831 = arith.constant dense<0.000000e+00> : vector<144x128xf32>
    %dot_general3A_2832 = tpu.matmul %convert_element_type3A_2826, %slice3A_2830, %dot_general3A_2831 {dimension_numbers = #tpu.dot_dimension_numbers<[1], [0], [0], [1], [0, 0, 1, 1], [], []>, transpose_lhs_hint = false} : vector<144x128xbf16>, vector<128x128xbf16>, vector<144x128xf32> -> vector<144x128xf32>
    %mul3A_2833 = arith.constant 50 : i32
    %mul3A_2834 = arith.muli %arg0, %mul3A_2833 : i32
    %add3A_2835 = arith.constant 45 : i32
    %add3A_2836 = arith.addi %mul3A_2834, %add3A_2835 : i32
    %sub3A_2837 = arith.constant 1 : i32
    %sub3A_2838 = arith.subi %add3A_2836, %sub3A_2837 : i32
    %get3A_2839 = arith.index_cast %sub3A_2838 : i32 to index
    %get3A_2840 = memref.load %arg1[%get3A_2839] : memref<2500xi32, #tpu.memory_space<smem>>
    %add3A_2841 = arith.constant 144 : i32
    %add3A_2842 = arith.addi %get3A_2840, %add3A_2841 : i32
    %iota3A_2843 = tpu.iota {dimensions = array<i32: 0>} : vector<144x1xi32>
    %add3A_2844 = vector.broadcast %multiple_of3A_2816 : i32 to vector<144x1xi32>
    %add3A_2845 = arith.addi %iota3A_2843, %add3A_2844 : vector<144x1xi32>
    %lt3A_2846 = vector.broadcast %add3A_2842 : i32 to vector<144x1xi32>
    %lt3A_2847 = arith.cmpi slt, %add3A_2845, %lt3A_2846 : vector<144x1xi32>
    %get3A_2848 = arith.index_cast %multiple_of3A_2816 : i32 to index
    %get3A_2849 = arith.constant 0 : index
    %get3A_2850 = vector.load %arg8[%get3A_2848, %get3A_2849] : memref<10240x128xf32, #tpu.memory_space<vmem>>, vector<144x128xf32>
    %get3A_2851 = arith.index_cast %multiple_of3A_2816 : i32 to index
    %get3A_2852 = arith.constant 0 : index
    %get3A_2853 = vector.load %arg9[%get3A_2851, %get3A_2852] : memref<10240x128xf32, #tpu.memory_space<vmem>>, vector<144x128xf32>
    %jit3A_2854 = arith.constant 0.000000e+00 : f32
    %broadcast_in_dim3A_2855 = vector.shape_cast %lt3A_2847 : vector<144x1xi1> to vector<144x1xi1>
    %broadcast_in_dim3A_2856 = vector.broadcast %broadcast_in_dim3A_2855 : vector<144x1xi1> to vector<144x128xi1>
    %broadcast_in_dim3A_2857 = vector.broadcast %jit3A_2854 : f32 to vector<144x128xf32>
    %select_n3A_2858 = arith.select %broadcast_in_dim3A_2856, %get3A_2850, %broadcast_in_dim3A_2857 : vector<144x128xi1>, vector<144x128xf32>
    %add3A_2859 = arith.addf %dot_general3A_2829, %select_n3A_2858 : vector<144x128xf32>
    %swap3A_2860 = arith.index_cast %multiple_of3A_2816 : i32 to index
    %swap3A_2861 = arith.constant 0 : index
    %swap3A_2862 = vector.load %arg8[%swap3A_2860, %swap3A_2861] : memref<10240x128xf32, #tpu.memory_space<vmem>>, vector<144x128xf32>
    tpu.vector_store %arg8[%swap3A_2860, %swap3A_2861], %add3A_2859 {strides = array<i32>} : memref<10240x128xf32, #tpu.memory_space<vmem>>, vector<144x128xf32>,
    %jit3A_2863 = arith.constant 0.000000e+00 : f32
    %broadcast_in_dim3A_2864 = vector.shape_cast %lt3A_2847 : vector<144x1xi1> to vector<144x1xi1>
    %broadcast_in_dim3A_2865 = vector.broadcast %broadcast_in_dim3A_2864 : vector<144x1xi1> to vector<144x128xi1>
    %broadcast_in_dim3A_2866 = vector.broadcast %jit3A_2863 : f32 to vector<144x128xf32>
    %select_n3A_2867 = arith.select %broadcast_in_dim3A_2865, %get3A_2853, %broadcast_in_dim3A_2866 : vector<144x128xi1>, vector<144x128xf32>
    %add3A_2868 = arith.addf %dot_general3A_2832, %select_n3A_2867 : vector<144x128xf32>
    %swap3A_2869 = arith.index_cast %multiple_of3A_2816 : i32 to index
    %swap3A_2870 = arith.constant 0 : index
    %swap3A_2871 = vector.load %arg9[%swap3A_2869, %swap3A_2870] : memref<10240x128xf32, #tpu.memory_space<vmem>>, vector<144x128xf32>
    tpu.vector_store %arg9[%swap3A_2869, %swap3A_2870], %add3A_2868 {strides = array<i32>} : memref<10240x128xf32, #tpu.memory_space<vmem>>, vector<144x128xf32>,
    %mul3A_2872 = arith.constant 50 : i32
    %mul3A_2873 = arith.muli %arg0, %mul3A_2872 : i32
    %add3A_2874 = arith.constant 46 : i32
    %add3A_2875 = arith.addi %mul3A_2873, %add3A_2874 : i32
    %get3A_2876 = arith.index_cast %add3A_2875 : i32 to index
    %get3A_2877 = memref.load %arg1[%get3A_2876] : memref<2500xi32, #tpu.memory_space<smem>>
    %multiple_of3A_2878 = tpu.assume_multiple %get3A_2877, 16 : i32
    %slice3A_2879 = vector.extract_strided_slice %get3A_26 {offsets = [46, 0], sizes = [1, 128], strides = [1, 1]} : vector<50x128xi32> to vector<1x128xi32>
    %sub3A_2880 = vector.broadcast %multiple_of3A_2878 : i32 to vector<1x128xi32>
    %sub3A_2881 = arith.subi %slice3A_2879, %sub3A_2880 : vector<1x128xi32>
    %iota3A_2882 = tpu.iota {dimensions = array<i32: 0>} : vector<144x128xi32>
    %broadcast_in_dim3A_2883 = vector.shape_cast %sub3A_2881 : vector<1x128xi32> to vector<1x128xi32>
    %broadcast_in_dim3A_2884 = vector.broadcast %broadcast_in_dim3A_2883 : vector<1x128xi32> to vector<144x128xi32>
    %eq3A_2885 = arith.cmpi eq, %iota3A_2882, %broadcast_in_dim3A_2884 : vector<144x128xi32>
    %convert_element_type3A_2886 = arith.extui %eq3A_2885 : vector<144x128xi1> to vector<144x128xi32>
    %convert_element_type3A_2887 = arith.sitofp %convert_element_type3A_2886 : vector<144x128xi32> to vector<144x128xf32>
    %convert_element_type3A_2888 = arith.truncf %convert_element_type3A_2887 : vector<144x128xf32> to vector<144x128xbf16>
    %slice3A_2889 = vector.extract_strided_slice %convert_element_type3A_20 {offsets = [5888, 0], sizes = [128, 128], strides = [1, 1]} : vector<6400x128xbf16> to vector<128x128xbf16>
    %dot_general3A_2890 = arith.constant dense<0.000000e+00> : vector<144x128xf32>
    %dot_general3A_2891 = tpu.matmul %convert_element_type3A_2888, %slice3A_2889, %dot_general3A_2890 {dimension_numbers = #tpu.dot_dimension_numbers<[1], [0], [0], [1], [0, 0, 1, 1], [], []>, transpose_lhs_hint = false} : vector<144x128xbf16>, vector<128x128xbf16>, vector<144x128xf32> -> vector<144x128xf32>
    %slice3A_2892 = vector.extract_strided_slice %convert_element_type3A_21 {offsets = [5888, 0], sizes = [128, 128], strides = [1, 1]} : vector<6400x128xbf16> to vector<128x128xbf16>
    %dot_general3A_2893 = arith.constant dense<0.000000e+00> : vector<144x128xf32>
    %dot_general3A_2894 = tpu.matmul %convert_element_type3A_2888, %slice3A_2892, %dot_general3A_2893 {dimension_numbers = #tpu.dot_dimension_numbers<[1], [0], [0], [1], [0, 0, 1, 1], [], []>, transpose_lhs_hint = false} : vector<144x128xbf16>, vector<128x128xbf16>, vector<144x128xf32> -> vector<144x128xf32>
    %mul3A_2895 = arith.constant 50 : i32
    %mul3A_2896 = arith.muli %arg0, %mul3A_2895 : i32
    %add3A_2897 = arith.constant 46 : i32
    %add3A_2898 = arith.addi %mul3A_2896, %add3A_2897 : i32
    %sub3A_2899 = arith.constant 1 : i32
    %sub3A_2900 = arith.subi %add3A_2898, %sub3A_2899 : i32
    %get3A_2901 = arith.index_cast %sub3A_2900 : i32 to index
    %get3A_2902 = memref.load %arg1[%get3A_2901] : memref<2500xi32, #tpu.memory_space<smem>>
    %add3A_2903 = arith.constant 144 : i32
    %add3A_2904 = arith.addi %get3A_2902, %add3A_2903 : i32
    %iota3A_2905 = tpu.iota {dimensions = array<i32: 0>} : vector<144x1xi32>
    %add3A_2906 = vector.broadcast %multiple_of3A_2878 : i32 to vector<144x1xi32>
    %add3A_2907 = arith.addi %iota3A_2905, %add3A_2906 : vector<144x1xi32>
    %lt3A_2908 = vector.broadcast %add3A_2904 : i32 to vector<144x1xi32>
    %lt3A_2909 = arith.cmpi slt, %add3A_2907, %lt3A_2908 : vector<144x1xi32>
    %get3A_2910 = arith.index_cast %multiple_of3A_2878 : i32 to index
    %get3A_2911 = arith.constant 0 : index
    %get3A_2912 = vector.load %arg8[%get3A_2910, %get3A_2911] : memref<10240x128xf32, #tpu.memory_space<vmem>>, vector<144x128xf32>
    %get3A_2913 = arith.index_cast %multiple_of3A_2878 : i32 to index
    %get3A_2914 = arith.constant 0 : index
    %get3A_2915 = vector.load %arg9[%get3A_2913, %get3A_2914] : memref<10240x128xf32, #tpu.memory_space<vmem>>, vector<144x128xf32>
    %jit3A_2916 = arith.constant 0.000000e+00 : f32
    %broadcast_in_dim3A_2917 = vector.shape_cast %lt3A_2909 : vector<144x1xi1> to vector<144x1xi1>
    %broadcast_in_dim3A_2918 = vector.broadcast %broadcast_in_dim3A_2917 : vector<144x1xi1> to vector<144x128xi1>
    %broadcast_in_dim3A_2919 = vector.broadcast %jit3A_2916 : f32 to vector<144x128xf32>
    %select_n3A_2920 = arith.select %broadcast_in_dim3A_2918, %get3A_2912, %broadcast_in_dim3A_2919 : vector<144x128xi1>, vector<144x128xf32>
    %add3A_2921 = arith.addf %dot_general3A_2891, %select_n3A_2920 : vector<144x128xf32>
    %swap3A_2922 = arith.index_cast %multiple_of3A_2878 : i32 to index
    %swap3A_2923 = arith.constant 0 : index
    %swap3A_2924 = vector.load %arg8[%swap3A_2922, %swap3A_2923] : memref<10240x128xf32, #tpu.memory_space<vmem>>, vector<144x128xf32>
    tpu.vector_store %arg8[%swap3A_2922, %swap3A_2923], %add3A_2921 {strides = array<i32>} : memref<10240x128xf32, #tpu.memory_space<vmem>>, vector<144x128xf32>,
    %jit3A_2925 = arith.constant 0.000000e+00 : f32
    %broadcast_in_dim3A_2926 = vector.shape_cast %lt3A_2909 : vector<144x1xi1> to vector<144x1xi1>
    %broadcast_in_dim3A_2927 = vector.broadcast %broadcast_in_dim3A_2926 : vector<144x1xi1> to vector<144x128xi1>
    %broadcast_in_dim3A_2928 = vector.broadcast %jit3A_2925 : f32 to vector<144x128xf32>
    %select_n3A_2929 = arith.select %broadcast_in_dim3A_2927, %get3A_2915, %broadcast_in_dim3A_2928 : vector<144x128xi1>, vector<144x128xf32>
    %add3A_2930 = arith.addf %dot_general3A_2894, %select_n3A_2929 : vector<144x128xf32>
    %swap3A_2931 = arith.index_cast %multiple_of3A_2878 : i32 to index
    %swap3A_2932 = arith.constant 0 : index
    %swap3A_2933 = vector.load %arg9[%swap3A_2931, %swap3A_2932] : memref<10240x128xf32, #tpu.memory_space<vmem>>, vector<144x128xf32>
    tpu.vector_store %arg9[%swap3A_2931, %swap3A_2932], %add3A_2930 {strides = array<i32>} : memref<10240x128xf32, #tpu.memory_space<vmem>>, vector<144x128xf32>,
    %mul3A_2934 = arith.constant 50 : i32
    %mul3A_2935 = arith.muli %arg0, %mul3A_2934 : i32
    %add3A_2936 = arith.constant 47 : i32
    %add3A_2937 = arith.addi %mul3A_2935, %add3A_2936 : i32
    %get3A_2938 = arith.index_cast %add3A_2937 : i32 to index
    %get3A_2939 = memref.load %arg1[%get3A_2938] : memref<2500xi32, #tpu.memory_space<smem>>
    %multiple_of3A_2940 = tpu.assume_multiple %get3A_2939, 16 : i32
    %slice3A_2941 = vector.extract_strided_slice %get3A_26 {offsets = [47, 0], sizes = [1, 128], strides = [1, 1]} : vector<50x128xi32> to vector<1x128xi32>
    %sub3A_2942 = vector.broadcast %multiple_of3A_2940 : i32 to vector<1x128xi32>
    %sub3A_2943 = arith.subi %slice3A_2941, %sub3A_2942 : vector<1x128xi32>
    %iota3A_2944 = tpu.iota {dimensions = array<i32: 0>} : vector<144x128xi32>
    %broadcast_in_dim3A_2945 = vector.shape_cast %sub3A_2943 : vector<1x128xi32> to vector<1x128xi32>
    %broadcast_in_dim3A_2946 = vector.broadcast %broadcast_in_dim3A_2945 : vector<1x128xi32> to vector<144x128xi32>
    %eq3A_2947 = arith.cmpi eq, %iota3A_2944, %broadcast_in_dim3A_2946 : vector<144x128xi32>
    %convert_element_type3A_2948 = arith.extui %eq3A_2947 : vector<144x128xi1> to vector<144x128xi32>
    %convert_element_type3A_2949 = arith.sitofp %convert_element_type3A_2948 : vector<144x128xi32> to vector<144x128xf32>
    %convert_element_type3A_2950 = arith.truncf %convert_element_type3A_2949 : vector<144x128xf32> to vector<144x128xbf16>
    %slice3A_2951 = vector.extract_strided_slice %convert_element_type3A_20 {offsets = [6016, 0], sizes = [128, 128], strides = [1, 1]} : vector<6400x128xbf16> to vector<128x128xbf16>
    %dot_general3A_2952 = arith.constant dense<0.000000e+00> : vector<144x128xf32>
    %dot_general3A_2953 = tpu.matmul %convert_element_type3A_2950, %slice3A_2951, %dot_general3A_2952 {dimension_numbers = #tpu.dot_dimension_numbers<[1], [0], [0], [1], [0, 0, 1, 1], [], []>, transpose_lhs_hint = false} : vector<144x128xbf16>, vector<128x128xbf16>, vector<144x128xf32> -> vector<144x128xf32>
    %slice3A_2954 = vector.extract_strided_slice %convert_element_type3A_21 {offsets = [6016, 0], sizes = [128, 128], strides = [1, 1]} : vector<6400x128xbf16> to vector<128x128xbf16>
    %dot_general3A_2955 = arith.constant dense<0.000000e+00> : vector<144x128xf32>
    %dot_general3A_2956 = tpu.matmul %convert_element_type3A_2950, %slice3A_2954, %dot_general3A_2955 {dimension_numbers = #tpu.dot_dimension_numbers<[1], [0], [0], [1], [0, 0, 1, 1], [], []>, transpose_lhs_hint = false} : vector<144x128xbf16>, vector<128x128xbf16>, vector<144x128xf32> -> vector<144x128xf32>
    %mul3A_2957 = arith.constant 50 : i32
    %mul3A_2958 = arith.muli %arg0, %mul3A_2957 : i32
    %add3A_2959 = arith.constant 47 : i32
    %add3A_2960 = arith.addi %mul3A_2958, %add3A_2959 : i32
    %sub3A_2961 = arith.constant 1 : i32
    %sub3A_2962 = arith.subi %add3A_2960, %sub3A_2961 : i32
    %get3A_2963 = arith.index_cast %sub3A_2962 : i32 to index
    %get3A_2964 = memref.load %arg1[%get3A_2963] : memref<2500xi32, #tpu.memory_space<smem>>
    %add3A_2965 = arith.constant 144 : i32
    %add3A_2966 = arith.addi %get3A_2964, %add3A_2965 : i32
    %iota3A_2967 = tpu.iota {dimensions = array<i32: 0>} : vector<144x1xi32>
    %add3A_2968 = vector.broadcast %multiple_of3A_2940 : i32 to vector<144x1xi32>
    %add3A_2969 = arith.addi %iota3A_2967, %add3A_2968 : vector<144x1xi32>
    %lt3A_2970 = vector.broadcast %add3A_2966 : i32 to vector<144x1xi32>
    %lt3A_2971 = arith.cmpi slt, %add3A_2969, %lt3A_2970 : vector<144x1xi32>
    %get3A_2972 = arith.index_cast %multiple_of3A_2940 : i32 to index
    %get3A_2973 = arith.constant 0 : index
    %get3A_2974 = vector.load %arg8[%get3A_2972, %get3A_2973] : memref<10240x128xf32, #tpu.memory_space<vmem>>, vector<144x128xf32>
    %get3A_2975 = arith.index_cast %multiple_of3A_2940 : i32 to index
    %get3A_2976 = arith.constant 0 : index
    %get3A_2977 = vector.load %arg9[%get3A_2975, %get3A_2976] : memref<10240x128xf32, #tpu.memory_space<vmem>>, vector<144x128xf32>
    %jit3A_2978 = arith.constant 0.000000e+00 : f32
    %broadcast_in_dim3A_2979 = vector.shape_cast %lt3A_2971 : vector<144x1xi1> to vector<144x1xi1>
    %broadcast_in_dim3A_2980 = vector.broadcast %broadcast_in_dim3A_2979 : vector<144x1xi1> to vector<144x128xi1>
    %broadcast_in_dim3A_2981 = vector.broadcast %jit3A_2978 : f32 to vector<144x128xf32>
    %select_n3A_2982 = arith.select %broadcast_in_dim3A_2980, %get3A_2974, %broadcast_in_dim3A_2981 : vector<144x128xi1>, vector<144x128xf32>
    %add3A_2983 = arith.addf %dot_general3A_2953, %select_n3A_2982 : vector<144x128xf32>
    %swap3A_2984 = arith.index_cast %multiple_of3A_2940 : i32 to index
    %swap3A_2985 = arith.constant 0 : index
    %swap3A_2986 = vector.load %arg8[%swap3A_2984, %swap3A_2985] : memref<10240x128xf32, #tpu.memory_space<vmem>>, vector<144x128xf32>
    tpu.vector_store %arg8[%swap3A_2984, %swap3A_2985], %add3A_2983 {strides = array<i32>} : memref<10240x128xf32, #tpu.memory_space<vmem>>, vector<144x128xf32>,
    %jit3A_2987 = arith.constant 0.000000e+00 : f32
    %broadcast_in_dim3A_2988 = vector.shape_cast %lt3A_2971 : vector<144x1xi1> to vector<144x1xi1>
    %broadcast_in_dim3A_2989 = vector.broadcast %broadcast_in_dim3A_2988 : vector<144x1xi1> to vector<144x128xi1>
    %broadcast_in_dim3A_2990 = vector.broadcast %jit3A_2987 : f32 to vector<144x128xf32>
    %select_n3A_2991 = arith.select %broadcast_in_dim3A_2989, %get3A_2977, %broadcast_in_dim3A_2990 : vector<144x128xi1>, vector<144x128xf32>
    %add3A_2992 = arith.addf %dot_general3A_2956, %select_n3A_2991 : vector<144x128xf32>
    %swap3A_2993 = arith.index_cast %multiple_of3A_2940 : i32 to index
    %swap3A_2994 = arith.constant 0 : index
    %swap3A_2995 = vector.load %arg9[%swap3A_2993, %swap3A_2994] : memref<10240x128xf32, #tpu.memory_space<vmem>>, vector<144x128xf32>
    tpu.vector_store %arg9[%swap3A_2993, %swap3A_2994], %add3A_2992 {strides = array<i32>} : memref<10240x128xf32, #tpu.memory_space<vmem>>, vector<144x128xf32>,
    %mul3A_2996 = arith.constant 50 : i32
    %mul3A_2997 = arith.muli %arg0, %mul3A_2996 : i32
    %add3A_2998 = arith.constant 48 : i32
    %add3A_2999 = arith.addi %mul3A_2997, %add3A_2998 : i32
    %get3A_3000 = arith.index_cast %add3A_2999 : i32 to index
    %get3A_3001 = memref.load %arg1[%get3A_3000] : memref<2500xi32, #tpu.memory_space<smem>>
    %multiple_of3A_3002 = tpu.assume_multiple %get3A_3001, 16 : i32
    %slice3A_3003 = vector.extract_strided_slice %get3A_26 {offsets = [48, 0], sizes = [1, 128], strides = [1, 1]} : vector<50x128xi32> to vector<1x128xi32>
    %sub3A_3004 = vector.broadcast %multiple_of3A_3002 : i32 to vector<1x128xi32>
    %sub3A_3005 = arith.subi %slice3A_3003, %sub3A_3004 : vector<1x128xi32>
    %iota3A_3006 = tpu.iota {dimensions = array<i32: 0>} : vector<144x128xi32>
    %broadcast_in_dim3A_3007 = vector.shape_cast %sub3A_3005 : vector<1x128xi32> to vector<1x128xi32>
    %broadcast_in_dim3A_3008 = vector.broadcast %broadcast_in_dim3A_3007 : vector<1x128xi32> to vector<144x128xi32>
    %eq3A_3009 = arith.cmpi eq, %iota3A_3006, %broadcast_in_dim3A_3008 : vector<144x128xi32>
    %convert_element_type3A_3010 = arith.extui %eq3A_3009 : vector<144x128xi1> to vector<144x128xi32>
    %convert_element_type3A_3011 = arith.sitofp %convert_element_type3A_3010 : vector<144x128xi32> to vector<144x128xf32>
    %convert_element_type3A_3012 = arith.truncf %convert_element_type3A_3011 : vector<144x128xf32> to vector<144x128xbf16>
    %slice3A_3013 = vector.extract_strided_slice %convert_element_type3A_20 {offsets = [6144, 0], sizes = [128, 128], strides = [1, 1]} : vector<6400x128xbf16> to vector<128x128xbf16>
    %dot_general3A_3014 = arith.constant dense<0.000000e+00> : vector<144x128xf32>
    %dot_general3A_3015 = tpu.matmul %convert_element_type3A_3012, %slice3A_3013, %dot_general3A_3014 {dimension_numbers = #tpu.dot_dimension_numbers<[1], [0], [0], [1], [0, 0, 1, 1], [], []>, transpose_lhs_hint = false} : vector<144x128xbf16>, vector<128x128xbf16>, vector<144x128xf32> -> vector<144x128xf32>
    %slice3A_3016 = vector.extract_strided_slice %convert_element_type3A_21 {offsets = [6144, 0], sizes = [128, 128], strides = [1, 1]} : vector<6400x128xbf16> to vector<128x128xbf16>
    %dot_general3A_3017 = arith.constant dense<0.000000e+00> : vector<144x128xf32>
    %dot_general3A_3018 = tpu.matmul %convert_element_type3A_3012, %slice3A_3016, %dot_general3A_3017 {dimension_numbers = #tpu.dot_dimension_numbers<[1], [0], [0], [1], [0, 0, 1, 1], [], []>, transpose_lhs_hint = false} : vector<144x128xbf16>, vector<128x128xbf16>, vector<144x128xf32> -> vector<144x128xf32>
    %mul3A_3019 = arith.constant 50 : i32
    %mul3A_3020 = arith.muli %arg0, %mul3A_3019 : i32
    %add3A_3021 = arith.constant 48 : i32
    %add3A_3022 = arith.addi %mul3A_3020, %add3A_3021 : i32
    %sub3A_3023 = arith.constant 1 : i32
    %sub3A_3024 = arith.subi %add3A_3022, %sub3A_3023 : i32
    %get3A_3025 = arith.index_cast %sub3A_3024 : i32 to index
    %get3A_3026 = memref.load %arg1[%get3A_3025] : memref<2500xi32, #tpu.memory_space<smem>>
    %add3A_3027 = arith.constant 144 : i32
    %add3A_3028 = arith.addi %get3A_3026, %add3A_3027 : i32
    %iota3A_3029 = tpu.iota {dimensions = array<i32: 0>} : vector<144x1xi32>
    %add3A_3030 = vector.broadcast %multiple_of3A_3002 : i32 to vector<144x1xi32>
    %add3A_3031 = arith.addi %iota3A_3029, %add3A_3030 : vector<144x1xi32>
    %lt3A_3032 = vector.broadcast %add3A_3028 : i32 to vector<144x1xi32>
    %lt3A_3033 = arith.cmpi slt, %add3A_3031, %lt3A_3032 : vector<144x1xi32>
    %get3A_3034 = arith.index_cast %multiple_of3A_3002 : i32 to index
    %get3A_3035 = arith.constant 0 : index
    %get3A_3036 = vector.load %arg8[%get3A_3034, %get3A_3035] : memref<10240x128xf32, #tpu.memory_space<vmem>>, vector<144x128xf32>
    %get3A_3037 = arith.index_cast %multiple_of3A_3002 : i32 to index
    %get3A_3038 = arith.constant 0 : index
    %get3A_3039 = vector.load %arg9[%get3A_3037, %get3A_3038] : memref<10240x128xf32, #tpu.memory_space<vmem>>, vector<144x128xf32>
    %jit3A_3040 = arith.constant 0.000000e+00 : f32
    %broadcast_in_dim3A_3041 = vector.shape_cast %lt3A_3033 : vector<144x1xi1> to vector<144x1xi1>
    %broadcast_in_dim3A_3042 = vector.broadcast %broadcast_in_dim3A_3041 : vector<144x1xi1> to vector<144x128xi1>
    %broadcast_in_dim3A_3043 = vector.broadcast %jit3A_3040 : f32 to vector<144x128xf32>
    %select_n3A_3044 = arith.select %broadcast_in_dim3A_3042, %get3A_3036, %broadcast_in_dim3A_3043 : vector<144x128xi1>, vector<144x128xf32>
    %add3A_3045 = arith.addf %dot_general3A_3015, %select_n3A_3044 : vector<144x128xf32>
    %swap3A_3046 = arith.index_cast %multiple_of3A_3002 : i32 to index
    %swap3A_3047 = arith.constant 0 : index
    %swap3A_3048 = vector.load %arg8[%swap3A_3046, %swap3A_3047] : memref<10240x128xf32, #tpu.memory_space<vmem>>, vector<144x128xf32>
    tpu.vector_store %arg8[%swap3A_3046, %swap3A_3047], %add3A_3045 {strides = array<i32>} : memref<10240x128xf32, #tpu.memory_space<vmem>>, vector<144x128xf32>,
    %jit3A_3049 = arith.constant 0.000000e+00 : f32
    %broadcast_in_dim3A_3050 = vector.shape_cast %lt3A_3033 : vector<144x1xi1> to vector<144x1xi1>
    %broadcast_in_dim3A_3051 = vector.broadcast %broadcast_in_dim3A_3050 : vector<144x1xi1> to vector<144x128xi1>
    %broadcast_in_dim3A_3052 = vector.broadcast %jit3A_3049 : f32 to vector<144x128xf32>
    %select_n3A_3053 = arith.select %broadcast_in_dim3A_3051, %get3A_3039, %broadcast_in_dim3A_3052 : vector<144x128xi1>, vector<144x128xf32>
    %add3A_3054 = arith.addf %dot_general3A_3018, %select_n3A_3053 : vector<144x128xf32>
    %swap3A_3055 = arith.index_cast %multiple_of3A_3002 : i32 to index
    %swap3A_3056 = arith.constant 0 : index
    %swap3A_3057 = vector.load %arg9[%swap3A_3055, %swap3A_3056] : memref<10240x128xf32, #tpu.memory_space<vmem>>, vector<144x128xf32>
    tpu.vector_store %arg9[%swap3A_3055, %swap3A_3056], %add3A_3054 {strides = array<i32>} : memref<10240x128xf32, #tpu.memory_space<vmem>>, vector<144x128xf32>,
    %mul3A_3058 = arith.constant 50 : i32
    %mul3A_3059 = arith.muli %arg0, %mul3A_3058 : i32
    %add3A_3060 = arith.constant 49 : i32
    %add3A_3061 = arith.addi %mul3A_3059, %add3A_3060 : i32
    %get3A_3062 = arith.index_cast %add3A_3061 : i32 to index
    %get3A_3063 = memref.load %arg1[%get3A_3062] : memref<2500xi32, #tpu.memory_space<smem>>
    %multiple_of3A_3064 = tpu.assume_multiple %get3A_3063, 16 : i32
    %slice3A_3065 = vector.extract_strided_slice %get3A_26 {offsets = [49, 0], sizes = [1, 128], strides = [1, 1]} : vector<50x128xi32> to vector<1x128xi32>
    %sub3A_3066 = vector.broadcast %multiple_of3A_3064 : i32 to vector<1x128xi32>
    %sub3A_3067 = arith.subi %slice3A_3065, %sub3A_3066 : vector<1x128xi32>
    %iota3A_3068 = tpu.iota {dimensions = array<i32: 0>} : vector<144x128xi32>
    %broadcast_in_dim3A_3069 = vector.shape_cast %sub3A_3067 : vector<1x128xi32> to vector<1x128xi32>
    %broadcast_in_dim3A_3070 = vector.broadcast %broadcast_in_dim3A_3069 : vector<1x128xi32> to vector<144x128xi32>
    %eq3A_3071 = arith.cmpi eq, %iota3A_3068, %broadcast_in_dim3A_3070 : vector<144x128xi32>
    %convert_element_type3A_3072 = arith.extui %eq3A_3071 : vector<144x128xi1> to vector<144x128xi32>
    %convert_element_type3A_3073 = arith.sitofp %convert_element_type3A_3072 : vector<144x128xi32> to vector<144x128xf32>
    %convert_element_type3A_3074 = arith.truncf %convert_element_type3A_3073 : vector<144x128xf32> to vector<144x128xbf16>
    %slice3A_3075 = vector.extract_strided_slice %convert_element_type3A_20 {offsets = [6272, 0], sizes = [128, 128], strides = [1, 1]} : vector<6400x128xbf16> to vector<128x128xbf16>
    %dot_general3A_3076 = arith.constant dense<0.000000e+00> : vector<144x128xf32>
    %dot_general3A_3077 = tpu.matmul %convert_element_type3A_3074, %slice3A_3075, %dot_general3A_3076 {dimension_numbers = #tpu.dot_dimension_numbers<[1], [0], [0], [1], [0, 0, 1, 1], [], []>, transpose_lhs_hint = false} : vector<144x128xbf16>, vector<128x128xbf16>, vector<144x128xf32> -> vector<144x128xf32>
    %slice3A_3078 = vector.extract_strided_slice %convert_element_type3A_21 {offsets = [6272, 0], sizes = [128, 128], strides = [1, 1]} : vector<6400x128xbf16> to vector<128x128xbf16>
    %dot_general3A_3079 = arith.constant dense<0.000000e+00> : vector<144x128xf32>
    %dot_general3A_3080 = tpu.matmul %convert_element_type3A_3074, %slice3A_3078, %dot_general3A_3079 {dimension_numbers = #tpu.dot_dimension_numbers<[1], [0], [0], [1], [0, 0, 1, 1], [], []>, transpose_lhs_hint = false} : vector<144x128xbf16>, vector<128x128xbf16>, vector<144x128xf32> -> vector<144x128xf32>
    %mul3A_3081 = arith.constant 50 : i32
    %mul3A_3082 = arith.muli %arg0, %mul3A_3081 : i32
    %add3A_3083 = arith.constant 49 : i32
    %add3A_3084 = arith.addi %mul3A_3082, %add3A_3083 : i32
    %sub3A_3085 = arith.constant 1 : i32
    %sub3A_3086 = arith.subi %add3A_3084, %sub3A_3085 : i32
    %get3A_3087 = arith.index_cast %sub3A_3086 : i32 to index
    %get3A_3088 = memref.load %arg1[%get3A_3087] : memref<2500xi32, #tpu.memory_space<smem>>
    %add3A_3089 = arith.constant 144 : i32
    %add3A_3090 = arith.addi %get3A_3088, %add3A_3089 : i32
    %iota3A_3091 = tpu.iota {dimensions = array<i32: 0>} : vector<144x1xi32>
    %add3A_3092 = vector.broadcast %multiple_of3A_3064 : i32 to vector<144x1xi32>
    %add3A_3093 = arith.addi %iota3A_3091, %add3A_3092 : vector<144x1xi32>
    %lt3A_3094 = vector.broadcast %add3A_3090 : i32 to vector<144x1xi32>
    %lt3A_3095 = arith.cmpi slt, %add3A_3093, %lt3A_3094 : vector<144x1xi32>
    %get3A_3096 = arith.index_cast %multiple_of3A_3064 : i32 to index
    %get3A_3097 = arith.constant 0 : index
    %get3A_3098 = vector.load %arg8[%get3A_3096, %get3A_3097] : memref<10240x128xf32, #tpu.memory_space<vmem>>, vector<144x128xf32>
    %get3A_3099 = arith.index_cast %multiple_of3A_3064 : i32 to index
    %get3A_3100 = arith.constant 0 : index
    %get3A_3101 = vector.load %arg9[%get3A_3099, %get3A_3100] : memref<10240x128xf32, #tpu.memory_space<vmem>>, vector<144x128xf32>
    %jit3A_3102 = arith.constant 0.000000e+00 : f32
    %broadcast_in_dim3A_3103 = vector.shape_cast %lt3A_3095 : vector<144x1xi1> to vector<144x1xi1>
    %broadcast_in_dim3A_3104 = vector.broadcast %broadcast_in_dim3A_3103 : vector<144x1xi1> to vector<144x128xi1>
    %broadcast_in_dim3A_3105 = vector.broadcast %jit3A_3102 : f32 to vector<144x128xf32>
    %select_n3A_3106 = arith.select %broadcast_in_dim3A_3104, %get3A_3098, %broadcast_in_dim3A_3105 : vector<144x128xi1>, vector<144x128xf32>
    %add3A_3107 = arith.addf %dot_general3A_3077, %select_n3A_3106 : vector<144x128xf32>
    %swap3A_3108 = arith.index_cast %multiple_of3A_3064 : i32 to index
    %swap3A_3109 = arith.constant 0 : index
    %swap3A_3110 = vector.load %arg8[%swap3A_3108, %swap3A_3109] : memref<10240x128xf32, #tpu.memory_space<vmem>>, vector<144x128xf32>
    tpu.vector_store %arg8[%swap3A_3108, %swap3A_3109], %add3A_3107 {strides = array<i32>} : memref<10240x128xf32, #tpu.memory_space<vmem>>, vector<144x128xf32>,
    %jit3A_3111 = arith.constant 0.000000e+00 : f32
    %broadcast_in_dim3A_3112 = vector.shape_cast %lt3A_3095 : vector<144x1xi1> to vector<144x1xi1>
    %broadcast_in_dim3A_3113 = vector.broadcast %broadcast_in_dim3A_3112 : vector<144x1xi1> to vector<144x128xi1>
    %broadcast_in_dim3A_3114 = vector.broadcast %jit3A_3111 : f32 to vector<144x128xf32>
    %select_n3A_3115 = arith.select %broadcast_in_dim3A_3113, %get3A_3101, %broadcast_in_dim3A_3114 : vector<144x128xi1>, vector<144x128xf32>
    %add3A_3116 = arith.addf %dot_general3A_3080, %select_n3A_3115 : vector<144x128xf32>
    %swap3A_3117 = arith.index_cast %multiple_of3A_3064 : i32 to index
    %swap3A_3118 = arith.constant 0 : index
    %swap3A_3119 = vector.load %arg9[%swap3A_3117, %swap3A_3118] : memref<10240x128xf32, #tpu.memory_space<vmem>>, vector<144x128xf32>
    tpu.vector_store %arg9[%swap3A_3117, %swap3A_3118], %add3A_3116 {strides = array<i32>} : memref<10240x128xf32, #tpu.memory_space<vmem>>, vector<144x128xf32>,
    return
  }
  func.func @transform_0(%arg0: i32, %arg1: memref<2500xi32, #tpu.memory_space<smem>>) -> (i32, i32) {
    %c0_i32 = arith.constant 0 : i32
    %c0_i32_0 = arith.constant 0 : i32
    return %arg0, %c0_i32 : i32, i32
  }
  func.func @transform_1(%arg0: i32, %arg1: memref<2500xi32, #tpu.memory_space<smem>>) -> (i32, i32, i32) {
    %c0_i32 = arith.constant 0 : i32
    %c0_i32_0 = arith.constant 0 : i32
    %c0_i32_1 = arith.constant 0 : i32
    return %arg0, %c0_i32, %c0_i32_0 : i32, i32, i32
  }
  func.func @transform_2(%arg0: i32, %arg1: memref<2500xi32, #tpu.memory_space<smem>>) -> (i32, i32) {
    %c0_i32 = arith.constant 0 : i32
    %c0_i32_0 = arith.constant 0 : i32
    %c0_i32_1 = arith.constant 0 : i32
    return %c0_i32, %c0_i32_0 : i32, i32
  }
  func.func @transform_3(%arg0: i32, %arg1: memref<2500xi32, #tpu.memory_space<smem>>) -> (i32, i32) {
    %c0_i32 = arith.constant 0 : i32
    %c0_i32_0 = arith.constant 0 : i32
    %c0_i32_1 = arith.constant 0 : i32
    return %c0_i32, %c0_i32_0 : i32, i32
  }
  func.func @transform_4(%arg0: i32, %arg1: memref<2500xi32, #tpu.memory_space<smem>>) -> (i32, i32) {
    %c0_i32 = arith.constant 0 : i32
    %c0_i32_0 = arith.constant 0 : i32
    %c0_i32_1 = arith.constant 0 : i32
    return %c0_i32, %c0_i32_0 : i32, i32
  }
  func.func @transform_5(%arg0: i32, %arg1: memref<2500xi32, #tpu.memory_space<smem>>) -> (i32, i32) {
    %c0_i32 = arith.constant 0 : i32
    %c0_i32_0 = arith.constant 0 : i32
    %c0_i32_1 = arith.constant 0 : i32
    return %c0_i32, %c0_i32_0 : i32, i32
  }
  func.func @transform_6(%arg0: i32, %arg1: memref<2500xi32, #tpu.memory_space<smem>>) -> (i32, i32) {
    %c0_i32 = arith.constant 0 : i32
    %c0_i32_0 = arith.constant 0 : i32
    %c0_i32_1 = arith.constant 0 : i32
    return %c0_i32, %c0_i32_0 : i32, i32
  }
  func.func @transform_7(%arg0: i32, %arg1: memref<2500xi32, #tpu.memory_space<smem>>) -> (i32, i32) {
    %c0_i32 = arith.constant 0 : i32
    %c0_i32_0 = arith.constant 0 : i32
    %c0_i32_1 = arith.constant 0 : i32
    return %c0_i32, %c0_i32_0 : i32, i32
  }
}

module attributes {stable_mosaic.version = 14 : i64} {
  func.func @_y3_body(%arg0: i32, %arg1: memref<128x128xf32, #tpu.memory_space<vmem>>, %arg2: memref<128x128xf32, #tpu.memory_space<vmem>>, %arg3: memref<128x128xf32, #tpu.memory_space<vmem>>, %arg4: memref<1x128xf32, #tpu.memory_space<vmem>>, %arg5: memref<128x128xf32, #tpu.memory_space<vmem>>) attributes {dimension_semantics = [#tpu.dimension_semantics<arbitrary>], iteration_bounds = array<i64: 80>, scalar_prefetch = 0 : i64, scratch_operands = 0 : i64, tpu.core_type = #tpu.core_type<tc>, window_params = [{transform_indices = @transform_0, window_bounds = array<i64: 128, 128>}, {transform_indices = @transform_1, window_bounds = array<i64: 128, 128>}, {pipeline_mode = #tpu.pipeline_mode<synchronous>, transform_indices = @transform_2, window_bounds = array<i64: 128, 128>}, {pipeline_mode = #tpu.pipeline_mode<synchronous>, transform_indices = @transform_3, window_bounds = array<i64: 1, 128>}, {transform_indices = @transform_4, window_bounds = array<i64: 128, 128>}]} {
    %get3A = arith.constant 0 : index
    %get3A_0 = arith.constant 0 : index
    %get3A_1 = vector.load %arg1[%get3A, %get3A_0] : memref<128x128xf32, #tpu.memory_space<vmem>>, vector<128x128xf32>
    %eq3A = arith.constant 0.000000e+00 : f32
    %eq3A_2 = vector.broadcast %eq3A : f32 to vector<128x128xf32>
    %eq3A_3 = arith.cmpf oeq, %get3A_1, %eq3A_2 : vector<128x128xf32>
    %jit3A = arith.constant 1.000000e+00 : f32
    %broadcast_in_dim3A = vector.broadcast %jit3A : f32 to vector<128x128xf32>
    %select_n3A = arith.select %eq3A_3, %broadcast_in_dim3A, %get3A_1 : vector<128x128xi1>, vector<128x128xf32>
    %get3A_4 = arith.constant 0 : index
    %get3A_5 = arith.constant 0 : index
    %get3A_6 = vector.load %arg2[%get3A_4, %get3A_5] : memref<128x128xf32, #tpu.memory_space<vmem>>, vector<128x128xf32>
    %div3A = arith.divf %get3A_6, %select_n3A : vector<128x128xf32>
    %get3A_7 = arith.constant 0 : index
    %get3A_8 = arith.constant 0 : index
    %get3A_9 = vector.load %arg3[%get3A_7, %get3A_8] : memref<128x128xf32, #tpu.memory_space<vmem>>, vector<128x128xf32>
    %dot_general3A = arith.constant dense<0.000000e+00> : vector<128x128xf32>
    %dot_general3A_10 = tpu.matmul %div3A, %get3A_9, %dot_general3A {dimension_numbers = #tpu.dot_dimension_numbers<[1], [0], [0], [1], [0, 0, 1, 1], [], []>, transpose_lhs_hint = false} : vector<128x128xf32>, vector<128x128xf32>, vector<128x128xf32> -> vector<128x128xf32>
    %get3A_11 = arith.constant 0 : index
    %get3A_12 = arith.constant 0 : index
    %get3A_13 = vector.load %arg4[%get3A_11, %get3A_12] : memref<1x128xf32, #tpu.memory_space<vmem>>, vector<1x128xf32>
    %add3A = vector.broadcast %get3A_13 : vector<1x128xf32> to vector<128x128xf32>
    %add3A_14 = arith.addf %dot_general3A_10, %add3A : vector<128x128xf32>
    %swap3A = arith.constant 0 : index
    %swap3A_15 = arith.constant 0 : index
    %swap3A_16 = vector.load %arg5[%swap3A, %swap3A_15] : memref<128x128xf32, #tpu.memory_space<vmem>>, vector<128x128xf32>
    tpu.vector_store %arg5[%swap3A, %swap3A_15], %add3A_14 {strides = array<i32>} : memref<128x128xf32, #tpu.memory_space<vmem>>, vector<128x128xf32>,
    return
  }
  func.func @transform_0(%arg0: i32) -> (i32, i32) {
    %c0_i32 = arith.constant 0 : i32
    %c0_i32_0 = arith.constant 0 : i32
    return %arg0, %c0_i32 : i32, i32
  }
  func.func @transform_1(%arg0: i32) -> (i32, i32) {
    %c0_i32 = arith.constant 0 : i32
    %c0_i32_0 = arith.constant 0 : i32
    return %arg0, %c0_i32 : i32, i32
  }
  func.func @transform_2(%arg0: i32) -> (i32, i32) {
    %c0_i32 = arith.constant 0 : i32
    %c0_i32_0 = arith.constant 0 : i32
    %c0_i32_1 = arith.constant 0 : i32
    return %c0_i32, %c0_i32_0 : i32, i32
  }
  func.func @transform_3(%arg0: i32) -> (i32, i32) {
    %c0_i32 = arith.constant 0 : i32
    %c0_i32_0 = arith.constant 0 : i32
    %c0_i32_1 = arith.constant 0 : i32
    return %c0_i32, %c0_i32_0 : i32, i32
  }
  func.func @transform_4(%arg0: i32) -> (i32, i32) {
    %c0_i32 = arith.constant 0 : i32
    %c0_i32_0 = arith.constant 0 : i32
    return %arg0, %c0_i32 : i32, i32
  }
}

</mosaic_0001>

<sc_bundles>
// kernel: kernel.5.cloned.1.call-start
scs
__scs_entry_jumppad:
0x0: {  	(pc) =	sbr.rel $0x88, $3  }
0x1: {  	(tag) =	ssettag $0x0;
	lr =	simm.s32 $0x1  }
0x2: {  	[smem:$0x3F99] =	sst lr;
	_ =	strace $0xD0000000  }
0x3: {  	_ = 	snop  }
0x4: {  	_ = 	snop  }
0x5: {  	_ = 	snop  }
0x6: {  	_ = 	snop  }
0x7: {  	_ = 	snop  }
__scs_overlays_trampoline_lowered:
0x8: {  	[smem:$0x3FA8] =	sst s0  }
0x9: {  	[smem:$0x3FA9] =	sst s1  }
0xa: {  	[smem:$0x3FAA] =	sst s2  }
0xb: {  	[smem:$0x3FAB] =	sst s3  }
0xc: {  	[smem:$0x3FAC] =	sst s4  }
0xd: {  	[smem:$0x3FAD] =	sst s5  }
0xe: {  	[smem:$0x3FAE] =	sst s6  }
0xf: {  	[smem:$0x3FAF] =	sst s7  }
0x10: {  	[smem:$0x3FB0] =	sst s8  }
0x11: {  	[smem:$0x3FB1] =	sst s9;
	s0 =	simm.s32 @!p0 $0x0  }
0x12: {  	s1 =	sld [smem:$0x3F97];
	s0 =	simm.s32 @p0 $0x1  }
0x13: {  	[smem:$0x3FB2] =	sst s0;
	s0 =	simm.s32 @!p1 $0x0  }
0x14: {  	s2 =	sld [smem:$0x3F96];
	s0 =	simm.s32 @p1 $0x1  }
0x15: {  	[smem:$0x3FB3] =	sst s0;
	s0 =	simm.s32 @!p2 $0x0  }
0x16: {  	s3 =	sld [smem:$0x3FDB];
	s0 =	simm.s32 @p2 $0x1  }
0x17: {  	s4 =	simm.s32 $0x1BF5;
	[smem:$0x3FB5] =	sst s0  }
0x18: {  	s0 =	sld [smem:$0x3F98];
	_ =	swait.ge [sflag:s4], $0x0  }
0x19: {  	s7 =	sld [smem:$0x3F99]  }
0x1a: {  	s8 =	sadd.s32 $0xFFFFE003, lr  }
0x1b: {  	s9 =	sadd.s32 $0xFFFFFEF7, lr;
	s5 =	simm.s32 $0xFFFFFFFF;
	p2 =	slt.u32 s8, $0xFFFFF086  }
0x1c: {  	p1 =	slt.u32 s9, $0xF7A;
	s5 =	simm.s32 @!p2 $0x0  }
0x1d: {  	s5 =	simm.s32 @p1 $0x1;
	p0 =	seq.s32 s7, s2  }
0x1e: {  	s7 =	smul.u32 @!p0 $0xF7A, s2;
	p2 =	seq.s32 @!p0 s5, $0x0  }
0x1f: {  	s9 =	smul.u32 $0xF7A, s1;
	s8 =	simm.s32 @!p0 $0x1BF5;
	p2 =	por !p2, p0  }
0x20: {  	[sflag:s8] =	ssyncset.s32 @!p0 $0xFFFFF086;
	s6 =	sadd.s32 @!p0 s3, s7;
	s7 =	simm.s32 @!p0 $0x108  }
0x21: {  	s3 =	sadd.s32 s3, s9;
	s6 =	sadd.s32 @!p0 $0x88, s6;
	s7 =	simm.s32 @p2 $0x1082  }
0x22: {  	[simem:s7], [sflag:s8] =	dma.local @!p0 [hbm:s6], $0xF7A  }
0x23: {  	s9 =	sor.u32 $0xD0000000, s2;
	s6 =	simm.s32 $0x108;
	_ =	swait.ge @!p0 [sflag:s8], $0x0  }
0x24: {  	s3 =	sadd.s32 $0x88, s3;
	s6 =	simm.s32 @!p1 $0x1082;
	[sflag:s4] =	ssyncset.s32 $0xFFFFF086  }
0x25: {  	[simem:s6], [sflag:s4] =	dma.local [hbm:s3], $0xF7A  }
0x26: {  	[smem:$0x3F99] =	sst s1;
	(tag) =	ssettag s2;
	_ =	strace s9  }
0x27: {  	s1 =	sld [smem:$0x3FA9]  }
0x28: {  	s2 =	sld [smem:$0x3FAA]  }
0x29: {  	s4 =	sld [smem:$0x3FAC]  }
0x2a: {  	p0 =	seq.s32 s5, $0x0;
	s5 =	sld [smem:$0x3FAD]  }
0x2b: {  	s6 =	sld [smem:$0x3FAE]  }
0x2c: {  	s7 =	sld [smem:$0x3FAF]  }
0x2d: {  	s3 =	simm.s32 $0x108;
	s8 =	sld [smem:$0x3FB0]  }
0x2e: {  	s3 =	simm.s32 @!p0 $0x1082;
	s9 =	sld [smem:$0x3FB1]  }
0x2f: {  	lr =	sadd.s32 s0, s3;
	s0 =	sld [smem:$0x3FA8]  }
0x30: {  	s3 =	sld [smem:$0x3FAB]  }
0x31: {  	[smem:$0x3FB4] =	sst s10  }
0x32: {  	s10 =	sld [smem:$0x3FB2];
	_ =	sdelay $0x3  }
0x33: {  	p0 =	seq.s32 s10, $0x1;
	s10 =	sld [smem:$0x3FB4];
	_ =	sdelay $0x3  }
0x34: {  	[smem:$0x3FB4] =	sst s10  }
0x35: {  	s10 =	sld [smem:$0x3FB3];
	_ =	sdelay $0x3  }
0x36: {  	p1 =	seq.s32 s10, $0x1;
	s10 =	sld [smem:$0x3FB4];
	_ =	sdelay $0x3  }
0x37: {  	[smem:$0x3FB4] =	sst s10  }
0x38: {  	s10 =	sld [smem:$0x3FB5]  }
0x39: {  	_ = 	snop;
	(pc) =	sbr.ind lr, $3  }
0x3a: {  	_ = 	snop  }
0x3b: {  	_ = 	snop  }
0x3c: {  	p2 =	seq.s32 s10, $0x1;
	s10 =	sld [smem:$0x3FB4]  }
0x3d: {  	_ =	shalt  }
0x3e: {  	_ =	shalt  }
0x3f: {  	_ =	shalt  }
0x40: {  	_ =	shalt  }
0x41: {  	_ =	shalt  }
0x42: {  	_ =	shalt  }
0x43: {  	_ =	shalt  }
0x44: {  	_ =	shalt  }
0x45: {  	_ =	shalt  }
0x46: {  	_ =	shalt  }
0x47: {  	_ =	shalt  }
0x48: {  	_ =	shalt  }
0x49: {  	_ =	shalt  }
0x4a: {  	_ =	shalt  }
0x4b: {  	_ =	shalt  }
0x4c: {  	_ =	shalt  }
0x4d: {  	_ =	shalt  }
0x4e: {  	_ =	shalt  }
0x4f: {  	_ =	shalt  }
0x50: {  	_ =	shalt  }
0x51: {  	_ =	shalt  }
0x52: {  	_ =	shalt  }
0x53: {  	_ =	shalt  }
0x54: {  	_ =	shalt  }
0x55: {  	_ =	shalt  }
0x56: {  	_ =	shalt  }
0x57: {  	_ =	shalt  }
0x58: {  	_ =	shalt  }
0x59: {  	_ =	shalt  }
0x5a: {  	_ =	shalt  }
0x5b: {  	_ =	shalt  }
0x5c: {  	_ =	shalt  }
0x5d: {  	_ =	shalt  }
0x5e: {  	_ =	shalt  }
0x5f: {  	_ =	shalt  }
0x60: {  	_ =	shalt  }
0x61: {  	_ =	shalt  }
0x62: {  	_ =	shalt  }
0x63: {  	_ =	shalt  }
0x64: {  	_ =	shalt  }
0x65: {  	_ =	shalt  }
0x66: {  	_ =	shalt  }
0x67: {  	_ =	shalt  }
0x68: {  	_ =	shalt  }
0x69: {  	_ =	shalt  }
0x6a: {  	_ =	shalt  }
0x6b: {  	_ =	shalt  }
0x6c: {  	_ =	shalt  }
0x6d: {  	_ =	shalt  }
0x6e: {  	_ =	shalt  }
0x6f: {  	_ =	shalt  }
0x70: {  	_ =	shalt  }
0x71: {  	_ =	shalt  }
0x72: {  	_ =	shalt  }
0x73: {  	_ =	shalt  }
0x74: {  	_ =	shalt  }
0x75: {  	_ =	shalt  }
0x76: {  	_ =	shalt  }
0x77: {  	_ =	shalt  }
0x78: {  	_ =	shalt  }
0x79: {  	_ =	shalt  }
0x7a: {  	_ =	shalt  }
0x7b: {  	_ =	shalt  }
0x7c: {  	_ =	shalt  }
0x7d: {  	_ =	shalt  }
0x7e: {  	_ =	shalt  }
0x7f: {  	_ =	shalt  }
0x80: {  	_ =	shalt  }
0x81: {  	_ =	shalt  }
0x82: {  	_ =	shalt  }
0x83: {  	_ =	shalt  }
0x84: {  	_ =	shalt  }
0x85: {  	_ =	shalt  }
0x86: {  	_ =	shalt  }
0x87: {  	_ =	shalt  }
.Lfunc_end0:
.L_simem_size_0:
called_computation_lowered:
.L_overlay_start_0:
0x88: {  	s2 =	sld [smem:$0x3FD9]  }
0x89: {  	s3 =	sld [smem:$0x3FFE];
	_ =	sdelay $0x1  }
0x8a: {  	s1 =	srdreg.scid  }
0x8b: {  	s0 =	sand.u32 $0x1, s1  }
0x8c: {  	s17 =	sshll.u32 s0, $0xA;
	s2 =	sadd.s32 s3, s2  }
0x8d: {  	s2 =	sadd.s32 s2, s17  }
0x8e: {  	[smem:$0x3FC0] =	sst s2  }
0x8f: {  	_ = 	snop  }
0x90: {  	s2 =	sld [smem:$0x3FD0];
	(tm) =	ssettm $0x1  }
0x91: {  	s18 =	sld [smem:$0x3FFB];
	_ =	sdelay $0x3  }
0x92: {  	_ =	strace s18  }
0x93: {  	s3 =	sld [smem:$0x3FFC];
	_ =	sdelay $0x3  }
0x94: {  	_ =	strace s3  }
0x95: {  	s3 =	sld [smem:$0x3FFD];
	_ =	sdelay $0x3  }
0x96: {  	_ =	strace s3  }
0x97: {  	_ =	strace $0x8FFFFFFF  }
0x98: {  	s19 =	sld [smem:$0x3FDB];
	_ =	sdelay $0x1  }
0x99: {  	s4 =	simm.s32 $_scs_section_size  }
0x9a: {  	s5 =	simm.s32 $_size__tile_overlayer_lowered;
	s6 =	simm.s32 $_tile_overlayer_lowered  }
0x9b: {  	s22 =	simm.s32 $0x1BFF;
	s21 =	sshll.u32 s6, $0x1;
	s3 =	sadd.s32 s4, s19  }
0x9c: {  	s7 =	simm.s32 $0x0;
	s20 =	sshll.u32 s5, $0x1;
	s5 =	sadd.s32 s21, s3  }
0x9d: {  	[timem:s7], [sflag:s22] =	dma.local [hbm:s5], s20  }
0x9e: {  	_ =	swait.ge [sflag:s22], s20  }
0x9f: {  	s4 =	ssub.s32 $0x0, s20;
	[sflag:s22] =	ssyncset.done $0x0  }
0xa0: {  	[sflag:s22] =	ssyncadd.s32 s4;
	_ =	sdelay $0x1  }
0xa1: {  	s23 =	simm.s32 $0x1B8B  }
0xa2: {  	_ =	swait.ge [sflag:s23], $0x1  }
0xa3: {  	[sflag:s23] =	ssyncset.done $0x0  }
0xa4: {  	s25 =	simm.s32 $0x1B8E;
	s24 =	sld [smem:$0x3FFE];
	[sflag:s23] =	ssyncadd.s32 $0xFFFFFFFF  }
0xa5: {  	s26 =	simm.s32 $execute0_lowered;
	[smem:$0x3FD2] =	sst s25  }
0xa6: {  	s5 =	sshll.u32 s26, $0x1;
	_ =	strace $0x80000046;
	[dreg:$0x1] =	wrdreg $0xFFFFFFFF  }
0xa7: {  	s28 =	simm.s32 $_size_execute0_lowered;
	s3 =	sadd.s32 s3, s5;
	[dreg:$0x0] =	wrdreg $0x0  }
0xa8: {  	s5 =	sshll.u32 s28, $0x1;
	[dreg:$0x2] =	wrdreg s3  }
0xa9: {  	[dreg:$0x3] =	wrdreg s5  }
0xaa: {  	[dreg:$0x4] =	wrdreg $0xC0  }
0xab: {  	_ =	task [dreg:s7], $0x5FFFF  }
0xac: {  	[dreg:$0x1] =	wrdreg $0xFFFFFFFF  }
0xad: {  	[dreg:$0x0] =	wrdreg $0x60  }
0xae: {  	[dreg:$0x2] =	wrdreg s24  }
0xaf: {  	[dreg:$0x3] =	wrdreg s2  }
0xb0: {  	[dreg:$0x4] =	wrdreg $0x9  }
0xb1: {  	_ =	task.clear_ibuf [dreg:s7], $0x5FFFF;
	_ =	strace $0x90000046  }
0xb2: {  	s29 =	simm.s32 $0x9;
	_ =	strace $0x80000048  }
0xb3: {  	_ =	swait.ge [sflag:s29], $0x1  }
0xb4: {  	[sflag:s29] =	ssyncadd.s32 $0xFFFFFFFF  }
0xb5: {  	_ =	strace $0x90000048  }
0xb6: {  	_ =	sfence  }
0xb7: {  	s30 =	sld [smem:$0x0];
	_ =	sdelay $0x2  }
0xb8: {  	s31 =	sshll.u32 s1, $0xD;
	s1 =	sshrl.u32 s1, $0x2  }
0xb9: {  	s3 =	sand.u32 $0x4000, s31;
	s1 =	sadd.s32 s1, s30  }
0xba: {  	s0 =	sor.u32 s3, s0;
	s1 =	sshll.u32 s1, $0x11  }
0xbb: {  	s0 =	sor.u32 s1, s0  }
0xbc: {  	s0 =	sadd.s32 $0x8F2B, s0  }
0xbd: {  	[sflag:s0] =	ssyncadd.remote.s32 $0x1  }
0xbe: {  	_ =	sfence.sel $0xFFFF  }
0xbf: {  	[dreg:$0x0] =	wrdreg $0xFFFFFFFF;
	(pc) =	sbr.abs _section_cstart, $3  }
0xc0: {  	[dreg:$0x1] =	wrdreg $0xFFFFFFFF  }
0xc1: {  	_ =	task.clear_ibuf [dreg:s7], $0x2FFFF;
	_ =	strace $0x9FFFFFFF  }
0xc2: {  	(tm) =	ssettm $0x7FFFFFFF  }
0xc3: {  	_ =	shalt  }
tec
execute0_lowered:
.L_overlay_start_1:
0x0: {  	(tag) =	ssettag $0x1  }
0x1: {  	s1 =	srdreg.scid;
	s6 =	rddreg [dreg:$0x0]  }
0x2: {  	s0 =	stileid.u32;
	s7 =	rddreg [dreg:$0x1];
	s2 =	simm.s32 $0x0  }
0x3: {  	s13 =	simm.s32 $0x3000;
	s14 =	simm.s32 $0x100;
	s15 =	simm.s32 $0x5800  }
0x4: {  	s16 =	simm.s32 $0x180;
	s17 =	simm.s32 $0x8000;
	s18 =	simm.s32 $0x200  }
0x5: {  	s19 =	simm.s32 $0xA800;
	s20 =	simm.s32 $0x1;
	s21 =	simm.s32 $0x4  }
0x6: {  	s22 =	simm.s32 $0x3;
	s23 =	simm.s32 $0x0;
	s10 =	smul.u32 $0x32, s0  }
0x7: {  	s5 =	sand.u32 $0x1, s1;
	s1 =	rddreg [dreg:$0x2];
	s29 =	smul.u32 $0x4E200, s0  }
0x8: {  	s28 =	sshll.u32 s0, $0x1;
	[smem:$0x7FF] =	sst s2;
	s12 =	smul.u32 $0x19, s5  }
0x9: {  	s3 =	sor.u32 s5, s28;
	s9 =	ssub.s32 $0x2, s5;
	s30 =	smul.u32 $0x27100, s5  }
0xa: {  	_ =	strace $0x80000047;
	s4 =	smul.u32 $0xC80, s3;
	s11 =	sshrl.u32 s9, $0x1  }
0xb: {  	s8 =	smul.u32 $0x138800, s3;
	s3 =	sadd.s32 $0x19000, s6;
	s9 =	ssub.s32 s9, s11  }
0xc: {  	s10 =	sadd.s32 s12, s10;
	s11 =	simm.s32 $0x800;
	s12 =	simm.s32 $0x80  }
0xd: {  	s4 =	sadd.s32 s6, s4;
	s8 =	sshrl.u32 s8, $0x3;
	s10 =	sshll.u32 s10, $0x7  }
0xe: {  	s8 =	sadd.s32 s7, s8;
	s7 =	sadd.s32 s29, s7;
	s31 =	sadd.s32 s10, s6  }
0xf: {  	s6 =	smax.u32 s9, $0x1;
	s9 =	simm.s32 $0x5;
	s10 =	simm.s32 $0x50  }
0x10: {  	s5 =	sadd.s32 $0x25800, s8;
	s7 =	sadd.s32 s30, s7;
	s8 =	sadd.s32 $0x80, s31  }
.LBB2_1:
0x11: {  	[tilespmem:s2], [sflag:$0x5] =	stream.linear.gather [hbm4b:s4+s2], $0x280, $0x38;
	[tilespmem:$0x19800] =	vst v63  }
0x12: {  	_ =	swait.ge [sflag:s9], $0x280  }
0x13: {  	s24 =	simm.s32 $0x1;
	[sflag:s9] =	ssyncset.done $0x0  }
0x14: {  	s25 =	sand.u32 $0x1, s24;
	[sflag:s9] =	ssyncadd.s32 $0xFFFFFD80  }
0x15: {  	[tilespmem:s11], [sflag:$0x1] =	stream.indirect.gather [hbm4b:s3+s10], $0x80, s2, s10, $0xb8;
	[tilespmem:$0x19800] =	vst v63  }
0x16: {  	p0 =	seq.s32 s25, $0x1  }
0x17: {  	[tilespmem:s13], [sflag:$0x1] =	stream.indirect.gather [hbm4b:s3+s10], $0x80, s12, s10, $0xb8;
	[tilespmem:$0x19800] =	vst v63  }
0x18: {  	p1 =	por @p0 $0x1, $0x1  }
0x19: {  	[tilespmem:s15], [sflag:$0x1] =	stream.indirect.gather [hbm4b:s3+s10], $0x80, s14, s10, $0xb8;
	[tilespmem:$0x19800] =	vst v63  }
0x1a: {  	p1 =	por p1, !p0  }
0x1b: {  	[tilespmem:s17], [sflag:$0x1] =	stream.indirect.gather [hbm4b:s3+s10], $0x80, s16, s10, $0xb8;
	[tilespmem:$0x19800] =	vst v63  }
0x1c: {  	s25 =	simm.s32 @!p1 $0x4  }
0x1d: {  	[tilespmem:s19], [sflag:$0x1] =	stream.indirect.gather [hbm4b:s3+s10], $0x80, s18, s10, $0xb8;
	[tilespmem:$0x19800] =	vst v63  }
0x1e: {  	_ =	swait.ge @!p1 [sflag:s25], $0xC800  }
0x1f: {  	s26 =	simm.s32 @p0 $0x5;
	[sflag:s25] =	ssyncset.done @!p1 $0x0  }
0x20: {  	s28 =	simm.s32 @p0 $0x400;
	[sflag:s25] =	ssyncadd.s32 @!p1 $0xFFFF3800;
	s25 =	simm.s32 @p0 $0x0  }
0x21: {  	[tilespmem:s28], [sflag:$0x5] =	stream.linear.gather @p0 [hbm4b:s8+s25], $0x280, $0x38;
	[tilespmem:$0x19800] =	vst v63  }
0x22: {  	_ =	swait.ge @p0 [sflag:s26], $0x280  }
0x23: {  	[sflag:s26] =	ssyncset.done @p0 $0x0  }
0x24: {  	s25 =	simm.s32 @p0 $0x50;
	[sflag:s26] =	ssyncadd.s32 @p0 $0xFFFFFD80;
	s26 =	simm.s32 @p0 $0xD000  }
0x25: {  	[tilespmem:s26], [sflag:$0x2] =	stream.indirect.gather @p0 [hbm4b:s3+s25], $0x80, s28, s25, $0xb8;
	[tilespmem:$0x19800] =	vst v63  }
0x26: {  	s26 =	simm.s32 @p0 $0x480;
	s28 =	simm.s32 @p0 $0xF800  }
0x27: {  	[tilespmem:s28], [sflag:$0x2] =	stream.indirect.gather @p0 [hbm4b:s3+s25], $0x80, s26, s25, $0xb8;
	[tilespmem:$0x19800] =	vst v63  }
0x28: {  	s26 =	simm.s32 @p0 $0x500;
	s28 =	simm.s32 @p0 $0x12000  }
0x29: {  	[tilespmem:s28], [sflag:$0x2] =	stream.indirect.gather @p0 [hbm4b:s3+s25], $0x80, s26, s25, $0xb8;
	[tilespmem:$0x19800] =	vst v63  }
0x2a: {  	p1 =	por @!p0 $0x1, $0x1;
	s26 =	simm.s32 @p0 $0x580;
	s28 =	simm.s32 @p0 $0x14800  }
0x2b: {  	[tilespmem:s28], [sflag:$0x2] =	stream.indirect.gather @p0 [hbm4b:s3+s25], $0x80, s26, s25, $0xb8;
	[tilespmem:$0x19800] =	vst v63  }
0x2c: {  	p1 =	por p1, p0;
	s26 =	simm.s32 @p0 $0x600;
	s28 =	simm.s32 @p0 $0x17000  }
0x2d: {  	[tilespmem:s28], [sflag:$0x2] =	stream.indirect.gather @p0 [hbm4b:s3+s25], $0x80, s26, s25, $0xb8;
	[tilespmem:$0x19800] =	vst v63  }
0x2e: {  	s25 =	simm.s32 @!p1 $0x3  }
0x2f: {  	_ =	swait.ge @!p1 [sflag:s25], $0xC800  }
0x30: {  	[sflag:s25] =	ssyncset.done @!p1 $0x0  }
0x31: {  	s26 =	simm.s32 @!p0 $0x5;
	[sflag:s25] =	ssyncadd.s32 @!p1 $0xFFFF3800;
	s25 =	simm.s32 @!p0 $0x0  }
0x32: {  	[tilespmem:s25], [sflag:$0x5] =	stream.linear.gather @!p0 [hbm4b:s8+s25], $0x280, $0x38;
	[tilespmem:$0x19800] =	vst v63  }
0x33: {  	_ =	swait.ge @!p0 [sflag:s26], $0x280  }
0x34: {  	[sflag:s26] =	ssyncset.done @!p0 $0x0  }
0x35: {  	s28 =	simm.s32 @!p0 $0x800;
	[sflag:s26] =	ssyncadd.s32 @!p0 $0xFFFFFD80;
	s26 =	simm.s32 @!p0 $0x50  }
0x36: {  	[tilespmem:s28], [sflag:$0x1] =	stream.indirect.gather @!p0 [hbm4b:s3+s26], $0x80, s25, s26, $0xb8;
	[tilespmem:$0x19800] =	vst v63  }
0x37: {  	s25 =	simm.s32 @!p0 $0x80;
	s28 =	simm.s32 @!p0 $0x3000  }
0x38: {  	[tilespmem:s28], [sflag:$0x1] =	stream.indirect.gather @!p0 [hbm4b:s3+s26], $0x80, s25, s26, $0xb8;
	[tilespmem:$0x19800] =	vst v63  }
0x39: {  	s29 =	sand.u32 $0x1, s2;
	s25 =	simm.s32 @!p0 $0x100;
	s28 =	simm.s32 @!p0 $0x5800  }
0x3a: {  	[tilespmem:s28], [sflag:$0x1] =	stream.indirect.gather @!p0 [hbm4b:s3+s26], $0x80, s25, s26, $0xb8;
	[tilespmem:$0x19800] =	vst v63  }
0x3b: {  	p1 =	seq.s32 s29, $0x1;
	s25 =	simm.s32 @!p0 $0x180;
	s28 =	simm.s32 @!p0 $0x8000  }
0x3c: {  	[tilespmem:s28], [sflag:$0x1] =	stream.indirect.gather @!p0 [hbm4b:s3+s26], $0x80, s25, s26, $0xb8;
	[tilespmem:$0x19800] =	vst v63  }
0x3d: {  	s29 =	simm.s32 @!p0 $0xA800;
	s25 =	simm.s32 @!p0 $0x200;
	s28 =	simm.s32 @p1 $0x2  }
0x3e: {  	[tilespmem:s29], [sflag:$0x1] =	stream.indirect.gather @!p0 [hbm4b:s3+s26], $0x80, s25, s26, $0xb8;
	[tilespmem:$0x19800] =	vst v63  }
0x3f: {  	_ =	swait.ge @p1 [sflag:s28], $0x2800  }
0x40: {  	[sflag:s28] =	ssyncset.done @p1 $0x0  }
0x41: {  	[sflag:s28] =	ssyncadd.s32 @p1 $0xFFFFD800  }
0x42: {  	_ =	swait.ge @p1 [sflag:s28], $0x2800  }
0x43: {  	[sflag:s28] =	ssyncset.done @p1 $0x0  }
0x44: {  	[sflag:s28] =	ssyncadd.s32 @p1 $0xFFFFD800  }
0x45: {  	_ =	swait.ge @p1 [sflag:s28], $0x2800  }
0x46: {  	[sflag:s28] =	ssyncset.done @p1 $0x0  }
0x47: {  	[sflag:s28] =	ssyncadd.s32 @p1 $0xFFFFD800  }
0x48: {  	_ =	swait.ge @p1 [sflag:s28], $0x2800  }
0x49: {  	[sflag:s28] =	ssyncset.done @p1 $0x0  }
0x4a: {  	s30 =	simm.s32 @p1 $0x0;
	[sflag:s28] =	ssyncadd.s32 @p1 $0xFFFFD800  }
0x4b: {  	s31 =	simm.s32 @p1 $0xD000;
	s29 =	simm.s32 @!p1 $0x1;
	_ =	swait.ge @p1 [sflag:s28], $0x2800  }
0x4c: {  	s25 =	smov.u32 s7;
	s26 =	smov.u32 s8;
	[sflag:s28] =	ssyncset.done @p1 $0x0  }
.LBB2_2:
0x4d: {  	[sflag:s28] =	ssyncadd.s32 @p1 $0xFFFFD800;
	s28 =	smov.u32 s24;
	s24 =	sadd.s32 $0x1, s24  }
0x4e: {  	[hbm4b:s25+s30] =	stream.linear.scatter @p1 [tilespmem:s31], [sflag:$0x4], $0xC800, $0x38;
	[tilespmem:$0x19800] =	vst v63  }
0x4f: {  	s30 =	sand.u32 $0x1, s24;
	p0 =	sne.s32 s24, $0x18;
	_ =	swait.ge @!p1 [sflag:s29], $0x2800  }
0x50: {  	[sflag:s29] =	ssyncset.done @!p1 $0x0  }
0x51: {  	[sflag:s29] =	ssyncadd.s32 @!p1 $0xFFFFD800  }
0x52: {  	_ =	swait.ge @!p1 [sflag:s29], $0x2800  }
0x53: {  	[sflag:s29] =	ssyncset.done @!p1 $0x0  }
0x54: {  	[sflag:s29] =	ssyncadd.s32 @!p1 $0xFFFFD800  }
0x55: {  	s26 =	sadd.s32 $0x80, s26;
	_ =	swait.ge @!p1 [sflag:s29], $0x2800  }
0x56: {  	[sflag:s29] =	ssyncset.done @!p1 $0x0  }
0x57: {  	[sflag:s29] =	ssyncadd.s32 @!p1 $0xFFFFD800  }
0x58: {  	_ =	swait.ge @!p1 [sflag:s29], $0x2800  }
0x59: {  	[sflag:s29] =	ssyncset.done @!p1 $0x0  }
0x5a: {  	p2 =	seq.s32 s30, $0x1;
	[sflag:s29] =	ssyncadd.s32 @!p1 $0xFFFFD800  }
0x5b: {  	p4 =	seq.s32 @p2 s28, $0x0;
	p3 =	seq.s32 @!p2 s28, $0x0;
	_ =	swait.ge @!p1 [sflag:s29], $0x2800  }
0x5c: {  	s30 =	simm.s32 @!p1 $0x800;
	p4 =	por p4, !p2;
	[sflag:s29] =	ssyncset.done @!p1 $0x0  }
0x5d: {  	s31 =	simm.s32 @!p4 $0x4;
	[sflag:s29] =	ssyncadd.s32 @!p1 $0xFFFFD800;
	s29 =	simm.s32 @!p1 $0x0  }
0x5e: {  	[hbm4b:s25+s29] =	stream.linear.scatter @!p1 [tilespmem:s30], [sflag:$0x3], $0xC800, $0x38;
	[tilespmem:$0x19800] =	vst v63  }
0x5f: {  	_ =	swait.ge @!p4 [sflag:s31], $0xC800  }
0x60: {  	s29 =	simm.s32 @p2 $0x5;
	[sflag:s31] =	ssyncset.done @!p4 $0x0  }
0x61: {  	s30 =	simm.s32 @p2 $0x0;
	[sflag:s31] =	ssyncadd.s32 @!p4 $0xFFFF3800;
	s31 =	simm.s32 @p2 $0x400  }
0x62: {  	[tilespmem:s31], [sflag:$0x5] =	stream.linear.gather @p2 [hbm4b:s26+s30], $0x280, $0x38;
	[tilespmem:$0x19800] =	vst v63  }
0x63: {  	_ =	swait.ge @p2 [sflag:s29], $0x280  }
0x64: {  	[sflag:s29] =	ssyncset.done @p2 $0x0  }
0x65: {  	s30 =	simm.s32 @p2 $0xD000;
	[sflag:s29] =	ssyncadd.s32 @p2 $0xFFFFFD80;
	s29 =	simm.s32 @p2 $0x50  }
0x66: {  	[tilespmem:s30], [sflag:$0x2] =	stream.indirect.gather @p2 [hbm4b:s3+s29], $0x80, s31, s29, $0xb8;
	[tilespmem:$0x19800] =	vst v63  }
0x67: {  	s30 =	simm.s32 @p2 $0x480;
	s31 =	simm.s32 @p2 $0xF800  }
0x68: {  	[tilespmem:s31], [sflag:$0x2] =	stream.indirect.gather @p2 [hbm4b:s3+s29], $0x80, s30, s29, $0xb8;
	[tilespmem:$0x19800] =	vst v63  }
0x69: {  	s30 =	simm.s32 @p2 $0x500;
	s31 =	simm.s32 @p2 $0x12000  }
0x6a: {  	[tilespmem:s31], [sflag:$0x2] =	stream.indirect.gather @p2 [hbm4b:s3+s29], $0x80, s30, s29, $0xb8;
	[tilespmem:$0x19800] =	vst v63  }
0x6b: {  	s30 =	simm.s32 @p2 $0x580;
	s31 =	simm.s32 @p2 $0x14800  }
0x6c: {  	[tilespmem:s31], [sflag:$0x2] =	stream.indirect.gather @p2 [hbm4b:s3+s29], $0x80, s30, s29, $0xb8;
	[tilespmem:$0x19800] =	vst v63  }
0x6d: {  	p1 =	por p3, p2;
	s30 =	simm.s32 @p2 $0x600;
	s31 =	simm.s32 @p2 $0x17000  }
0x6e: {  	[tilespmem:s31], [sflag:$0x2] =	stream.indirect.gather @p2 [hbm4b:s3+s29], $0x80, s30, s29, $0xb8;
	[tilespmem:$0x19800] =	vst v63  }
0x6f: {  	s29 =	simm.s32 @!p1 $0x3  }
0x70: {  	_ =	swait.ge @!p1 [sflag:s29], $0xC800  }
0x71: {  	[sflag:s29] =	ssyncset.done @!p1 $0x0  }
0x72: {  	s30 =	simm.s32 @!p2 $0x5;
	[sflag:s29] =	ssyncadd.s32 @!p1 $0xFFFF3800;
	s29 =	simm.s32 @!p2 $0x0  }
0x73: {  	[tilespmem:s29], [sflag:$0x5] =	stream.linear.gather @!p2 [hbm4b:s26+s29], $0x280, $0x38;
	[tilespmem:$0x19800] =	vst v63  }
0x74: {  	_ =	swait.ge @!p2 [sflag:s30], $0x280  }
0x75: {  	[sflag:s30] =	ssyncset.done @!p2 $0x0  }
0x76: {  	s31 =	simm.s32 @!p2 $0x800;
	[sflag:s30] =	ssyncadd.s32 @!p2 $0xFFFFFD80;
	s30 =	simm.s32 @!p2 $0x50  }
0x77: {  	[tilespmem:s31], [sflag:$0x1] =	stream.indirect.gather @!p2 [hbm4b:s3+s30], $0x80, s29, s30, $0xb8;
	[tilespmem:$0x19800] =	vst v63  }
0x78: {  	s29 =	simm.s32 @!p2 $0x80;
	s31 =	simm.s32 @!p2 $0x3000  }
0x79: {  	[tilespmem:s31], [sflag:$0x1] =	stream.indirect.gather @!p2 [hbm4b:s3+s30], $0x80, s29, s30, $0xb8;
	[tilespmem:$0x19800] =	vst v63  }
0x7a: {  	s28 =	sand.u32 $0x1, s28;
	s29 =	simm.s32 @!p2 $0x100;
	s31 =	simm.s32 @!p2 $0x5800  }
0x7b: {  	[tilespmem:s31], [sflag:$0x1] =	stream.indirect.gather @!p2 [hbm4b:s3+s30], $0x80, s29, s30, $0xb8;
	[tilespmem:$0x19800] =	vst v63  }
0x7c: {  	p1 =	seq.s32 s28, $0x1;
	s29 =	simm.s32 @!p2 $0x180;
	s31 =	simm.s32 @!p2 $0x8000  }
0x7d: {  	[tilespmem:s31], [sflag:$0x1] =	stream.indirect.gather @!p2 [hbm4b:s3+s30], $0x80, s29, s30, $0xb8;
	[tilespmem:$0x19800] =	vst v63  }
0x7e: {  	s28 =	simm.s32 @p1 $0x2;
	s29 =	simm.s32 @!p2 $0x200;
	s31 =	simm.s32 @!p2 $0xA800  }
0x7f: {  	[tilespmem:s31], [sflag:$0x1] =	stream.indirect.gather @!p2 [hbm4b:s3+s30], $0x80, s29, s30, $0xb8;
	[tilespmem:$0x19800] =	vst v63  }
0x80: {  	_ =	swait.ge @p1 [sflag:s28], $0x2800  }
0x81: {  	s25 =	sadd.s32 $0x1900, s25;
	[sflag:s28] =	ssyncset.done @p1 $0x0  }
0x82: {  	[sflag:s28] =	ssyncadd.s32 @p1 $0xFFFFD800  }
0x83: {  	s30 =	simm.s32 @p1 $0x0;
	s31 =	simm.s32 @p1 $0xD000;
	_ =	swait.ge @p1 [sflag:s28], $0x2800  }
0x84: {  	s29 =	simm.s32 @!p1 $0x1;
	[sflag:s28] =	ssyncset.done @p1 $0x0  }
0x85: {  	[sflag:s28] =	ssyncadd.s32 @p1 $0xFFFFD800  }
0x86: {  	_ =	swait.ge @p1 [sflag:s28], $0x2800  }
0x87: {  	[sflag:s28] =	ssyncset.done @p1 $0x0  }
0x88: {  	[sflag:s28] =	ssyncadd.s32 @p1 $0xFFFFD800  }
.Ltmp0:
0x89: {  	_ =	swait.ge @p1 [sflag:s28], $0x2800;
	(pc) =	sbr.rel @p0 .LBB2_2-.Ltmp0, $4  }
0x8a: {  	[sflag:s28] =	ssyncset.done @p1 $0x0  }
0x8b: {  	[sflag:s28] =	ssyncadd.s32 @p1 $0xFFFFD800  }
0x8c: {  	_ =	swait.ge @p1 [sflag:s28], $0x2800  }
0x8d: {  	[sflag:s28] =	ssyncset.done @p1 $0x0  }
0x8e: {  	[sflag:s28] =	ssyncadd.s32 @p1 $0xFFFFD800  }
0x8f: {  	[hbm4b:s25+s30] =	stream.linear.scatter @p1 [tilespmem:s31], [sflag:$0x4], $0xC800, $0x38;
	[tilespmem:$0x19800] =	vst v63  }
0x90: {  	_ =	swait.ge @!p1 [sflag:s29], $0x2800  }
0x91: {  	[sflag:s29] =	ssyncset.done @!p1 $0x0  }
0x92: {  	[sflag:s29] =	ssyncadd.s32 @!p1 $0xFFFFD800  }
0x93: {  	_ =	swait.ge @!p1 [sflag:s29], $0x2800  }
0x94: {  	[sflag:s29] =	ssyncset.done @!p1 $0x0  }
0x95: {  	[sflag:s29] =	ssyncadd.s32 @!p1 $0xFFFFD800  }
0x96: {  	_ =	swait.ge @!p1 [sflag:s29], $0x2800  }
0x97: {  	[sflag:s29] =	ssyncset.done @!p1 $0x0  }
0x98: {  	[sflag:s29] =	ssyncadd.s32 @!p1 $0xFFFFD800  }
0x99: {  	_ =	swait.ge @!p1 [sflag:s29], $0x2800  }
0x9a: {  	[sflag:s29] =	ssyncset.done @!p1 $0x0  }
0x9b: {  	[sflag:s29] =	ssyncadd.s32 @!p1 $0xFFFFD800  }
0x9c: {  	_ =	swait.ge @!p1 [sflag:s29], $0x2800  }
0x9d: {  	[sflag:s29] =	ssyncset.done @!p1 $0x0  }
0x9e: {  	s24 =	simm.s32 @!p1 $0x800;
	s26 =	simm.s32 @!p1 $0x0;
	[sflag:s29] =	ssyncadd.s32 @!p1 $0xFFFFD800  }
0x9f: {  	[hbm4b:s25+s26] =	stream.linear.scatter @!p1 [tilespmem:s24], [sflag:$0x3], $0xC800, $0x38;
	[tilespmem:$0x19800] =	vst v63  }
0xa0: {  	_ =	swait.ge [sflag:s20], $0x2800  }
0xa1: {  	[sflag:s20] =	ssyncset.done $0x0  }
0xa2: {  	[sflag:s20] =	ssyncadd.s32 $0xFFFFD800  }
0xa3: {  	_ =	swait.ge [sflag:s20], $0x2800  }
0xa4: {  	[sflag:s20] =	ssyncset.done $0x0  }
0xa5: {  	[sflag:s20] =	ssyncadd.s32 $0xFFFFD800  }
0xa6: {  	_ =	swait.ge [sflag:s20], $0x2800  }
0xa7: {  	[sflag:s20] =	ssyncset.done $0x0  }
0xa8: {  	[sflag:s20] =	ssyncadd.s32 $0xFFFFD800  }
0xa9: {  	_ =	swait.ge [sflag:s20], $0x2800  }
0xaa: {  	[sflag:s20] =	ssyncset.done $0x0  }
0xab: {  	[sflag:s20] =	ssyncadd.s32 $0xFFFFD800  }
0xac: {  	_ =	swait.ge [sflag:s20], $0x2800  }
0xad: {  	[sflag:s20] =	ssyncset.done $0x0  }
0xae: {  	s23 =	sadd.s32 $0x1, s23;
	[sflag:s20] =	ssyncadd.s32 $0xFFFFD800  }
0xaf: {  	[hbm4b:s5+s2] =	stream.linear.scatter [tilespmem:s11], [sflag:$0x3], $0xC800, $0x38;
	[tilespmem:$0x19800] =	vst v63  }
0xb0: {  	p0 =	sne.s32 s23, s6;
	_ =	swait.ge [sflag:s21], $0xC800  }
.Ltmp1:
0xb1: {  	[sflag:s21] =	ssyncset.done $0x0;
	(pc) =	sbr.rel @p0 .LBB2_1-.Ltmp1, $4  }
0xb2: {  	[sflag:s21] =	ssyncadd.s32 $0xFFFF3800  }
0xb3: {  	_ =	swait.ge [sflag:s22], $0xC800  }
0xb4: {  	[sflag:s22] =	ssyncset.done $0x0  }
0xb5: {  	[sflag:s22] =	ssyncadd.s32 $0xFFFF3800  }
0xb6: {  	_ =	sfence.sel $0x180000  }
0xb7: {  	[bflag:$0x0] =	sbarrier.arrive $0xFFFF  }
0xb8: {  	p0 =	sne.s32 s0, $0x0;
	_ =	strace $0x90000047  }
0xb9: {  	s0 =	sadd.s32 @!p0 $0x100000, s1;
	[bflag:$0x2] =	sbarrier.arrive $0xFFFF  }
0xba: {  	[sflag:s0] =	ssyncadd.tile.s32 @!p0 $0x1;
	_ =	shalt  }
.Lfunc_end2:
_tile_overlayer_lowered:
.L_overlay_start_2:
0xbb: {  	(tag) =	ssettag $0x2  }
0xbc: {  	s0 =	rddreg [dreg:$0x0];
	s2 =	stileid.u32  }
0xbd: {  	s1 =	rddreg [dreg:$0x1];
	p0 =	sne.s32 s2, $0x0  }
0xbe: {  	s3 =	rddreg [dreg:$0x2];
	[bflag:$0x3] =	sbarrier.arrive $0xFFFF;
	s2 =	simm.s32 @!p0 $0x1C05  }
0xbf: {  	[timem:s3], [sflag:s2] =	dma.local @!p0 [hbm:s0], s1  }
0xc0: {  	s0 =	simm.s32 @!p0 $0x5  }
0xc1: {  	_ =	swait.ge @!p0 [sflag:s0], s1  }
0xc2: {  	s1 =	ssub.s32 @!p0 $0x0, s1;
	[sflag:s0] =	ssyncset.done @!p0 $0x0  }
0xc3: {  	[sflag:s0] =	ssyncadd.s32 @!p0 s1  }
0xc4: {  	[bflag:$0x3] =	sbarrier.arrive $0xFFFF  }
0xc5: {  	_ =	shalt  }

</sc_bundles>
